<compile_context>
chip_gen: v7x
topology: tpu7x:2x2x1
jax: 0.10.2.dev20260603
libtpu: 0.0.44.dev20260713+nightly
codegen_flags: <defaults>
</compile_context>

<pallas_src>
import functools

import jax
import jax.numpy as jnp
from jax import lax
from jax.experimental import pallas as pl
from jax.experimental.pallas import tpu as pltpu
from jax.experimental.pallas import tpu_sc as plsc

B = 16384
V = 1000000
D = 16
L = 16

_info = plsc.get_sparse_core_info()
NC, NS = _info.num_cores, _info.num_subcores
NW = NC * NS
BPW = B // NW
NBLK = BPW // L

CK = 61440
NFULL = V // CK
TAIL = V - NFULL * CK
VCUT = (V // 128) * 128
NT = V - VCUT

_mesh = plsc.VectorSubcoreMesh(core_axis_name="c", subcore_axis_name="s")


@functools.partial(
    pl.kernel,
    out_type=[
        jax.ShapeDtypeStruct((V * D,), jnp.float32),
        jax.ShapeDtypeStruct((V * D,), jnp.float32),
    ],
    mesh=_mesh,
    compiler_params=pltpu.CompilerParams(use_tc_tiling_on_sc=True),
    scratch_types=[
        pltpu.VMEM((CK,), jnp.float32),
        pltpu.VMEM((CK,), jnp.float32),
        pltpu.SemaphoreType.DMA,
        pltpu.SemaphoreType.DMA,
        pltpu.SemaphoreType.DMA,
        pltpu.SemaphoreType.DMA,
    ],
)
def _detile_sc(utab_hbm, itab_hbm, ou_hbm, oi_hbm,
               bufa, bufb, rsa, rsb, wsa, wsb):
    wid = lax.axis_index("s") * NC + lax.axis_index("c")
    d = wid % D
    base = d * V

    def stream(tab, out):
        bufs = (bufa, bufb)
        rsems = (rsa, rsb)
        wsems = (wsa, wsb)
        rd = {}
        wr = {}
        rd[0] = pltpu.async_copy(tab.at[d, pl.ds(0, CK)], bufs[0], rsems[0])
        for i in range(NFULL):
            b = i & 1
            rd[i].wait()
            if i >= 1:
                wr[i - 1].wait()
            if i + 1 < NFULL:
                nb = (i + 1) & 1
                rd[i + 1] = pltpu.async_copy(
                    tab.at[d, pl.ds((i + 1) * CK, CK)], bufs[nb], rsems[nb])
            wr[i] = pltpu.async_copy(
                bufs[b], out.at[pl.ds(base + i * CK, CK)], wsems[b])
        wr[NFULL - 1].wait()
        t1 = (TAIL // 128) * 128
        pltpu.sync_copy(tab.at[d, pl.ds(NFULL * CK, t1)],
                        bufs[0].at[pl.ds(0, t1)])
        pltpu.sync_copy(bufs[0].at[pl.ds(0, t1)],
                        out.at[pl.ds(base + NFULL * CK, t1)])

    @pl.when(wid < D)
    def _():
        stream(utab_hbm, ou_hbm)

    @pl.when(wid >= D)
    def _():
        stream(itab_hbm, oi_hbm)


@functools.partial(
    pl.kernel,
    out_type=jax.ShapeDtypeStruct((B,), jnp.float32),
    mesh=_mesh,
    compiler_params=pltpu.CompilerParams(
        use_tc_tiling_on_sc=False, needs_layout_passes=False),
    scratch_types=[
        pltpu.VMEM((BPW,), jnp.int32),
        pltpu.VMEM((BPW,), jnp.int32),
        pltpu.VMEM((D, BPW), jnp.float32),
        pltpu.VMEM((D, BPW), jnp.float32),
        pltpu.VMEM((NT * D,), jnp.float32),
        pltpu.VMEM((NT * D,), jnp.float32),
        pltpu.VMEM((BPW,), jnp.float32),
        pltpu.VMEM((L,), jnp.float32),
        pltpu.VMEM((L,), jnp.float32),
        pltpu.SemaphoreType.DMA,
        pltpu.SemaphoreType.DMA,
    ],
)
def _gather_sc(uid_hbm, tid_hbm, ulin_hbm, ilin_hbm, utail_hbm, itail_hbm,
               wv_hbm, bv_hbm, out_hbm,
               uidx_v, tidx_v, urows_v, trows_v, utail_v, itail_v,
               out_v, wv, bv, usem, tsem):
    wid = lax.axis_index("s") * NC + lax.axis_index("c")
    base = wid * BPW

    pltpu.sync_copy(uid_hbm.at[pl.ds(base, BPW)], uidx_v)
    pltpu.sync_copy(tid_hbm.at[pl.ds(base, BPW)], tidx_v)
    ucps = [
        pltpu.async_copy(ulin_hbm.at[pl.ds(d * V, V)].at[uidx_v],
                         urows_v.at[d], usem)
        for d in range(D)
    ]
    tcps = [
        pltpu.async_copy(ilin_hbm.at[pl.ds(d * V, V)].at[tidx_v],
                         trows_v.at[d], tsem)
        for d in range(D)
    ]
    pltpu.sync_copy(wv_hbm, wv)
    pltpu.sync_copy(bv_hbm, bv)
    pltpu.sync_copy(utail_hbm, utail_v)
    pltpu.sync_copy(itail_hbm, itail_v)
    for cp in ucps:
        cp.wait()
    for cp in tcps:
        cp.wait()

    w = wv[...]
    bb = bv[...]

    def block(i, _):
        sl = pl.ds(i * L, L)
        uidx = uidx_v[sl]
        tidx = tidx_v[sl]
        um = uidx >= VCUT
        tm = tidx >= VCUT
        ut = jnp.clip(uidx - VCUT, 0, NT - 1) * D
        tt = jnp.clip(tidx - VCUT, 0, NT - 1) * D
        acc = jnp.zeros((L,), jnp.float32)
        for d in range(D):
            u = jnp.where(um, plsc.load_gather(utail_v, [ut + d]),
                          urows_v[d, sl])
            t = jnp.where(tm, plsc.load_gather(itail_v, [tt + d]),
                          trows_v[d, sl])
            acc = acc + u * t
        x = acc * w + bb
        y = 1.0 / (1.0 + jnp.exp(-x))
        out_v[sl] = y
        return 0

    lax.fori_loop(0, NBLK, block, 0)
    pltpu.sync_copy(out_v, out_hbm.at[pl.ds(base, BPW)])


def kernel(uid_idx, tid_idx, user_table, item_table, W, b):
    uid = uid_idx.astype(jnp.int32)
    tid = tid_idx.astype(jnp.int32)
    wv = jnp.broadcast_to(W.reshape(()), (L,)).astype(jnp.float32)
    bv = jnp.broadcast_to(b.reshape(()), (L,)).astype(jnp.float32)
    utail = user_table[VCUT:, :].reshape(NT * D)
    itail = item_table[VCUT:, :].reshape(NT * D)
    ulin, ilin = _detile_sc(user_table.T, item_table.T)
    y = _gather_sc(uid, tid, ulin, ilin, utail, itail, wv, bv)
    return y.reshape(B, 1)

# --- scband reference (transcript-rebuilt; emitter-appended) ---
"""Pipeline reference for scband-deep-fm-model-30459908063873 (READ-ONLY COPY).

The authoritative reference and input builder live on the scoring server;
editing this copy changes nothing except your own understanding.
"""

import jax, jax.numpy as jnp
import numpy as np

B = 16384
V = 1000000
D = 16

def setup_inputs(seed: int = 0) -> dict:
    key = jax.random.key(seed)
    k1, k2, k3, k4, k5 = jax.random.split(key, 5)
    uid_idx = jax.random.randint(k1, (B,), 0, V)
    tid_idx = jax.random.randint(k2, (B,), 0, V)
    user_table = jax.random.normal(k3, (V, D), dtype=jnp.float32) * 0.05
    item_table = jax.random.normal(k4, (V, D), dtype=jnp.float32) * 0.05
    W = jax.random.normal(k5, (1, 1), dtype=jnp.float32)
    b = jnp.zeros((1,), dtype=jnp.float32)
    return {"uid_idx": uid_idx, "tid_idx": tid_idx, "user_table": user_table,
            "item_table": item_table, "W": W, "b": b}

def reference(uid_idx, tid_idx, user_table, item_table, W, b):
    # embedding_column lookup for hashed user/item ids (hashing replaced by
    # pre-hashed int indices into the bucket-sized tables)
    yu = jnp.take(user_table, uid_idx, axis=0)   # [B, D]
    yt = jnp.take(item_table, tid_idx, axis=0)   # [B, D]
    # Dot(axes=(1,1)) -> per-row inner product, keepdims to [B, 1]
    y_uxt = jnp.sum(yu * yt, axis=1, keepdims=True)
    # Dense(1, activation='sigmoid')
    y = jax.nn.sigmoid(y_uxt @ W + b)
    return y

if __name__ == "__main__":
    import jax
    _d = setup_inputs()
    print(jax.jit(kernel)(*tuple(_d.values())))

</pallas_src>

<mosaic_0001>
#map = affine_map<(d0, d1) -> (0, 0)>
#map1 = affine_map<(d0, d1) -> (0)>
module attributes {stable_mosaic.version = 14 : i64} {
  func.func @_detile_sc(%arg0: i32, %arg1: i32, %arg2: memref<16x1000000xf32, #tpu.memory_space<hbm>>, %arg3: memref<16x1000000xf32, #tpu.memory_space<hbm>>, %arg4: memref<16000000xf32, #tpu.memory_space<hbm>>, %arg5: memref<16000000xf32, #tpu.memory_space<hbm>>, %arg6: memref<61440xf32, #tpu.memory_space<vmem>>, %arg7: memref<61440xf32, #tpu.memory_space<vmem>>, %arg8: memref<!tpu.dma_semaphore, #tpu.memory_space<semaphore_mem>>, %arg9: memref<!tpu.dma_semaphore, #tpu.memory_space<semaphore_mem>>, %arg10: memref<!tpu.dma_semaphore, #tpu.memory_space<semaphore_mem>>, %arg11: memref<!tpu.dma_semaphore, #tpu.memory_space<semaphore_mem>>) attributes {dimension_semantics = [#tpu.dimension_semantics<core_parallel>, #tpu.dimension_semantics<subcore_parallel>], iteration_bounds = array<i64: 2, 16>, scalar_prefetch = 0 : i64, scratch_operands = 6 : i64, tpu.core_type = #tpu.core_type<sc_vector_subcore>, window_params = [{transform_indices = #map}, {transform_indices = #map}, {transform_indices = #map1}, {transform_indices = #map1}]} {
    %mul3A = arith.constant 2 : i32
    %mul3A_0 = arith.muli %arg1, %mul3A : i32
    %add3A = arith.addi %mul3A_0, %arg0 : i32
    %jit3A = arith.constant 16 : i32
    %eq3A = arith.constant 0 : i32
    %eq3A_1 = arith.cmpi eq, %jit3A, %eq3A : i32
    %jit3A_2 = arith.constant 1 : i32
    %select_n3A = arith.select %eq3A_1, %jit3A_2, %jit3A : i32
    %rem3A = arith.remsi %add3A, %select_n3A : i32
    %ne3A = arith.constant 0 : i32
    %ne3A_3 = arith.cmpi ne, %rem3A, %ne3A : i32
    %lt3A = arith.constant 0 : i32
    %lt3A_4 = arith.cmpi slt, %rem3A, %lt3A : i32
    %lt3A_5 = arith.constant 0 : i32
    %lt3A_6 = arith.cmpi slt, %select_n3A, %lt3A_5 : i32
    %ne3A_7 = arith.xori %lt3A_4, %lt3A_6 : i1
    %and3A = arith.andi %ne3A_7, %ne3A_3 : i1
    %add3A_8 = arith.addi %rem3A, %select_n3A : i32
    %select_n3A_9 = arith.select %and3A, %add3A_8, %rem3A : i32
    %mul3A_10 = arith.constant 1000000 : i32
    %mul3A_11 = arith.muli %select_n3A_9, %mul3A_10 : i32
    %lt3A_12 = arith.constant 16 : i32
    %lt3A_13 = arith.cmpi slt, %add3A, %lt3A_12 : i32
    %convert_element_type3A = arith.extui %lt3A_13 : i1 to i32
    %cond3A = arith.constant 0 : i32
    %cond3A_14 = arith.cmpi ne, %convert_element_type3A, %cond3A : i32
    scf.if %cond3A_14 {
      %dma_start3A = arith.constant 0 : i32
      %dma_start3A_19 = tpu.memref_slice %arg2[%select_n3A_9, %dma_start3A] : memref<16x1000000xf32, #tpu.memory_space<hbm>> -> memref<1x61440xf32, #tpu.memory_space<hbm>>
      %dma_start3A_20 = tpu.memref_squeeze %dma_start3A_19 : memref<1x61440xf32, #tpu.memory_space<hbm>> -> memref<61440xf32, #tpu.memory_space<hbm>>
      %dma_start3A_21 = arith.constant 0 : i32
      %dma_start3A_22 = tpu.memref_slice %arg2[%select_n3A_9, %dma_start3A_21] : memref<16x1000000xf32, #tpu.memory_space<hbm>> -> memref<1x61440xf32, #tpu.memory_space<hbm>>
      %dma_start3A_23 = tpu.memref_squeeze %dma_start3A_22 : memref<1x61440xf32, #tpu.memory_space<hbm>> -> memref<61440xf32, #tpu.memory_space<hbm>>
      tpu.enqueue_dma source(%dma_start3A_23 : memref<61440xf32, #tpu.memory_space<hbm>>) target(%arg6 : memref<61440xf32, #tpu.memory_space<vmem>>) target_semaphore(%arg8 : memref<!tpu.dma_semaphore, #tpu.memory_space<semaphore_mem>>)
      %dma_wait3A = arith.constant 0 : i32
      %dma_wait3A_24 = tpu.memref_slice %arg2[%select_n3A_9, %dma_wait3A] : memref<16x1000000xf32, #tpu.memory_space<hbm>> -> memref<1x61440xf32, #tpu.memory_space<hbm>>
      %dma_wait3A_25 = tpu.memref_squeeze %dma_wait3A_24 : memref<1x61440xf32, #tpu.memory_space<hbm>> -> memref<61440xf32, #tpu.memory_space<hbm>>
      %dma_wait3A_26 = arith.constant 0 : i32
      %dma_wait3A_27 = tpu.memref_slice %arg2[%select_n3A_9, %dma_wait3A_26] : memref<16x1000000xf32, #tpu.memory_space<hbm>> -> memref<1x61440xf32, #tpu.memory_space<hbm>>
      %dma_wait3A_28 = tpu.memref_squeeze %dma_wait3A_27 : memref<1x61440xf32, #tpu.memory_space<hbm>> -> memref<61440xf32, #tpu.memory_space<hbm>>
      tpu.wait_dma2 semaphore(%arg8 : memref<!tpu.dma_semaphore, #tpu.memory_space<semaphore_mem>>) src(%dma_wait3A_28 : memref<61440xf32, #tpu.memory_space<hbm>>) dst(%arg6 : memref<61440xf32, #tpu.memory_space<vmem>>)
      %dma_start3A_29 = arith.constant 61440 : i32
      %dma_start3A_30 = tpu.memref_slice %arg2[%select_n3A_9, %dma_start3A_29] : memref<16x1000000xf32, #tpu.memory_space<hbm>> -> memref<1x61440xf32, #tpu.memory_space<hbm>>
      %dma_start3A_31 = tpu.memref_squeeze %dma_start3A_30 : memref<1x61440xf32, #tpu.memory_space<hbm>> -> memref<61440xf32, #tpu.memory_space<hbm>>
      %dma_start3A_32 = arith.constant 61440 : i32
      %dma_start3A_33 = tpu.memref_slice %arg2[%select_n3A_9, %dma_start3A_32] : memref<16x1000000xf32, #tpu.memory_space<hbm>> -> memref<1x61440xf32, #tpu.memory_space<hbm>>
      %dma_start3A_34 = tpu.memref_squeeze %dma_start3A_33 : memref<1x61440xf32, #tpu.memory_space<hbm>> -> memref<61440xf32, #tpu.memory_space<hbm>>
      tpu.enqueue_dma source(%dma_start3A_34 : memref<61440xf32, #tpu.memory_space<hbm>>) target(%arg7 : memref<61440xf32, #tpu.memory_space<vmem>>) target_semaphore(%arg9 : memref<!tpu.dma_semaphore, #tpu.memory_space<semaphore_mem>>)
      %add3A_35 = arith.constant 0 : i32
      %add3A_36 = arith.addi %mul3A_11, %add3A_35 : i32
      %dma_start3A_37 = tpu.memref_slice %arg4[%add3A_36] : memref<16000000xf32, #tpu.memory_space<hbm>> -> memref<61440xf32, #tpu.memory_space<hbm>>
      %dma_start3A_38 = tpu.memref_slice %arg4[%add3A_36] : memref<16000000xf32, #tpu.memory_space<hbm>> -> memref<61440xf32, #tpu.memory_space<hbm>>
      tpu.enqueue_dma source(%arg6 : memref<61440xf32, #tpu.memory_space<vmem>>) target(%dma_start3A_38 : memref<61440xf32, #tpu.memory_space<hbm>>) target_semaphore(%arg10 : memref<!tpu.dma_semaphore, #tpu.memory_space<semaphore_mem>>)
      %dma_wait3A_39 = arith.constant 61440 : i32
      %dma_wait3A_40 = tpu.memref_slice %arg2[%select_n3A_9, %dma_wait3A_39] : memref<16x1000000xf32, #tpu.memory_space<hbm>> -> memref<1x61440xf32, #tpu.memory_space<hbm>>
      %dma_wait3A_41 = tpu.memref_squeeze %dma_wait3A_40 : memref<1x61440xf32, #tpu.memory_space<hbm>> -> memref<61440xf32, #tpu.memory_space<hbm>>
      %dma_wait3A_42 = arith.constant 61440 : i32
      %dma_wait3A_43 = tpu.memref_slice %arg2[%select_n3A_9, %dma_wait3A_42] : memref<16x1000000xf32, #tpu.memory_space<hbm>> -> memref<1x61440xf32, #tpu.memory_space<hbm>>
      %dma_wait3A_44 = tpu.memref_squeeze %dma_wait3A_43 : memref<1x61440xf32, #tpu.memory_space<hbm>> -> memref<61440xf32, #tpu.memory_space<hbm>>
      tpu.wait_dma2 semaphore(%arg9 : memref<!tpu.dma_semaphore, #tpu.memory_space<semaphore_mem>>) src(%dma_wait3A_44 : memref<61440xf32, #tpu.memory_space<hbm>>) dst(%arg7 : memref<61440xf32, #tpu.memory_space<vmem>>)
      %dma_wait3A_45 = tpu.memref_slice %arg4[%add3A_36] : memref<16000000xf32, #tpu.memory_space<hbm>> -> memref<61440xf32, #tpu.memory_space<hbm>>
      %dma_wait3A_46 = tpu.memref_slice %arg4[%add3A_36] : memref<16000000xf32, #tpu.memory_space<hbm>> -> memref<61440xf32, #tpu.memory_space<hbm>>
      tpu.wait_dma2 semaphore(%arg10 : memref<!tpu.dma_semaphore, #tpu.memory_space<semaphore_mem>>) src(%arg6 : memref<61440xf32, #tpu.memory_space<vmem>>) dst(%dma_wait3A_46 : memref<61440xf32, #tpu.memory_space<hbm>>)
      %dma_start3A_47 = arith.constant 122880 : i32
      %dma_start3A_48 = tpu.memref_slice %arg2[%select_n3A_9, %dma_start3A_47] : memref<16x1000000xf32, #tpu.memory_space<hbm>> -> memref<1x61440xf32, #tpu.memory_space<hbm>>
      %dma_start3A_49 = tpu.memref_squeeze %dma_start3A_48 : memref<1x61440xf32, #tpu.memory_space<hbm>> -> memref<61440xf32, #tpu.memory_space<hbm>>
      %dma_start3A_50 = arith.constant 122880 : i32
      %dma_start3A_51 = tpu.memref_slice %arg2[%select_n3A_9, %dma_start3A_50] : memref<16x1000000xf32, #tpu.memory_space<hbm>> -> memref<1x61440xf32, #tpu.memory_space<hbm>>
      %dma_start3A_52 = tpu.memref_squeeze %dma_start3A_51 : memref<1x61440xf32, #tpu.memory_space<hbm>> -> memref<61440xf32, #tpu.memory_space<hbm>>
      tpu.enqueue_dma source(%dma_start3A_52 : memref<61440xf32, #tpu.memory_space<hbm>>) target(%arg6 : memref<61440xf32, #tpu.memory_space<vmem>>) target_semaphore(%arg8 : memref<!tpu.dma_semaphore, #tpu.memory_space<semaphore_mem>>)
      %add3A_53 = arith.constant 61440 : i32
      %add3A_54 = arith.addi %mul3A_11, %add3A_53 : i32
      %dma_start3A_55 = tpu.memref_slice %arg4[%add3A_54] : memref<16000000xf32, #tpu.memory_space<hbm>> -> memref<61440xf32, #tpu.memory_space<hbm>>
      %dma_start3A_56 = tpu.memref_slice %arg4[%add3A_54] : memref<16000000xf32, #tpu.memory_space<hbm>> -> memref<61440xf32, #tpu.memory_space<hbm>>
      tpu.enqueue_dma source(%arg7 : memref<61440xf32, #tpu.memory_space<vmem>>) target(%dma_start3A_56 : memref<61440xf32, #tpu.memory_space<hbm>>) target_semaphore(%arg11 : memref<!tpu.dma_semaphore, #tpu.memory_space<semaphore_mem>>)
      %dma_wait3A_57 = arith.constant 122880 : i32
      %dma_wait3A_58 = tpu.memref_slice %arg2[%select_n3A_9, %dma_wait3A_57] : memref<16x1000000xf32, #tpu.memory_space<hbm>> -> memref<1x61440xf32, #tpu.memory_space<hbm>>
      %dma_wait3A_59 = tpu.memref_squeeze %dma_wait3A_58 : memref<1x61440xf32, #tpu.memory_space<hbm>> -> memref<61440xf32, #tpu.memory_space<hbm>>
      %dma_wait3A_60 = arith.constant 122880 : i32
      %dma_wait3A_61 = tpu.memref_slice %arg2[%select_n3A_9, %dma_wait3A_60] : memref<16x1000000xf32, #tpu.memory_space<hbm>> -> memref<1x61440xf32, #tpu.memory_space<hbm>>
      %dma_wait3A_62 = tpu.memref_squeeze %dma_wait3A_61 : memref<1x61440xf32, #tpu.memory_space<hbm>> -> memref<61440xf32, #tpu.memory_space<hbm>>
      tpu.wait_dma2 semaphore(%arg8 : memref<!tpu.dma_semaphore, #tpu.memory_space<semaphore_mem>>) src(%dma_wait3A_62 : memref<61440xf32, #tpu.memory_space<hbm>>) dst(%arg6 : memref<61440xf32, #tpu.memory_space<vmem>>)
      %dma_wait3A_63 = tpu.memref_slice %arg4[%add3A_54] : memref<16000000xf32, #tpu.memory_space<hbm>> -> memref<61440xf32, #tpu.memory_space<hbm>>
      %dma_wait3A_64 = tpu.memref_slice %arg4[%add3A_54] : memref<16000000xf32, #tpu.memory_space<hbm>> -> memref<61440xf32, #tpu.memory_space<hbm>>
      tpu.wait_dma2 semaphore(%arg11 : memref<!tpu.dma_semaphore, #tpu.memory_space<semaphore_mem>>) src(%arg7 : memref<61440xf32, #tpu.memory_space<vmem>>) dst(%dma_wait3A_64 : memref<61440xf32, #tpu.memory_space<hbm>>)
      %dma_start3A_65 = arith.constant 184320 : i32
      %dma_start3A_66 = tpu.memref_slice %arg2[%select_n3A_9, %dma_start3A_65] : memref<16x1000000xf32, #tpu.memory_space<hbm>> -> memref<1x61440xf32, #tpu.memory_space<hbm>>
      %dma_start3A_67 = tpu.memref_squeeze %dma_start3A_66 : memref<1x61440xf32, #tpu.memory_space<hbm>> -> memref<61440xf32, #tpu.memory_space<hbm>>
      %dma_start3A_68 = arith.constant 184320 : i32
      %dma_start3A_69 = tpu.memref_slice %arg2[%select_n3A_9, %dma_start3A_68] : memref<16x1000000xf32, #tpu.memory_space<hbm>> -> memref<1x61440xf32, #tpu.memory_space<hbm>>
      %dma_start3A_70 = tpu.memref_squeeze %dma_start3A_69 : memref<1x61440xf32, #tpu.memory_space<hbm>> -> memref<61440xf32, #tpu.memory_space<hbm>>
      tpu.enqueue_dma source(%dma_start3A_70 : memref<61440xf32, #tpu.memory_space<hbm>>) target(%arg7 : memref<61440xf32, #tpu.memory_space<vmem>>) target_semaphore(%arg9 : memref<!tpu.dma_semaphore, #tpu.memory_space<semaphore_mem>>)
      %add3A_71 = arith.constant 122880 : i32
      %add3A_72 = arith.addi %mul3A_11, %add3A_71 : i32
      %dma_start3A_73 = tpu.memref_slice %arg4[%add3A_72] : memref<16000000xf32, #tpu.memory_space<hbm>> -> memref<61440xf32, #tpu.memory_space<hbm>>
      %dma_start3A_74 = tpu.memref_slice %arg4[%add3A_72] : memref<16000000xf32, #tpu.memory_space<hbm>> -> memref<61440xf32, #tpu.memory_space<hbm>>
      tpu.enqueue_dma source(%arg6 : memref<61440xf32, #tpu.memory_space<vmem>>) target(%dma_start3A_74 : memref<61440xf32, #tpu.memory_space<hbm>>) target_semaphore(%arg10 : memref<!tpu.dma_semaphore, #tpu.memory_space<semaphore_mem>>)
      %dma_wait3A_75 = arith.constant 184320 : i32
      %dma_wait3A_76 = tpu.memref_slice %arg2[%select_n3A_9, %dma_wait3A_75] : memref<16x1000000xf32, #tpu.memory_space<hbm>> -> memref<1x61440xf32, #tpu.memory_space<hbm>>
      %dma_wait3A_77 = tpu.memref_squeeze %dma_wait3A_76 : memref<1x61440xf32, #tpu.memory_space<hbm>> -> memref<61440xf32, #tpu.memory_space<hbm>>
      %dma_wait3A_78 = arith.constant 184320 : i32
      %dma_wait3A_79 = tpu.memref_slice %arg2[%select_n3A_9, %dma_wait3A_78] : memref<16x1000000xf32, #tpu.memory_space<hbm>> -> memref<1x61440xf32, #tpu.memory_space<hbm>>
      %dma_wait3A_80 = tpu.memref_squeeze %dma_wait3A_79 : memref<1x61440xf32, #tpu.memory_space<hbm>> -> memref<61440xf32, #tpu.memory_space<hbm>>
      tpu.wait_dma2 semaphore(%arg9 : memref<!tpu.dma_semaphore, #tpu.memory_space<semaphore_mem>>) src(%dma_wait3A_80 : memref<61440xf32, #tpu.memory_space<hbm>>) dst(%arg7 : memref<61440xf32, #tpu.memory_space<vmem>>)
      %dma_wait3A_81 = tpu.memref_slice %arg4[%add3A_72] : memref<16000000xf32, #tpu.memory_space<hbm>> -> memref<61440xf32, #tpu.memory_space<hbm>>
      %dma_wait3A_82 = tpu.memref_slice %arg4[%add3A_72] : memref<16000000xf32, #tpu.memory_space<hbm>> -> memref<61440xf32, #tpu.memory_space<hbm>>
      tpu.wait_dma2 semaphore(%arg10 : memref<!tpu.dma_semaphore, #tpu.memory_space<semaphore_mem>>) src(%arg6 : memref<61440xf32, #tpu.memory_space<vmem>>) dst(%dma_wait3A_82 : memref<61440xf32, #tpu.memory_space<hbm>>)
      %dma_start3A_83 = arith.constant 245760 : i32
      %dma_start3A_84 = tpu.memref_slice %arg2[%select_n3A_9, %dma_start3A_83] : memref<16x1000000xf32, #tpu.memory_space<hbm>> -> memref<1x61440xf32, #tpu.memory_space<hbm>>
      %dma_start3A_85 = tpu.memref_squeeze %dma_start3A_84 : memref<1x61440xf32, #tpu.memory_space<hbm>> -> memref<61440xf32, #tpu.memory_space<hbm>>
      %dma_start3A_86 = arith.constant 245760 : i32
      %dma_start3A_87 = tpu.memref_slice %arg2[%select_n3A_9, %dma_start3A_86] : memref<16x1000000xf32, #tpu.memory_space<hbm>> -> memref<1x61440xf32, #tpu.memory_space<hbm>>
      %dma_start3A_88 = tpu.memref_squeeze %dma_start3A_87 : memref<1x61440xf32, #tpu.memory_space<hbm>> -> memref<61440xf32, #tpu.memory_space<hbm>>
      tpu.enqueue_dma source(%dma_start3A_88 : memref<61440xf32, #tpu.memory_space<hbm>>) target(%arg6 : memref<61440xf32, #tpu.memory_space<vmem>>) target_semaphore(%arg8 : memref<!tpu.dma_semaphore, #tpu.memory_space<semaphore_mem>>)
      %add3A_89 = arith.constant 184320 : i32
      %add3A_90 = arith.addi %mul3A_11, %add3A_89 : i32
      %dma_start3A_91 = tpu.memref_slice %arg4[%add3A_90] : memref<16000000xf32, #tpu.memory_space<hbm>> -> memref<61440xf32, #tpu.memory_space<hbm>>
      %dma_start3A_92 = tpu.memref_slice %arg4[%add3A_90] : memref<16000000xf32, #tpu.memory_space<hbm>> -> memref<61440xf32, #tpu.memory_space<hbm>>
      tpu.enqueue_dma source(%arg7 : memref<61440xf32, #tpu.memory_space<vmem>>) target(%dma_start3A_92 : memref<61440xf32, #tpu.memory_space<hbm>>) target_semaphore(%arg11 : memref<!tpu.dma_semaphore, #tpu.memory_space<semaphore_mem>>)
      %dma_wait3A_93 = arith.constant 245760 : i32
      %dma_wait3A_94 = tpu.memref_slice %arg2[%select_n3A_9, %dma_wait3A_93] : memref<16x1000000xf32, #tpu.memory_space<hbm>> -> memref<1x61440xf32, #tpu.memory_space<hbm>>
      %dma_wait3A_95 = tpu.memref_squeeze %dma_wait3A_94 : memref<1x61440xf32, #tpu.memory_space<hbm>> -> memref<61440xf32, #tpu.memory_space<hbm>>
      %dma_wait3A_96 = arith.constant 245760 : i32
      %dma_wait3A_97 = tpu.memref_slice %arg2[%select_n3A_9, %dma_wait3A_96] : memref<16x1000000xf32, #tpu.memory_space<hbm>> -> memref<1x61440xf32, #tpu.memory_space<hbm>>
      %dma_wait3A_98 = tpu.memref_squeeze %dma_wait3A_97 : memref<1x61440xf32, #tpu.memory_space<hbm>> -> memref<61440xf32, #tpu.memory_space<hbm>>
      tpu.wait_dma2 semaphore(%arg8 : memref<!tpu.dma_semaphore, #tpu.memory_space<semaphore_mem>>) src(%dma_wait3A_98 : memref<61440xf32, #tpu.memory_space<hbm>>) dst(%arg6 : memref<61440xf32, #tpu.memory_space<vmem>>)
      %dma_wait3A_99 = tpu.memref_slice %arg4[%add3A_90] : memref<16000000xf32, #tpu.memory_space<hbm>> -> memref<61440xf32, #tpu.memory_space<hbm>>
      %dma_wait3A_100 = tpu.memref_slice %arg4[%add3A_90] : memref<16000000xf32, #tpu.memory_space<hbm>> -> memref<61440xf32, #tpu.memory_space<hbm>>
      tpu.wait_dma2 semaphore(%arg11 : memref<!tpu.dma_semaphore, #tpu.memory_space<semaphore_mem>>) src(%arg7 : memref<61440xf32, #tpu.memory_space<vmem>>) dst(%dma_wait3A_100 : memref<61440xf32, #tpu.memory_space<hbm>>)
      %dma_start3A_101 = arith.constant 307200 : i32
      %dma_start3A_102 = tpu.memref_slice %arg2[%select_n3A_9, %dma_start3A_101] : memref<16x1000000xf32, #tpu.memory_space<hbm>> -> memref<1x61440xf32, #tpu.memory_space<hbm>>
      %dma_start3A_103 = tpu.memref_squeeze %dma_start3A_102 : memref<1x61440xf32, #tpu.memory_space<hbm>> -> memref<61440xf32, #tpu.memory_space<hbm>>
      %dma_start3A_104 = arith.constant 307200 : i32
      %dma_start3A_105 = tpu.memref_slice %arg2[%select_n3A_9, %dma_start3A_104] : memref<16x1000000xf32, #tpu.memory_space<hbm>> -> memref<1x61440xf32, #tpu.memory_space<hbm>>
      %dma_start3A_106 = tpu.memref_squeeze %dma_start3A_105 : memref<1x61440xf32, #tpu.memory_space<hbm>> -> memref<61440xf32, #tpu.memory_space<hbm>>
      tpu.enqueue_dma source(%dma_start3A_106 : memref<61440xf32, #tpu.memory_space<hbm>>) target(%arg7 : memref<61440xf32, #tpu.memory_space<vmem>>) target_semaphore(%arg9 : memref<!tpu.dma_semaphore, #tpu.memory_space<semaphore_mem>>)
      %add3A_107 = arith.constant 245760 : i32
      %add3A_108 = arith.addi %mul3A_11, %add3A_107 : i32
      %dma_start3A_109 = tpu.memref_slice %arg4[%add3A_108] : memref<16000000xf32, #tpu.memory_space<hbm>> -> memref<61440xf32, #tpu.memory_space<hbm>>
      %dma_start3A_110 = tpu.memref_slice %arg4[%add3A_108] : memref<16000000xf32, #tpu.memory_space<hbm>> -> memref<61440xf32, #tpu.memory_space<hbm>>
      tpu.enqueue_dma source(%arg6 : memref<61440xf32, #tpu.memory_space<vmem>>) target(%dma_start3A_110 : memref<61440xf32, #tpu.memory_space<hbm>>) target_semaphore(%arg10 : memref<!tpu.dma_semaphore, #tpu.memory_space<semaphore_mem>>)
      %dma_wait3A_111 = arith.constant 307200 : i32
      %dma_wait3A_112 = tpu.memref_slice %arg2[%select_n3A_9, %dma_wait3A_111] : memref<16x1000000xf32, #tpu.memory_space<hbm>> -> memref<1x61440xf32, #tpu.memory_space<hbm>>
      %dma_wait3A_113 = tpu.memref_squeeze %dma_wait3A_112 : memref<1x61440xf32, #tpu.memory_space<hbm>> -> memref<61440xf32, #tpu.memory_space<hbm>>
      %dma_wait3A_114 = arith.constant 307200 : i32
      %dma_wait3A_115 = tpu.memref_slice %arg2[%select_n3A_9, %dma_wait3A_114] : memref<16x1000000xf32, #tpu.memory_space<hbm>> -> memref<1x61440xf32, #tpu.memory_space<hbm>>
      %dma_wait3A_116 = tpu.memref_squeeze %dma_wait3A_115 : memref<1x61440xf32, #tpu.memory_space<hbm>> -> memref<61440xf32, #tpu.memory_space<hbm>>
      tpu.wait_dma2 semaphore(%arg9 : memref<!tpu.dma_semaphore, #tpu.memory_space<semaphore_mem>>) src(%dma_wait3A_116 : memref<61440xf32, #tpu.memory_space<hbm>>) dst(%arg7 : memref<61440xf32, #tpu.memory_space<vmem>>)
      %dma_wait3A_117 = tpu.memref_slice %arg4[%add3A_108] : memref<16000000xf32, #tpu.memory_space<hbm>> -> memref<61440xf32, #tpu.memory_space<hbm>>
      %dma_wait3A_118 = tpu.memref_slice %arg4[%add3A_108] : memref<16000000xf32, #tpu.memory_space<hbm>> -> memref<61440xf32, #tpu.memory_space<hbm>>
      tpu.wait_dma2 semaphore(%arg10 : memref<!tpu.dma_semaphore, #tpu.memory_space<semaphore_mem>>) src(%arg6 : memref<61440xf32, #tpu.memory_space<vmem>>) dst(%dma_wait3A_118 : memref<61440xf32, #tpu.memory_space<hbm>>)
      %dma_start3A_119 = arith.constant 368640 : i32
      %dma_start3A_120 = tpu.memref_slice %arg2[%select_n3A_9, %dma_start3A_119] : memref<16x1000000xf32, #tpu.memory_space<hbm>> -> memref<1x61440xf32, #tpu.memory_space<hbm>>
      %dma_start3A_121 = tpu.memref_squeeze %dma_start3A_120 : memref<1x61440xf32, #tpu.memory_space<hbm>> -> memref<61440xf32, #tpu.memory_space<hbm>>
      %dma_start3A_122 = arith.constant 368640 : i32
      %dma_start3A_123 = tpu.memref_slice %arg2[%select_n3A_9, %dma_start3A_122] : memref<16x1000000xf32, #tpu.memory_space<hbm>> -> memref<1x61440xf32, #tpu.memory_space<hbm>>
      %dma_start3A_124 = tpu.memref_squeeze %dma_start3A_123 : memref<1x61440xf32, #tpu.memory_space<hbm>> -> memref<61440xf32, #tpu.memory_space<hbm>>
      tpu.enqueue_dma source(%dma_start3A_124 : memref<61440xf32, #tpu.memory_space<hbm>>) target(%arg6 : memref<61440xf32, #tpu.memory_space<vmem>>) target_semaphore(%arg8 : memref<!tpu.dma_semaphore, #tpu.memory_space<semaphore_mem>>)
      %add3A_125 = arith.constant 307200 : i32
      %add3A_126 = arith.addi %mul3A_11, %add3A_125 : i32
      %dma_start3A_127 = tpu.memref_slice %arg4[%add3A_126] : memref<16000000xf32, #tpu.memory_space<hbm>> -> memref<61440xf32, #tpu.memory_space<hbm>>
      %dma_start3A_128 = tpu.memref_slice %arg4[%add3A_126] : memref<16000000xf32, #tpu.memory_space<hbm>> -> memref<61440xf32, #tpu.memory_space<hbm>>
      tpu.enqueue_dma source(%arg7 : memref<61440xf32, #tpu.memory_space<vmem>>) target(%dma_start3A_128 : memref<61440xf32, #tpu.memory_space<hbm>>) target_semaphore(%arg11 : memref<!tpu.dma_semaphore, #tpu.memory_space<semaphore_mem>>)
      %dma_wait3A_129 = arith.constant 368640 : i32
      %dma_wait3A_130 = tpu.memref_slice %arg2[%select_n3A_9, %dma_wait3A_129] : memref<16x1000000xf32, #tpu.memory_space<hbm>> -> memref<1x61440xf32, #tpu.memory_space<hbm>>
      %dma_wait3A_131 = tpu.memref_squeeze %dma_wait3A_130 : memref<1x61440xf32, #tpu.memory_space<hbm>> -> memref<61440xf32, #tpu.memory_space<hbm>>
      %dma_wait3A_132 = arith.constant 368640 : i32
      %dma_wait3A_133 = tpu.memref_slice %arg2[%select_n3A_9, %dma_wait3A_132] : memref<16x1000000xf32, #tpu.memory_space<hbm>> -> memref<1x61440xf32, #tpu.memory_space<hbm>>
      %dma_wait3A_134 = tpu.memref_squeeze %dma_wait3A_133 : memref<1x61440xf32, #tpu.memory_space<hbm>> -> memref<61440xf32, #tpu.memory_space<hbm>>
      tpu.wait_dma2 semaphore(%arg8 : memref<!tpu.dma_semaphore, #tpu.memory_space<semaphore_mem>>) src(%dma_wait3A_134 : memref<61440xf32, #tpu.memory_space<hbm>>) dst(%arg6 : memref<61440xf32, #tpu.memory_space<vmem>>)
      %dma_wait3A_135 = tpu.memref_slice %arg4[%add3A_126] : memref<16000000xf32, #tpu.memory_space<hbm>> -> memref<61440xf32, #tpu.memory_space<hbm>>
      %dma_wait3A_136 = tpu.memref_slice %arg4[%add3A_126] : memref<16000000xf32, #tpu.memory_space<hbm>> -> memref<61440xf32, #tpu.memory_space<hbm>>
      tpu.wait_dma2 semaphore(%arg11 : memref<!tpu.dma_semaphore, #tpu.memory_space<semaphore_mem>>) src(%arg7 : memref<61440xf32, #tpu.memory_space<vmem>>) dst(%dma_wait3A_136 : memref<61440xf32, #tpu.memory_space<hbm>>)
      %dma_start3A_137 = arith.constant 430080 : i32
      %dma_start3A_138 = tpu.memref_slice %arg2[%select_n3A_9, %dma_start3A_137] : memref<16x1000000xf32, #tpu.memory_space<hbm>> -> memref<1x61440xf32, #tpu.memory_space<hbm>>
      %dma_start3A_139 = tpu.memref_squeeze %dma_start3A_138 : memref<1x61440xf32, #tpu.memory_space<hbm>> -> memref<61440xf32, #tpu.memory_space<hbm>>
      %dma_start3A_140 = arith.constant 430080 : i32
      %dma_start3A_141 = tpu.memref_slice %arg2[%select_n3A_9, %dma_start3A_140] : memref<16x1000000xf32, #tpu.memory_space<hbm>> -> memref<1x61440xf32, #tpu.memory_space<hbm>>
      %dma_start3A_142 = tpu.memref_squeeze %dma_start3A_141 : memref<1x61440xf32, #tpu.memory_space<hbm>> -> memref<61440xf32, #tpu.memory_space<hbm>>
      tpu.enqueue_dma source(%dma_start3A_142 : memref<61440xf32, #tpu.memory_space<hbm>>) target(%arg7 : memref<61440xf32, #tpu.memory_space<vmem>>) target_semaphore(%arg9 : memref<!tpu.dma_semaphore, #tpu.memory_space<semaphore_mem>>)
      %add3A_143 = arith.constant 368640 : i32
      %add3A_144 = arith.addi %mul3A_11, %add3A_143 : i32
      %dma_start3A_145 = tpu.memref_slice %arg4[%add3A_144] : memref<16000000xf32, #tpu.memory_space<hbm>> -> memref<61440xf32, #tpu.memory_space<hbm>>
      %dma_start3A_146 = tpu.memref_slice %arg4[%add3A_144] : memref<16000000xf32, #tpu.memory_space<hbm>> -> memref<61440xf32, #tpu.memory_space<hbm>>
      tpu.enqueue_dma source(%arg6 : memref<61440xf32, #tpu.memory_space<vmem>>) target(%dma_start3A_146 : memref<61440xf32, #tpu.memory_space<hbm>>) target_semaphore(%arg10 : memref<!tpu.dma_semaphore, #tpu.memory_space<semaphore_mem>>)
      %dma_wait3A_147 = arith.constant 430080 : i32
      %dma_wait3A_148 = tpu.memref_slice %arg2[%select_n3A_9, %dma_wait3A_147] : memref<16x1000000xf32, #tpu.memory_space<hbm>> -> memref<1x61440xf32, #tpu.memory_space<hbm>>
      %dma_wait3A_149 = tpu.memref_squeeze %dma_wait3A_148 : memref<1x61440xf32, #tpu.memory_space<hbm>> -> memref<61440xf32, #tpu.memory_space<hbm>>
      %dma_wait3A_150 = arith.constant 430080 : i32
      %dma_wait3A_151 = tpu.memref_slice %arg2[%select_n3A_9, %dma_wait3A_150] : memref<16x1000000xf32, #tpu.memory_space<hbm>> -> memref<1x61440xf32, #tpu.memory_space<hbm>>
      %dma_wait3A_152 = tpu.memref_squeeze %dma_wait3A_151 : memref<1x61440xf32, #tpu.memory_space<hbm>> -> memref<61440xf32, #tpu.memory_space<hbm>>
      tpu.wait_dma2 semaphore(%arg9 : memref<!tpu.dma_semaphore, #tpu.memory_space<semaphore_mem>>) src(%dma_wait3A_152 : memref<61440xf32, #tpu.memory_space<hbm>>) dst(%arg7 : memref<61440xf32, #tpu.memory_space<vmem>>)
      %dma_wait3A_153 = tpu.memref_slice %arg4[%add3A_144] : memref<16000000xf32, #tpu.memory_space<hbm>> -> memref<61440xf32, #tpu.memory_space<hbm>>
      %dma_wait3A_154 = tpu.memref_slice %arg4[%add3A_144] : memref<16000000xf32, #tpu.memory_space<hbm>> -> memref<61440xf32, #tpu.memory_space<hbm>>
      tpu.wait_dma2 semaphore(%arg10 : memref<!tpu.dma_semaphore, #tpu.memory_space<semaphore_mem>>) src(%arg6 : memref<61440xf32, #tpu.memory_space<vmem>>) dst(%dma_wait3A_154 : memref<61440xf32, #tpu.memory_space<hbm>>)
      %dma_start3A_155 = arith.constant 491520 : i32
      %dma_start3A_156 = tpu.memref_slice %arg2[%select_n3A_9, %dma_start3A_155] : memref<16x1000000xf32, #tpu.memory_space<hbm>> -> memref<1x61440xf32, #tpu.memory_space<hbm>>
      %dma_start3A_157 = tpu.memref_squeeze %dma_start3A_156 : memref<1x61440xf32, #tpu.memory_space<hbm>> -> memref<61440xf32, #tpu.memory_space<hbm>>
      %dma_start3A_158 = arith.constant 491520 : i32
      %dma_start3A_159 = tpu.memref_slice %arg2[%select_n3A_9, %dma_start3A_158] : memref<16x1000000xf32, #tpu.memory_space<hbm>> -> memref<1x61440xf32, #tpu.memory_space<hbm>>
      %dma_start3A_160 = tpu.memref_squeeze %dma_start3A_159 : memref<1x61440xf32, #tpu.memory_space<hbm>> -> memref<61440xf32, #tpu.memory_space<hbm>>
      tpu.enqueue_dma source(%dma_start3A_160 : memref<61440xf32, #tpu.memory_space<hbm>>) target(%arg6 : memref<61440xf32, #tpu.memory_space<vmem>>) target_semaphore(%arg8 : memref<!tpu.dma_semaphore, #tpu.memory_space<semaphore_mem>>)
      %add3A_161 = arith.constant 430080 : i32
      %add3A_162 = arith.addi %mul3A_11, %add3A_161 : i32
      %dma_start3A_163 = tpu.memref_slice %arg4[%add3A_162] : memref<16000000xf32, #tpu.memory_space<hbm>> -> memref<61440xf32, #tpu.memory_space<hbm>>
      %dma_start3A_164 = tpu.memref_slice %arg4[%add3A_162] : memref<16000000xf32, #tpu.memory_space<hbm>> -> memref<61440xf32, #tpu.memory_space<hbm>>
      tpu.enqueue_dma source(%arg7 : memref<61440xf32, #tpu.memory_space<vmem>>) target(%dma_start3A_164 : memref<61440xf32, #tpu.memory_space<hbm>>) target_semaphore(%arg11 : memref<!tpu.dma_semaphore, #tpu.memory_space<semaphore_mem>>)
      %dma_wait3A_165 = arith.constant 491520 : i32
      %dma_wait3A_166 = tpu.memref_slice %arg2[%select_n3A_9, %dma_wait3A_165] : memref<16x1000000xf32, #tpu.memory_space<hbm>> -> memref<1x61440xf32, #tpu.memory_space<hbm>>
      %dma_wait3A_167 = tpu.memref_squeeze %dma_wait3A_166 : memref<1x61440xf32, #tpu.memory_space<hbm>> -> memref<61440xf32, #tpu.memory_space<hbm>>
      %dma_wait3A_168 = arith.constant 491520 : i32
      %dma_wait3A_169 = tpu.memref_slice %arg2[%select_n3A_9, %dma_wait3A_168] : memref<16x1000000xf32, #tpu.memory_space<hbm>> -> memref<1x61440xf32, #tpu.memory_space<hbm>>
      %dma_wait3A_170 = tpu.memref_squeeze %dma_wait3A_169 : memref<1x61440xf32, #tpu.memory_space<hbm>> -> memref<61440xf32, #tpu.memory_space<hbm>>
      tpu.wait_dma2 semaphore(%arg8 : memref<!tpu.dma_semaphore, #tpu.memory_space<semaphore_mem>>) src(%dma_wait3A_170 : memref<61440xf32, #tpu.memory_space<hbm>>) dst(%arg6 : memref<61440xf32, #tpu.memory_space<vmem>>)
      %dma_wait3A_171 = tpu.memref_slice %arg4[%add3A_162] : memref<16000000xf32, #tpu.memory_space<hbm>> -> memref<61440xf32, #tpu.memory_space<hbm>>
      %dma_wait3A_172 = tpu.memref_slice %arg4[%add3A_162] : memref<16000000xf32, #tpu.memory_space<hbm>> -> memref<61440xf32, #tpu.memory_space<hbm>>
      tpu.wait_dma2 semaphore(%arg11 : memref<!tpu.dma_semaphore, #tpu.memory_space<semaphore_mem>>) src(%arg7 : memref<61440xf32, #tpu.memory_space<vmem>>) dst(%dma_wait3A_172 : memref<61440xf32, #tpu.memory_space<hbm>>)
      %dma_start3A_173 = arith.constant 552960 : i32
      %dma_start3A_174 = tpu.memref_slice %arg2[%select_n3A_9, %dma_start3A_173] : memref<16x1000000xf32, #tpu.memory_space<hbm>> -> memref<1x61440xf32, #tpu.memory_space<hbm>>
      %dma_start3A_175 = tpu.memref_squeeze %dma_start3A_174 : memref<1x61440xf32, #tpu.memory_space<hbm>> -> memref<61440xf32, #tpu.memory_space<hbm>>
      %dma_start3A_176 = arith.constant 552960 : i32
      %dma_start3A_177 = tpu.memref_slice %arg2[%select_n3A_9, %dma_start3A_176] : memref<16x1000000xf32, #tpu.memory_space<hbm>> -> memref<1x61440xf32, #tpu.memory_space<hbm>>
      %dma_start3A_178 = tpu.memref_squeeze %dma_start3A_177 : memref<1x61440xf32, #tpu.memory_space<hbm>> -> memref<61440xf32, #tpu.memory_space<hbm>>
      tpu.enqueue_dma source(%dma_start3A_178 : memref<61440xf32, #tpu.memory_space<hbm>>) target(%arg7 : memref<61440xf32, #tpu.memory_space<vmem>>) target_semaphore(%arg9 : memref<!tpu.dma_semaphore, #tpu.memory_space<semaphore_mem>>)
      %add3A_179 = arith.constant 491520 : i32
      %add3A_180 = arith.addi %mul3A_11, %add3A_179 : i32
      %dma_start3A_181 = tpu.memref_slice %arg4[%add3A_180] : memref<16000000xf32, #tpu.memory_space<hbm>> -> memref<61440xf32, #tpu.memory_space<hbm>>
      %dma_start3A_182 = tpu.memref_slice %arg4[%add3A_180] : memref<16000000xf32, #tpu.memory_space<hbm>> -> memref<61440xf32, #tpu.memory_space<hbm>>
      tpu.enqueue_dma source(%arg6 : memref<61440xf32, #tpu.memory_space<vmem>>) target(%dma_start3A_182 : memref<61440xf32, #tpu.memory_space<hbm>>) target_semaphore(%arg10 : memref<!tpu.dma_semaphore, #tpu.memory_space<semaphore_mem>>)
      %dma_wait3A_183 = arith.constant 552960 : i32
      %dma_wait3A_184 = tpu.memref_slice %arg2[%select_n3A_9, %dma_wait3A_183] : memref<16x1000000xf32, #tpu.memory_space<hbm>> -> memref<1x61440xf32, #tpu.memory_space<hbm>>
      %dma_wait3A_185 = tpu.memref_squeeze %dma_wait3A_184 : memref<1x61440xf32, #tpu.memory_space<hbm>> -> memref<61440xf32, #tpu.memory_space<hbm>>
      %dma_wait3A_186 = arith.constant 552960 : i32
      %dma_wait3A_187 = tpu.memref_slice %arg2[%select_n3A_9, %dma_wait3A_186] : memref<16x1000000xf32, #tpu.memory_space<hbm>> -> memref<1x61440xf32, #tpu.memory_space<hbm>>
      %dma_wait3A_188 = tpu.memref_squeeze %dma_wait3A_187 : memref<1x61440xf32, #tpu.memory_space<hbm>> -> memref<61440xf32, #tpu.memory_space<hbm>>
      tpu.wait_dma2 semaphore(%arg9 : memref<!tpu.dma_semaphore, #tpu.memory_space<semaphore_mem>>) src(%dma_wait3A_188 : memref<61440xf32, #tpu.memory_space<hbm>>) dst(%arg7 : memref<61440xf32, #tpu.memory_space<vmem>>)
      %dma_wait3A_189 = tpu.memref_slice %arg4[%add3A_180] : memref<16000000xf32, #tpu.memory_space<hbm>> -> memref<61440xf32, #tpu.memory_space<hbm>>
      %dma_wait3A_190 = tpu.memref_slice %arg4[%add3A_180] : memref<16000000xf32, #tpu.memory_space<hbm>> -> memref<61440xf32, #tpu.memory_space<hbm>>
      tpu.wait_dma2 semaphore(%arg10 : memref<!tpu.dma_semaphore, #tpu.memory_space<semaphore_mem>>) src(%arg6 : memref<61440xf32, #tpu.memory_space<vmem>>) dst(%dma_wait3A_190 : memref<61440xf32, #tpu.memory_space<hbm>>)
      %dma_start3A_191 = arith.constant 614400 : i32
      %dma_start3A_192 = tpu.memref_slice %arg2[%select_n3A_9, %dma_start3A_191] : memref<16x1000000xf32, #tpu.memory_space<hbm>> -> memref<1x61440xf32, #tpu.memory_space<hbm>>
      %dma_start3A_193 = tpu.memref_squeeze %dma_start3A_192 : memref<1x61440xf32, #tpu.memory_space<hbm>> -> memref<61440xf32, #tpu.memory_space<hbm>>
      %dma_start3A_194 = arith.constant 614400 : i32
      %dma_start3A_195 = tpu.memref_slice %arg2[%select_n3A_9, %dma_start3A_194] : memref<16x1000000xf32, #tpu.memory_space<hbm>> -> memref<1x61440xf32, #tpu.memory_space<hbm>>
      %dma_start3A_196 = tpu.memref_squeeze %dma_start3A_195 : memref<1x61440xf32, #tpu.memory_space<hbm>> -> memref<61440xf32, #tpu.memory_space<hbm>>
      tpu.enqueue_dma source(%dma_start3A_196 : memref<61440xf32, #tpu.memory_space<hbm>>) target(%arg6 : memref<61440xf32, #tpu.memory_space<vmem>>) target_semaphore(%arg8 : memref<!tpu.dma_semaphore, #tpu.memory_space<semaphore_mem>>)
      %add3A_197 = arith.constant 552960 : i32
      %add3A_198 = arith.addi %mul3A_11, %add3A_197 : i32
      %dma_start3A_199 = tpu.memref_slice %arg4[%add3A_198] : memref<16000000xf32, #tpu.memory_space<hbm>> -> memref<61440xf32, #tpu.memory_space<hbm>>
      %dma_start3A_200 = tpu.memref_slice %arg4[%add3A_198] : memref<16000000xf32, #tpu.memory_space<hbm>> -> memref<61440xf32, #tpu.memory_space<hbm>>
      tpu.enqueue_dma source(%arg7 : memref<61440xf32, #tpu.memory_space<vmem>>) target(%dma_start3A_200 : memref<61440xf32, #tpu.memory_space<hbm>>) target_semaphore(%arg11 : memref<!tpu.dma_semaphore, #tpu.memory_space<semaphore_mem>>)
      %dma_wait3A_201 = arith.constant 614400 : i32
      %dma_wait3A_202 = tpu.memref_slice %arg2[%select_n3A_9, %dma_wait3A_201] : memref<16x1000000xf32, #tpu.memory_space<hbm>> -> memref<1x61440xf32, #tpu.memory_space<hbm>>
      %dma_wait3A_203 = tpu.memref_squeeze %dma_wait3A_202 : memref<1x61440xf32, #tpu.memory_space<hbm>> -> memref<61440xf32, #tpu.memory_space<hbm>>
      %dma_wait3A_204 = arith.constant 614400 : i32
      %dma_wait3A_205 = tpu.memref_slice %arg2[%select_n3A_9, %dma_wait3A_204] : memref<16x1000000xf32, #tpu.memory_space<hbm>> -> memref<1x61440xf32, #tpu.memory_space<hbm>>
      %dma_wait3A_206 = tpu.memref_squeeze %dma_wait3A_205 : memref<1x61440xf32, #tpu.memory_space<hbm>> -> memref<61440xf32, #tpu.memory_space<hbm>>
      tpu.wait_dma2 semaphore(%arg8 : memref<!tpu.dma_semaphore, #tpu.memory_space<semaphore_mem>>) src(%dma_wait3A_206 : memref<61440xf32, #tpu.memory_space<hbm>>) dst(%arg6 : memref<61440xf32, #tpu.memory_space<vmem>>)
      %dma_wait3A_207 = tpu.memref_slice %arg4[%add3A_198] : memref<16000000xf32, #tpu.memory_space<hbm>> -> memref<61440xf32, #tpu.memory_space<hbm>>
      %dma_wait3A_208 = tpu.memref_slice %arg4[%add3A_198] : memref<16000000xf32, #tpu.memory_space<hbm>> -> memref<61440xf32, #tpu.memory_space<hbm>>
      tpu.wait_dma2 semaphore(%arg11 : memref<!tpu.dma_semaphore, #tpu.memory_space<semaphore_mem>>) src(%arg7 : memref<61440xf32, #tpu.memory_space<vmem>>) dst(%dma_wait3A_208 : memref<61440xf32, #tpu.memory_space<hbm>>)
      %dma_start3A_209 = arith.constant 675840 : i32
      %dma_start3A_210 = tpu.memref_slice %arg2[%select_n3A_9, %dma_start3A_209] : memref<16x1000000xf32, #tpu.memory_space<hbm>> -> memref<1x61440xf32, #tpu.memory_space<hbm>>
      %dma_start3A_211 = tpu.memref_squeeze %dma_start3A_210 : memref<1x61440xf32, #tpu.memory_space<hbm>> -> memref<61440xf32, #tpu.memory_space<hbm>>
      %dma_start3A_212 = arith.constant 675840 : i32
      %dma_start3A_213 = tpu.memref_slice %arg2[%select_n3A_9, %dma_start3A_212] : memref<16x1000000xf32, #tpu.memory_space<hbm>> -> memref<1x61440xf32, #tpu.memory_space<hbm>>
      %dma_start3A_214 = tpu.memref_squeeze %dma_start3A_213 : memref<1x61440xf32, #tpu.memory_space<hbm>> -> memref<61440xf32, #tpu.memory_space<hbm>>
      tpu.enqueue_dma source(%dma_start3A_214 : memref<61440xf32, #tpu.memory_space<hbm>>) target(%arg7 : memref<61440xf32, #tpu.memory_space<vmem>>) target_semaphore(%arg9 : memref<!tpu.dma_semaphore, #tpu.memory_space<semaphore_mem>>)
      %add3A_215 = arith.constant 614400 : i32
      %add3A_216 = arith.addi %mul3A_11, %add3A_215 : i32
      %dma_start3A_217 = tpu.memref_slice %arg4[%add3A_216] : memref<16000000xf32, #tpu.memory_space<hbm>> -> memref<61440xf32, #tpu.memory_space<hbm>>
      %dma_start3A_218 = tpu.memref_slice %arg4[%add3A_216] : memref<16000000xf32, #tpu.memory_space<hbm>> -> memref<61440xf32, #tpu.memory_space<hbm>>
      tpu.enqueue_dma source(%arg6 : memref<61440xf32, #tpu.memory_space<vmem>>) target(%dma_start3A_218 : memref<61440xf32, #tpu.memory_space<hbm>>) target_semaphore(%arg10 : memref<!tpu.dma_semaphore, #tpu.memory_space<semaphore_mem>>)
      %dma_wait3A_219 = arith.constant 675840 : i32
      %dma_wait3A_220 = tpu.memref_slice %arg2[%select_n3A_9, %dma_wait3A_219] : memref<16x1000000xf32, #tpu.memory_space<hbm>> -> memref<1x61440xf32, #tpu.memory_space<hbm>>
      %dma_wait3A_221 = tpu.memref_squeeze %dma_wait3A_220 : memref<1x61440xf32, #tpu.memory_space<hbm>> -> memref<61440xf32, #tpu.memory_space<hbm>>
      %dma_wait3A_222 = arith.constant 675840 : i32
      %dma_wait3A_223 = tpu.memref_slice %arg2[%select_n3A_9, %dma_wait3A_222] : memref<16x1000000xf32, #tpu.memory_space<hbm>> -> memref<1x61440xf32, #tpu.memory_space<hbm>>
      %dma_wait3A_224 = tpu.memref_squeeze %dma_wait3A_223 : memref<1x61440xf32, #tpu.memory_space<hbm>> -> memref<61440xf32, #tpu.memory_space<hbm>>
      tpu.wait_dma2 semaphore(%arg9 : memref<!tpu.dma_semaphore, #tpu.memory_space<semaphore_mem>>) src(%dma_wait3A_224 : memref<61440xf32, #tpu.memory_space<hbm>>) dst(%arg7 : memref<61440xf32, #tpu.memory_space<vmem>>)
      %dma_wait3A_225 = tpu.memref_slice %arg4[%add3A_216] : memref<16000000xf32, #tpu.memory_space<hbm>> -> memref<61440xf32, #tpu.memory_space<hbm>>
      %dma_wait3A_226 = tpu.memref_slice %arg4[%add3A_216] : memref<16000000xf32, #tpu.memory_space<hbm>> -> memref<61440xf32, #tpu.memory_space<hbm>>
      tpu.wait_dma2 semaphore(%arg10 : memref<!tpu.dma_semaphore, #tpu.memory_space<semaphore_mem>>) src(%arg6 : memref<61440xf32, #tpu.memory_space<vmem>>) dst(%dma_wait3A_226 : memref<61440xf32, #tpu.memory_space<hbm>>)
      %dma_start3A_227 = arith.constant 737280 : i32
      %dma_start3A_228 = tpu.memref_slice %arg2[%select_n3A_9, %dma_start3A_227] : memref<16x1000000xf32, #tpu.memory_space<hbm>> -> memref<1x61440xf32, #tpu.memory_space<hbm>>
      %dma_start3A_229 = tpu.memref_squeeze %dma_start3A_228 : memref<1x61440xf32, #tpu.memory_space<hbm>> -> memref<61440xf32, #tpu.memory_space<hbm>>
      %dma_start3A_230 = arith.constant 737280 : i32
      %dma_start3A_231 = tpu.memref_slice %arg2[%select_n3A_9, %dma_start3A_230] : memref<16x1000000xf32, #tpu.memory_space<hbm>> -> memref<1x61440xf32, #tpu.memory_space<hbm>>
      %dma_start3A_232 = tpu.memref_squeeze %dma_start3A_231 : memref<1x61440xf32, #tpu.memory_space<hbm>> -> memref<61440xf32, #tpu.memory_space<hbm>>
      tpu.enqueue_dma source(%dma_start3A_232 : memref<61440xf32, #tpu.memory_space<hbm>>) target(%arg6 : memref<61440xf32, #tpu.memory_space<vmem>>) target_semaphore(%arg8 : memref<!tpu.dma_semaphore, #tpu.memory_space<semaphore_mem>>)
      %add3A_233 = arith.constant 675840 : i32
      %add3A_234 = arith.addi %mul3A_11, %add3A_233 : i32
      %dma_start3A_235 = tpu.memref_slice %arg4[%add3A_234] : memref<16000000xf32, #tpu.memory_space<hbm>> -> memref<61440xf32, #tpu.memory_space<hbm>>
      %dma_start3A_236 = tpu.memref_slice %arg4[%add3A_234] : memref<16000000xf32, #tpu.memory_space<hbm>> -> memref<61440xf32, #tpu.memory_space<hbm>>
      tpu.enqueue_dma source(%arg7 : memref<61440xf32, #tpu.memory_space<vmem>>) target(%dma_start3A_236 : memref<61440xf32, #tpu.memory_space<hbm>>) target_semaphore(%arg11 : memref<!tpu.dma_semaphore, #tpu.memory_space<semaphore_mem>>)
      %dma_wait3A_237 = arith.constant 737280 : i32
      %dma_wait3A_238 = tpu.memref_slice %arg2[%select_n3A_9, %dma_wait3A_237] : memref<16x1000000xf32, #tpu.memory_space<hbm>> -> memref<1x61440xf32, #tpu.memory_space<hbm>>
      %dma_wait3A_239 = tpu.memref_squeeze %dma_wait3A_238 : memref<1x61440xf32, #tpu.memory_space<hbm>> -> memref<61440xf32, #tpu.memory_space<hbm>>
      %dma_wait3A_240 = arith.constant 737280 : i32
      %dma_wait3A_241 = tpu.memref_slice %arg2[%select_n3A_9, %dma_wait3A_240] : memref<16x1000000xf32, #tpu.memory_space<hbm>> -> memref<1x61440xf32, #tpu.memory_space<hbm>>
      %dma_wait3A_242 = tpu.memref_squeeze %dma_wait3A_241 : memref<1x61440xf32, #tpu.memory_space<hbm>> -> memref<61440xf32, #tpu.memory_space<hbm>>
      tpu.wait_dma2 semaphore(%arg8 : memref<!tpu.dma_semaphore, #tpu.memory_space<semaphore_mem>>) src(%dma_wait3A_242 : memref<61440xf32, #tpu.memory_space<hbm>>) dst(%arg6 : memref<61440xf32, #tpu.memory_space<vmem>>)
      %dma_wait3A_243 = tpu.memref_slice %arg4[%add3A_234] : memref<16000000xf32, #tpu.memory_space<hbm>> -> memref<61440xf32, #tpu.memory_space<hbm>>
      %dma_wait3A_244 = tpu.memref_slice %arg4[%add3A_234] : memref<16000000xf32, #tpu.memory_space<hbm>> -> memref<61440xf32, #tpu.memory_space<hbm>>
      tpu.wait_dma2 semaphore(%arg11 : memref<!tpu.dma_semaphore, #tpu.memory_space<semaphore_mem>>) src(%arg7 : memref<61440xf32, #tpu.memory_space<vmem>>) dst(%dma_wait3A_244 : memref<61440xf32, #tpu.memory_space<hbm>>)
      %dma_start3A_245 = arith.constant 798720 : i32
      %dma_start3A_246 = tpu.memref_slice %arg2[%select_n3A_9, %dma_start3A_245] : memref<16x1000000xf32, #tpu.memory_space<hbm>> -> memref<1x61440xf32, #tpu.memory_space<hbm>>
      %dma_start3A_247 = tpu.memref_squeeze %dma_start3A_246 : memref<1x61440xf32, #tpu.memory_space<hbm>> -> memref<61440xf32, #tpu.memory_space<hbm>>
      %dma_start3A_248 = arith.constant 798720 : i32
      %dma_start3A_249 = tpu.memref_slice %arg2[%select_n3A_9, %dma_start3A_248] : memref<16x1000000xf32, #tpu.memory_space<hbm>> -> memref<1x61440xf32, #tpu.memory_space<hbm>>
      %dma_start3A_250 = tpu.memref_squeeze %dma_start3A_249 : memref<1x61440xf32, #tpu.memory_space<hbm>> -> memref<61440xf32, #tpu.memory_space<hbm>>
      tpu.enqueue_dma source(%dma_start3A_250 : memref<61440xf32, #tpu.memory_space<hbm>>) target(%arg7 : memref<61440xf32, #tpu.memory_space<vmem>>) target_semaphore(%arg9 : memref<!tpu.dma_semaphore, #tpu.memory_space<semaphore_mem>>)
      %add3A_251 = arith.constant 737280 : i32
      %add3A_252 = arith.addi %mul3A_11, %add3A_251 : i32
      %dma_start3A_253 = tpu.memref_slice %arg4[%add3A_252] : memref<16000000xf32, #tpu.memory_space<hbm>> -> memref<61440xf32, #tpu.memory_space<hbm>>
      %dma_start3A_254 = tpu.memref_slice %arg4[%add3A_252] : memref<16000000xf32, #tpu.memory_space<hbm>> -> memref<61440xf32, #tpu.memory_space<hbm>>
      tpu.enqueue_dma source(%arg6 : memref<61440xf32, #tpu.memory_space<vmem>>) target(%dma_start3A_254 : memref<61440xf32, #tpu.memory_space<hbm>>) target_semaphore(%arg10 : memref<!tpu.dma_semaphore, #tpu.memory_space<semaphore_mem>>)
      %dma_wait3A_255 = arith.constant 798720 : i32
      %dma_wait3A_256 = tpu.memref_slice %arg2[%select_n3A_9, %dma_wait3A_255] : memref<16x1000000xf32, #tpu.memory_space<hbm>> -> memref<1x61440xf32, #tpu.memory_space<hbm>>
      %dma_wait3A_257 = tpu.memref_squeeze %dma_wait3A_256 : memref<1x61440xf32, #tpu.memory_space<hbm>> -> memref<61440xf32, #tpu.memory_space<hbm>>
      %dma_wait3A_258 = arith.constant 798720 : i32
      %dma_wait3A_259 = tpu.memref_slice %arg2[%select_n3A_9, %dma_wait3A_258] : memref<16x1000000xf32, #tpu.memory_space<hbm>> -> memref<1x61440xf32, #tpu.memory_space<hbm>>
      %dma_wait3A_260 = tpu.memref_squeeze %dma_wait3A_259 : memref<1x61440xf32, #tpu.memory_space<hbm>> -> memref<61440xf32, #tpu.memory_space<hbm>>
      tpu.wait_dma2 semaphore(%arg9 : memref<!tpu.dma_semaphore, #tpu.memory_space<semaphore_mem>>) src(%dma_wait3A_260 : memref<61440xf32, #tpu.memory_space<hbm>>) dst(%arg7 : memref<61440xf32, #tpu.memory_space<vmem>>)
      %dma_wait3A_261 = tpu.memref_slice %arg4[%add3A_252] : memref<16000000xf32, #tpu.memory_space<hbm>> -> memref<61440xf32, #tpu.memory_space<hbm>>
      %dma_wait3A_262 = tpu.memref_slice %arg4[%add3A_252] : memref<16000000xf32, #tpu.memory_space<hbm>> -> memref<61440xf32, #tpu.memory_space<hbm>>
      tpu.wait_dma2 semaphore(%arg10 : memref<!tpu.dma_semaphore, #tpu.memory_space<semaphore_mem>>) src(%arg6 : memref<61440xf32, #tpu.memory_space<vmem>>) dst(%dma_wait3A_262 : memref<61440xf32, #tpu.memory_space<hbm>>)
      %dma_start3A_263 = arith.constant 860160 : i32
      %dma_start3A_264 = tpu.memref_slice %arg2[%select_n3A_9, %dma_start3A_263] : memref<16x1000000xf32, #tpu.memory_space<hbm>> -> memref<1x61440xf32, #tpu.memory_space<hbm>>
      %dma_start3A_265 = tpu.memref_squeeze %dma_start3A_264 : memref<1x61440xf32, #tpu.memory_space<hbm>> -> memref<61440xf32, #tpu.memory_space<hbm>>
      %dma_start3A_266 = arith.constant 860160 : i32
      %dma_start3A_267 = tpu.memref_slice %arg2[%select_n3A_9, %dma_start3A_266] : memref<16x1000000xf32, #tpu.memory_space<hbm>> -> memref<1x61440xf32, #tpu.memory_space<hbm>>
      %dma_start3A_268 = tpu.memref_squeeze %dma_start3A_267 : memref<1x61440xf32, #tpu.memory_space<hbm>> -> memref<61440xf32, #tpu.memory_space<hbm>>
      tpu.enqueue_dma source(%dma_start3A_268 : memref<61440xf32, #tpu.memory_space<hbm>>) target(%arg6 : memref<61440xf32, #tpu.memory_space<vmem>>) target_semaphore(%arg8 : memref<!tpu.dma_semaphore, #tpu.memory_space<semaphore_mem>>)
      %add3A_269 = arith.constant 798720 : i32
      %add3A_270 = arith.addi %mul3A_11, %add3A_269 : i32
      %dma_start3A_271 = tpu.memref_slice %arg4[%add3A_270] : memref<16000000xf32, #tpu.memory_space<hbm>> -> memref<61440xf32, #tpu.memory_space<hbm>>
      %dma_start3A_272 = tpu.memref_slice %arg4[%add3A_270] : memref<16000000xf32, #tpu.memory_space<hbm>> -> memref<61440xf32, #tpu.memory_space<hbm>>
      tpu.enqueue_dma source(%arg7 : memref<61440xf32, #tpu.memory_space<vmem>>) target(%dma_start3A_272 : memref<61440xf32, #tpu.memory_space<hbm>>) target_semaphore(%arg11 : memref<!tpu.dma_semaphore, #tpu.memory_space<semaphore_mem>>)
      %dma_wait3A_273 = arith.constant 860160 : i32
      %dma_wait3A_274 = tpu.memref_slice %arg2[%select_n3A_9, %dma_wait3A_273] : memref<16x1000000xf32, #tpu.memory_space<hbm>> -> memref<1x61440xf32, #tpu.memory_space<hbm>>
      %dma_wait3A_275 = tpu.memref_squeeze %dma_wait3A_274 : memref<1x61440xf32, #tpu.memory_space<hbm>> -> memref<61440xf32, #tpu.memory_space<hbm>>
      %dma_wait3A_276 = arith.constant 860160 : i32
      %dma_wait3A_277 = tpu.memref_slice %arg2[%select_n3A_9, %dma_wait3A_276] : memref<16x1000000xf32, #tpu.memory_space<hbm>> -> memref<1x61440xf32, #tpu.memory_space<hbm>>
      %dma_wait3A_278 = tpu.memref_squeeze %dma_wait3A_277 : memref<1x61440xf32, #tpu.memory_space<hbm>> -> memref<61440xf32, #tpu.memory_space<hbm>>
      tpu.wait_dma2 semaphore(%arg8 : memref<!tpu.dma_semaphore, #tpu.memory_space<semaphore_mem>>) src(%dma_wait3A_278 : memref<61440xf32, #tpu.memory_space<hbm>>) dst(%arg6 : memref<61440xf32, #tpu.memory_space<vmem>>)
      %dma_wait3A_279 = tpu.memref_slice %arg4[%add3A_270] : memref<16000000xf32, #tpu.memory_space<hbm>> -> memref<61440xf32, #tpu.memory_space<hbm>>
      %dma_wait3A_280 = tpu.memref_slice %arg4[%add3A_270] : memref<16000000xf32, #tpu.memory_space<hbm>> -> memref<61440xf32, #tpu.memory_space<hbm>>
      tpu.wait_dma2 semaphore(%arg11 : memref<!tpu.dma_semaphore, #tpu.memory_space<semaphore_mem>>) src(%arg7 : memref<61440xf32, #tpu.memory_space<vmem>>) dst(%dma_wait3A_280 : memref<61440xf32, #tpu.memory_space<hbm>>)
      %dma_start3A_281 = arith.constant 921600 : i32
      %dma_start3A_282 = tpu.memref_slice %arg2[%select_n3A_9, %dma_start3A_281] : memref<16x1000000xf32, #tpu.memory_space<hbm>> -> memref<1x61440xf32, #tpu.memory_space<hbm>>
      %dma_start3A_283 = tpu.memref_squeeze %dma_start3A_282 : memref<1x61440xf32, #tpu.memory_space<hbm>> -> memref<61440xf32, #tpu.memory_space<hbm>>
      %dma_start3A_284 = arith.constant 921600 : i32
      %dma_start3A_285 = tpu.memref_slice %arg2[%select_n3A_9, %dma_start3A_284] : memref<16x1000000xf32, #tpu.memory_space<hbm>> -> memref<1x61440xf32, #tpu.memory_space<hbm>>
      %dma_start3A_286 = tpu.memref_squeeze %dma_start3A_285 : memref<1x61440xf32, #tpu.memory_space<hbm>> -> memref<61440xf32, #tpu.memory_space<hbm>>
      tpu.enqueue_dma source(%dma_start3A_286 : memref<61440xf32, #tpu.memory_space<hbm>>) target(%arg7 : memref<61440xf32, #tpu.memory_space<vmem>>) target_semaphore(%arg9 : memref<!tpu.dma_semaphore, #tpu.memory_space<semaphore_mem>>)
      %add3A_287 = arith.constant 860160 : i32
      %add3A_288 = arith.addi %mul3A_11, %add3A_287 : i32
      %dma_start3A_289 = tpu.memref_slice %arg4[%add3A_288] : memref<16000000xf32, #tpu.memory_space<hbm>> -> memref<61440xf32, #tpu.memory_space<hbm>>
      %dma_start3A_290 = tpu.memref_slice %arg4[%add3A_288] : memref<16000000xf32, #tpu.memory_space<hbm>> -> memref<61440xf32, #tpu.memory_space<hbm>>
      tpu.enqueue_dma source(%arg6 : memref<61440xf32, #tpu.memory_space<vmem>>) target(%dma_start3A_290 : memref<61440xf32, #tpu.memory_space<hbm>>) target_semaphore(%arg10 : memref<!tpu.dma_semaphore, #tpu.memory_space<semaphore_mem>>)
      %dma_wait3A_291 = arith.constant 921600 : i32
      %dma_wait3A_292 = tpu.memref_slice %arg2[%select_n3A_9, %dma_wait3A_291] : memref<16x1000000xf32, #tpu.memory_space<hbm>> -> memref<1x61440xf32, #tpu.memory_space<hbm>>
      %dma_wait3A_293 = tpu.memref_squeeze %dma_wait3A_292 : memref<1x61440xf32, #tpu.memory_space<hbm>> -> memref<61440xf32, #tpu.memory_space<hbm>>
      %dma_wait3A_294 = arith.constant 921600 : i32
      %dma_wait3A_295 = tpu.memref_slice %arg2[%select_n3A_9, %dma_wait3A_294] : memref<16x1000000xf32, #tpu.memory_space<hbm>> -> memref<1x61440xf32, #tpu.memory_space<hbm>>
      %dma_wait3A_296 = tpu.memref_squeeze %dma_wait3A_295 : memref<1x61440xf32, #tpu.memory_space<hbm>> -> memref<61440xf32, #tpu.memory_space<hbm>>
      tpu.wait_dma2 semaphore(%arg9 : memref<!tpu.dma_semaphore, #tpu.memory_space<semaphore_mem>>) src(%dma_wait3A_296 : memref<61440xf32, #tpu.memory_space<hbm>>) dst(%arg7 : memref<61440xf32, #tpu.memory_space<vmem>>)
      %dma_wait3A_297 = tpu.memref_slice %arg4[%add3A_288] : memref<16000000xf32, #tpu.memory_space<hbm>> -> memref<61440xf32, #tpu.memory_space<hbm>>
      %dma_wait3A_298 = tpu.memref_slice %arg4[%add3A_288] : memref<16000000xf32, #tpu.memory_space<hbm>> -> memref<61440xf32, #tpu.memory_space<hbm>>
      tpu.wait_dma2 semaphore(%arg10 : memref<!tpu.dma_semaphore, #tpu.memory_space<semaphore_mem>>) src(%arg6 : memref<61440xf32, #tpu.memory_space<vmem>>) dst(%dma_wait3A_298 : memref<61440xf32, #tpu.memory_space<hbm>>)
      %add3A_299 = arith.constant 921600 : i32
      %add3A_300 = arith.addi %mul3A_11, %add3A_299 : i32
      %dma_start3A_301 = tpu.memref_slice %arg4[%add3A_300] : memref<16000000xf32, #tpu.memory_space<hbm>> -> memref<61440xf32, #tpu.memory_space<hbm>>
      %dma_start3A_302 = tpu.memref_slice %arg4[%add3A_300] : memref<16000000xf32, #tpu.memory_space<hbm>> -> memref<61440xf32, #tpu.memory_space<hbm>>
      tpu.enqueue_dma source(%arg7 : memref<61440xf32, #tpu.memory_space<vmem>>) target(%dma_start3A_302 : memref<61440xf32, #tpu.memory_space<hbm>>) target_semaphore(%arg11 : memref<!tpu.dma_semaphore, #tpu.memory_space<semaphore_mem>>)
      %dma_wait3A_303 = tpu.memref_slice %arg4[%add3A_300] : memref<16000000xf32, #tpu.memory_space<hbm>> -> memref<61440xf32, #tpu.memory_space<hbm>>
      %dma_wait3A_304 = tpu.memref_slice %arg4[%add3A_300] : memref<16000000xf32, #tpu.memory_space<hbm>> -> memref<61440xf32, #tpu.memory_space<hbm>>
      tpu.wait_dma2 semaphore(%arg11 : memref<!tpu.dma_semaphore, #tpu.memory_space<semaphore_mem>>) src(%arg7 : memref<61440xf32, #tpu.memory_space<vmem>>) dst(%dma_wait3A_304 : memref<61440xf32, #tpu.memory_space<hbm>>)
      "tpu.region"() ({
        %run_scoped3A = tpu.sem_alloc : memref<!tpu.dma_semaphore, #tpu.memory_space<semaphore_mem>>
        %dma_start3A_307 = arith.constant 0 : i32
        %dma_start3A_308 = tpu.memref_slice %arg6[%dma_start3A_307] : memref<61440xf32, #tpu.memory_space<vmem>> -> memref<16896xf32, #tpu.memory_space<vmem>>
        %dma_start3A_309 = arith.constant 983040 : i32
        %dma_start3A_310 = tpu.memref_slice %arg2[%select_n3A_9, %dma_start3A_309] : memref<16x1000000xf32, #tpu.memory_space<hbm>> -> memref<1x16896xf32, #tpu.memory_space<hbm>>
        %dma_start3A_311 = tpu.memref_squeeze %dma_start3A_310 : memref<1x16896xf32, #tpu.memory_space<hbm>> -> memref<16896xf32, #tpu.memory_space<hbm>>
        %dma_start3A_312 = arith.constant 0 : i32
        %dma_start3A_313 = tpu.memref_slice %arg6[%dma_start3A_312] : memref<61440xf32, #tpu.memory_space<vmem>> -> memref<16896xf32, #tpu.memory_space<vmem>>
        %dma_start3A_314 = arith.constant 983040 : i32
        %dma_start3A_315 = tpu.memref_slice %arg2[%select_n3A_9, %dma_start3A_314] : memref<16x1000000xf32, #tpu.memory_space<hbm>> -> memref<1x16896xf32, #tpu.memory_space<hbm>>
        %dma_start3A_316 = tpu.memref_squeeze %dma_start3A_315 : memref<1x16896xf32, #tpu.memory_space<hbm>> -> memref<16896xf32, #tpu.memory_space<hbm>>
        tpu.enqueue_dma source(%dma_start3A_316 : memref<16896xf32, #tpu.memory_space<hbm>>) target(%dma_start3A_313 : memref<16896xf32, #tpu.memory_space<vmem>>) target_semaphore(%run_scoped3A : memref<!tpu.dma_semaphore, #tpu.memory_space<semaphore_mem>>)
        %dma_wait3A_317 = arith.constant 0 : i32
        %dma_wait3A_318 = tpu.memref_slice %arg6[%dma_wait3A_317] : memref<61440xf32, #tpu.memory_space<vmem>> -> memref<16896xf32, #tpu.memory_space<vmem>>
        %dma_wait3A_319 = arith.constant 983040 : i32
        %dma_wait3A_320 = tpu.memref_slice %arg2[%select_n3A_9, %dma_wait3A_319] : memref<16x1000000xf32, #tpu.memory_space<hbm>> -> memref<1x16896xf32, #tpu.memory_space<hbm>>
        %dma_wait3A_321 = tpu.memref_squeeze %dma_wait3A_320 : memref<1x16896xf32, #tpu.memory_space<hbm>> -> memref<16896xf32, #tpu.memory_space<hbm>>
        %dma_wait3A_322 = arith.constant 0 : i32
        %dma_wait3A_323 = tpu.memref_slice %arg6[%dma_wait3A_322] : memref<61440xf32, #tpu.memory_space<vmem>> -> memref<16896xf32, #tpu.memory_space<vmem>>
        %dma_wait3A_324 = arith.constant 983040 : i32
        %dma_wait3A_325 = tpu.memref_slice %arg2[%select_n3A_9, %dma_wait3A_324] : memref<16x1000000xf32, #tpu.memory_space<hbm>> -> memref<1x16896xf32, #tpu.memory_space<hbm>>
        %dma_wait3A_326 = tpu.memref_squeeze %dma_wait3A_325 : memref<1x16896xf32, #tpu.memory_space<hbm>> -> memref<16896xf32, #tpu.memory_space<hbm>>
        tpu.wait_dma2 semaphore(%run_scoped3A : memref<!tpu.dma_semaphore, #tpu.memory_space<semaphore_mem>>) src(%dma_wait3A_326 : memref<16896xf32, #tpu.memory_space<hbm>>) dst(%dma_wait3A_323 : memref<16896xf32, #tpu.memory_space<vmem>>)
        tpu.yield
      }) : () -> ()
      %add3A_305 = arith.constant 983040 : i32
      %add3A_306 = arith.addi %mul3A_11, %add3A_305 : i32
      "tpu.region"() ({
        %run_scoped3A = tpu.sem_alloc : memref<!tpu.dma_semaphore, #tpu.memory_space<semaphore_mem>>
        %dma_start3A_307 = arith.constant 0 : i32
        %dma_start3A_308 = tpu.memref_slice %arg6[%dma_start3A_307] : memref<61440xf32, #tpu.memory_space<vmem>> -> memref<16896xf32, #tpu.memory_space<vmem>>
        %dma_start3A_309 = tpu.memref_slice %arg4[%add3A_306] : memref<16000000xf32, #tpu.memory_space<hbm>> -> memref<16896xf32, #tpu.memory_space<hbm>>
        %dma_start3A_310 = tpu.memref_slice %arg4[%add3A_306] : memref<16000000xf32, #tpu.memory_space<hbm>> -> memref<16896xf32, #tpu.memory_space<hbm>>
        %dma_start3A_311 = arith.constant 0 : i32
        %dma_start3A_312 = tpu.memref_slice %arg6[%dma_start3A_311] : memref<61440xf32, #tpu.memory_space<vmem>> -> memref<16896xf32, #tpu.memory_space<vmem>>
        tpu.enqueue_dma source(%dma_start3A_312 : memref<16896xf32, #tpu.memory_space<vmem>>) target(%dma_start3A_310 : memref<16896xf32, #tpu.memory_space<hbm>>) target_semaphore(%run_scoped3A : memref<!tpu.dma_semaphore, #tpu.memory_space<semaphore_mem>>)
        %dma_wait3A_313 = arith.constant 0 : i32
        %dma_wait3A_314 = tpu.memref_slice %arg6[%dma_wait3A_313] : memref<61440xf32, #tpu.memory_space<vmem>> -> memref<16896xf32, #tpu.memory_space<vmem>>
        %dma_wait3A_315 = tpu.memref_slice %arg4[%add3A_306] : memref<16000000xf32, #tpu.memory_space<hbm>> -> memref<16896xf32, #tpu.memory_space<hbm>>
        %dma_wait3A_316 = tpu.memref_slice %arg4[%add3A_306] : memref<16000000xf32, #tpu.memory_space<hbm>> -> memref<16896xf32, #tpu.memory_space<hbm>>
        %dma_wait3A_317 = arith.constant 0 : i32
        %dma_wait3A_318 = tpu.memref_slice %arg6[%dma_wait3A_317] : memref<61440xf32, #tpu.memory_space<vmem>> -> memref<16896xf32, #tpu.memory_space<vmem>>
        tpu.wait_dma2 semaphore(%run_scoped3A : memref<!tpu.dma_semaphore, #tpu.memory_space<semaphore_mem>>) src(%dma_wait3A_318 : memref<16896xf32, #tpu.memory_space<vmem>>) dst(%dma_wait3A_316 : memref<16896xf32, #tpu.memory_space<hbm>>)
        tpu.yield
      }) : () -> ()
    } else {
    }
    %ge3A = arith.constant 16 : i32
    %ge3A_15 = arith.cmpi sge, %add3A, %ge3A : i32
    %convert_element_type3A_16 = arith.extui %ge3A_15 : i1 to i32
    %cond3A_17 = arith.constant 0 : i32
    %cond3A_18 = arith.cmpi ne, %convert_element_type3A_16, %cond3A_17 : i32
    scf.if %cond3A_18 {
      %dma_start3A = arith.constant 0 : i32
      %dma_start3A_19 = tpu.memref_slice %arg3[%select_n3A_9, %dma_start3A] : memref<16x1000000xf32, #tpu.memory_space<hbm>> -> memref<1x61440xf32, #tpu.memory_space<hbm>>
      %dma_start3A_20 = tpu.memref_squeeze %dma_start3A_19 : memref<1x61440xf32, #tpu.memory_space<hbm>> -> memref<61440xf32, #tpu.memory_space<hbm>>
      %dma_start3A_21 = arith.constant 0 : i32
      %dma_start3A_22 = tpu.memref_slice %arg3[%select_n3A_9, %dma_start3A_21] : memref<16x1000000xf32, #tpu.memory_space<hbm>> -> memref<1x61440xf32, #tpu.memory_space<hbm>>
      %dma_start3A_23 = tpu.memref_squeeze %dma_start3A_22 : memref<1x61440xf32, #tpu.memory_space<hbm>> -> memref<61440xf32, #tpu.memory_space<hbm>>
      tpu.enqueue_dma source(%dma_start3A_23 : memref<61440xf32, #tpu.memory_space<hbm>>) target(%arg6 : memref<61440xf32, #tpu.memory_space<vmem>>) target_semaphore(%arg8 : memref<!tpu.dma_semaphore, #tpu.memory_space<semaphore_mem>>)
      %dma_wait3A = arith.constant 0 : i32
      %dma_wait3A_24 = tpu.memref_slice %arg3[%select_n3A_9, %dma_wait3A] : memref<16x1000000xf32, #tpu.memory_space<hbm>> -> memref<1x61440xf32, #tpu.memory_space<hbm>>
      %dma_wait3A_25 = tpu.memref_squeeze %dma_wait3A_24 : memref<1x61440xf32, #tpu.memory_space<hbm>> -> memref<61440xf32, #tpu.memory_space<hbm>>
      %dma_wait3A_26 = arith.constant 0 : i32
      %dma_wait3A_27 = tpu.memref_slice %arg3[%select_n3A_9, %dma_wait3A_26] : memref<16x1000000xf32, #tpu.memory_space<hbm>> -> memref<1x61440xf32, #tpu.memory_space<hbm>>
      %dma_wait3A_28 = tpu.memref_squeeze %dma_wait3A_27 : memref<1x61440xf32, #tpu.memory_space<hbm>> -> memref<61440xf32, #tpu.memory_space<hbm>>
      tpu.wait_dma2 semaphore(%arg8 : memref<!tpu.dma_semaphore, #tpu.memory_space<semaphore_mem>>) src(%dma_wait3A_28 : memref<61440xf32, #tpu.memory_space<hbm>>) dst(%arg6 : memref<61440xf32, #tpu.memory_space<vmem>>)
      %dma_start3A_29 = arith.constant 61440 : i32
      %dma_start3A_30 = tpu.memref_slice %arg3[%select_n3A_9, %dma_start3A_29] : memref<16x1000000xf32, #tpu.memory_space<hbm>> -> memref<1x61440xf32, #tpu.memory_space<hbm>>
      %dma_start3A_31 = tpu.memref_squeeze %dma_start3A_30 : memref<1x61440xf32, #tpu.memory_space<hbm>> -> memref<61440xf32, #tpu.memory_space<hbm>>
      %dma_start3A_32 = arith.constant 61440 : i32
      %dma_start3A_33 = tpu.memref_slice %arg3[%select_n3A_9, %dma_start3A_32] : memref<16x1000000xf32, #tpu.memory_space<hbm>> -> memref<1x61440xf32, #tpu.memory_space<hbm>>
      %dma_start3A_34 = tpu.memref_squeeze %dma_start3A_33 : memref<1x61440xf32, #tpu.memory_space<hbm>> -> memref<61440xf32, #tpu.memory_space<hbm>>
      tpu.enqueue_dma source(%dma_start3A_34 : memref<61440xf32, #tpu.memory_space<hbm>>) target(%arg7 : memref<61440xf32, #tpu.memory_space<vmem>>) target_semaphore(%arg9 : memref<!tpu.dma_semaphore, #tpu.memory_space<semaphore_mem>>)
      %add3A_35 = arith.constant 0 : i32
      %add3A_36 = arith.addi %mul3A_11, %add3A_35 : i32
      %dma_start3A_37 = tpu.memref_slice %arg5[%add3A_36] : memref<16000000xf32, #tpu.memory_space<hbm>> -> memref<61440xf32, #tpu.memory_space<hbm>>
      %dma_start3A_38 = tpu.memref_slice %arg5[%add3A_36] : memref<16000000xf32, #tpu.memory_space<hbm>> -> memref<61440xf32, #tpu.memory_space<hbm>>
      tpu.enqueue_dma source(%arg6 : memref<61440xf32, #tpu.memory_space<vmem>>) target(%dma_start3A_38 : memref<61440xf32, #tpu.memory_space<hbm>>) target_semaphore(%arg10 : memref<!tpu.dma_semaphore, #tpu.memory_space<semaphore_mem>>)
      %dma_wait3A_39 = arith.constant 61440 : i32
      %dma_wait3A_40 = tpu.memref_slice %arg3[%select_n3A_9, %dma_wait3A_39] : memref<16x1000000xf32, #tpu.memory_space<hbm>> -> memref<1x61440xf32, #tpu.memory_space<hbm>>
      %dma_wait3A_41 = tpu.memref_squeeze %dma_wait3A_40 : memref<1x61440xf32, #tpu.memory_space<hbm>> -> memref<61440xf32, #tpu.memory_space<hbm>>
      %dma_wait3A_42 = arith.constant 61440 : i32
      %dma_wait3A_43 = tpu.memref_slice %arg3[%select_n3A_9, %dma_wait3A_42] : memref<16x1000000xf32, #tpu.memory_space<hbm>> -> memref<1x61440xf32, #tpu.memory_space<hbm>>
      %dma_wait3A_44 = tpu.memref_squeeze %dma_wait3A_43 : memref<1x61440xf32, #tpu.memory_space<hbm>> -> memref<61440xf32, #tpu.memory_space<hbm>>
      tpu.wait_dma2 semaphore(%arg9 : memref<!tpu.dma_semaphore, #tpu.memory_space<semaphore_mem>>) src(%dma_wait3A_44 : memref<61440xf32, #tpu.memory_space<hbm>>) dst(%arg7 : memref<61440xf32, #tpu.memory_space<vmem>>)
      %dma_wait3A_45 = tpu.memref_slice %arg5[%add3A_36] : memref<16000000xf32, #tpu.memory_space<hbm>> -> memref<61440xf32, #tpu.memory_space<hbm>>
      %dma_wait3A_46 = tpu.memref_slice %arg5[%add3A_36] : memref<16000000xf32, #tpu.memory_space<hbm>> -> memref<61440xf32, #tpu.memory_space<hbm>>
      tpu.wait_dma2 semaphore(%arg10 : memref<!tpu.dma_semaphore, #tpu.memory_space<semaphore_mem>>) src(%arg6 : memref<61440xf32, #tpu.memory_space<vmem>>) dst(%dma_wait3A_46 : memref<61440xf32, #tpu.memory_space<hbm>>)
      %dma_start3A_47 = arith.constant 122880 : i32
      %dma_start3A_48 = tpu.memref_slice %arg3[%select_n3A_9, %dma_start3A_47] : memref<16x1000000xf32, #tpu.memory_space<hbm>> -> memref<1x61440xf32, #tpu.memory_space<hbm>>
      %dma_start3A_49 = tpu.memref_squeeze %dma_start3A_48 : memref<1x61440xf32, #tpu.memory_space<hbm>> -> memref<61440xf32, #tpu.memory_space<hbm>>
      %dma_start3A_50 = arith.constant 122880 : i32
      %dma_start3A_51 = tpu.memref_slice %arg3[%select_n3A_9, %dma_start3A_50] : memref<16x1000000xf32, #tpu.memory_space<hbm>> -> memref<1x61440xf32, #tpu.memory_space<hbm>>
      %dma_start3A_52 = tpu.memref_squeeze %dma_start3A_51 : memref<1x61440xf32, #tpu.memory_space<hbm>> -> memref<61440xf32, #tpu.memory_space<hbm>>
      tpu.enqueue_dma source(%dma_start3A_52 : memref<61440xf32, #tpu.memory_space<hbm>>) target(%arg6 : memref<61440xf32, #tpu.memory_space<vmem>>) target_semaphore(%arg8 : memref<!tpu.dma_semaphore, #tpu.memory_space<semaphore_mem>>)
      %add3A_53 = arith.constant 61440 : i32
      %add3A_54 = arith.addi %mul3A_11, %add3A_53 : i32
      %dma_start3A_55 = tpu.memref_slice %arg5[%add3A_54] : memref<16000000xf32, #tpu.memory_space<hbm>> -> memref<61440xf32, #tpu.memory_space<hbm>>
      %dma_start3A_56 = tpu.memref_slice %arg5[%add3A_54] : memref<16000000xf32, #tpu.memory_space<hbm>> -> memref<61440xf32, #tpu.memory_space<hbm>>
      tpu.enqueue_dma source(%arg7 : memref<61440xf32, #tpu.memory_space<vmem>>) target(%dma_start3A_56 : memref<61440xf32, #tpu.memory_space<hbm>>) target_semaphore(%arg11 : memref<!tpu.dma_semaphore, #tpu.memory_space<semaphore_mem>>)
      %dma_wait3A_57 = arith.constant 122880 : i32
      %dma_wait3A_58 = tpu.memref_slice %arg3[%select_n3A_9, %dma_wait3A_57] : memref<16x1000000xf32, #tpu.memory_space<hbm>> -> memref<1x61440xf32, #tpu.memory_space<hbm>>
      %dma_wait3A_59 = tpu.memref_squeeze %dma_wait3A_58 : memref<1x61440xf32, #tpu.memory_space<hbm>> -> memref<61440xf32, #tpu.memory_space<hbm>>
      %dma_wait3A_60 = arith.constant 122880 : i32
      %dma_wait3A_61 = tpu.memref_slice %arg3[%select_n3A_9, %dma_wait3A_60] : memref<16x1000000xf32, #tpu.memory_space<hbm>> -> memref<1x61440xf32, #tpu.memory_space<hbm>>
      %dma_wait3A_62 = tpu.memref_squeeze %dma_wait3A_61 : memref<1x61440xf32, #tpu.memory_space<hbm>> -> memref<61440xf32, #tpu.memory_space<hbm>>
      tpu.wait_dma2 semaphore(%arg8 : memref<!tpu.dma_semaphore, #tpu.memory_space<semaphore_mem>>) src(%dma_wait3A_62 : memref<61440xf32, #tpu.memory_space<hbm>>) dst(%arg6 : memref<61440xf32, #tpu.memory_space<vmem>>)
      %dma_wait3A_63 = tpu.memref_slice %arg5[%add3A_54] : memref<16000000xf32, #tpu.memory_space<hbm>> -> memref<61440xf32, #tpu.memory_space<hbm>>
      %dma_wait3A_64 = tpu.memref_slice %arg5[%add3A_54] : memref<16000000xf32, #tpu.memory_space<hbm>> -> memref<61440xf32, #tpu.memory_space<hbm>>
      tpu.wait_dma2 semaphore(%arg11 : memref<!tpu.dma_semaphore, #tpu.memory_space<semaphore_mem>>) src(%arg7 : memref<61440xf32, #tpu.memory_space<vmem>>) dst(%dma_wait3A_64 : memref<61440xf32, #tpu.memory_space<hbm>>)
      %dma_start3A_65 = arith.constant 184320 : i32
      %dma_start3A_66 = tpu.memref_slice %arg3[%select_n3A_9, %dma_start3A_65] : memref<16x1000000xf32, #tpu.memory_space<hbm>> -> memref<1x61440xf32, #tpu.memory_space<hbm>>
      %dma_start3A_67 = tpu.memref_squeeze %dma_start3A_66 : memref<1x61440xf32, #tpu.memory_space<hbm>> -> memref<61440xf32, #tpu.memory_space<hbm>>
      %dma_start3A_68 = arith.constant 184320 : i32
      %dma_start3A_69 = tpu.memref_slice %arg3[%select_n3A_9, %dma_start3A_68] : memref<16x1000000xf32, #tpu.memory_space<hbm>> -> memref<1x61440xf32, #tpu.memory_space<hbm>>
      %dma_start3A_70 = tpu.memref_squeeze %dma_start3A_69 : memref<1x61440xf32, #tpu.memory_space<hbm>> -> memref<61440xf32, #tpu.memory_space<hbm>>
      tpu.enqueue_dma source(%dma_start3A_70 : memref<61440xf32, #tpu.memory_space<hbm>>) target(%arg7 : memref<61440xf32, #tpu.memory_space<vmem>>) target_semaphore(%arg9 : memref<!tpu.dma_semaphore, #tpu.memory_space<semaphore_mem>>)
      %add3A_71 = arith.constant 122880 : i32
      %add3A_72 = arith.addi %mul3A_11, %add3A_71 : i32
      %dma_start3A_73 = tpu.memref_slice %arg5[%add3A_72] : memref<16000000xf32, #tpu.memory_space<hbm>> -> memref<61440xf32, #tpu.memory_space<hbm>>
      %dma_start3A_74 = tpu.memref_slice %arg5[%add3A_72] : memref<16000000xf32, #tpu.memory_space<hbm>> -> memref<61440xf32, #tpu.memory_space<hbm>>
      tpu.enqueue_dma source(%arg6 : memref<61440xf32, #tpu.memory_space<vmem>>) target(%dma_start3A_74 : memref<61440xf32, #tpu.memory_space<hbm>>) target_semaphore(%arg10 : memref<!tpu.dma_semaphore, #tpu.memory_space<semaphore_mem>>)
      %dma_wait3A_75 = arith.constant 184320 : i32
      %dma_wait3A_76 = tpu.memref_slice %arg3[%select_n3A_9, %dma_wait3A_75] : memref<16x1000000xf32, #tpu.memory_space<hbm>> -> memref<1x61440xf32, #tpu.memory_space<hbm>>
      %dma_wait3A_77 = tpu.memref_squeeze %dma_wait3A_76 : memref<1x61440xf32, #tpu.memory_space<hbm>> -> memref<61440xf32, #tpu.memory_space<hbm>>
      %dma_wait3A_78 = arith.constant 184320 : i32
      %dma_wait3A_79 = tpu.memref_slice %arg3[%select_n3A_9, %dma_wait3A_78] : memref<16x1000000xf32, #tpu.memory_space<hbm>> -> memref<1x61440xf32, #tpu.memory_space<hbm>>
      %dma_wait3A_80 = tpu.memref_squeeze %dma_wait3A_79 : memref<1x61440xf32, #tpu.memory_space<hbm>> -> memref<61440xf32, #tpu.memory_space<hbm>>
      tpu.wait_dma2 semaphore(%arg9 : memref<!tpu.dma_semaphore, #tpu.memory_space<semaphore_mem>>) src(%dma_wait3A_80 : memref<61440xf32, #tpu.memory_space<hbm>>) dst(%arg7 : memref<61440xf32, #tpu.memory_space<vmem>>)
      %dma_wait3A_81 = tpu.memref_slice %arg5[%add3A_72] : memref<16000000xf32, #tpu.memory_space<hbm>> -> memref<61440xf32, #tpu.memory_space<hbm>>
      %dma_wait3A_82 = tpu.memref_slice %arg5[%add3A_72] : memref<16000000xf32, #tpu.memory_space<hbm>> -> memref<61440xf32, #tpu.memory_space<hbm>>
      tpu.wait_dma2 semaphore(%arg10 : memref<!tpu.dma_semaphore, #tpu.memory_space<semaphore_mem>>) src(%arg6 : memref<61440xf32, #tpu.memory_space<vmem>>) dst(%dma_wait3A_82 : memref<61440xf32, #tpu.memory_space<hbm>>)
      %dma_start3A_83 = arith.constant 245760 : i32
      %dma_start3A_84 = tpu.memref_slice %arg3[%select_n3A_9, %dma_start3A_83] : memref<16x1000000xf32, #tpu.memory_space<hbm>> -> memref<1x61440xf32, #tpu.memory_space<hbm>>
      %dma_start3A_85 = tpu.memref_squeeze %dma_start3A_84 : memref<1x61440xf32, #tpu.memory_space<hbm>> -> memref<61440xf32, #tpu.memory_space<hbm>>
      %dma_start3A_86 = arith.constant 245760 : i32
      %dma_start3A_87 = tpu.memref_slice %arg3[%select_n3A_9, %dma_start3A_86] : memref<16x1000000xf32, #tpu.memory_space<hbm>> -> memref<1x61440xf32, #tpu.memory_space<hbm>>
      %dma_start3A_88 = tpu.memref_squeeze %dma_start3A_87 : memref<1x61440xf32, #tpu.memory_space<hbm>> -> memref<61440xf32, #tpu.memory_space<hbm>>
      tpu.enqueue_dma source(%dma_start3A_88 : memref<61440xf32, #tpu.memory_space<hbm>>) target(%arg6 : memref<61440xf32, #tpu.memory_space<vmem>>) target_semaphore(%arg8 : memref<!tpu.dma_semaphore, #tpu.memory_space<semaphore_mem>>)
      %add3A_89 = arith.constant 184320 : i32
      %add3A_90 = arith.addi %mul3A_11, %add3A_89 : i32
      %dma_start3A_91 = tpu.memref_slice %arg5[%add3A_90] : memref<16000000xf32, #tpu.memory_space<hbm>> -> memref<61440xf32, #tpu.memory_space<hbm>>
      %dma_start3A_92 = tpu.memref_slice %arg5[%add3A_90] : memref<16000000xf32, #tpu.memory_space<hbm>> -> memref<61440xf32, #tpu.memory_space<hbm>>
      tpu.enqueue_dma source(%arg7 : memref<61440xf32, #tpu.memory_space<vmem>>) target(%dma_start3A_92 : memref<61440xf32, #tpu.memory_space<hbm>>) target_semaphore(%arg11 : memref<!tpu.dma_semaphore, #tpu.memory_space<semaphore_mem>>)
      %dma_wait3A_93 = arith.constant 245760 : i32
      %dma_wait3A_94 = tpu.memref_slice %arg3[%select_n3A_9, %dma_wait3A_93] : memref<16x1000000xf32, #tpu.memory_space<hbm>> -> memref<1x61440xf32, #tpu.memory_space<hbm>>
      %dma_wait3A_95 = tpu.memref_squeeze %dma_wait3A_94 : memref<1x61440xf32, #tpu.memory_space<hbm>> -> memref<61440xf32, #tpu.memory_space<hbm>>
      %dma_wait3A_96 = arith.constant 245760 : i32
      %dma_wait3A_97 = tpu.memref_slice %arg3[%select_n3A_9, %dma_wait3A_96] : memref<16x1000000xf32, #tpu.memory_space<hbm>> -> memref<1x61440xf32, #tpu.memory_space<hbm>>
      %dma_wait3A_98 = tpu.memref_squeeze %dma_wait3A_97 : memref<1x61440xf32, #tpu.memory_space<hbm>> -> memref<61440xf32, #tpu.memory_space<hbm>>
      tpu.wait_dma2 semaphore(%arg8 : memref<!tpu.dma_semaphore, #tpu.memory_space<semaphore_mem>>) src(%dma_wait3A_98 : memref<61440xf32, #tpu.memory_space<hbm>>) dst(%arg6 : memref<61440xf32, #tpu.memory_space<vmem>>)
      %dma_wait3A_99 = tpu.memref_slice %arg5[%add3A_90] : memref<16000000xf32, #tpu.memory_space<hbm>> -> memref<61440xf32, #tpu.memory_space<hbm>>
      %dma_wait3A_100 = tpu.memref_slice %arg5[%add3A_90] : memref<16000000xf32, #tpu.memory_space<hbm>> -> memref<61440xf32, #tpu.memory_space<hbm>>
      tpu.wait_dma2 semaphore(%arg11 : memref<!tpu.dma_semaphore, #tpu.memory_space<semaphore_mem>>) src(%arg7 : memref<61440xf32, #tpu.memory_space<vmem>>) dst(%dma_wait3A_100 : memref<61440xf32, #tpu.memory_space<hbm>>)
      %dma_start3A_101 = arith.constant 307200 : i32
      %dma_start3A_102 = tpu.memref_slice %arg3[%select_n3A_9, %dma_start3A_101] : memref<16x1000000xf32, #tpu.memory_space<hbm>> -> memref<1x61440xf32, #tpu.memory_space<hbm>>
      %dma_start3A_103 = tpu.memref_squeeze %dma_start3A_102 : memref<1x61440xf32, #tpu.memory_space<hbm>> -> memref<61440xf32, #tpu.memory_space<hbm>>
      %dma_start3A_104 = arith.constant 307200 : i32
      %dma_start3A_105 = tpu.memref_slice %arg3[%select_n3A_9, %dma_start3A_104] : memref<16x1000000xf32, #tpu.memory_space<hbm>> -> memref<1x61440xf32, #tpu.memory_space<hbm>>
      %dma_start3A_106 = tpu.memref_squeeze %dma_start3A_105 : memref<1x61440xf32, #tpu.memory_space<hbm>> -> memref<61440xf32, #tpu.memory_space<hbm>>
      tpu.enqueue_dma source(%dma_start3A_106 : memref<61440xf32, #tpu.memory_space<hbm>>) target(%arg7 : memref<61440xf32, #tpu.memory_space<vmem>>) target_semaphore(%arg9 : memref<!tpu.dma_semaphore, #tpu.memory_space<semaphore_mem>>)
      %add3A_107 = arith.constant 245760 : i32
      %add3A_108 = arith.addi %mul3A_11, %add3A_107 : i32
      %dma_start3A_109 = tpu.memref_slice %arg5[%add3A_108] : memref<16000000xf32, #tpu.memory_space<hbm>> -> memref<61440xf32, #tpu.memory_space<hbm>>
      %dma_start3A_110 = tpu.memref_slice %arg5[%add3A_108] : memref<16000000xf32, #tpu.memory_space<hbm>> -> memref<61440xf32, #tpu.memory_space<hbm>>
      tpu.enqueue_dma source(%arg6 : memref<61440xf32, #tpu.memory_space<vmem>>) target(%dma_start3A_110 : memref<61440xf32, #tpu.memory_space<hbm>>) target_semaphore(%arg10 : memref<!tpu.dma_semaphore, #tpu.memory_space<semaphore_mem>>)
      %dma_wait3A_111 = arith.constant 307200 : i32
      %dma_wait3A_112 = tpu.memref_slice %arg3[%select_n3A_9, %dma_wait3A_111] : memref<16x1000000xf32, #tpu.memory_space<hbm>> -> memref<1x61440xf32, #tpu.memory_space<hbm>>
      %dma_wait3A_113 = tpu.memref_squeeze %dma_wait3A_112 : memref<1x61440xf32, #tpu.memory_space<hbm>> -> memref<61440xf32, #tpu.memory_space<hbm>>
      %dma_wait3A_114 = arith.constant 307200 : i32
      %dma_wait3A_115 = tpu.memref_slice %arg3[%select_n3A_9, %dma_wait3A_114] : memref<16x1000000xf32, #tpu.memory_space<hbm>> -> memref<1x61440xf32, #tpu.memory_space<hbm>>
      %dma_wait3A_116 = tpu.memref_squeeze %dma_wait3A_115 : memref<1x61440xf32, #tpu.memory_space<hbm>> -> memref<61440xf32, #tpu.memory_space<hbm>>
      tpu.wait_dma2 semaphore(%arg9 : memref<!tpu.dma_semaphore, #tpu.memory_space<semaphore_mem>>) src(%dma_wait3A_116 : memref<61440xf32, #tpu.memory_space<hbm>>) dst(%arg7 : memref<61440xf32, #tpu.memory_space<vmem>>)
      %dma_wait3A_117 = tpu.memref_slice %arg5[%add3A_108] : memref<16000000xf32, #tpu.memory_space<hbm>> -> memref<61440xf32, #tpu.memory_space<hbm>>
      %dma_wait3A_118 = tpu.memref_slice %arg5[%add3A_108] : memref<16000000xf32, #tpu.memory_space<hbm>> -> memref<61440xf32, #tpu.memory_space<hbm>>
      tpu.wait_dma2 semaphore(%arg10 : memref<!tpu.dma_semaphore, #tpu.memory_space<semaphore_mem>>) src(%arg6 : memref<61440xf32, #tpu.memory_space<vmem>>) dst(%dma_wait3A_118 : memref<61440xf32, #tpu.memory_space<hbm>>)
      %dma_start3A_119 = arith.constant 368640 : i32
      %dma_start3A_120 = tpu.memref_slice %arg3[%select_n3A_9, %dma_start3A_119] : memref<16x1000000xf32, #tpu.memory_space<hbm>> -> memref<1x61440xf32, #tpu.memory_space<hbm>>
      %dma_start3A_121 = tpu.memref_squeeze %dma_start3A_120 : memref<1x61440xf32, #tpu.memory_space<hbm>> -> memref<61440xf32, #tpu.memory_space<hbm>>
      %dma_start3A_122 = arith.constant 368640 : i32
      %dma_start3A_123 = tpu.memref_slice %arg3[%select_n3A_9, %dma_start3A_122] : memref<16x1000000xf32, #tpu.memory_space<hbm>> -> memref<1x61440xf32, #tpu.memory_space<hbm>>
      %dma_start3A_124 = tpu.memref_squeeze %dma_start3A_123 : memref<1x61440xf32, #tpu.memory_space<hbm>> -> memref<61440xf32, #tpu.memory_space<hbm>>
      tpu.enqueue_dma source(%dma_start3A_124 : memref<61440xf32, #tpu.memory_space<hbm>>) target(%arg6 : memref<61440xf32, #tpu.memory_space<vmem>>) target_semaphore(%arg8 : memref<!tpu.dma_semaphore, #tpu.memory_space<semaphore_mem>>)
      %add3A_125 = arith.constant 307200 : i32
      %add3A_126 = arith.addi %mul3A_11, %add3A_125 : i32
      %dma_start3A_127 = tpu.memref_slice %arg5[%add3A_126] : memref<16000000xf32, #tpu.memory_space<hbm>> -> memref<61440xf32, #tpu.memory_space<hbm>>
      %dma_start3A_128 = tpu.memref_slice %arg5[%add3A_126] : memref<16000000xf32, #tpu.memory_space<hbm>> -> memref<61440xf32, #tpu.memory_space<hbm>>
      tpu.enqueue_dma source(%arg7 : memref<61440xf32, #tpu.memory_space<vmem>>) target(%dma_start3A_128 : memref<61440xf32, #tpu.memory_space<hbm>>) target_semaphore(%arg11 : memref<!tpu.dma_semaphore, #tpu.memory_space<semaphore_mem>>)
      %dma_wait3A_129 = arith.constant 368640 : i32
      %dma_wait3A_130 = tpu.memref_slice %arg3[%select_n3A_9, %dma_wait3A_129] : memref<16x1000000xf32, #tpu.memory_space<hbm>> -> memref<1x61440xf32, #tpu.memory_space<hbm>>
      %dma_wait3A_131 = tpu.memref_squeeze %dma_wait3A_130 : memref<1x61440xf32, #tpu.memory_space<hbm>> -> memref<61440xf32, #tpu.memory_space<hbm>>
      %dma_wait3A_132 = arith.constant 368640 : i32
      %dma_wait3A_133 = tpu.memref_slice %arg3[%select_n3A_9, %dma_wait3A_132] : memref<16x1000000xf32, #tpu.memory_space<hbm>> -> memref<1x61440xf32, #tpu.memory_space<hbm>>
      %dma_wait3A_134 = tpu.memref_squeeze %dma_wait3A_133 : memref<1x61440xf32, #tpu.memory_space<hbm>> -> memref<61440xf32, #tpu.memory_space<hbm>>
      tpu.wait_dma2 semaphore(%arg8 : memref<!tpu.dma_semaphore, #tpu.memory_space<semaphore_mem>>) src(%dma_wait3A_134 : memref<61440xf32, #tpu.memory_space<hbm>>) dst(%arg6 : memref<61440xf32, #tpu.memory_space<vmem>>)
      %dma_wait3A_135 = tpu.memref_slice %arg5[%add3A_126] : memref<16000000xf32, #tpu.memory_space<hbm>> -> memref<61440xf32, #tpu.memory_space<hbm>>
      %dma_wait3A_136 = tpu.memref_slice %arg5[%add3A_126] : memref<16000000xf32, #tpu.memory_space<hbm>> -> memref<61440xf32, #tpu.memory_space<hbm>>
      tpu.wait_dma2 semaphore(%arg11 : memref<!tpu.dma_semaphore, #tpu.memory_space<semaphore_mem>>) src(%arg7 : memref<61440xf32, #tpu.memory_space<vmem>>) dst(%dma_wait3A_136 : memref<61440xf32, #tpu.memory_space<hbm>>)
      %dma_start3A_137 = arith.constant 430080 : i32
      %dma_start3A_138 = tpu.memref_slice %arg3[%select_n3A_9, %dma_start3A_137] : memref<16x1000000xf32, #tpu.memory_space<hbm>> -> memref<1x61440xf32, #tpu.memory_space<hbm>>
      %dma_start3A_139 = tpu.memref_squeeze %dma_start3A_138 : memref<1x61440xf32, #tpu.memory_space<hbm>> -> memref<61440xf32, #tpu.memory_space<hbm>>
      %dma_start3A_140 = arith.constant 430080 : i32
      %dma_start3A_141 = tpu.memref_slice %arg3[%select_n3A_9, %dma_start3A_140] : memref<16x1000000xf32, #tpu.memory_space<hbm>> -> memref<1x61440xf32, #tpu.memory_space<hbm>>
      %dma_start3A_142 = tpu.memref_squeeze %dma_start3A_141 : memref<1x61440xf32, #tpu.memory_space<hbm>> -> memref<61440xf32, #tpu.memory_space<hbm>>
      tpu.enqueue_dma source(%dma_start3A_142 : memref<61440xf32, #tpu.memory_space<hbm>>) target(%arg7 : memref<61440xf32, #tpu.memory_space<vmem>>) target_semaphore(%arg9 : memref<!tpu.dma_semaphore, #tpu.memory_space<semaphore_mem>>)
      %add3A_143 = arith.constant 368640 : i32
      %add3A_144 = arith.addi %mul3A_11, %add3A_143 : i32
      %dma_start3A_145 = tpu.memref_slice %arg5[%add3A_144] : memref<16000000xf32, #tpu.memory_space<hbm>> -> memref<61440xf32, #tpu.memory_space<hbm>>
      %dma_start3A_146 = tpu.memref_slice %arg5[%add3A_144] : memref<16000000xf32, #tpu.memory_space<hbm>> -> memref<61440xf32, #tpu.memory_space<hbm>>
      tpu.enqueue_dma source(%arg6 : memref<61440xf32, #tpu.memory_space<vmem>>) target(%dma_start3A_146 : memref<61440xf32, #tpu.memory_space<hbm>>) target_semaphore(%arg10 : memref<!tpu.dma_semaphore, #tpu.memory_space<semaphore_mem>>)
      %dma_wait3A_147 = arith.constant 430080 : i32
      %dma_wait3A_148 = tpu.memref_slice %arg3[%select_n3A_9, %dma_wait3A_147] : memref<16x1000000xf32, #tpu.memory_space<hbm>> -> memref<1x61440xf32, #tpu.memory_space<hbm>>
      %dma_wait3A_149 = tpu.memref_squeeze %dma_wait3A_148 : memref<1x61440xf32, #tpu.memory_space<hbm>> -> memref<61440xf32, #tpu.memory_space<hbm>>
      %dma_wait3A_150 = arith.constant 430080 : i32
      %dma_wait3A_151 = tpu.memref_slice %arg3[%select_n3A_9, %dma_wait3A_150] : memref<16x1000000xf32, #tpu.memory_space<hbm>> -> memref<1x61440xf32, #tpu.memory_space<hbm>>
      %dma_wait3A_152 = tpu.memref_squeeze %dma_wait3A_151 : memref<1x61440xf32, #tpu.memory_space<hbm>> -> memref<61440xf32, #tpu.memory_space<hbm>>
      tpu.wait_dma2 semaphore(%arg9 : memref<!tpu.dma_semaphore, #tpu.memory_space<semaphore_mem>>) src(%dma_wait3A_152 : memref<61440xf32, #tpu.memory_space<hbm>>) dst(%arg7 : memref<61440xf32, #tpu.memory_space<vmem>>)
      %dma_wait3A_153 = tpu.memref_slice %arg5[%add3A_144] : memref<16000000xf32, #tpu.memory_space<hbm>> -> memref<61440xf32, #tpu.memory_space<hbm>>
      %dma_wait3A_154 = tpu.memref_slice %arg5[%add3A_144] : memref<16000000xf32, #tpu.memory_space<hbm>> -> memref<61440xf32, #tpu.memory_space<hbm>>
      tpu.wait_dma2 semaphore(%arg10 : memref<!tpu.dma_semaphore, #tpu.memory_space<semaphore_mem>>) src(%arg6 : memref<61440xf32, #tpu.memory_space<vmem>>) dst(%dma_wait3A_154 : memref<61440xf32, #tpu.memory_space<hbm>>)
      %dma_start3A_155 = arith.constant 491520 : i32
      %dma_start3A_156 = tpu.memref_slice %arg3[%select_n3A_9, %dma_start3A_155] : memref<16x1000000xf32, #tpu.memory_space<hbm>> -> memref<1x61440xf32, #tpu.memory_space<hbm>>
      %dma_start3A_157 = tpu.memref_squeeze %dma_start3A_156 : memref<1x61440xf32, #tpu.memory_space<hbm>> -> memref<61440xf32, #tpu.memory_space<hbm>>
      %dma_start3A_158 = arith.constant 491520 : i32
      %dma_start3A_159 = tpu.memref_slice %arg3[%select_n3A_9, %dma_start3A_158] : memref<16x1000000xf32, #tpu.memory_space<hbm>> -> memref<1x61440xf32, #tpu.memory_space<hbm>>
      %dma_start3A_160 = tpu.memref_squeeze %dma_start3A_159 : memref<1x61440xf32, #tpu.memory_space<hbm>> -> memref<61440xf32, #tpu.memory_space<hbm>>
      tpu.enqueue_dma source(%dma_start3A_160 : memref<61440xf32, #tpu.memory_space<hbm>>) target(%arg6 : memref<61440xf32, #tpu.memory_space<vmem>>) target_semaphore(%arg8 : memref<!tpu.dma_semaphore, #tpu.memory_space<semaphore_mem>>)
      %add3A_161 = arith.constant 430080 : i32
      %add3A_162 = arith.addi %mul3A_11, %add3A_161 : i32
      %dma_start3A_163 = tpu.memref_slice %arg5[%add3A_162] : memref<16000000xf32, #tpu.memory_space<hbm>> -> memref<61440xf32, #tpu.memory_space<hbm>>
      %dma_start3A_164 = tpu.memref_slice %arg5[%add3A_162] : memref<16000000xf32, #tpu.memory_space<hbm>> -> memref<61440xf32, #tpu.memory_space<hbm>>
      tpu.enqueue_dma source(%arg7 : memref<61440xf32, #tpu.memory_space<vmem>>) target(%dma_start3A_164 : memref<61440xf32, #tpu.memory_space<hbm>>) target_semaphore(%arg11 : memref<!tpu.dma_semaphore, #tpu.memory_space<semaphore_mem>>)
      %dma_wait3A_165 = arith.constant 491520 : i32
      %dma_wait3A_166 = tpu.memref_slice %arg3[%select_n3A_9, %dma_wait3A_165] : memref<16x1000000xf32, #tpu.memory_space<hbm>> -> memref<1x61440xf32, #tpu.memory_space<hbm>>
      %dma_wait3A_167 = tpu.memref_squeeze %dma_wait3A_166 : memref<1x61440xf32, #tpu.memory_space<hbm>> -> memref<61440xf32, #tpu.memory_space<hbm>>
      %dma_wait3A_168 = arith.constant 491520 : i32
      %dma_wait3A_169 = tpu.memref_slice %arg3[%select_n3A_9, %dma_wait3A_168] : memref<16x1000000xf32, #tpu.memory_space<hbm>> -> memref<1x61440xf32, #tpu.memory_space<hbm>>
      %dma_wait3A_170 = tpu.memref_squeeze %dma_wait3A_169 : memref<1x61440xf32, #tpu.memory_space<hbm>> -> memref<61440xf32, #tpu.memory_space<hbm>>
      tpu.wait_dma2 semaphore(%arg8 : memref<!tpu.dma_semaphore, #tpu.memory_space<semaphore_mem>>) src(%dma_wait3A_170 : memref<61440xf32, #tpu.memory_space<hbm>>) dst(%arg6 : memref<61440xf32, #tpu.memory_space<vmem>>)
      %dma_wait3A_171 = tpu.memref_slice %arg5[%add3A_162] : memref<16000000xf32, #tpu.memory_space<hbm>> -> memref<61440xf32, #tpu.memory_space<hbm>>
      %dma_wait3A_172 = tpu.memref_slice %arg5[%add3A_162] : memref<16000000xf32, #tpu.memory_space<hbm>> -> memref<61440xf32, #tpu.memory_space<hbm>>
      tpu.wait_dma2 semaphore(%arg11 : memref<!tpu.dma_semaphore, #tpu.memory_space<semaphore_mem>>) src(%arg7 : memref<61440xf32, #tpu.memory_space<vmem>>) dst(%dma_wait3A_172 : memref<61440xf32, #tpu.memory_space<hbm>>)
      %dma_start3A_173 = arith.constant 552960 : i32
      %dma_start3A_174 = tpu.memref_slice %arg3[%select_n3A_9, %dma_start3A_173] : memref<16x1000000xf32, #tpu.memory_space<hbm>> -> memref<1x61440xf32, #tpu.memory_space<hbm>>
      %dma_start3A_175 = tpu.memref_squeeze %dma_start3A_174 : memref<1x61440xf32, #tpu.memory_space<hbm>> -> memref<61440xf32, #tpu.memory_space<hbm>>
      %dma_start3A_176 = arith.constant 552960 : i32
      %dma_start3A_177 = tpu.memref_slice %arg3[%select_n3A_9, %dma_start3A_176] : memref<16x1000000xf32, #tpu.memory_space<hbm>> -> memref<1x61440xf32, #tpu.memory_space<hbm>>
      %dma_start3A_178 = tpu.memref_squeeze %dma_start3A_177 : memref<1x61440xf32, #tpu.memory_space<hbm>> -> memref<61440xf32, #tpu.memory_space<hbm>>
      tpu.enqueue_dma source(%dma_start3A_178 : memref<61440xf32, #tpu.memory_space<hbm>>) target(%arg7 : memref<61440xf32, #tpu.memory_space<vmem>>) target_semaphore(%arg9 : memref<!tpu.dma_semaphore, #tpu.memory_space<semaphore_mem>>)
      %add3A_179 = arith.constant 491520 : i32
      %add3A_180 = arith.addi %mul3A_11, %add3A_179 : i32
      %dma_start3A_181 = tpu.memref_slice %arg5[%add3A_180] : memref<16000000xf32, #tpu.memory_space<hbm>> -> memref<61440xf32, #tpu.memory_space<hbm>>
      %dma_start3A_182 = tpu.memref_slice %arg5[%add3A_180] : memref<16000000xf32, #tpu.memory_space<hbm>> -> memref<61440xf32, #tpu.memory_space<hbm>>
      tpu.enqueue_dma source(%arg6 : memref<61440xf32, #tpu.memory_space<vmem>>) target(%dma_start3A_182 : memref<61440xf32, #tpu.memory_space<hbm>>) target_semaphore(%arg10 : memref<!tpu.dma_semaphore, #tpu.memory_space<semaphore_mem>>)
      %dma_wait3A_183 = arith.constant 552960 : i32
      %dma_wait3A_184 = tpu.memref_slice %arg3[%select_n3A_9, %dma_wait3A_183] : memref<16x1000000xf32, #tpu.memory_space<hbm>> -> memref<1x61440xf32, #tpu.memory_space<hbm>>
      %dma_wait3A_185 = tpu.memref_squeeze %dma_wait3A_184 : memref<1x61440xf32, #tpu.memory_space<hbm>> -> memref<61440xf32, #tpu.memory_space<hbm>>
      %dma_wait3A_186 = arith.constant 552960 : i32
      %dma_wait3A_187 = tpu.memref_slice %arg3[%select_n3A_9, %dma_wait3A_186] : memref<16x1000000xf32, #tpu.memory_space<hbm>> -> memref<1x61440xf32, #tpu.memory_space<hbm>>
      %dma_wait3A_188 = tpu.memref_squeeze %dma_wait3A_187 : memref<1x61440xf32, #tpu.memory_space<hbm>> -> memref<61440xf32, #tpu.memory_space<hbm>>
      tpu.wait_dma2 semaphore(%arg9 : memref<!tpu.dma_semaphore, #tpu.memory_space<semaphore_mem>>) src(%dma_wait3A_188 : memref<61440xf32, #tpu.memory_space<hbm>>) dst(%arg7 : memref<61440xf32, #tpu.memory_space<vmem>>)
      %dma_wait3A_189 = tpu.memref_slice %arg5[%add3A_180] : memref<16000000xf32, #tpu.memory_space<hbm>> -> memref<61440xf32, #tpu.memory_space<hbm>>
      %dma_wait3A_190 = tpu.memref_slice %arg5[%add3A_180] : memref<16000000xf32, #tpu.memory_space<hbm>> -> memref<61440xf32, #tpu.memory_space<hbm>>
      tpu.wait_dma2 semaphore(%arg10 : memref<!tpu.dma_semaphore, #tpu.memory_space<semaphore_mem>>) src(%arg6 : memref<61440xf32, #tpu.memory_space<vmem>>) dst(%dma_wait3A_190 : memref<61440xf32, #tpu.memory_space<hbm>>)
      %dma_start3A_191 = arith.constant 614400 : i32
      %dma_start3A_192 = tpu.memref_slice %arg3[%select_n3A_9, %dma_start3A_191] : memref<16x1000000xf32, #tpu.memory_space<hbm>> -> memref<1x61440xf32, #tpu.memory_space<hbm>>
      %dma_start3A_193 = tpu.memref_squeeze %dma_start3A_192 : memref<1x61440xf32, #tpu.memory_space<hbm>> -> memref<61440xf32, #tpu.memory_space<hbm>>
      %dma_start3A_194 = arith.constant 614400 : i32
      %dma_start3A_195 = tpu.memref_slice %arg3[%select_n3A_9, %dma_start3A_194] : memref<16x1000000xf32, #tpu.memory_space<hbm>> -> memref<1x61440xf32, #tpu.memory_space<hbm>>
      %dma_start3A_196 = tpu.memref_squeeze %dma_start3A_195 : memref<1x61440xf32, #tpu.memory_space<hbm>> -> memref<61440xf32, #tpu.memory_space<hbm>>
      tpu.enqueue_dma source(%dma_start3A_196 : memref<61440xf32, #tpu.memory_space<hbm>>) target(%arg6 : memref<61440xf32, #tpu.memory_space<vmem>>) target_semaphore(%arg8 : memref<!tpu.dma_semaphore, #tpu.memory_space<semaphore_mem>>)
      %add3A_197 = arith.constant 552960 : i32
      %add3A_198 = arith.addi %mul3A_11, %add3A_197 : i32
      %dma_start3A_199 = tpu.memref_slice %arg5[%add3A_198] : memref<16000000xf32, #tpu.memory_space<hbm>> -> memref<61440xf32, #tpu.memory_space<hbm>>
      %dma_start3A_200 = tpu.memref_slice %arg5[%add3A_198] : memref<16000000xf32, #tpu.memory_space<hbm>> -> memref<61440xf32, #tpu.memory_space<hbm>>
      tpu.enqueue_dma source(%arg7 : memref<61440xf32, #tpu.memory_space<vmem>>) target(%dma_start3A_200 : memref<61440xf32, #tpu.memory_space<hbm>>) target_semaphore(%arg11 : memref<!tpu.dma_semaphore, #tpu.memory_space<semaphore_mem>>)
      %dma_wait3A_201 = arith.constant 614400 : i32
      %dma_wait3A_202 = tpu.memref_slice %arg3[%select_n3A_9, %dma_wait3A_201] : memref<16x1000000xf32, #tpu.memory_space<hbm>> -> memref<1x61440xf32, #tpu.memory_space<hbm>>
      %dma_wait3A_203 = tpu.memref_squeeze %dma_wait3A_202 : memref<1x61440xf32, #tpu.memory_space<hbm>> -> memref<61440xf32, #tpu.memory_space<hbm>>
      %dma_wait3A_204 = arith.constant 614400 : i32
      %dma_wait3A_205 = tpu.memref_slice %arg3[%select_n3A_9, %dma_wait3A_204] : memref<16x1000000xf32, #tpu.memory_space<hbm>> -> memref<1x61440xf32, #tpu.memory_space<hbm>>
      %dma_wait3A_206 = tpu.memref_squeeze %dma_wait3A_205 : memref<1x61440xf32, #tpu.memory_space<hbm>> -> memref<61440xf32, #tpu.memory_space<hbm>>
      tpu.wait_dma2 semaphore(%arg8 : memref<!tpu.dma_semaphore, #tpu.memory_space<semaphore_mem>>) src(%dma_wait3A_206 : memref<61440xf32, #tpu.memory_space<hbm>>) dst(%arg6 : memref<61440xf32, #tpu.memory_space<vmem>>)
      %dma_wait3A_207 = tpu.memref_slice %arg5[%add3A_198] : memref<16000000xf32, #tpu.memory_space<hbm>> -> memref<61440xf32, #tpu.memory_space<hbm>>
      %dma_wait3A_208 = tpu.memref_slice %arg5[%add3A_198] : memref<16000000xf32, #tpu.memory_space<hbm>> -> memref<61440xf32, #tpu.memory_space<hbm>>
      tpu.wait_dma2 semaphore(%arg11 : memref<!tpu.dma_semaphore, #tpu.memory_space<semaphore_mem>>) src(%arg7 : memref<61440xf32, #tpu.memory_space<vmem>>) dst(%dma_wait3A_208 : memref<61440xf32, #tpu.memory_space<hbm>>)
      %dma_start3A_209 = arith.constant 675840 : i32
      %dma_start3A_210 = tpu.memref_slice %arg3[%select_n3A_9, %dma_start3A_209] : memref<16x1000000xf32, #tpu.memory_space<hbm>> -> memref<1x61440xf32, #tpu.memory_space<hbm>>
      %dma_start3A_211 = tpu.memref_squeeze %dma_start3A_210 : memref<1x61440xf32, #tpu.memory_space<hbm>> -> memref<61440xf32, #tpu.memory_space<hbm>>
      %dma_start3A_212 = arith.constant 675840 : i32
      %dma_start3A_213 = tpu.memref_slice %arg3[%select_n3A_9, %dma_start3A_212] : memref<16x1000000xf32, #tpu.memory_space<hbm>> -> memref<1x61440xf32, #tpu.memory_space<hbm>>
      %dma_start3A_214 = tpu.memref_squeeze %dma_start3A_213 : memref<1x61440xf32, #tpu.memory_space<hbm>> -> memref<61440xf32, #tpu.memory_space<hbm>>
      tpu.enqueue_dma source(%dma_start3A_214 : memref<61440xf32, #tpu.memory_space<hbm>>) target(%arg7 : memref<61440xf32, #tpu.memory_space<vmem>>) target_semaphore(%arg9 : memref<!tpu.dma_semaphore, #tpu.memory_space<semaphore_mem>>)
      %add3A_215 = arith.constant 614400 : i32
      %add3A_216 = arith.addi %mul3A_11, %add3A_215 : i32
      %dma_start3A_217 = tpu.memref_slice %arg5[%add3A_216] : memref<16000000xf32, #tpu.memory_space<hbm>> -> memref<61440xf32, #tpu.memory_space<hbm>>
      %dma_start3A_218 = tpu.memref_slice %arg5[%add3A_216] : memref<16000000xf32, #tpu.memory_space<hbm>> -> memref<61440xf32, #tpu.memory_space<hbm>>
      tpu.enqueue_dma source(%arg6 : memref<61440xf32, #tpu.memory_space<vmem>>) target(%dma_start3A_218 : memref<61440xf32, #tpu.memory_space<hbm>>) target_semaphore(%arg10 : memref<!tpu.dma_semaphore, #tpu.memory_space<semaphore_mem>>)
      %dma_wait3A_219 = arith.constant 675840 : i32
      %dma_wait3A_220 = tpu.memref_slice %arg3[%select_n3A_9, %dma_wait3A_219] : memref<16x1000000xf32, #tpu.memory_space<hbm>> -> memref<1x61440xf32, #tpu.memory_space<hbm>>
      %dma_wait3A_221 = tpu.memref_squeeze %dma_wait3A_220 : memref<1x61440xf32, #tpu.memory_space<hbm>> -> memref<61440xf32, #tpu.memory_space<hbm>>
      %dma_wait3A_222 = arith.constant 675840 : i32
      %dma_wait3A_223 = tpu.memref_slice %arg3[%select_n3A_9, %dma_wait3A_222] : memref<16x1000000xf32, #tpu.memory_space<hbm>> -> memref<1x61440xf32, #tpu.memory_space<hbm>>
      %dma_wait3A_224 = tpu.memref_squeeze %dma_wait3A_223 : memref<1x61440xf32, #tpu.memory_space<hbm>> -> memref<61440xf32, #tpu.memory_space<hbm>>
      tpu.wait_dma2 semaphore(%arg9 : memref<!tpu.dma_semaphore, #tpu.memory_space<semaphore_mem>>) src(%dma_wait3A_224 : memref<61440xf32, #tpu.memory_space<hbm>>) dst(%arg7 : memref<61440xf32, #tpu.memory_space<vmem>>)
      %dma_wait3A_225 = tpu.memref_slice %arg5[%add3A_216] : memref<16000000xf32, #tpu.memory_space<hbm>> -> memref<61440xf32, #tpu.memory_space<hbm>>
      %dma_wait3A_226 = tpu.memref_slice %arg5[%add3A_216] : memref<16000000xf32, #tpu.memory_space<hbm>> -> memref<61440xf32, #tpu.memory_space<hbm>>
      tpu.wait_dma2 semaphore(%arg10 : memref<!tpu.dma_semaphore, #tpu.memory_space<semaphore_mem>>) src(%arg6 : memref<61440xf32, #tpu.memory_space<vmem>>) dst(%dma_wait3A_226 : memref<61440xf32, #tpu.memory_space<hbm>>)
      %dma_start3A_227 = arith.constant 737280 : i32
      %dma_start3A_228 = tpu.memref_slice %arg3[%select_n3A_9, %dma_start3A_227] : memref<16x1000000xf32, #tpu.memory_space<hbm>> -> memref<1x61440xf32, #tpu.memory_space<hbm>>
      %dma_start3A_229 = tpu.memref_squeeze %dma_start3A_228 : memref<1x61440xf32, #tpu.memory_space<hbm>> -> memref<61440xf32, #tpu.memory_space<hbm>>
      %dma_start3A_230 = arith.constant 737280 : i32
      %dma_start3A_231 = tpu.memref_slice %arg3[%select_n3A_9, %dma_start3A_230] : memref<16x1000000xf32, #tpu.memory_space<hbm>> -> memref<1x61440xf32, #tpu.memory_space<hbm>>
      %dma_start3A_232 = tpu.memref_squeeze %dma_start3A_231 : memref<1x61440xf32, #tpu.memory_space<hbm>> -> memref<61440xf32, #tpu.memory_space<hbm>>
      tpu.enqueue_dma source(%dma_start3A_232 : memref<61440xf32, #tpu.memory_space<hbm>>) target(%arg6 : memref<61440xf32, #tpu.memory_space<vmem>>) target_semaphore(%arg8 : memref<!tpu.dma_semaphore, #tpu.memory_space<semaphore_mem>>)
      %add3A_233 = arith.constant 675840 : i32
      %add3A_234 = arith.addi %mul3A_11, %add3A_233 : i32
      %dma_start3A_235 = tpu.memref_slice %arg5[%add3A_234] : memref<16000000xf32, #tpu.memory_space<hbm>> -> memref<61440xf32, #tpu.memory_space<hbm>>
      %dma_start3A_236 = tpu.memref_slice %arg5[%add3A_234] : memref<16000000xf32, #tpu.memory_space<hbm>> -> memref<61440xf32, #tpu.memory_space<hbm>>
      tpu.enqueue_dma source(%arg7 : memref<61440xf32, #tpu.memory_space<vmem>>) target(%dma_start3A_236 : memref<61440xf32, #tpu.memory_space<hbm>>) target_semaphore(%arg11 : memref<!tpu.dma_semaphore, #tpu.memory_space<semaphore_mem>>)
      %dma_wait3A_237 = arith.constant 737280 : i32
      %dma_wait3A_238 = tpu.memref_slice %arg3[%select_n3A_9, %dma_wait3A_237] : memref<16x1000000xf32, #tpu.memory_space<hbm>> -> memref<1x61440xf32, #tpu.memory_space<hbm>>
      %dma_wait3A_239 = tpu.memref_squeeze %dma_wait3A_238 : memref<1x61440xf32, #tpu.memory_space<hbm>> -> memref<61440xf32, #tpu.memory_space<hbm>>
      %dma_wait3A_240 = arith.constant 737280 : i32
      %dma_wait3A_241 = tpu.memref_slice %arg3[%select_n3A_9, %dma_wait3A_240] : memref<16x1000000xf32, #tpu.memory_space<hbm>> -> memref<1x61440xf32, #tpu.memory_space<hbm>>
      %dma_wait3A_242 = tpu.memref_squeeze %dma_wait3A_241 : memref<1x61440xf32, #tpu.memory_space<hbm>> -> memref<61440xf32, #tpu.memory_space<hbm>>
      tpu.wait_dma2 semaphore(%arg8 : memref<!tpu.dma_semaphore, #tpu.memory_space<semaphore_mem>>) src(%dma_wait3A_242 : memref<61440xf32, #tpu.memory_space<hbm>>) dst(%arg6 : memref<61440xf32, #tpu.memory_space<vmem>>)
      %dma_wait3A_243 = tpu.memref_slice %arg5[%add3A_234] : memref<16000000xf32, #tpu.memory_space<hbm>> -> memref<61440xf32, #tpu.memory_space<hbm>>
      %dma_wait3A_244 = tpu.memref_slice %arg5[%add3A_234] : memref<16000000xf32, #tpu.memory_space<hbm>> -> memref<61440xf32, #tpu.memory_space<hbm>>
      tpu.wait_dma2 semaphore(%arg11 : memref<!tpu.dma_semaphore, #tpu.memory_space<semaphore_mem>>) src(%arg7 : memref<61440xf32, #tpu.memory_space<vmem>>) dst(%dma_wait3A_244 : memref<61440xf32, #tpu.memory_space<hbm>>)
      %dma_start3A_245 = arith.constant 798720 : i32
      %dma_start3A_246 = tpu.memref_slice %arg3[%select_n3A_9, %dma_start3A_245] : memref<16x1000000xf32, #tpu.memory_space<hbm>> -> memref<1x61440xf32, #tpu.memory_space<hbm>>
      %dma_start3A_247 = tpu.memref_squeeze %dma_start3A_246 : memref<1x61440xf32, #tpu.memory_space<hbm>> -> memref<61440xf32, #tpu.memory_space<hbm>>
      %dma_start3A_248 = arith.constant 798720 : i32
      %dma_start3A_249 = tpu.memref_slice %arg3[%select_n3A_9, %dma_start3A_248] : memref<16x1000000xf32, #tpu.memory_space<hbm>> -> memref<1x61440xf32, #tpu.memory_space<hbm>>
      %dma_start3A_250 = tpu.memref_squeeze %dma_start3A_249 : memref<1x61440xf32, #tpu.memory_space<hbm>> -> memref<61440xf32, #tpu.memory_space<hbm>>
      tpu.enqueue_dma source(%dma_start3A_250 : memref<61440xf32, #tpu.memory_space<hbm>>) target(%arg7 : memref<61440xf32, #tpu.memory_space<vmem>>) target_semaphore(%arg9 : memref<!tpu.dma_semaphore, #tpu.memory_space<semaphore_mem>>)
      %add3A_251 = arith.constant 737280 : i32
      %add3A_252 = arith.addi %mul3A_11, %add3A_251 : i32
      %dma_start3A_253 = tpu.memref_slice %arg5[%add3A_252] : memref<16000000xf32, #tpu.memory_space<hbm>> -> memref<61440xf32, #tpu.memory_space<hbm>>
      %dma_start3A_254 = tpu.memref_slice %arg5[%add3A_252] : memref<16000000xf32, #tpu.memory_space<hbm>> -> memref<61440xf32, #tpu.memory_space<hbm>>
      tpu.enqueue_dma source(%arg6 : memref<61440xf32, #tpu.memory_space<vmem>>) target(%dma_start3A_254 : memref<61440xf32, #tpu.memory_space<hbm>>) target_semaphore(%arg10 : memref<!tpu.dma_semaphore, #tpu.memory_space<semaphore_mem>>)
      %dma_wait3A_255 = arith.constant 798720 : i32
      %dma_wait3A_256 = tpu.memref_slice %arg3[%select_n3A_9, %dma_wait3A_255] : memref<16x1000000xf32, #tpu.memory_space<hbm>> -> memref<1x61440xf32, #tpu.memory_space<hbm>>
      %dma_wait3A_257 = tpu.memref_squeeze %dma_wait3A_256 : memref<1x61440xf32, #tpu.memory_space<hbm>> -> memref<61440xf32, #tpu.memory_space<hbm>>
      %dma_wait3A_258 = arith.constant 798720 : i32
      %dma_wait3A_259 = tpu.memref_slice %arg3[%select_n3A_9, %dma_wait3A_258] : memref<16x1000000xf32, #tpu.memory_space<hbm>> -> memref<1x61440xf32, #tpu.memory_space<hbm>>
      %dma_wait3A_260 = tpu.memref_squeeze %dma_wait3A_259 : memref<1x61440xf32, #tpu.memory_space<hbm>> -> memref<61440xf32, #tpu.memory_space<hbm>>
      tpu.wait_dma2 semaphore(%arg9 : memref<!tpu.dma_semaphore, #tpu.memory_space<semaphore_mem>>) src(%dma_wait3A_260 : memref<61440xf32, #tpu.memory_space<hbm>>) dst(%arg7 : memref<61440xf32, #tpu.memory_space<vmem>>)
      %dma_wait3A_261 = tpu.memref_slice %arg5[%add3A_252] : memref<16000000xf32, #tpu.memory_space<hbm>> -> memref<61440xf32, #tpu.memory_space<hbm>>
      %dma_wait3A_262 = tpu.memref_slice %arg5[%add3A_252] : memref<16000000xf32, #tpu.memory_space<hbm>> -> memref<61440xf32, #tpu.memory_space<hbm>>
      tpu.wait_dma2 semaphore(%arg10 : memref<!tpu.dma_semaphore, #tpu.memory_space<semaphore_mem>>) src(%arg6 : memref<61440xf32, #tpu.memory_space<vmem>>) dst(%dma_wait3A_262 : memref<61440xf32, #tpu.memory_space<hbm>>)
      %dma_start3A_263 = arith.constant 860160 : i32
      %dma_start3A_264 = tpu.memref_slice %arg3[%select_n3A_9, %dma_start3A_263] : memref<16x1000000xf32, #tpu.memory_space<hbm>> -> memref<1x61440xf32, #tpu.memory_space<hbm>>
      %dma_start3A_265 = tpu.memref_squeeze %dma_start3A_264 : memref<1x61440xf32, #tpu.memory_space<hbm>> -> memref<61440xf32, #tpu.memory_space<hbm>>
      %dma_start3A_266 = arith.constant 860160 : i32
      %dma_start3A_267 = tpu.memref_slice %arg3[%select_n3A_9, %dma_start3A_266] : memref<16x1000000xf32, #tpu.memory_space<hbm>> -> memref<1x61440xf32, #tpu.memory_space<hbm>>
      %dma_start3A_268 = tpu.memref_squeeze %dma_start3A_267 : memref<1x61440xf32, #tpu.memory_space<hbm>> -> memref<61440xf32, #tpu.memory_space<hbm>>
      tpu.enqueue_dma source(%dma_start3A_268 : memref<61440xf32, #tpu.memory_space<hbm>>) target(%arg6 : memref<61440xf32, #tpu.memory_space<vmem>>) target_semaphore(%arg8 : memref<!tpu.dma_semaphore, #tpu.memory_space<semaphore_mem>>)
      %add3A_269 = arith.constant 798720 : i32
      %add3A_270 = arith.addi %mul3A_11, %add3A_269 : i32
      %dma_start3A_271 = tpu.memref_slice %arg5[%add3A_270] : memref<16000000xf32, #tpu.memory_space<hbm>> -> memref<61440xf32, #tpu.memory_space<hbm>>
      %dma_start3A_272 = tpu.memref_slice %arg5[%add3A_270] : memref<16000000xf32, #tpu.memory_space<hbm>> -> memref<61440xf32, #tpu.memory_space<hbm>>
      tpu.enqueue_dma source(%arg7 : memref<61440xf32, #tpu.memory_space<vmem>>) target(%dma_start3A_272 : memref<61440xf32, #tpu.memory_space<hbm>>) target_semaphore(%arg11 : memref<!tpu.dma_semaphore, #tpu.memory_space<semaphore_mem>>)
      %dma_wait3A_273 = arith.constant 860160 : i32
      %dma_wait3A_274 = tpu.memref_slice %arg3[%select_n3A_9, %dma_wait3A_273] : memref<16x1000000xf32, #tpu.memory_space<hbm>> -> memref<1x61440xf32, #tpu.memory_space<hbm>>
      %dma_wait3A_275 = tpu.memref_squeeze %dma_wait3A_274 : memref<1x61440xf32, #tpu.memory_space<hbm>> -> memref<61440xf32, #tpu.memory_space<hbm>>
      %dma_wait3A_276 = arith.constant 860160 : i32
      %dma_wait3A_277 = tpu.memref_slice %arg3[%select_n3A_9, %dma_wait3A_276] : memref<16x1000000xf32, #tpu.memory_space<hbm>> -> memref<1x61440xf32, #tpu.memory_space<hbm>>
      %dma_wait3A_278 = tpu.memref_squeeze %dma_wait3A_277 : memref<1x61440xf32, #tpu.memory_space<hbm>> -> memref<61440xf32, #tpu.memory_space<hbm>>
      tpu.wait_dma2 semaphore(%arg8 : memref<!tpu.dma_semaphore, #tpu.memory_space<semaphore_mem>>) src(%dma_wait3A_278 : memref<61440xf32, #tpu.memory_space<hbm>>) dst(%arg6 : memref<61440xf32, #tpu.memory_space<vmem>>)
      %dma_wait3A_279 = tpu.memref_slice %arg5[%add3A_270] : memref<16000000xf32, #tpu.memory_space<hbm>> -> memref<61440xf32, #tpu.memory_space<hbm>>
      %dma_wait3A_280 = tpu.memref_slice %arg5[%add3A_270] : memref<16000000xf32, #tpu.memory_space<hbm>> -> memref<61440xf32, #tpu.memory_space<hbm>>
      tpu.wait_dma2 semaphore(%arg11 : memref<!tpu.dma_semaphore, #tpu.memory_space<semaphore_mem>>) src(%arg7 : memref<61440xf32, #tpu.memory_space<vmem>>) dst(%dma_wait3A_280 : memref<61440xf32, #tpu.memory_space<hbm>>)
      %dma_start3A_281 = arith.constant 921600 : i32
      %dma_start3A_282 = tpu.memref_slice %arg3[%select_n3A_9, %dma_start3A_281] : memref<16x1000000xf32, #tpu.memory_space<hbm>> -> memref<1x61440xf32, #tpu.memory_space<hbm>>
      %dma_start3A_283 = tpu.memref_squeeze %dma_start3A_282 : memref<1x61440xf32, #tpu.memory_space<hbm>> -> memref<61440xf32, #tpu.memory_space<hbm>>
      %dma_start3A_284 = arith.constant 921600 : i32
      %dma_start3A_285 = tpu.memref_slice %arg3[%select_n3A_9, %dma_start3A_284] : memref<16x1000000xf32, #tpu.memory_space<hbm>> -> memref<1x61440xf32, #tpu.memory_space<hbm>>
      %dma_start3A_286 = tpu.memref_squeeze %dma_start3A_285 : memref<1x61440xf32, #tpu.memory_space<hbm>> -> memref<61440xf32, #tpu.memory_space<hbm>>
      tpu.enqueue_dma source(%dma_start3A_286 : memref<61440xf32, #tpu.memory_space<hbm>>) target(%arg7 : memref<61440xf32, #tpu.memory_space<vmem>>) target_semaphore(%arg9 : memref<!tpu.dma_semaphore, #tpu.memory_space<semaphore_mem>>)
      %add3A_287 = arith.constant 860160 : i32
      %add3A_288 = arith.addi %mul3A_11, %add3A_287 : i32
      %dma_start3A_289 = tpu.memref_slice %arg5[%add3A_288] : memref<16000000xf32, #tpu.memory_space<hbm>> -> memref<61440xf32, #tpu.memory_space<hbm>>
      %dma_start3A_290 = tpu.memref_slice %arg5[%add3A_288] : memref<16000000xf32, #tpu.memory_space<hbm>> -> memref<61440xf32, #tpu.memory_space<hbm>>
      tpu.enqueue_dma source(%arg6 : memref<61440xf32, #tpu.memory_space<vmem>>) target(%dma_start3A_290 : memref<61440xf32, #tpu.memory_space<hbm>>) target_semaphore(%arg10 : memref<!tpu.dma_semaphore, #tpu.memory_space<semaphore_mem>>)
      %dma_wait3A_291 = arith.constant 921600 : i32
      %dma_wait3A_292 = tpu.memref_slice %arg3[%select_n3A_9, %dma_wait3A_291] : memref<16x1000000xf32, #tpu.memory_space<hbm>> -> memref<1x61440xf32, #tpu.memory_space<hbm>>
      %dma_wait3A_293 = tpu.memref_squeeze %dma_wait3A_292 : memref<1x61440xf32, #tpu.memory_space<hbm>> -> memref<61440xf32, #tpu.memory_space<hbm>>
      %dma_wait3A_294 = arith.constant 921600 : i32
      %dma_wait3A_295 = tpu.memref_slice %arg3[%select_n3A_9, %dma_wait3A_294] : memref<16x1000000xf32, #tpu.memory_space<hbm>> -> memref<1x61440xf32, #tpu.memory_space<hbm>>
      %dma_wait3A_296 = tpu.memref_squeeze %dma_wait3A_295 : memref<1x61440xf32, #tpu.memory_space<hbm>> -> memref<61440xf32, #tpu.memory_space<hbm>>
      tpu.wait_dma2 semaphore(%arg9 : memref<!tpu.dma_semaphore, #tpu.memory_space<semaphore_mem>>) src(%dma_wait3A_296 : memref<61440xf32, #tpu.memory_space<hbm>>) dst(%arg7 : memref<61440xf32, #tpu.memory_space<vmem>>)
      %dma_wait3A_297 = tpu.memref_slice %arg5[%add3A_288] : memref<16000000xf32, #tpu.memory_space<hbm>> -> memref<61440xf32, #tpu.memory_space<hbm>>
      %dma_wait3A_298 = tpu.memref_slice %arg5[%add3A_288] : memref<16000000xf32, #tpu.memory_space<hbm>> -> memref<61440xf32, #tpu.memory_space<hbm>>
      tpu.wait_dma2 semaphore(%arg10 : memref<!tpu.dma_semaphore, #tpu.memory_space<semaphore_mem>>) src(%arg6 : memref<61440xf32, #tpu.memory_space<vmem>>) dst(%dma_wait3A_298 : memref<61440xf32, #tpu.memory_space<hbm>>)
      %add3A_299 = arith.constant 921600 : i32
      %add3A_300 = arith.addi %mul3A_11, %add3A_299 : i32
      %dma_start3A_301 = tpu.memref_slice %arg5[%add3A_300] : memref<16000000xf32, #tpu.memory_space<hbm>> -> memref<61440xf32, #tpu.memory_space<hbm>>
      %dma_start3A_302 = tpu.memref_slice %arg5[%add3A_300] : memref<16000000xf32, #tpu.memory_space<hbm>> -> memref<61440xf32, #tpu.memory_space<hbm>>
      tpu.enqueue_dma source(%arg7 : memref<61440xf32, #tpu.memory_space<vmem>>) target(%dma_start3A_302 : memref<61440xf32, #tpu.memory_space<hbm>>) target_semaphore(%arg11 : memref<!tpu.dma_semaphore, #tpu.memory_space<semaphore_mem>>)
      %dma_wait3A_303 = tpu.memref_slice %arg5[%add3A_300] : memref<16000000xf32, #tpu.memory_space<hbm>> -> memref<61440xf32, #tpu.memory_space<hbm>>
      %dma_wait3A_304 = tpu.memref_slice %arg5[%add3A_300] : memref<16000000xf32, #tpu.memory_space<hbm>> -> memref<61440xf32, #tpu.memory_space<hbm>>
      tpu.wait_dma2 semaphore(%arg11 : memref<!tpu.dma_semaphore, #tpu.memory_space<semaphore_mem>>) src(%arg7 : memref<61440xf32, #tpu.memory_space<vmem>>) dst(%dma_wait3A_304 : memref<61440xf32, #tpu.memory_space<hbm>>)
      "tpu.region"() ({
        %run_scoped3A = tpu.sem_alloc : memref<!tpu.dma_semaphore, #tpu.memory_space<semaphore_mem>>
        %dma_start3A_307 = arith.constant 0 : i32
        %dma_start3A_308 = tpu.memref_slice %arg6[%dma_start3A_307] : memref<61440xf32, #tpu.memory_space<vmem>> -> memref<16896xf32, #tpu.memory_space<vmem>>
        %dma_start3A_309 = arith.constant 983040 : i32
        %dma_start3A_310 = tpu.memref_slice %arg3[%select_n3A_9, %dma_start3A_309] : memref<16x1000000xf32, #tpu.memory_space<hbm>> -> memref<1x16896xf32, #tpu.memory_space<hbm>>
        %dma_start3A_311 = tpu.memref_squeeze %dma_start3A_310 : memref<1x16896xf32, #tpu.memory_space<hbm>> -> memref<16896xf32, #tpu.memory_space<hbm>>
        %dma_start3A_312 = arith.constant 0 : i32
        %dma_start3A_313 = tpu.memref_slice %arg6[%dma_start3A_312] : memref<61440xf32, #tpu.memory_space<vmem>> -> memref<16896xf32, #tpu.memory_space<vmem>>
        %dma_start3A_314 = arith.constant 983040 : i32
        %dma_start3A_315 = tpu.memref_slice %arg3[%select_n3A_9, %dma_start3A_314] : memref<16x1000000xf32, #tpu.memory_space<hbm>> -> memref<1x16896xf32, #tpu.memory_space<hbm>>
        %dma_start3A_316 = tpu.memref_squeeze %dma_start3A_315 : memref<1x16896xf32, #tpu.memory_space<hbm>> -> memref<16896xf32, #tpu.memory_space<hbm>>
        tpu.enqueue_dma source(%dma_start3A_316 : memref<16896xf32, #tpu.memory_space<hbm>>) target(%dma_start3A_313 : memref<16896xf32, #tpu.memory_space<vmem>>) target_semaphore(%run_scoped3A : memref<!tpu.dma_semaphore, #tpu.memory_space<semaphore_mem>>)
        %dma_wait3A_317 = arith.constant 0 : i32
        %dma_wait3A_318 = tpu.memref_slice %arg6[%dma_wait3A_317] : memref<61440xf32, #tpu.memory_space<vmem>> -> memref<16896xf32, #tpu.memory_space<vmem>>
        %dma_wait3A_319 = arith.constant 983040 : i32
        %dma_wait3A_320 = tpu.memref_slice %arg3[%select_n3A_9, %dma_wait3A_319] : memref<16x1000000xf32, #tpu.memory_space<hbm>> -> memref<1x16896xf32, #tpu.memory_space<hbm>>
        %dma_wait3A_321 = tpu.memref_squeeze %dma_wait3A_320 : memref<1x16896xf32, #tpu.memory_space<hbm>> -> memref<16896xf32, #tpu.memory_space<hbm>>
        %dma_wait3A_322 = arith.constant 0 : i32
        %dma_wait3A_323 = tpu.memref_slice %arg6[%dma_wait3A_322] : memref<61440xf32, #tpu.memory_space<vmem>> -> memref<16896xf32, #tpu.memory_space<vmem>>
        %dma_wait3A_324 = arith.constant 983040 : i32
        %dma_wait3A_325 = tpu.memref_slice %arg3[%select_n3A_9, %dma_wait3A_324] : memref<16x1000000xf32, #tpu.memory_space<hbm>> -> memref<1x16896xf32, #tpu.memory_space<hbm>>
        %dma_wait3A_326 = tpu.memref_squeeze %dma_wait3A_325 : memref<1x16896xf32, #tpu.memory_space<hbm>> -> memref<16896xf32, #tpu.memory_space<hbm>>
        tpu.wait_dma2 semaphore(%run_scoped3A : memref<!tpu.dma_semaphore, #tpu.memory_space<semaphore_mem>>) src(%dma_wait3A_326 : memref<16896xf32, #tpu.memory_space<hbm>>) dst(%dma_wait3A_323 : memref<16896xf32, #tpu.memory_space<vmem>>)
        tpu.yield
      }) : () -> ()
      %add3A_305 = arith.constant 983040 : i32
      %add3A_306 = arith.addi %mul3A_11, %add3A_305 : i32
      "tpu.region"() ({
        %run_scoped3A = tpu.sem_alloc : memref<!tpu.dma_semaphore, #tpu.memory_space<semaphore_mem>>
        %dma_start3A_307 = arith.constant 0 : i32
        %dma_start3A_308 = tpu.memref_slice %arg6[%dma_start3A_307] : memref<61440xf32, #tpu.memory_space<vmem>> -> memref<16896xf32, #tpu.memory_space<vmem>>
        %dma_start3A_309 = tpu.memref_slice %arg5[%add3A_306] : memref<16000000xf32, #tpu.memory_space<hbm>> -> memref<16896xf32, #tpu.memory_space<hbm>>
        %dma_start3A_310 = tpu.memref_slice %arg5[%add3A_306] : memref<16000000xf32, #tpu.memory_space<hbm>> -> memref<16896xf32, #tpu.memory_space<hbm>>
        %dma_start3A_311 = arith.constant 0 : i32
        %dma_start3A_312 = tpu.memref_slice %arg6[%dma_start3A_311] : memref<61440xf32, #tpu.memory_space<vmem>> -> memref<16896xf32, #tpu.memory_space<vmem>>
        tpu.enqueue_dma source(%dma_start3A_312 : memref<16896xf32, #tpu.memory_space<vmem>>) target(%dma_start3A_310 : memref<16896xf32, #tpu.memory_space<hbm>>) target_semaphore(%run_scoped3A : memref<!tpu.dma_semaphore, #tpu.memory_space<semaphore_mem>>)
        %dma_wait3A_313 = arith.constant 0 : i32
        %dma_wait3A_314 = tpu.memref_slice %arg6[%dma_wait3A_313] : memref<61440xf32, #tpu.memory_space<vmem>> -> memref<16896xf32, #tpu.memory_space<vmem>>
        %dma_wait3A_315 = tpu.memref_slice %arg5[%add3A_306] : memref<16000000xf32, #tpu.memory_space<hbm>> -> memref<16896xf32, #tpu.memory_space<hbm>>
        %dma_wait3A_316 = tpu.memref_slice %arg5[%add3A_306] : memref<16000000xf32, #tpu.memory_space<hbm>> -> memref<16896xf32, #tpu.memory_space<hbm>>
        %dma_wait3A_317 = arith.constant 0 : i32
        %dma_wait3A_318 = tpu.memref_slice %arg6[%dma_wait3A_317] : memref<61440xf32, #tpu.memory_space<vmem>> -> memref<16896xf32, #tpu.memory_space<vmem>>
        tpu.wait_dma2 semaphore(%run_scoped3A : memref<!tpu.dma_semaphore, #tpu.memory_space<semaphore_mem>>) src(%dma_wait3A_318 : memref<16896xf32, #tpu.memory_space<vmem>>) dst(%dma_wait3A_316 : memref<16896xf32, #tpu.memory_space<hbm>>)
        tpu.yield
      }) : () -> ()
    } else {
    }
    return
  }
}

#map = affine_map<(d0, d1) -> (0)>
module attributes {stable_mosaic.version = 14 : i64} {
  func.func @_gather_sc(%arg0: i32, %arg1: i32, %arg2: memref<16384xi32, #tpu.memory_space<hbm>>, %arg3: memref<16384xi32, #tpu.memory_space<hbm>>, %arg4: memref<16000000xf32, #tpu.memory_space<hbm>>, %arg5: memref<16000000xf32, #tpu.memory_space<hbm>>, %arg6: memref<1024xf32, #tpu.memory_space<hbm>>, %arg7: memref<1024xf32, #tpu.memory_space<hbm>>, %arg8: memref<16xf32, #tpu.memory_space<hbm>>, %arg9: memref<16xf32, #tpu.memory_space<hbm>>, %arg10: memref<16384xf32, #tpu.memory_space<hbm>>, %arg11: memref<512xi32, #tpu.memory_space<vmem>>, %arg12: memref<512xi32, #tpu.memory_space<vmem>>, %arg13: memref<16x512xf32, #tpu.memory_space<vmem>>, %arg14: memref<16x512xf32, #tpu.memory_space<vmem>>, %arg15: memref<1024xf32, #tpu.memory_space<vmem>>, %arg16: memref<1024xf32, #tpu.memory_space<vmem>>, %arg17: memref<512xf32, #tpu.memory_space<vmem>>, %arg18: memref<16xf32, #tpu.memory_space<vmem>>, %arg19: memref<16xf32, #tpu.memory_space<vmem>>, %arg20: memref<!tpu.dma_semaphore, #tpu.memory_space<semaphore_mem>>, %arg21: memref<!tpu.dma_semaphore, #tpu.memory_space<semaphore_mem>>) attributes {dimension_semantics = [#tpu.dimension_semantics<core_parallel>, #tpu.dimension_semantics<subcore_parallel>], iteration_bounds = array<i64: 2, 16>, scalar_prefetch = 0 : i64, scratch_operands = 11 : i64, tpu.core_type = #tpu.core_type<sc_vector_subcore>, window_params = [{transform_indices = #map}, {transform_indices = #map}, {transform_indices = #map}, {transform_indices = #map}, {transform_indices = #map}, {transform_indices = #map}, {transform_indices = #map}, {transform_indices = #map}, {transform_indices = #map}]} {
    %mul3A = arith.constant 2 : i32
    %mul3A_0 = arith.muli %arg1, %mul3A : i32
    %add3A = arith.addi %mul3A_0, %arg0 : i32
    %mul3A_1 = arith.constant 512 : i32
    %mul3A_2 = arith.muli %add3A, %mul3A_1 : i32
    "tpu.region"() ({
      %run_scoped3A = tpu.sem_alloc : memref<!tpu.dma_semaphore, #tpu.memory_space<semaphore_mem>>
      %dma_start3A_522 = tpu.memref_slice %arg2[%mul3A_2] : memref<16384xi32, #tpu.memory_space<hbm>> -> memref<512xi32, #tpu.memory_space<hbm>>
      %dma_start3A_523 = tpu.memref_slice %arg2[%mul3A_2] : memref<16384xi32, #tpu.memory_space<hbm>> -> memref<512xi32, #tpu.memory_space<hbm>>
      tpu.enqueue_dma source(%dma_start3A_523 : memref<512xi32, #tpu.memory_space<hbm>>) target(%arg11 : memref<512xi32, #tpu.memory_space<vmem>>) target_semaphore(%run_scoped3A : memref<!tpu.dma_semaphore, #tpu.memory_space<semaphore_mem>>)
      %dma_wait3A_524 = tpu.memref_slice %arg2[%mul3A_2] : memref<16384xi32, #tpu.memory_space<hbm>> -> memref<512xi32, #tpu.memory_space<hbm>>
      %dma_wait3A_525 = tpu.memref_slice %arg2[%mul3A_2] : memref<16384xi32, #tpu.memory_space<hbm>> -> memref<512xi32, #tpu.memory_space<hbm>>
      tpu.wait_dma2 semaphore(%run_scoped3A : memref<!tpu.dma_semaphore, #tpu.memory_space<semaphore_mem>>) src(%dma_wait3A_525 : memref<512xi32, #tpu.memory_space<hbm>>) dst(%arg11 : memref<512xi32, #tpu.memory_space<vmem>>)
      tpu.yield
    }) : () -> ()
    "tpu.region"() ({
      %run_scoped3A = tpu.sem_alloc : memref<!tpu.dma_semaphore, #tpu.memory_space<semaphore_mem>>
      %dma_start3A_522 = tpu.memref_slice %arg3[%mul3A_2] : memref<16384xi32, #tpu.memory_space<hbm>> -> memref<512xi32, #tpu.memory_space<hbm>>
      %dma_start3A_523 = tpu.memref_slice %arg3[%mul3A_2] : memref<16384xi32, #tpu.memory_space<hbm>> -> memref<512xi32, #tpu.memory_space<hbm>>
      tpu.enqueue_dma source(%dma_start3A_523 : memref<512xi32, #tpu.memory_space<hbm>>) target(%arg12 : memref<512xi32, #tpu.memory_space<vmem>>) target_semaphore(%run_scoped3A : memref<!tpu.dma_semaphore, #tpu.memory_space<semaphore_mem>>)
      %dma_wait3A_524 = tpu.memref_slice %arg3[%mul3A_2] : memref<16384xi32, #tpu.memory_space<hbm>> -> memref<512xi32, #tpu.memory_space<hbm>>
      %dma_wait3A_525 = tpu.memref_slice %arg3[%mul3A_2] : memref<16384xi32, #tpu.memory_space<hbm>> -> memref<512xi32, #tpu.memory_space<hbm>>
      tpu.wait_dma2 semaphore(%run_scoped3A : memref<!tpu.dma_semaphore, #tpu.memory_space<semaphore_mem>>) src(%dma_wait3A_525 : memref<512xi32, #tpu.memory_space<hbm>>) dst(%arg12 : memref<512xi32, #tpu.memory_space<vmem>>)
      tpu.yield
    }) : () -> ()
    %dma_start3A = arith.constant 0 : i32
    %dma_start3A_3 = arith.constant 0 : i32
    %dma_start3A_4 = tpu.memref_slice %arg13[%dma_start3A, %dma_start3A_3] : memref<16x512xf32, #tpu.memory_space<vmem>> -> memref<1x512xf32, #tpu.memory_space<vmem>>
    %dma_start3A_5 = tpu.memref_squeeze %dma_start3A_4 : memref<1x512xf32, #tpu.memory_space<vmem>> -> memref<512xf32, #tpu.memory_space<vmem>>
    %dma_start3A_6 = arith.constant 0 : i32
    %dma_start3A_7 = tpu.memref_slice %arg4[%dma_start3A_6] : memref<16000000xf32, #tpu.memory_space<hbm>> -> memref<1000000xf32, #tpu.memory_space<hbm>>
    %dma_start3A_8 = arith.constant 0 : i32
    %dma_start3A_9 = tpu.memref_slice %dma_start3A_7[%dma_start3A_8] : memref<1000000xf32, #tpu.memory_space<hbm>> -> memref<1000000xf32, #tpu.memory_space<hbm>>
    tpu.enqueue_indirect_dma source(%dma_start3A_9 : memref<1000000xf32, #tpu.memory_space<hbm>>) target(%dma_start3A_5 : memref<512xf32, #tpu.memory_space<vmem>>) offsets(%arg11 : memref<512xi32, #tpu.memory_space<vmem>>) semaphore(%arg20 : memref<!tpu.dma_semaphore, #tpu.memory_space<semaphore_mem>>)
    %dma_start3A_10 = arith.constant 1 : i32
    %dma_start3A_11 = arith.constant 0 : i32
    %dma_start3A_12 = tpu.memref_slice %arg13[%dma_start3A_10, %dma_start3A_11] : memref<16x512xf32, #tpu.memory_space<vmem>> -> memref<1x512xf32, #tpu.memory_space<vmem>>
    %dma_start3A_13 = tpu.memref_squeeze %dma_start3A_12 : memref<1x512xf32, #tpu.memory_space<vmem>> -> memref<512xf32, #tpu.memory_space<vmem>>
    %dma_start3A_14 = arith.constant 1000000 : i32
    %dma_start3A_15 = tpu.memref_slice %arg4[%dma_start3A_14] : memref<16000000xf32, #tpu.memory_space<hbm>> -> memref<1000000xf32, #tpu.memory_space<hbm>>
    %dma_start3A_16 = arith.constant 0 : i32
    %dma_start3A_17 = tpu.memref_slice %dma_start3A_15[%dma_start3A_16] : memref<1000000xf32, #tpu.memory_space<hbm>> -> memref<1000000xf32, #tpu.memory_space<hbm>>
    tpu.enqueue_indirect_dma source(%dma_start3A_17 : memref<1000000xf32, #tpu.memory_space<hbm>>) target(%dma_start3A_13 : memref<512xf32, #tpu.memory_space<vmem>>) offsets(%arg11 : memref<512xi32, #tpu.memory_space<vmem>>) semaphore(%arg20 : memref<!tpu.dma_semaphore, #tpu.memory_space<semaphore_mem>>)
    %dma_start3A_18 = arith.constant 2 : i32
    %dma_start3A_19 = arith.constant 0 : i32
    %dma_start3A_20 = tpu.memref_slice %arg13[%dma_start3A_18, %dma_start3A_19] : memref<16x512xf32, #tpu.memory_space<vmem>> -> memref<1x512xf32, #tpu.memory_space<vmem>>
    %dma_start3A_21 = tpu.memref_squeeze %dma_start3A_20 : memref<1x512xf32, #tpu.memory_space<vmem>> -> memref<512xf32, #tpu.memory_space<vmem>>
    %dma_start3A_22 = arith.constant 2000000 : i32
    %dma_start3A_23 = tpu.memref_slice %arg4[%dma_start3A_22] : memref<16000000xf32, #tpu.memory_space<hbm>> -> memref<1000000xf32, #tpu.memory_space<hbm>>
    %dma_start3A_24 = arith.constant 0 : i32
    %dma_start3A_25 = tpu.memref_slice %dma_start3A_23[%dma_start3A_24] : memref<1000000xf32, #tpu.memory_space<hbm>> -> memref<1000000xf32, #tpu.memory_space<hbm>>
    tpu.enqueue_indirect_dma source(%dma_start3A_25 : memref<1000000xf32, #tpu.memory_space<hbm>>) target(%dma_start3A_21 : memref<512xf32, #tpu.memory_space<vmem>>) offsets(%arg11 : memref<512xi32, #tpu.memory_space<vmem>>) semaphore(%arg20 : memref<!tpu.dma_semaphore, #tpu.memory_space<semaphore_mem>>)
    %dma_start3A_26 = arith.constant 3 : i32
    %dma_start3A_27 = arith.constant 0 : i32
    %dma_start3A_28 = tpu.memref_slice %arg13[%dma_start3A_26, %dma_start3A_27] : memref<16x512xf32, #tpu.memory_space<vmem>> -> memref<1x512xf32, #tpu.memory_space<vmem>>
    %dma_start3A_29 = tpu.memref_squeeze %dma_start3A_28 : memref<1x512xf32, #tpu.memory_space<vmem>> -> memref<512xf32, #tpu.memory_space<vmem>>
    %dma_start3A_30 = arith.constant 3000000 : i32
    %dma_start3A_31 = tpu.memref_slice %arg4[%dma_start3A_30] : memref<16000000xf32, #tpu.memory_space<hbm>> -> memref<1000000xf32, #tpu.memory_space<hbm>>
    %dma_start3A_32 = arith.constant 0 : i32
    %dma_start3A_33 = tpu.memref_slice %dma_start3A_31[%dma_start3A_32] : memref<1000000xf32, #tpu.memory_space<hbm>> -> memref<1000000xf32, #tpu.memory_space<hbm>>
    tpu.enqueue_indirect_dma source(%dma_start3A_33 : memref<1000000xf32, #tpu.memory_space<hbm>>) target(%dma_start3A_29 : memref<512xf32, #tpu.memory_space<vmem>>) offsets(%arg11 : memref<512xi32, #tpu.memory_space<vmem>>) semaphore(%arg20 : memref<!tpu.dma_semaphore, #tpu.memory_space<semaphore_mem>>)
    %dma_start3A_34 = arith.constant 4 : i32
    %dma_start3A_35 = arith.constant 0 : i32
    %dma_start3A_36 = tpu.memref_slice %arg13[%dma_start3A_34, %dma_start3A_35] : memref<16x512xf32, #tpu.memory_space<vmem>> -> memref<1x512xf32, #tpu.memory_space<vmem>>
    %dma_start3A_37 = tpu.memref_squeeze %dma_start3A_36 : memref<1x512xf32, #tpu.memory_space<vmem>> -> memref<512xf32, #tpu.memory_space<vmem>>
    %dma_start3A_38 = arith.constant 4000000 : i32
    %dma_start3A_39 = tpu.memref_slice %arg4[%dma_start3A_38] : memref<16000000xf32, #tpu.memory_space<hbm>> -> memref<1000000xf32, #tpu.memory_space<hbm>>
    %dma_start3A_40 = arith.constant 0 : i32
    %dma_start3A_41 = tpu.memref_slice %dma_start3A_39[%dma_start3A_40] : memref<1000000xf32, #tpu.memory_space<hbm>> -> memref<1000000xf32, #tpu.memory_space<hbm>>
    tpu.enqueue_indirect_dma source(%dma_start3A_41 : memref<1000000xf32, #tpu.memory_space<hbm>>) target(%dma_start3A_37 : memref<512xf32, #tpu.memory_space<vmem>>) offsets(%arg11 : memref<512xi32, #tpu.memory_space<vmem>>) semaphore(%arg20 : memref<!tpu.dma_semaphore, #tpu.memory_space<semaphore_mem>>)
    %dma_start3A_42 = arith.constant 5 : i32
    %dma_start3A_43 = arith.constant 0 : i32
    %dma_start3A_44 = tpu.memref_slice %arg13[%dma_start3A_42, %dma_start3A_43] : memref<16x512xf32, #tpu.memory_space<vmem>> -> memref<1x512xf32, #tpu.memory_space<vmem>>
    %dma_start3A_45 = tpu.memref_squeeze %dma_start3A_44 : memref<1x512xf32, #tpu.memory_space<vmem>> -> memref<512xf32, #tpu.memory_space<vmem>>
    %dma_start3A_46 = arith.constant 5000000 : i32
    %dma_start3A_47 = tpu.memref_slice %arg4[%dma_start3A_46] : memref<16000000xf32, #tpu.memory_space<hbm>> -> memref<1000000xf32, #tpu.memory_space<hbm>>
    %dma_start3A_48 = arith.constant 0 : i32
    %dma_start3A_49 = tpu.memref_slice %dma_start3A_47[%dma_start3A_48] : memref<1000000xf32, #tpu.memory_space<hbm>> -> memref<1000000xf32, #tpu.memory_space<hbm>>
    tpu.enqueue_indirect_dma source(%dma_start3A_49 : memref<1000000xf32, #tpu.memory_space<hbm>>) target(%dma_start3A_45 : memref<512xf32, #tpu.memory_space<vmem>>) offsets(%arg11 : memref<512xi32, #tpu.memory_space<vmem>>) semaphore(%arg20 : memref<!tpu.dma_semaphore, #tpu.memory_space<semaphore_mem>>)
    %dma_start3A_50 = arith.constant 6 : i32
    %dma_start3A_51 = arith.constant 0 : i32
    %dma_start3A_52 = tpu.memref_slice %arg13[%dma_start3A_50, %dma_start3A_51] : memref<16x512xf32, #tpu.memory_space<vmem>> -> memref<1x512xf32, #tpu.memory_space<vmem>>
    %dma_start3A_53 = tpu.memref_squeeze %dma_start3A_52 : memref<1x512xf32, #tpu.memory_space<vmem>> -> memref<512xf32, #tpu.memory_space<vmem>>
    %dma_start3A_54 = arith.constant 6000000 : i32
    %dma_start3A_55 = tpu.memref_slice %arg4[%dma_start3A_54] : memref<16000000xf32, #tpu.memory_space<hbm>> -> memref<1000000xf32, #tpu.memory_space<hbm>>
    %dma_start3A_56 = arith.constant 0 : i32
    %dma_start3A_57 = tpu.memref_slice %dma_start3A_55[%dma_start3A_56] : memref<1000000xf32, #tpu.memory_space<hbm>> -> memref<1000000xf32, #tpu.memory_space<hbm>>
    tpu.enqueue_indirect_dma source(%dma_start3A_57 : memref<1000000xf32, #tpu.memory_space<hbm>>) target(%dma_start3A_53 : memref<512xf32, #tpu.memory_space<vmem>>) offsets(%arg11 : memref<512xi32, #tpu.memory_space<vmem>>) semaphore(%arg20 : memref<!tpu.dma_semaphore, #tpu.memory_space<semaphore_mem>>)
    %dma_start3A_58 = arith.constant 7 : i32
    %dma_start3A_59 = arith.constant 0 : i32
    %dma_start3A_60 = tpu.memref_slice %arg13[%dma_start3A_58, %dma_start3A_59] : memref<16x512xf32, #tpu.memory_space<vmem>> -> memref<1x512xf32, #tpu.memory_space<vmem>>
    %dma_start3A_61 = tpu.memref_squeeze %dma_start3A_60 : memref<1x512xf32, #tpu.memory_space<vmem>> -> memref<512xf32, #tpu.memory_space<vmem>>
    %dma_start3A_62 = arith.constant 7000000 : i32
    %dma_start3A_63 = tpu.memref_slice %arg4[%dma_start3A_62] : memref<16000000xf32, #tpu.memory_space<hbm>> -> memref<1000000xf32, #tpu.memory_space<hbm>>
    %dma_start3A_64 = arith.constant 0 : i32
    %dma_start3A_65 = tpu.memref_slice %dma_start3A_63[%dma_start3A_64] : memref<1000000xf32, #tpu.memory_space<hbm>> -> memref<1000000xf32, #tpu.memory_space<hbm>>
    tpu.enqueue_indirect_dma source(%dma_start3A_65 : memref<1000000xf32, #tpu.memory_space<hbm>>) target(%dma_start3A_61 : memref<512xf32, #tpu.memory_space<vmem>>) offsets(%arg11 : memref<512xi32, #tpu.memory_space<vmem>>) semaphore(%arg20 : memref<!tpu.dma_semaphore, #tpu.memory_space<semaphore_mem>>)
    %dma_start3A_66 = arith.constant 8 : i32
    %dma_start3A_67 = arith.constant 0 : i32
    %dma_start3A_68 = tpu.memref_slice %arg13[%dma_start3A_66, %dma_start3A_67] : memref<16x512xf32, #tpu.memory_space<vmem>> -> memref<1x512xf32, #tpu.memory_space<vmem>>
    %dma_start3A_69 = tpu.memref_squeeze %dma_start3A_68 : memref<1x512xf32, #tpu.memory_space<vmem>> -> memref<512xf32, #tpu.memory_space<vmem>>
    %dma_start3A_70 = arith.constant 8000000 : i32
    %dma_start3A_71 = tpu.memref_slice %arg4[%dma_start3A_70] : memref<16000000xf32, #tpu.memory_space<hbm>> -> memref<1000000xf32, #tpu.memory_space<hbm>>
    %dma_start3A_72 = arith.constant 0 : i32
    %dma_start3A_73 = tpu.memref_slice %dma_start3A_71[%dma_start3A_72] : memref<1000000xf32, #tpu.memory_space<hbm>> -> memref<1000000xf32, #tpu.memory_space<hbm>>
    tpu.enqueue_indirect_dma source(%dma_start3A_73 : memref<1000000xf32, #tpu.memory_space<hbm>>) target(%dma_start3A_69 : memref<512xf32, #tpu.memory_space<vmem>>) offsets(%arg11 : memref<512xi32, #tpu.memory_space<vmem>>) semaphore(%arg20 : memref<!tpu.dma_semaphore, #tpu.memory_space<semaphore_mem>>)
    %dma_start3A_74 = arith.constant 9 : i32
    %dma_start3A_75 = arith.constant 0 : i32
    %dma_start3A_76 = tpu.memref_slice %arg13[%dma_start3A_74, %dma_start3A_75] : memref<16x512xf32, #tpu.memory_space<vmem>> -> memref<1x512xf32, #tpu.memory_space<vmem>>
    %dma_start3A_77 = tpu.memref_squeeze %dma_start3A_76 : memref<1x512xf32, #tpu.memory_space<vmem>> -> memref<512xf32, #tpu.memory_space<vmem>>
    %dma_start3A_78 = arith.constant 9000000 : i32
    %dma_start3A_79 = tpu.memref_slice %arg4[%dma_start3A_78] : memref<16000000xf32, #tpu.memory_space<hbm>> -> memref<1000000xf32, #tpu.memory_space<hbm>>
    %dma_start3A_80 = arith.constant 0 : i32
    %dma_start3A_81 = tpu.memref_slice %dma_start3A_79[%dma_start3A_80] : memref<1000000xf32, #tpu.memory_space<hbm>> -> memref<1000000xf32, #tpu.memory_space<hbm>>
    tpu.enqueue_indirect_dma source(%dma_start3A_81 : memref<1000000xf32, #tpu.memory_space<hbm>>) target(%dma_start3A_77 : memref<512xf32, #tpu.memory_space<vmem>>) offsets(%arg11 : memref<512xi32, #tpu.memory_space<vmem>>) semaphore(%arg20 : memref<!tpu.dma_semaphore, #tpu.memory_space<semaphore_mem>>)
    %dma_start3A_82 = arith.constant 10 : i32
    %dma_start3A_83 = arith.constant 0 : i32
    %dma_start3A_84 = tpu.memref_slice %arg13[%dma_start3A_82, %dma_start3A_83] : memref<16x512xf32, #tpu.memory_space<vmem>> -> memref<1x512xf32, #tpu.memory_space<vmem>>
    %dma_start3A_85 = tpu.memref_squeeze %dma_start3A_84 : memref<1x512xf32, #tpu.memory_space<vmem>> -> memref<512xf32, #tpu.memory_space<vmem>>
    %dma_start3A_86 = arith.constant 10000000 : i32
    %dma_start3A_87 = tpu.memref_slice %arg4[%dma_start3A_86] : memref<16000000xf32, #tpu.memory_space<hbm>> -> memref<1000000xf32, #tpu.memory_space<hbm>>
    %dma_start3A_88 = arith.constant 0 : i32
    %dma_start3A_89 = tpu.memref_slice %dma_start3A_87[%dma_start3A_88] : memref<1000000xf32, #tpu.memory_space<hbm>> -> memref<1000000xf32, #tpu.memory_space<hbm>>
    tpu.enqueue_indirect_dma source(%dma_start3A_89 : memref<1000000xf32, #tpu.memory_space<hbm>>) target(%dma_start3A_85 : memref<512xf32, #tpu.memory_space<vmem>>) offsets(%arg11 : memref<512xi32, #tpu.memory_space<vmem>>) semaphore(%arg20 : memref<!tpu.dma_semaphore, #tpu.memory_space<semaphore_mem>>)
    %dma_start3A_90 = arith.constant 11 : i32
    %dma_start3A_91 = arith.constant 0 : i32
    %dma_start3A_92 = tpu.memref_slice %arg13[%dma_start3A_90, %dma_start3A_91] : memref<16x512xf32, #tpu.memory_space<vmem>> -> memref<1x512xf32, #tpu.memory_space<vmem>>
    %dma_start3A_93 = tpu.memref_squeeze %dma_start3A_92 : memref<1x512xf32, #tpu.memory_space<vmem>> -> memref<512xf32, #tpu.memory_space<vmem>>
    %dma_start3A_94 = arith.constant 11000000 : i32
    %dma_start3A_95 = tpu.memref_slice %arg4[%dma_start3A_94] : memref<16000000xf32, #tpu.memory_space<hbm>> -> memref<1000000xf32, #tpu.memory_space<hbm>>
    %dma_start3A_96 = arith.constant 0 : i32
    %dma_start3A_97 = tpu.memref_slice %dma_start3A_95[%dma_start3A_96] : memref<1000000xf32, #tpu.memory_space<hbm>> -> memref<1000000xf32, #tpu.memory_space<hbm>>
    tpu.enqueue_indirect_dma source(%dma_start3A_97 : memref<1000000xf32, #tpu.memory_space<hbm>>) target(%dma_start3A_93 : memref<512xf32, #tpu.memory_space<vmem>>) offsets(%arg11 : memref<512xi32, #tpu.memory_space<vmem>>) semaphore(%arg20 : memref<!tpu.dma_semaphore, #tpu.memory_space<semaphore_mem>>)
    %dma_start3A_98 = arith.constant 12 : i32
    %dma_start3A_99 = arith.constant 0 : i32
    %dma_start3A_100 = tpu.memref_slice %arg13[%dma_start3A_98, %dma_start3A_99] : memref<16x512xf32, #tpu.memory_space<vmem>> -> memref<1x512xf32, #tpu.memory_space<vmem>>
    %dma_start3A_101 = tpu.memref_squeeze %dma_start3A_100 : memref<1x512xf32, #tpu.memory_space<vmem>> -> memref<512xf32, #tpu.memory_space<vmem>>
    %dma_start3A_102 = arith.constant 12000000 : i32
    %dma_start3A_103 = tpu.memref_slice %arg4[%dma_start3A_102] : memref<16000000xf32, #tpu.memory_space<hbm>> -> memref<1000000xf32, #tpu.memory_space<hbm>>
    %dma_start3A_104 = arith.constant 0 : i32
    %dma_start3A_105 = tpu.memref_slice %dma_start3A_103[%dma_start3A_104] : memref<1000000xf32, #tpu.memory_space<hbm>> -> memref<1000000xf32, #tpu.memory_space<hbm>>
    tpu.enqueue_indirect_dma source(%dma_start3A_105 : memref<1000000xf32, #tpu.memory_space<hbm>>) target(%dma_start3A_101 : memref<512xf32, #tpu.memory_space<vmem>>) offsets(%arg11 : memref<512xi32, #tpu.memory_space<vmem>>) semaphore(%arg20 : memref<!tpu.dma_semaphore, #tpu.memory_space<semaphore_mem>>)
    %dma_start3A_106 = arith.constant 13 : i32
    %dma_start3A_107 = arith.constant 0 : i32
    %dma_start3A_108 = tpu.memref_slice %arg13[%dma_start3A_106, %dma_start3A_107] : memref<16x512xf32, #tpu.memory_space<vmem>> -> memref<1x512xf32, #tpu.memory_space<vmem>>
    %dma_start3A_109 = tpu.memref_squeeze %dma_start3A_108 : memref<1x512xf32, #tpu.memory_space<vmem>> -> memref<512xf32, #tpu.memory_space<vmem>>
    %dma_start3A_110 = arith.constant 13000000 : i32
    %dma_start3A_111 = tpu.memref_slice %arg4[%dma_start3A_110] : memref<16000000xf32, #tpu.memory_space<hbm>> -> memref<1000000xf32, #tpu.memory_space<hbm>>
    %dma_start3A_112 = arith.constant 0 : i32
    %dma_start3A_113 = tpu.memref_slice %dma_start3A_111[%dma_start3A_112] : memref<1000000xf32, #tpu.memory_space<hbm>> -> memref<1000000xf32, #tpu.memory_space<hbm>>
    tpu.enqueue_indirect_dma source(%dma_start3A_113 : memref<1000000xf32, #tpu.memory_space<hbm>>) target(%dma_start3A_109 : memref<512xf32, #tpu.memory_space<vmem>>) offsets(%arg11 : memref<512xi32, #tpu.memory_space<vmem>>) semaphore(%arg20 : memref<!tpu.dma_semaphore, #tpu.memory_space<semaphore_mem>>)
    %dma_start3A_114 = arith.constant 14 : i32
    %dma_start3A_115 = arith.constant 0 : i32
    %dma_start3A_116 = tpu.memref_slice %arg13[%dma_start3A_114, %dma_start3A_115] : memref<16x512xf32, #tpu.memory_space<vmem>> -> memref<1x512xf32, #tpu.memory_space<vmem>>
    %dma_start3A_117 = tpu.memref_squeeze %dma_start3A_116 : memref<1x512xf32, #tpu.memory_space<vmem>> -> memref<512xf32, #tpu.memory_space<vmem>>
    %dma_start3A_118 = arith.constant 14000000 : i32
    %dma_start3A_119 = tpu.memref_slice %arg4[%dma_start3A_118] : memref<16000000xf32, #tpu.memory_space<hbm>> -> memref<1000000xf32, #tpu.memory_space<hbm>>
    %dma_start3A_120 = arith.constant 0 : i32
    %dma_start3A_121 = tpu.memref_slice %dma_start3A_119[%dma_start3A_120] : memref<1000000xf32, #tpu.memory_space<hbm>> -> memref<1000000xf32, #tpu.memory_space<hbm>>
    tpu.enqueue_indirect_dma source(%dma_start3A_121 : memref<1000000xf32, #tpu.memory_space<hbm>>) target(%dma_start3A_117 : memref<512xf32, #tpu.memory_space<vmem>>) offsets(%arg11 : memref<512xi32, #tpu.memory_space<vmem>>) semaphore(%arg20 : memref<!tpu.dma_semaphore, #tpu.memory_space<semaphore_mem>>)
    %dma_start3A_122 = arith.constant 15 : i32
    %dma_start3A_123 = arith.constant 0 : i32
    %dma_start3A_124 = tpu.memref_slice %arg13[%dma_start3A_122, %dma_start3A_123] : memref<16x512xf32, #tpu.memory_space<vmem>> -> memref<1x512xf32, #tpu.memory_space<vmem>>
    %dma_start3A_125 = tpu.memref_squeeze %dma_start3A_124 : memref<1x512xf32, #tpu.memory_space<vmem>> -> memref<512xf32, #tpu.memory_space<vmem>>
    %dma_start3A_126 = arith.constant 15000000 : i32
    %dma_start3A_127 = tpu.memref_slice %arg4[%dma_start3A_126] : memref<16000000xf32, #tpu.memory_space<hbm>> -> memref<1000000xf32, #tpu.memory_space<hbm>>
    %dma_start3A_128 = arith.constant 0 : i32
    %dma_start3A_129 = tpu.memref_slice %dma_start3A_127[%dma_start3A_128] : memref<1000000xf32, #tpu.memory_space<hbm>> -> memref<1000000xf32, #tpu.memory_space<hbm>>
    tpu.enqueue_indirect_dma source(%dma_start3A_129 : memref<1000000xf32, #tpu.memory_space<hbm>>) target(%dma_start3A_125 : memref<512xf32, #tpu.memory_space<vmem>>) offsets(%arg11 : memref<512xi32, #tpu.memory_space<vmem>>) semaphore(%arg20 : memref<!tpu.dma_semaphore, #tpu.memory_space<semaphore_mem>>)
    %dma_start3A_130 = arith.constant 0 : i32
    %dma_start3A_131 = arith.constant 0 : i32
    %dma_start3A_132 = tpu.memref_slice %arg14[%dma_start3A_130, %dma_start3A_131] : memref<16x512xf32, #tpu.memory_space<vmem>> -> memref<1x512xf32, #tpu.memory_space<vmem>>
    %dma_start3A_133 = tpu.memref_squeeze %dma_start3A_132 : memref<1x512xf32, #tpu.memory_space<vmem>> -> memref<512xf32, #tpu.memory_space<vmem>>
    %dma_start3A_134 = arith.constant 0 : i32
    %dma_start3A_135 = tpu.memref_slice %arg5[%dma_start3A_134] : memref<16000000xf32, #tpu.memory_space<hbm>> -> memref<1000000xf32, #tpu.memory_space<hbm>>
    %dma_start3A_136 = arith.constant 0 : i32
    %dma_start3A_137 = tpu.memref_slice %dma_start3A_135[%dma_start3A_136] : memref<1000000xf32, #tpu.memory_space<hbm>> -> memref<1000000xf32, #tpu.memory_space<hbm>>
    tpu.enqueue_indirect_dma source(%dma_start3A_137 : memref<1000000xf32, #tpu.memory_space<hbm>>) target(%dma_start3A_133 : memref<512xf32, #tpu.memory_space<vmem>>) offsets(%arg12 : memref<512xi32, #tpu.memory_space<vmem>>) semaphore(%arg21 : memref<!tpu.dma_semaphore, #tpu.memory_space<semaphore_mem>>)
    %dma_start3A_138 = arith.constant 1 : i32
    %dma_start3A_139 = arith.constant 0 : i32
    %dma_start3A_140 = tpu.memref_slice %arg14[%dma_start3A_138, %dma_start3A_139] : memref<16x512xf32, #tpu.memory_space<vmem>> -> memref<1x512xf32, #tpu.memory_space<vmem>>
    %dma_start3A_141 = tpu.memref_squeeze %dma_start3A_140 : memref<1x512xf32, #tpu.memory_space<vmem>> -> memref<512xf32, #tpu.memory_space<vmem>>
    %dma_start3A_142 = arith.constant 1000000 : i32
    %dma_start3A_143 = tpu.memref_slice %arg5[%dma_start3A_142] : memref<16000000xf32, #tpu.memory_space<hbm>> -> memref<1000000xf32, #tpu.memory_space<hbm>>
    %dma_start3A_144 = arith.constant 0 : i32
    %dma_start3A_145 = tpu.memref_slice %dma_start3A_143[%dma_start3A_144] : memref<1000000xf32, #tpu.memory_space<hbm>> -> memref<1000000xf32, #tpu.memory_space<hbm>>
    tpu.enqueue_indirect_dma source(%dma_start3A_145 : memref<1000000xf32, #tpu.memory_space<hbm>>) target(%dma_start3A_141 : memref<512xf32, #tpu.memory_space<vmem>>) offsets(%arg12 : memref<512xi32, #tpu.memory_space<vmem>>) semaphore(%arg21 : memref<!tpu.dma_semaphore, #tpu.memory_space<semaphore_mem>>)
    %dma_start3A_146 = arith.constant 2 : i32
    %dma_start3A_147 = arith.constant 0 : i32
    %dma_start3A_148 = tpu.memref_slice %arg14[%dma_start3A_146, %dma_start3A_147] : memref<16x512xf32, #tpu.memory_space<vmem>> -> memref<1x512xf32, #tpu.memory_space<vmem>>
    %dma_start3A_149 = tpu.memref_squeeze %dma_start3A_148 : memref<1x512xf32, #tpu.memory_space<vmem>> -> memref<512xf32, #tpu.memory_space<vmem>>
    %dma_start3A_150 = arith.constant 2000000 : i32
    %dma_start3A_151 = tpu.memref_slice %arg5[%dma_start3A_150] : memref<16000000xf32, #tpu.memory_space<hbm>> -> memref<1000000xf32, #tpu.memory_space<hbm>>
    %dma_start3A_152 = arith.constant 0 : i32
    %dma_start3A_153 = tpu.memref_slice %dma_start3A_151[%dma_start3A_152] : memref<1000000xf32, #tpu.memory_space<hbm>> -> memref<1000000xf32, #tpu.memory_space<hbm>>
    tpu.enqueue_indirect_dma source(%dma_start3A_153 : memref<1000000xf32, #tpu.memory_space<hbm>>) target(%dma_start3A_149 : memref<512xf32, #tpu.memory_space<vmem>>) offsets(%arg12 : memref<512xi32, #tpu.memory_space<vmem>>) semaphore(%arg21 : memref<!tpu.dma_semaphore, #tpu.memory_space<semaphore_mem>>)
    %dma_start3A_154 = arith.constant 3 : i32
    %dma_start3A_155 = arith.constant 0 : i32
    %dma_start3A_156 = tpu.memref_slice %arg14[%dma_start3A_154, %dma_start3A_155] : memref<16x512xf32, #tpu.memory_space<vmem>> -> memref<1x512xf32, #tpu.memory_space<vmem>>
    %dma_start3A_157 = tpu.memref_squeeze %dma_start3A_156 : memref<1x512xf32, #tpu.memory_space<vmem>> -> memref<512xf32, #tpu.memory_space<vmem>>
    %dma_start3A_158 = arith.constant 3000000 : i32
    %dma_start3A_159 = tpu.memref_slice %arg5[%dma_start3A_158] : memref<16000000xf32, #tpu.memory_space<hbm>> -> memref<1000000xf32, #tpu.memory_space<hbm>>
    %dma_start3A_160 = arith.constant 0 : i32
    %dma_start3A_161 = tpu.memref_slice %dma_start3A_159[%dma_start3A_160] : memref<1000000xf32, #tpu.memory_space<hbm>> -> memref<1000000xf32, #tpu.memory_space<hbm>>
    tpu.enqueue_indirect_dma source(%dma_start3A_161 : memref<1000000xf32, #tpu.memory_space<hbm>>) target(%dma_start3A_157 : memref<512xf32, #tpu.memory_space<vmem>>) offsets(%arg12 : memref<512xi32, #tpu.memory_space<vmem>>) semaphore(%arg21 : memref<!tpu.dma_semaphore, #tpu.memory_space<semaphore_mem>>)
    %dma_start3A_162 = arith.constant 4 : i32
    %dma_start3A_163 = arith.constant 0 : i32
    %dma_start3A_164 = tpu.memref_slice %arg14[%dma_start3A_162, %dma_start3A_163] : memref<16x512xf32, #tpu.memory_space<vmem>> -> memref<1x512xf32, #tpu.memory_space<vmem>>
    %dma_start3A_165 = tpu.memref_squeeze %dma_start3A_164 : memref<1x512xf32, #tpu.memory_space<vmem>> -> memref<512xf32, #tpu.memory_space<vmem>>
    %dma_start3A_166 = arith.constant 4000000 : i32
    %dma_start3A_167 = tpu.memref_slice %arg5[%dma_start3A_166] : memref<16000000xf32, #tpu.memory_space<hbm>> -> memref<1000000xf32, #tpu.memory_space<hbm>>
    %dma_start3A_168 = arith.constant 0 : i32
    %dma_start3A_169 = tpu.memref_slice %dma_start3A_167[%dma_start3A_168] : memref<1000000xf32, #tpu.memory_space<hbm>> -> memref<1000000xf32, #tpu.memory_space<hbm>>
    tpu.enqueue_indirect_dma source(%dma_start3A_169 : memref<1000000xf32, #tpu.memory_space<hbm>>) target(%dma_start3A_165 : memref<512xf32, #tpu.memory_space<vmem>>) offsets(%arg12 : memref<512xi32, #tpu.memory_space<vmem>>) semaphore(%arg21 : memref<!tpu.dma_semaphore, #tpu.memory_space<semaphore_mem>>)
    %dma_start3A_170 = arith.constant 5 : i32
    %dma_start3A_171 = arith.constant 0 : i32
    %dma_start3A_172 = tpu.memref_slice %arg14[%dma_start3A_170, %dma_start3A_171] : memref<16x512xf32, #tpu.memory_space<vmem>> -> memref<1x512xf32, #tpu.memory_space<vmem>>
    %dma_start3A_173 = tpu.memref_squeeze %dma_start3A_172 : memref<1x512xf32, #tpu.memory_space<vmem>> -> memref<512xf32, #tpu.memory_space<vmem>>
    %dma_start3A_174 = arith.constant 5000000 : i32
    %dma_start3A_175 = tpu.memref_slice %arg5[%dma_start3A_174] : memref<16000000xf32, #tpu.memory_space<hbm>> -> memref<1000000xf32, #tpu.memory_space<hbm>>
    %dma_start3A_176 = arith.constant 0 : i32
    %dma_start3A_177 = tpu.memref_slice %dma_start3A_175[%dma_start3A_176] : memref<1000000xf32, #tpu.memory_space<hbm>> -> memref<1000000xf32, #tpu.memory_space<hbm>>
    tpu.enqueue_indirect_dma source(%dma_start3A_177 : memref<1000000xf32, #tpu.memory_space<hbm>>) target(%dma_start3A_173 : memref<512xf32, #tpu.memory_space<vmem>>) offsets(%arg12 : memref<512xi32, #tpu.memory_space<vmem>>) semaphore(%arg21 : memref<!tpu.dma_semaphore, #tpu.memory_space<semaphore_mem>>)
    %dma_start3A_178 = arith.constant 6 : i32
    %dma_start3A_179 = arith.constant 0 : i32
    %dma_start3A_180 = tpu.memref_slice %arg14[%dma_start3A_178, %dma_start3A_179] : memref<16x512xf32, #tpu.memory_space<vmem>> -> memref<1x512xf32, #tpu.memory_space<vmem>>
    %dma_start3A_181 = tpu.memref_squeeze %dma_start3A_180 : memref<1x512xf32, #tpu.memory_space<vmem>> -> memref<512xf32, #tpu.memory_space<vmem>>
    %dma_start3A_182 = arith.constant 6000000 : i32
    %dma_start3A_183 = tpu.memref_slice %arg5[%dma_start3A_182] : memref<16000000xf32, #tpu.memory_space<hbm>> -> memref<1000000xf32, #tpu.memory_space<hbm>>
    %dma_start3A_184 = arith.constant 0 : i32
    %dma_start3A_185 = tpu.memref_slice %dma_start3A_183[%dma_start3A_184] : memref<1000000xf32, #tpu.memory_space<hbm>> -> memref<1000000xf32, #tpu.memory_space<hbm>>
    tpu.enqueue_indirect_dma source(%dma_start3A_185 : memref<1000000xf32, #tpu.memory_space<hbm>>) target(%dma_start3A_181 : memref<512xf32, #tpu.memory_space<vmem>>) offsets(%arg12 : memref<512xi32, #tpu.memory_space<vmem>>) semaphore(%arg21 : memref<!tpu.dma_semaphore, #tpu.memory_space<semaphore_mem>>)
    %dma_start3A_186 = arith.constant 7 : i32
    %dma_start3A_187 = arith.constant 0 : i32
    %dma_start3A_188 = tpu.memref_slice %arg14[%dma_start3A_186, %dma_start3A_187] : memref<16x512xf32, #tpu.memory_space<vmem>> -> memref<1x512xf32, #tpu.memory_space<vmem>>
    %dma_start3A_189 = tpu.memref_squeeze %dma_start3A_188 : memref<1x512xf32, #tpu.memory_space<vmem>> -> memref<512xf32, #tpu.memory_space<vmem>>
    %dma_start3A_190 = arith.constant 7000000 : i32
    %dma_start3A_191 = tpu.memref_slice %arg5[%dma_start3A_190] : memref<16000000xf32, #tpu.memory_space<hbm>> -> memref<1000000xf32, #tpu.memory_space<hbm>>
    %dma_start3A_192 = arith.constant 0 : i32
    %dma_start3A_193 = tpu.memref_slice %dma_start3A_191[%dma_start3A_192] : memref<1000000xf32, #tpu.memory_space<hbm>> -> memref<1000000xf32, #tpu.memory_space<hbm>>
    tpu.enqueue_indirect_dma source(%dma_start3A_193 : memref<1000000xf32, #tpu.memory_space<hbm>>) target(%dma_start3A_189 : memref<512xf32, #tpu.memory_space<vmem>>) offsets(%arg12 : memref<512xi32, #tpu.memory_space<vmem>>) semaphore(%arg21 : memref<!tpu.dma_semaphore, #tpu.memory_space<semaphore_mem>>)
    %dma_start3A_194 = arith.constant 8 : i32
    %dma_start3A_195 = arith.constant 0 : i32
    %dma_start3A_196 = tpu.memref_slice %arg14[%dma_start3A_194, %dma_start3A_195] : memref<16x512xf32, #tpu.memory_space<vmem>> -> memref<1x512xf32, #tpu.memory_space<vmem>>
    %dma_start3A_197 = tpu.memref_squeeze %dma_start3A_196 : memref<1x512xf32, #tpu.memory_space<vmem>> -> memref<512xf32, #tpu.memory_space<vmem>>
    %dma_start3A_198 = arith.constant 8000000 : i32
    %dma_start3A_199 = tpu.memref_slice %arg5[%dma_start3A_198] : memref<16000000xf32, #tpu.memory_space<hbm>> -> memref<1000000xf32, #tpu.memory_space<hbm>>
    %dma_start3A_200 = arith.constant 0 : i32
    %dma_start3A_201 = tpu.memref_slice %dma_start3A_199[%dma_start3A_200] : memref<1000000xf32, #tpu.memory_space<hbm>> -> memref<1000000xf32, #tpu.memory_space<hbm>>
    tpu.enqueue_indirect_dma source(%dma_start3A_201 : memref<1000000xf32, #tpu.memory_space<hbm>>) target(%dma_start3A_197 : memref<512xf32, #tpu.memory_space<vmem>>) offsets(%arg12 : memref<512xi32, #tpu.memory_space<vmem>>) semaphore(%arg21 : memref<!tpu.dma_semaphore, #tpu.memory_space<semaphore_mem>>)
    %dma_start3A_202 = arith.constant 9 : i32
    %dma_start3A_203 = arith.constant 0 : i32
    %dma_start3A_204 = tpu.memref_slice %arg14[%dma_start3A_202, %dma_start3A_203] : memref<16x512xf32, #tpu.memory_space<vmem>> -> memref<1x512xf32, #tpu.memory_space<vmem>>
    %dma_start3A_205 = tpu.memref_squeeze %dma_start3A_204 : memref<1x512xf32, #tpu.memory_space<vmem>> -> memref<512xf32, #tpu.memory_space<vmem>>
    %dma_start3A_206 = arith.constant 9000000 : i32
    %dma_start3A_207 = tpu.memref_slice %arg5[%dma_start3A_206] : memref<16000000xf32, #tpu.memory_space<hbm>> -> memref<1000000xf32, #tpu.memory_space<hbm>>
    %dma_start3A_208 = arith.constant 0 : i32
    %dma_start3A_209 = tpu.memref_slice %dma_start3A_207[%dma_start3A_208] : memref<1000000xf32, #tpu.memory_space<hbm>> -> memref<1000000xf32, #tpu.memory_space<hbm>>
    tpu.enqueue_indirect_dma source(%dma_start3A_209 : memref<1000000xf32, #tpu.memory_space<hbm>>) target(%dma_start3A_205 : memref<512xf32, #tpu.memory_space<vmem>>) offsets(%arg12 : memref<512xi32, #tpu.memory_space<vmem>>) semaphore(%arg21 : memref<!tpu.dma_semaphore, #tpu.memory_space<semaphore_mem>>)
    %dma_start3A_210 = arith.constant 10 : i32
    %dma_start3A_211 = arith.constant 0 : i32
    %dma_start3A_212 = tpu.memref_slice %arg14[%dma_start3A_210, %dma_start3A_211] : memref<16x512xf32, #tpu.memory_space<vmem>> -> memref<1x512xf32, #tpu.memory_space<vmem>>
    %dma_start3A_213 = tpu.memref_squeeze %dma_start3A_212 : memref<1x512xf32, #tpu.memory_space<vmem>> -> memref<512xf32, #tpu.memory_space<vmem>>
    %dma_start3A_214 = arith.constant 10000000 : i32
    %dma_start3A_215 = tpu.memref_slice %arg5[%dma_start3A_214] : memref<16000000xf32, #tpu.memory_space<hbm>> -> memref<1000000xf32, #tpu.memory_space<hbm>>
    %dma_start3A_216 = arith.constant 0 : i32
    %dma_start3A_217 = tpu.memref_slice %dma_start3A_215[%dma_start3A_216] : memref<1000000xf32, #tpu.memory_space<hbm>> -> memref<1000000xf32, #tpu.memory_space<hbm>>
    tpu.enqueue_indirect_dma source(%dma_start3A_217 : memref<1000000xf32, #tpu.memory_space<hbm>>) target(%dma_start3A_213 : memref<512xf32, #tpu.memory_space<vmem>>) offsets(%arg12 : memref<512xi32, #tpu.memory_space<vmem>>) semaphore(%arg21 : memref<!tpu.dma_semaphore, #tpu.memory_space<semaphore_mem>>)
    %dma_start3A_218 = arith.constant 11 : i32
    %dma_start3A_219 = arith.constant 0 : i32
    %dma_start3A_220 = tpu.memref_slice %arg14[%dma_start3A_218, %dma_start3A_219] : memref<16x512xf32, #tpu.memory_space<vmem>> -> memref<1x512xf32, #tpu.memory_space<vmem>>
    %dma_start3A_221 = tpu.memref_squeeze %dma_start3A_220 : memref<1x512xf32, #tpu.memory_space<vmem>> -> memref<512xf32, #tpu.memory_space<vmem>>
    %dma_start3A_222 = arith.constant 11000000 : i32
    %dma_start3A_223 = tpu.memref_slice %arg5[%dma_start3A_222] : memref<16000000xf32, #tpu.memory_space<hbm>> -> memref<1000000xf32, #tpu.memory_space<hbm>>
    %dma_start3A_224 = arith.constant 0 : i32
    %dma_start3A_225 = tpu.memref_slice %dma_start3A_223[%dma_start3A_224] : memref<1000000xf32, #tpu.memory_space<hbm>> -> memref<1000000xf32, #tpu.memory_space<hbm>>
    tpu.enqueue_indirect_dma source(%dma_start3A_225 : memref<1000000xf32, #tpu.memory_space<hbm>>) target(%dma_start3A_221 : memref<512xf32, #tpu.memory_space<vmem>>) offsets(%arg12 : memref<512xi32, #tpu.memory_space<vmem>>) semaphore(%arg21 : memref<!tpu.dma_semaphore, #tpu.memory_space<semaphore_mem>>)
    %dma_start3A_226 = arith.constant 12 : i32
    %dma_start3A_227 = arith.constant 0 : i32
    %dma_start3A_228 = tpu.memref_slice %arg14[%dma_start3A_226, %dma_start3A_227] : memref<16x512xf32, #tpu.memory_space<vmem>> -> memref<1x512xf32, #tpu.memory_space<vmem>>
    %dma_start3A_229 = tpu.memref_squeeze %dma_start3A_228 : memref<1x512xf32, #tpu.memory_space<vmem>> -> memref<512xf32, #tpu.memory_space<vmem>>
    %dma_start3A_230 = arith.constant 12000000 : i32
    %dma_start3A_231 = tpu.memref_slice %arg5[%dma_start3A_230] : memref<16000000xf32, #tpu.memory_space<hbm>> -> memref<1000000xf32, #tpu.memory_space<hbm>>
    %dma_start3A_232 = arith.constant 0 : i32
    %dma_start3A_233 = tpu.memref_slice %dma_start3A_231[%dma_start3A_232] : memref<1000000xf32, #tpu.memory_space<hbm>> -> memref<1000000xf32, #tpu.memory_space<hbm>>
    tpu.enqueue_indirect_dma source(%dma_start3A_233 : memref<1000000xf32, #tpu.memory_space<hbm>>) target(%dma_start3A_229 : memref<512xf32, #tpu.memory_space<vmem>>) offsets(%arg12 : memref<512xi32, #tpu.memory_space<vmem>>) semaphore(%arg21 : memref<!tpu.dma_semaphore, #tpu.memory_space<semaphore_mem>>)
    %dma_start3A_234 = arith.constant 13 : i32
    %dma_start3A_235 = arith.constant 0 : i32
    %dma_start3A_236 = tpu.memref_slice %arg14[%dma_start3A_234, %dma_start3A_235] : memref<16x512xf32, #tpu.memory_space<vmem>> -> memref<1x512xf32, #tpu.memory_space<vmem>>
    %dma_start3A_237 = tpu.memref_squeeze %dma_start3A_236 : memref<1x512xf32, #tpu.memory_space<vmem>> -> memref<512xf32, #tpu.memory_space<vmem>>
    %dma_start3A_238 = arith.constant 13000000 : i32
    %dma_start3A_239 = tpu.memref_slice %arg5[%dma_start3A_238] : memref<16000000xf32, #tpu.memory_space<hbm>> -> memref<1000000xf32, #tpu.memory_space<hbm>>
    %dma_start3A_240 = arith.constant 0 : i32
    %dma_start3A_241 = tpu.memref_slice %dma_start3A_239[%dma_start3A_240] : memref<1000000xf32, #tpu.memory_space<hbm>> -> memref<1000000xf32, #tpu.memory_space<hbm>>
    tpu.enqueue_indirect_dma source(%dma_start3A_241 : memref<1000000xf32, #tpu.memory_space<hbm>>) target(%dma_start3A_237 : memref<512xf32, #tpu.memory_space<vmem>>) offsets(%arg12 : memref<512xi32, #tpu.memory_space<vmem>>) semaphore(%arg21 : memref<!tpu.dma_semaphore, #tpu.memory_space<semaphore_mem>>)
    %dma_start3A_242 = arith.constant 14 : i32
    %dma_start3A_243 = arith.constant 0 : i32
    %dma_start3A_244 = tpu.memref_slice %arg14[%dma_start3A_242, %dma_start3A_243] : memref<16x512xf32, #tpu.memory_space<vmem>> -> memref<1x512xf32, #tpu.memory_space<vmem>>
    %dma_start3A_245 = tpu.memref_squeeze %dma_start3A_244 : memref<1x512xf32, #tpu.memory_space<vmem>> -> memref<512xf32, #tpu.memory_space<vmem>>
    %dma_start3A_246 = arith.constant 14000000 : i32
    %dma_start3A_247 = tpu.memref_slice %arg5[%dma_start3A_246] : memref<16000000xf32, #tpu.memory_space<hbm>> -> memref<1000000xf32, #tpu.memory_space<hbm>>
    %dma_start3A_248 = arith.constant 0 : i32
    %dma_start3A_249 = tpu.memref_slice %dma_start3A_247[%dma_start3A_248] : memref<1000000xf32, #tpu.memory_space<hbm>> -> memref<1000000xf32, #tpu.memory_space<hbm>>
    tpu.enqueue_indirect_dma source(%dma_start3A_249 : memref<1000000xf32, #tpu.memory_space<hbm>>) target(%dma_start3A_245 : memref<512xf32, #tpu.memory_space<vmem>>) offsets(%arg12 : memref<512xi32, #tpu.memory_space<vmem>>) semaphore(%arg21 : memref<!tpu.dma_semaphore, #tpu.memory_space<semaphore_mem>>)
    %dma_start3A_250 = arith.constant 15 : i32
    %dma_start3A_251 = arith.constant 0 : i32
    %dma_start3A_252 = tpu.memref_slice %arg14[%dma_start3A_250, %dma_start3A_251] : memref<16x512xf32, #tpu.memory_space<vmem>> -> memref<1x512xf32, #tpu.memory_space<vmem>>
    %dma_start3A_253 = tpu.memref_squeeze %dma_start3A_252 : memref<1x512xf32, #tpu.memory_space<vmem>> -> memref<512xf32, #tpu.memory_space<vmem>>
    %dma_start3A_254 = arith.constant 15000000 : i32
    %dma_start3A_255 = tpu.memref_slice %arg5[%dma_start3A_254] : memref<16000000xf32, #tpu.memory_space<hbm>> -> memref<1000000xf32, #tpu.memory_space<hbm>>
    %dma_start3A_256 = arith.constant 0 : i32
    %dma_start3A_257 = tpu.memref_slice %dma_start3A_255[%dma_start3A_256] : memref<1000000xf32, #tpu.memory_space<hbm>> -> memref<1000000xf32, #tpu.memory_space<hbm>>
    tpu.enqueue_indirect_dma source(%dma_start3A_257 : memref<1000000xf32, #tpu.memory_space<hbm>>) target(%dma_start3A_253 : memref<512xf32, #tpu.memory_space<vmem>>) offsets(%arg12 : memref<512xi32, #tpu.memory_space<vmem>>) semaphore(%arg21 : memref<!tpu.dma_semaphore, #tpu.memory_space<semaphore_mem>>)
    "tpu.region"() ({
      %run_scoped3A = tpu.sem_alloc : memref<!tpu.dma_semaphore, #tpu.memory_space<semaphore_mem>>
      tpu.enqueue_dma source(%arg8 : memref<16xf32, #tpu.memory_space<hbm>>) target(%arg18 : memref<16xf32, #tpu.memory_space<vmem>>) target_semaphore(%run_scoped3A : memref<!tpu.dma_semaphore, #tpu.memory_space<semaphore_mem>>)
      tpu.wait_dma2 semaphore(%run_scoped3A : memref<!tpu.dma_semaphore, #tpu.memory_space<semaphore_mem>>) src(%arg8 : memref<16xf32, #tpu.memory_space<hbm>>) dst(%arg18 : memref<16xf32, #tpu.memory_space<vmem>>)
      tpu.yield
    }) : () -> ()
    "tpu.region"() ({
      %run_scoped3A = tpu.sem_alloc : memref<!tpu.dma_semaphore, #tpu.memory_space<semaphore_mem>>
      tpu.enqueue_dma source(%arg9 : memref<16xf32, #tpu.memory_space<hbm>>) target(%arg19 : memref<16xf32, #tpu.memory_space<vmem>>) target_semaphore(%run_scoped3A : memref<!tpu.dma_semaphore, #tpu.memory_space<semaphore_mem>>)
      tpu.wait_dma2 semaphore(%run_scoped3A : memref<!tpu.dma_semaphore, #tpu.memory_space<semaphore_mem>>) src(%arg9 : memref<16xf32, #tpu.memory_space<hbm>>) dst(%arg19 : memref<16xf32, #tpu.memory_space<vmem>>)
      tpu.yield
    }) : () -> ()
    "tpu.region"() ({
      %run_scoped3A = tpu.sem_alloc : memref<!tpu.dma_semaphore, #tpu.memory_space<semaphore_mem>>
      tpu.enqueue_dma source(%arg6 : memref<1024xf32, #tpu.memory_space<hbm>>) target(%arg15 : memref<1024xf32, #tpu.memory_space<vmem>>) target_semaphore(%run_scoped3A : memref<!tpu.dma_semaphore, #tpu.memory_space<semaphore_mem>>)
      tpu.wait_dma2 semaphore(%run_scoped3A : memref<!tpu.dma_semaphore, #tpu.memory_space<semaphore_mem>>) src(%arg6 : memref<1024xf32, #tpu.memory_space<hbm>>) dst(%arg15 : memref<1024xf32, #tpu.memory_space<vmem>>)
      tpu.yield
    }) : () -> ()
    "tpu.region"() ({
      %run_scoped3A = tpu.sem_alloc : memref<!tpu.dma_semaphore, #tpu.memory_space<semaphore_mem>>
      tpu.enqueue_dma source(%arg7 : memref<1024xf32, #tpu.memory_space<hbm>>) target(%arg16 : memref<1024xf32, #tpu.memory_space<vmem>>) target_semaphore(%run_scoped3A : memref<!tpu.dma_semaphore, #tpu.memory_space<semaphore_mem>>)
      tpu.wait_dma2 semaphore(%run_scoped3A : memref<!tpu.dma_semaphore, #tpu.memory_space<semaphore_mem>>) src(%arg7 : memref<1024xf32, #tpu.memory_space<hbm>>) dst(%arg16 : memref<1024xf32, #tpu.memory_space<vmem>>)
      tpu.yield
    }) : () -> ()
    %dma_wait3A = arith.constant 0 : i32
    %dma_wait3A_258 = arith.constant 0 : i32
    %dma_wait3A_259 = tpu.memref_slice %arg13[%dma_wait3A, %dma_wait3A_258] : memref<16x512xf32, #tpu.memory_space<vmem>> -> memref<1x512xf32, #tpu.memory_space<vmem>>
    %dma_wait3A_260 = tpu.memref_squeeze %dma_wait3A_259 : memref<1x512xf32, #tpu.memory_space<vmem>> -> memref<512xf32, #tpu.memory_space<vmem>>
    %dma_wait3A_261 = arith.constant 0 : i32
    %dma_wait3A_262 = tpu.memref_slice %arg4[%dma_wait3A_261] : memref<16000000xf32, #tpu.memory_space<hbm>> -> memref<1000000xf32, #tpu.memory_space<hbm>>
    %dma_wait3A_263 = arith.constant 0 : i32
    %dma_wait3A_264 = tpu.memref_slice %dma_wait3A_262[%dma_wait3A_263] : memref<1000000xf32, #tpu.memory_space<hbm>> -> memref<1000000xf32, #tpu.memory_space<hbm>>
    tpu.wait_indirect_dma semaphore(%arg20 : memref<!tpu.dma_semaphore, #tpu.memory_space<semaphore_mem>>) src(%dma_wait3A_264 : memref<1000000xf32, #tpu.memory_space<hbm>>) dst(%dma_wait3A_260 : memref<512xf32, #tpu.memory_space<vmem>>)
    %dma_wait3A_265 = arith.constant 1 : i32
    %dma_wait3A_266 = arith.constant 0 : i32
    %dma_wait3A_267 = tpu.memref_slice %arg13[%dma_wait3A_265, %dma_wait3A_266] : memref<16x512xf32, #tpu.memory_space<vmem>> -> memref<1x512xf32, #tpu.memory_space<vmem>>
    %dma_wait3A_268 = tpu.memref_squeeze %dma_wait3A_267 : memref<1x512xf32, #tpu.memory_space<vmem>> -> memref<512xf32, #tpu.memory_space<vmem>>
    %dma_wait3A_269 = arith.constant 1000000 : i32
    %dma_wait3A_270 = tpu.memref_slice %arg4[%dma_wait3A_269] : memref<16000000xf32, #tpu.memory_space<hbm>> -> memref<1000000xf32, #tpu.memory_space<hbm>>
    %dma_wait3A_271 = arith.constant 0 : i32
    %dma_wait3A_272 = tpu.memref_slice %dma_wait3A_270[%dma_wait3A_271] : memref<1000000xf32, #tpu.memory_space<hbm>> -> memref<1000000xf32, #tpu.memory_space<hbm>>
    tpu.wait_indirect_dma semaphore(%arg20 : memref<!tpu.dma_semaphore, #tpu.memory_space<semaphore_mem>>) src(%dma_wait3A_272 : memref<1000000xf32, #tpu.memory_space<hbm>>) dst(%dma_wait3A_268 : memref<512xf32, #tpu.memory_space<vmem>>)
    %dma_wait3A_273 = arith.constant 2 : i32
    %dma_wait3A_274 = arith.constant 0 : i32
    %dma_wait3A_275 = tpu.memref_slice %arg13[%dma_wait3A_273, %dma_wait3A_274] : memref<16x512xf32, #tpu.memory_space<vmem>> -> memref<1x512xf32, #tpu.memory_space<vmem>>
    %dma_wait3A_276 = tpu.memref_squeeze %dma_wait3A_275 : memref<1x512xf32, #tpu.memory_space<vmem>> -> memref<512xf32, #tpu.memory_space<vmem>>
    %dma_wait3A_277 = arith.constant 2000000 : i32
    %dma_wait3A_278 = tpu.memref_slice %arg4[%dma_wait3A_277] : memref<16000000xf32, #tpu.memory_space<hbm>> -> memref<1000000xf32, #tpu.memory_space<hbm>>
    %dma_wait3A_279 = arith.constant 0 : i32
    %dma_wait3A_280 = tpu.memref_slice %dma_wait3A_278[%dma_wait3A_279] : memref<1000000xf32, #tpu.memory_space<hbm>> -> memref<1000000xf32, #tpu.memory_space<hbm>>
    tpu.wait_indirect_dma semaphore(%arg20 : memref<!tpu.dma_semaphore, #tpu.memory_space<semaphore_mem>>) src(%dma_wait3A_280 : memref<1000000xf32, #tpu.memory_space<hbm>>) dst(%dma_wait3A_276 : memref<512xf32, #tpu.memory_space<vmem>>)
    %dma_wait3A_281 = arith.constant 3 : i32
    %dma_wait3A_282 = arith.constant 0 : i32
    %dma_wait3A_283 = tpu.memref_slice %arg13[%dma_wait3A_281, %dma_wait3A_282] : memref<16x512xf32, #tpu.memory_space<vmem>> -> memref<1x512xf32, #tpu.memory_space<vmem>>
    %dma_wait3A_284 = tpu.memref_squeeze %dma_wait3A_283 : memref<1x512xf32, #tpu.memory_space<vmem>> -> memref<512xf32, #tpu.memory_space<vmem>>
    %dma_wait3A_285 = arith.constant 3000000 : i32
    %dma_wait3A_286 = tpu.memref_slice %arg4[%dma_wait3A_285] : memref<16000000xf32, #tpu.memory_space<hbm>> -> memref<1000000xf32, #tpu.memory_space<hbm>>
    %dma_wait3A_287 = arith.constant 0 : i32
    %dma_wait3A_288 = tpu.memref_slice %dma_wait3A_286[%dma_wait3A_287] : memref<1000000xf32, #tpu.memory_space<hbm>> -> memref<1000000xf32, #tpu.memory_space<hbm>>
    tpu.wait_indirect_dma semaphore(%arg20 : memref<!tpu.dma_semaphore, #tpu.memory_space<semaphore_mem>>) src(%dma_wait3A_288 : memref<1000000xf32, #tpu.memory_space<hbm>>) dst(%dma_wait3A_284 : memref<512xf32, #tpu.memory_space<vmem>>)
    %dma_wait3A_289 = arith.constant 4 : i32
    %dma_wait3A_290 = arith.constant 0 : i32
    %dma_wait3A_291 = tpu.memref_slice %arg13[%dma_wait3A_289, %dma_wait3A_290] : memref<16x512xf32, #tpu.memory_space<vmem>> -> memref<1x512xf32, #tpu.memory_space<vmem>>
    %dma_wait3A_292 = tpu.memref_squeeze %dma_wait3A_291 : memref<1x512xf32, #tpu.memory_space<vmem>> -> memref<512xf32, #tpu.memory_space<vmem>>
    %dma_wait3A_293 = arith.constant 4000000 : i32
    %dma_wait3A_294 = tpu.memref_slice %arg4[%dma_wait3A_293] : memref<16000000xf32, #tpu.memory_space<hbm>> -> memref<1000000xf32, #tpu.memory_space<hbm>>
    %dma_wait3A_295 = arith.constant 0 : i32
    %dma_wait3A_296 = tpu.memref_slice %dma_wait3A_294[%dma_wait3A_295] : memref<1000000xf32, #tpu.memory_space<hbm>> -> memref<1000000xf32, #tpu.memory_space<hbm>>
    tpu.wait_indirect_dma semaphore(%arg20 : memref<!tpu.dma_semaphore, #tpu.memory_space<semaphore_mem>>) src(%dma_wait3A_296 : memref<1000000xf32, #tpu.memory_space<hbm>>) dst(%dma_wait3A_292 : memref<512xf32, #tpu.memory_space<vmem>>)
    %dma_wait3A_297 = arith.constant 5 : i32
    %dma_wait3A_298 = arith.constant 0 : i32
    %dma_wait3A_299 = tpu.memref_slice %arg13[%dma_wait3A_297, %dma_wait3A_298] : memref<16x512xf32, #tpu.memory_space<vmem>> -> memref<1x512xf32, #tpu.memory_space<vmem>>
    %dma_wait3A_300 = tpu.memref_squeeze %dma_wait3A_299 : memref<1x512xf32, #tpu.memory_space<vmem>> -> memref<512xf32, #tpu.memory_space<vmem>>
    %dma_wait3A_301 = arith.constant 5000000 : i32
    %dma_wait3A_302 = tpu.memref_slice %arg4[%dma_wait3A_301] : memref<16000000xf32, #tpu.memory_space<hbm>> -> memref<1000000xf32, #tpu.memory_space<hbm>>
    %dma_wait3A_303 = arith.constant 0 : i32
    %dma_wait3A_304 = tpu.memref_slice %dma_wait3A_302[%dma_wait3A_303] : memref<1000000xf32, #tpu.memory_space<hbm>> -> memref<1000000xf32, #tpu.memory_space<hbm>>
    tpu.wait_indirect_dma semaphore(%arg20 : memref<!tpu.dma_semaphore, #tpu.memory_space<semaphore_mem>>) src(%dma_wait3A_304 : memref<1000000xf32, #tpu.memory_space<hbm>>) dst(%dma_wait3A_300 : memref<512xf32, #tpu.memory_space<vmem>>)
    %dma_wait3A_305 = arith.constant 6 : i32
    %dma_wait3A_306 = arith.constant 0 : i32
    %dma_wait3A_307 = tpu.memref_slice %arg13[%dma_wait3A_305, %dma_wait3A_306] : memref<16x512xf32, #tpu.memory_space<vmem>> -> memref<1x512xf32, #tpu.memory_space<vmem>>
    %dma_wait3A_308 = tpu.memref_squeeze %dma_wait3A_307 : memref<1x512xf32, #tpu.memory_space<vmem>> -> memref<512xf32, #tpu.memory_space<vmem>>
    %dma_wait3A_309 = arith.constant 6000000 : i32
    %dma_wait3A_310 = tpu.memref_slice %arg4[%dma_wait3A_309] : memref<16000000xf32, #tpu.memory_space<hbm>> -> memref<1000000xf32, #tpu.memory_space<hbm>>
    %dma_wait3A_311 = arith.constant 0 : i32
    %dma_wait3A_312 = tpu.memref_slice %dma_wait3A_310[%dma_wait3A_311] : memref<1000000xf32, #tpu.memory_space<hbm>> -> memref<1000000xf32, #tpu.memory_space<hbm>>
    tpu.wait_indirect_dma semaphore(%arg20 : memref<!tpu.dma_semaphore, #tpu.memory_space<semaphore_mem>>) src(%dma_wait3A_312 : memref<1000000xf32, #tpu.memory_space<hbm>>) dst(%dma_wait3A_308 : memref<512xf32, #tpu.memory_space<vmem>>)
    %dma_wait3A_313 = arith.constant 7 : i32
    %dma_wait3A_314 = arith.constant 0 : i32
    %dma_wait3A_315 = tpu.memref_slice %arg13[%dma_wait3A_313, %dma_wait3A_314] : memref<16x512xf32, #tpu.memory_space<vmem>> -> memref<1x512xf32, #tpu.memory_space<vmem>>
    %dma_wait3A_316 = tpu.memref_squeeze %dma_wait3A_315 : memref<1x512xf32, #tpu.memory_space<vmem>> -> memref<512xf32, #tpu.memory_space<vmem>>
    %dma_wait3A_317 = arith.constant 7000000 : i32
    %dma_wait3A_318 = tpu.memref_slice %arg4[%dma_wait3A_317] : memref<16000000xf32, #tpu.memory_space<hbm>> -> memref<1000000xf32, #tpu.memory_space<hbm>>
    %dma_wait3A_319 = arith.constant 0 : i32
    %dma_wait3A_320 = tpu.memref_slice %dma_wait3A_318[%dma_wait3A_319] : memref<1000000xf32, #tpu.memory_space<hbm>> -> memref<1000000xf32, #tpu.memory_space<hbm>>
    tpu.wait_indirect_dma semaphore(%arg20 : memref<!tpu.dma_semaphore, #tpu.memory_space<semaphore_mem>>) src(%dma_wait3A_320 : memref<1000000xf32, #tpu.memory_space<hbm>>) dst(%dma_wait3A_316 : memref<512xf32, #tpu.memory_space<vmem>>)
    %dma_wait3A_321 = arith.constant 8 : i32
    %dma_wait3A_322 = arith.constant 0 : i32
    %dma_wait3A_323 = tpu.memref_slice %arg13[%dma_wait3A_321, %dma_wait3A_322] : memref<16x512xf32, #tpu.memory_space<vmem>> -> memref<1x512xf32, #tpu.memory_space<vmem>>
    %dma_wait3A_324 = tpu.memref_squeeze %dma_wait3A_323 : memref<1x512xf32, #tpu.memory_space<vmem>> -> memref<512xf32, #tpu.memory_space<vmem>>
    %dma_wait3A_325 = arith.constant 8000000 : i32
    %dma_wait3A_326 = tpu.memref_slice %arg4[%dma_wait3A_325] : memref<16000000xf32, #tpu.memory_space<hbm>> -> memref<1000000xf32, #tpu.memory_space<hbm>>
    %dma_wait3A_327 = arith.constant 0 : i32
    %dma_wait3A_328 = tpu.memref_slice %dma_wait3A_326[%dma_wait3A_327] : memref<1000000xf32, #tpu.memory_space<hbm>> -> memref<1000000xf32, #tpu.memory_space<hbm>>
    tpu.wait_indirect_dma semaphore(%arg20 : memref<!tpu.dma_semaphore, #tpu.memory_space<semaphore_mem>>) src(%dma_wait3A_328 : memref<1000000xf32, #tpu.memory_space<hbm>>) dst(%dma_wait3A_324 : memref<512xf32, #tpu.memory_space<vmem>>)
    %dma_wait3A_329 = arith.constant 9 : i32
    %dma_wait3A_330 = arith.constant 0 : i32
    %dma_wait3A_331 = tpu.memref_slice %arg13[%dma_wait3A_329, %dma_wait3A_330] : memref<16x512xf32, #tpu.memory_space<vmem>> -> memref<1x512xf32, #tpu.memory_space<vmem>>
    %dma_wait3A_332 = tpu.memref_squeeze %dma_wait3A_331 : memref<1x512xf32, #tpu.memory_space<vmem>> -> memref<512xf32, #tpu.memory_space<vmem>>
    %dma_wait3A_333 = arith.constant 9000000 : i32
    %dma_wait3A_334 = tpu.memref_slice %arg4[%dma_wait3A_333] : memref<16000000xf32, #tpu.memory_space<hbm>> -> memref<1000000xf32, #tpu.memory_space<hbm>>
    %dma_wait3A_335 = arith.constant 0 : i32
    %dma_wait3A_336 = tpu.memref_slice %dma_wait3A_334[%dma_wait3A_335] : memref<1000000xf32, #tpu.memory_space<hbm>> -> memref<1000000xf32, #tpu.memory_space<hbm>>
    tpu.wait_indirect_dma semaphore(%arg20 : memref<!tpu.dma_semaphore, #tpu.memory_space<semaphore_mem>>) src(%dma_wait3A_336 : memref<1000000xf32, #tpu.memory_space<hbm>>) dst(%dma_wait3A_332 : memref<512xf32, #tpu.memory_space<vmem>>)
    %dma_wait3A_337 = arith.constant 10 : i32
    %dma_wait3A_338 = arith.constant 0 : i32
    %dma_wait3A_339 = tpu.memref_slice %arg13[%dma_wait3A_337, %dma_wait3A_338] : memref<16x512xf32, #tpu.memory_space<vmem>> -> memref<1x512xf32, #tpu.memory_space<vmem>>
    %dma_wait3A_340 = tpu.memref_squeeze %dma_wait3A_339 : memref<1x512xf32, #tpu.memory_space<vmem>> -> memref<512xf32, #tpu.memory_space<vmem>>
    %dma_wait3A_341 = arith.constant 10000000 : i32
    %dma_wait3A_342 = tpu.memref_slice %arg4[%dma_wait3A_341] : memref<16000000xf32, #tpu.memory_space<hbm>> -> memref<1000000xf32, #tpu.memory_space<hbm>>
    %dma_wait3A_343 = arith.constant 0 : i32
    %dma_wait3A_344 = tpu.memref_slice %dma_wait3A_342[%dma_wait3A_343] : memref<1000000xf32, #tpu.memory_space<hbm>> -> memref<1000000xf32, #tpu.memory_space<hbm>>
    tpu.wait_indirect_dma semaphore(%arg20 : memref<!tpu.dma_semaphore, #tpu.memory_space<semaphore_mem>>) src(%dma_wait3A_344 : memref<1000000xf32, #tpu.memory_space<hbm>>) dst(%dma_wait3A_340 : memref<512xf32, #tpu.memory_space<vmem>>)
    %dma_wait3A_345 = arith.constant 11 : i32
    %dma_wait3A_346 = arith.constant 0 : i32
    %dma_wait3A_347 = tpu.memref_slice %arg13[%dma_wait3A_345, %dma_wait3A_346] : memref<16x512xf32, #tpu.memory_space<vmem>> -> memref<1x512xf32, #tpu.memory_space<vmem>>
    %dma_wait3A_348 = tpu.memref_squeeze %dma_wait3A_347 : memref<1x512xf32, #tpu.memory_space<vmem>> -> memref<512xf32, #tpu.memory_space<vmem>>
    %dma_wait3A_349 = arith.constant 11000000 : i32
    %dma_wait3A_350 = tpu.memref_slice %arg4[%dma_wait3A_349] : memref<16000000xf32, #tpu.memory_space<hbm>> -> memref<1000000xf32, #tpu.memory_space<hbm>>
    %dma_wait3A_351 = arith.constant 0 : i32
    %dma_wait3A_352 = tpu.memref_slice %dma_wait3A_350[%dma_wait3A_351] : memref<1000000xf32, #tpu.memory_space<hbm>> -> memref<1000000xf32, #tpu.memory_space<hbm>>
    tpu.wait_indirect_dma semaphore(%arg20 : memref<!tpu.dma_semaphore, #tpu.memory_space<semaphore_mem>>) src(%dma_wait3A_352 : memref<1000000xf32, #tpu.memory_space<hbm>>) dst(%dma_wait3A_348 : memref<512xf32, #tpu.memory_space<vmem>>)
    %dma_wait3A_353 = arith.constant 12 : i32
    %dma_wait3A_354 = arith.constant 0 : i32
    %dma_wait3A_355 = tpu.memref_slice %arg13[%dma_wait3A_353, %dma_wait3A_354] : memref<16x512xf32, #tpu.memory_space<vmem>> -> memref<1x512xf32, #tpu.memory_space<vmem>>
    %dma_wait3A_356 = tpu.memref_squeeze %dma_wait3A_355 : memref<1x512xf32, #tpu.memory_space<vmem>> -> memref<512xf32, #tpu.memory_space<vmem>>
    %dma_wait3A_357 = arith.constant 12000000 : i32
    %dma_wait3A_358 = tpu.memref_slice %arg4[%dma_wait3A_357] : memref<16000000xf32, #tpu.memory_space<hbm>> -> memref<1000000xf32, #tpu.memory_space<hbm>>
    %dma_wait3A_359 = arith.constant 0 : i32
    %dma_wait3A_360 = tpu.memref_slice %dma_wait3A_358[%dma_wait3A_359] : memref<1000000xf32, #tpu.memory_space<hbm>> -> memref<1000000xf32, #tpu.memory_space<hbm>>
    tpu.wait_indirect_dma semaphore(%arg20 : memref<!tpu.dma_semaphore, #tpu.memory_space<semaphore_mem>>) src(%dma_wait3A_360 : memref<1000000xf32, #tpu.memory_space<hbm>>) dst(%dma_wait3A_356 : memref<512xf32, #tpu.memory_space<vmem>>)
    %dma_wait3A_361 = arith.constant 13 : i32
    %dma_wait3A_362 = arith.constant 0 : i32
    %dma_wait3A_363 = tpu.memref_slice %arg13[%dma_wait3A_361, %dma_wait3A_362] : memref<16x512xf32, #tpu.memory_space<vmem>> -> memref<1x512xf32, #tpu.memory_space<vmem>>
    %dma_wait3A_364 = tpu.memref_squeeze %dma_wait3A_363 : memref<1x512xf32, #tpu.memory_space<vmem>> -> memref<512xf32, #tpu.memory_space<vmem>>
    %dma_wait3A_365 = arith.constant 13000000 : i32
    %dma_wait3A_366 = tpu.memref_slice %arg4[%dma_wait3A_365] : memref<16000000xf32, #tpu.memory_space<hbm>> -> memref<1000000xf32, #tpu.memory_space<hbm>>
    %dma_wait3A_367 = arith.constant 0 : i32
    %dma_wait3A_368 = tpu.memref_slice %dma_wait3A_366[%dma_wait3A_367] : memref<1000000xf32, #tpu.memory_space<hbm>> -> memref<1000000xf32, #tpu.memory_space<hbm>>
    tpu.wait_indirect_dma semaphore(%arg20 : memref<!tpu.dma_semaphore, #tpu.memory_space<semaphore_mem>>) src(%dma_wait3A_368 : memref<1000000xf32, #tpu.memory_space<hbm>>) dst(%dma_wait3A_364 : memref<512xf32, #tpu.memory_space<vmem>>)
    %dma_wait3A_369 = arith.constant 14 : i32
    %dma_wait3A_370 = arith.constant 0 : i32
    %dma_wait3A_371 = tpu.memref_slice %arg13[%dma_wait3A_369, %dma_wait3A_370] : memref<16x512xf32, #tpu.memory_space<vmem>> -> memref<1x512xf32, #tpu.memory_space<vmem>>
    %dma_wait3A_372 = tpu.memref_squeeze %dma_wait3A_371 : memref<1x512xf32, #tpu.memory_space<vmem>> -> memref<512xf32, #tpu.memory_space<vmem>>
    %dma_wait3A_373 = arith.constant 14000000 : i32
    %dma_wait3A_374 = tpu.memref_slice %arg4[%dma_wait3A_373] : memref<16000000xf32, #tpu.memory_space<hbm>> -> memref<1000000xf32, #tpu.memory_space<hbm>>
    %dma_wait3A_375 = arith.constant 0 : i32
    %dma_wait3A_376 = tpu.memref_slice %dma_wait3A_374[%dma_wait3A_375] : memref<1000000xf32, #tpu.memory_space<hbm>> -> memref<1000000xf32, #tpu.memory_space<hbm>>
    tpu.wait_indirect_dma semaphore(%arg20 : memref<!tpu.dma_semaphore, #tpu.memory_space<semaphore_mem>>) src(%dma_wait3A_376 : memref<1000000xf32, #tpu.memory_space<hbm>>) dst(%dma_wait3A_372 : memref<512xf32, #tpu.memory_space<vmem>>)
    %dma_wait3A_377 = arith.constant 15 : i32
    %dma_wait3A_378 = arith.constant 0 : i32
    %dma_wait3A_379 = tpu.memref_slice %arg13[%dma_wait3A_377, %dma_wait3A_378] : memref<16x512xf32, #tpu.memory_space<vmem>> -> memref<1x512xf32, #tpu.memory_space<vmem>>
    %dma_wait3A_380 = tpu.memref_squeeze %dma_wait3A_379 : memref<1x512xf32, #tpu.memory_space<vmem>> -> memref<512xf32, #tpu.memory_space<vmem>>
    %dma_wait3A_381 = arith.constant 15000000 : i32
    %dma_wait3A_382 = tpu.memref_slice %arg4[%dma_wait3A_381] : memref<16000000xf32, #tpu.memory_space<hbm>> -> memref<1000000xf32, #tpu.memory_space<hbm>>
    %dma_wait3A_383 = arith.constant 0 : i32
    %dma_wait3A_384 = tpu.memref_slice %dma_wait3A_382[%dma_wait3A_383] : memref<1000000xf32, #tpu.memory_space<hbm>> -> memref<1000000xf32, #tpu.memory_space<hbm>>
    tpu.wait_indirect_dma semaphore(%arg20 : memref<!tpu.dma_semaphore, #tpu.memory_space<semaphore_mem>>) src(%dma_wait3A_384 : memref<1000000xf32, #tpu.memory_space<hbm>>) dst(%dma_wait3A_380 : memref<512xf32, #tpu.memory_space<vmem>>)
    %dma_wait3A_385 = arith.constant 0 : i32
    %dma_wait3A_386 = arith.constant 0 : i32
    %dma_wait3A_387 = tpu.memref_slice %arg14[%dma_wait3A_385, %dma_wait3A_386] : memref<16x512xf32, #tpu.memory_space<vmem>> -> memref<1x512xf32, #tpu.memory_space<vmem>>
    %dma_wait3A_388 = tpu.memref_squeeze %dma_wait3A_387 : memref<1x512xf32, #tpu.memory_space<vmem>> -> memref<512xf32, #tpu.memory_space<vmem>>
    %dma_wait3A_389 = arith.constant 0 : i32
    %dma_wait3A_390 = tpu.memref_slice %arg5[%dma_wait3A_389] : memref<16000000xf32, #tpu.memory_space<hbm>> -> memref<1000000xf32, #tpu.memory_space<hbm>>
    %dma_wait3A_391 = arith.constant 0 : i32
    %dma_wait3A_392 = tpu.memref_slice %dma_wait3A_390[%dma_wait3A_391] : memref<1000000xf32, #tpu.memory_space<hbm>> -> memref<1000000xf32, #tpu.memory_space<hbm>>
    tpu.wait_indirect_dma semaphore(%arg21 : memref<!tpu.dma_semaphore, #tpu.memory_space<semaphore_mem>>) src(%dma_wait3A_392 : memref<1000000xf32, #tpu.memory_space<hbm>>) dst(%dma_wait3A_388 : memref<512xf32, #tpu.memory_space<vmem>>)
    %dma_wait3A_393 = arith.constant 1 : i32
    %dma_wait3A_394 = arith.constant 0 : i32
    %dma_wait3A_395 = tpu.memref_slice %arg14[%dma_wait3A_393, %dma_wait3A_394] : memref<16x512xf32, #tpu.memory_space<vmem>> -> memref<1x512xf32, #tpu.memory_space<vmem>>
    %dma_wait3A_396 = tpu.memref_squeeze %dma_wait3A_395 : memref<1x512xf32, #tpu.memory_space<vmem>> -> memref<512xf32, #tpu.memory_space<vmem>>
    %dma_wait3A_397 = arith.constant 1000000 : i32
    %dma_wait3A_398 = tpu.memref_slice %arg5[%dma_wait3A_397] : memref<16000000xf32, #tpu.memory_space<hbm>> -> memref<1000000xf32, #tpu.memory_space<hbm>>
    %dma_wait3A_399 = arith.constant 0 : i32
    %dma_wait3A_400 = tpu.memref_slice %dma_wait3A_398[%dma_wait3A_399] : memref<1000000xf32, #tpu.memory_space<hbm>> -> memref<1000000xf32, #tpu.memory_space<hbm>>
    tpu.wait_indirect_dma semaphore(%arg21 : memref<!tpu.dma_semaphore, #tpu.memory_space<semaphore_mem>>) src(%dma_wait3A_400 : memref<1000000xf32, #tpu.memory_space<hbm>>) dst(%dma_wait3A_396 : memref<512xf32, #tpu.memory_space<vmem>>)
    %dma_wait3A_401 = arith.constant 2 : i32
    %dma_wait3A_402 = arith.constant 0 : i32
    %dma_wait3A_403 = tpu.memref_slice %arg14[%dma_wait3A_401, %dma_wait3A_402] : memref<16x512xf32, #tpu.memory_space<vmem>> -> memref<1x512xf32, #tpu.memory_space<vmem>>
    %dma_wait3A_404 = tpu.memref_squeeze %dma_wait3A_403 : memref<1x512xf32, #tpu.memory_space<vmem>> -> memref<512xf32, #tpu.memory_space<vmem>>
    %dma_wait3A_405 = arith.constant 2000000 : i32
    %dma_wait3A_406 = tpu.memref_slice %arg5[%dma_wait3A_405] : memref<16000000xf32, #tpu.memory_space<hbm>> -> memref<1000000xf32, #tpu.memory_space<hbm>>
    %dma_wait3A_407 = arith.constant 0 : i32
    %dma_wait3A_408 = tpu.memref_slice %dma_wait3A_406[%dma_wait3A_407] : memref<1000000xf32, #tpu.memory_space<hbm>> -> memref<1000000xf32, #tpu.memory_space<hbm>>
    tpu.wait_indirect_dma semaphore(%arg21 : memref<!tpu.dma_semaphore, #tpu.memory_space<semaphore_mem>>) src(%dma_wait3A_408 : memref<1000000xf32, #tpu.memory_space<hbm>>) dst(%dma_wait3A_404 : memref<512xf32, #tpu.memory_space<vmem>>)
    %dma_wait3A_409 = arith.constant 3 : i32
    %dma_wait3A_410 = arith.constant 0 : i32
    %dma_wait3A_411 = tpu.memref_slice %arg14[%dma_wait3A_409, %dma_wait3A_410] : memref<16x512xf32, #tpu.memory_space<vmem>> -> memref<1x512xf32, #tpu.memory_space<vmem>>
    %dma_wait3A_412 = tpu.memref_squeeze %dma_wait3A_411 : memref<1x512xf32, #tpu.memory_space<vmem>> -> memref<512xf32, #tpu.memory_space<vmem>>
    %dma_wait3A_413 = arith.constant 3000000 : i32
    %dma_wait3A_414 = tpu.memref_slice %arg5[%dma_wait3A_413] : memref<16000000xf32, #tpu.memory_space<hbm>> -> memref<1000000xf32, #tpu.memory_space<hbm>>
    %dma_wait3A_415 = arith.constant 0 : i32
    %dma_wait3A_416 = tpu.memref_slice %dma_wait3A_414[%dma_wait3A_415] : memref<1000000xf32, #tpu.memory_space<hbm>> -> memref<1000000xf32, #tpu.memory_space<hbm>>
    tpu.wait_indirect_dma semaphore(%arg21 : memref<!tpu.dma_semaphore, #tpu.memory_space<semaphore_mem>>) src(%dma_wait3A_416 : memref<1000000xf32, #tpu.memory_space<hbm>>) dst(%dma_wait3A_412 : memref<512xf32, #tpu.memory_space<vmem>>)
    %dma_wait3A_417 = arith.constant 4 : i32
    %dma_wait3A_418 = arith.constant 0 : i32
    %dma_wait3A_419 = tpu.memref_slice %arg14[%dma_wait3A_417, %dma_wait3A_418] : memref<16x512xf32, #tpu.memory_space<vmem>> -> memref<1x512xf32, #tpu.memory_space<vmem>>
    %dma_wait3A_420 = tpu.memref_squeeze %dma_wait3A_419 : memref<1x512xf32, #tpu.memory_space<vmem>> -> memref<512xf32, #tpu.memory_space<vmem>>
    %dma_wait3A_421 = arith.constant 4000000 : i32
    %dma_wait3A_422 = tpu.memref_slice %arg5[%dma_wait3A_421] : memref<16000000xf32, #tpu.memory_space<hbm>> -> memref<1000000xf32, #tpu.memory_space<hbm>>
    %dma_wait3A_423 = arith.constant 0 : i32
    %dma_wait3A_424 = tpu.memref_slice %dma_wait3A_422[%dma_wait3A_423] : memref<1000000xf32, #tpu.memory_space<hbm>> -> memref<1000000xf32, #tpu.memory_space<hbm>>
    tpu.wait_indirect_dma semaphore(%arg21 : memref<!tpu.dma_semaphore, #tpu.memory_space<semaphore_mem>>) src(%dma_wait3A_424 : memref<1000000xf32, #tpu.memory_space<hbm>>) dst(%dma_wait3A_420 : memref<512xf32, #tpu.memory_space<vmem>>)
    %dma_wait3A_425 = arith.constant 5 : i32
    %dma_wait3A_426 = arith.constant 0 : i32
    %dma_wait3A_427 = tpu.memref_slice %arg14[%dma_wait3A_425, %dma_wait3A_426] : memref<16x512xf32, #tpu.memory_space<vmem>> -> memref<1x512xf32, #tpu.memory_space<vmem>>
    %dma_wait3A_428 = tpu.memref_squeeze %dma_wait3A_427 : memref<1x512xf32, #tpu.memory_space<vmem>> -> memref<512xf32, #tpu.memory_space<vmem>>
    %dma_wait3A_429 = arith.constant 5000000 : i32
    %dma_wait3A_430 = tpu.memref_slice %arg5[%dma_wait3A_429] : memref<16000000xf32, #tpu.memory_space<hbm>> -> memref<1000000xf32, #tpu.memory_space<hbm>>
    %dma_wait3A_431 = arith.constant 0 : i32
    %dma_wait3A_432 = tpu.memref_slice %dma_wait3A_430[%dma_wait3A_431] : memref<1000000xf32, #tpu.memory_space<hbm>> -> memref<1000000xf32, #tpu.memory_space<hbm>>
    tpu.wait_indirect_dma semaphore(%arg21 : memref<!tpu.dma_semaphore, #tpu.memory_space<semaphore_mem>>) src(%dma_wait3A_432 : memref<1000000xf32, #tpu.memory_space<hbm>>) dst(%dma_wait3A_428 : memref<512xf32, #tpu.memory_space<vmem>>)
    %dma_wait3A_433 = arith.constant 6 : i32
    %dma_wait3A_434 = arith.constant 0 : i32
    %dma_wait3A_435 = tpu.memref_slice %arg14[%dma_wait3A_433, %dma_wait3A_434] : memref<16x512xf32, #tpu.memory_space<vmem>> -> memref<1x512xf32, #tpu.memory_space<vmem>>
    %dma_wait3A_436 = tpu.memref_squeeze %dma_wait3A_435 : memref<1x512xf32, #tpu.memory_space<vmem>> -> memref<512xf32, #tpu.memory_space<vmem>>
    %dma_wait3A_437 = arith.constant 6000000 : i32
    %dma_wait3A_438 = tpu.memref_slice %arg5[%dma_wait3A_437] : memref<16000000xf32, #tpu.memory_space<hbm>> -> memref<1000000xf32, #tpu.memory_space<hbm>>
    %dma_wait3A_439 = arith.constant 0 : i32
    %dma_wait3A_440 = tpu.memref_slice %dma_wait3A_438[%dma_wait3A_439] : memref<1000000xf32, #tpu.memory_space<hbm>> -> memref<1000000xf32, #tpu.memory_space<hbm>>
    tpu.wait_indirect_dma semaphore(%arg21 : memref<!tpu.dma_semaphore, #tpu.memory_space<semaphore_mem>>) src(%dma_wait3A_440 : memref<1000000xf32, #tpu.memory_space<hbm>>) dst(%dma_wait3A_436 : memref<512xf32, #tpu.memory_space<vmem>>)
    %dma_wait3A_441 = arith.constant 7 : i32
    %dma_wait3A_442 = arith.constant 0 : i32
    %dma_wait3A_443 = tpu.memref_slice %arg14[%dma_wait3A_441, %dma_wait3A_442] : memref<16x512xf32, #tpu.memory_space<vmem>> -> memref<1x512xf32, #tpu.memory_space<vmem>>
    %dma_wait3A_444 = tpu.memref_squeeze %dma_wait3A_443 : memref<1x512xf32, #tpu.memory_space<vmem>> -> memref<512xf32, #tpu.memory_space<vmem>>
    %dma_wait3A_445 = arith.constant 7000000 : i32
    %dma_wait3A_446 = tpu.memref_slice %arg5[%dma_wait3A_445] : memref<16000000xf32, #tpu.memory_space<hbm>> -> memref<1000000xf32, #tpu.memory_space<hbm>>
    %dma_wait3A_447 = arith.constant 0 : i32
    %dma_wait3A_448 = tpu.memref_slice %dma_wait3A_446[%dma_wait3A_447] : memref<1000000xf32, #tpu.memory_space<hbm>> -> memref<1000000xf32, #tpu.memory_space<hbm>>
    tpu.wait_indirect_dma semaphore(%arg21 : memref<!tpu.dma_semaphore, #tpu.memory_space<semaphore_mem>>) src(%dma_wait3A_448 : memref<1000000xf32, #tpu.memory_space<hbm>>) dst(%dma_wait3A_444 : memref<512xf32, #tpu.memory_space<vmem>>)
    %dma_wait3A_449 = arith.constant 8 : i32
    %dma_wait3A_450 = arith.constant 0 : i32
    %dma_wait3A_451 = tpu.memref_slice %arg14[%dma_wait3A_449, %dma_wait3A_450] : memref<16x512xf32, #tpu.memory_space<vmem>> -> memref<1x512xf32, #tpu.memory_space<vmem>>
    %dma_wait3A_452 = tpu.memref_squeeze %dma_wait3A_451 : memref<1x512xf32, #tpu.memory_space<vmem>> -> memref<512xf32, #tpu.memory_space<vmem>>
    %dma_wait3A_453 = arith.constant 8000000 : i32
    %dma_wait3A_454 = tpu.memref_slice %arg5[%dma_wait3A_453] : memref<16000000xf32, #tpu.memory_space<hbm>> -> memref<1000000xf32, #tpu.memory_space<hbm>>
    %dma_wait3A_455 = arith.constant 0 : i32
    %dma_wait3A_456 = tpu.memref_slice %dma_wait3A_454[%dma_wait3A_455] : memref<1000000xf32, #tpu.memory_space<hbm>> -> memref<1000000xf32, #tpu.memory_space<hbm>>
    tpu.wait_indirect_dma semaphore(%arg21 : memref<!tpu.dma_semaphore, #tpu.memory_space<semaphore_mem>>) src(%dma_wait3A_456 : memref<1000000xf32, #tpu.memory_space<hbm>>) dst(%dma_wait3A_452 : memref<512xf32, #tpu.memory_space<vmem>>)
    %dma_wait3A_457 = arith.constant 9 : i32
    %dma_wait3A_458 = arith.constant 0 : i32
    %dma_wait3A_459 = tpu.memref_slice %arg14[%dma_wait3A_457, %dma_wait3A_458] : memref<16x512xf32, #tpu.memory_space<vmem>> -> memref<1x512xf32, #tpu.memory_space<vmem>>
    %dma_wait3A_460 = tpu.memref_squeeze %dma_wait3A_459 : memref<1x512xf32, #tpu.memory_space<vmem>> -> memref<512xf32, #tpu.memory_space<vmem>>
    %dma_wait3A_461 = arith.constant 9000000 : i32
    %dma_wait3A_462 = tpu.memref_slice %arg5[%dma_wait3A_461] : memref<16000000xf32, #tpu.memory_space<hbm>> -> memref<1000000xf32, #tpu.memory_space<hbm>>
    %dma_wait3A_463 = arith.constant 0 : i32
    %dma_wait3A_464 = tpu.memref_slice %dma_wait3A_462[%dma_wait3A_463] : memref<1000000xf32, #tpu.memory_space<hbm>> -> memref<1000000xf32, #tpu.memory_space<hbm>>
    tpu.wait_indirect_dma semaphore(%arg21 : memref<!tpu.dma_semaphore, #tpu.memory_space<semaphore_mem>>) src(%dma_wait3A_464 : memref<1000000xf32, #tpu.memory_space<hbm>>) dst(%dma_wait3A_460 : memref<512xf32, #tpu.memory_space<vmem>>)
    %dma_wait3A_465 = arith.constant 10 : i32
    %dma_wait3A_466 = arith.constant 0 : i32
    %dma_wait3A_467 = tpu.memref_slice %arg14[%dma_wait3A_465, %dma_wait3A_466] : memref<16x512xf32, #tpu.memory_space<vmem>> -> memref<1x512xf32, #tpu.memory_space<vmem>>
    %dma_wait3A_468 = tpu.memref_squeeze %dma_wait3A_467 : memref<1x512xf32, #tpu.memory_space<vmem>> -> memref<512xf32, #tpu.memory_space<vmem>>
    %dma_wait3A_469 = arith.constant 10000000 : i32
    %dma_wait3A_470 = tpu.memref_slice %arg5[%dma_wait3A_469] : memref<16000000xf32, #tpu.memory_space<hbm>> -> memref<1000000xf32, #tpu.memory_space<hbm>>
    %dma_wait3A_471 = arith.constant 0 : i32
    %dma_wait3A_472 = tpu.memref_slice %dma_wait3A_470[%dma_wait3A_471] : memref<1000000xf32, #tpu.memory_space<hbm>> -> memref<1000000xf32, #tpu.memory_space<hbm>>
    tpu.wait_indirect_dma semaphore(%arg21 : memref<!tpu.dma_semaphore, #tpu.memory_space<semaphore_mem>>) src(%dma_wait3A_472 : memref<1000000xf32, #tpu.memory_space<hbm>>) dst(%dma_wait3A_468 : memref<512xf32, #tpu.memory_space<vmem>>)
    %dma_wait3A_473 = arith.constant 11 : i32
    %dma_wait3A_474 = arith.constant 0 : i32
    %dma_wait3A_475 = tpu.memref_slice %arg14[%dma_wait3A_473, %dma_wait3A_474] : memref<16x512xf32, #tpu.memory_space<vmem>> -> memref<1x512xf32, #tpu.memory_space<vmem>>
    %dma_wait3A_476 = tpu.memref_squeeze %dma_wait3A_475 : memref<1x512xf32, #tpu.memory_space<vmem>> -> memref<512xf32, #tpu.memory_space<vmem>>
    %dma_wait3A_477 = arith.constant 11000000 : i32
    %dma_wait3A_478 = tpu.memref_slice %arg5[%dma_wait3A_477] : memref<16000000xf32, #tpu.memory_space<hbm>> -> memref<1000000xf32, #tpu.memory_space<hbm>>
    %dma_wait3A_479 = arith.constant 0 : i32
    %dma_wait3A_480 = tpu.memref_slice %dma_wait3A_478[%dma_wait3A_479] : memref<1000000xf32, #tpu.memory_space<hbm>> -> memref<1000000xf32, #tpu.memory_space<hbm>>
    tpu.wait_indirect_dma semaphore(%arg21 : memref<!tpu.dma_semaphore, #tpu.memory_space<semaphore_mem>>) src(%dma_wait3A_480 : memref<1000000xf32, #tpu.memory_space<hbm>>) dst(%dma_wait3A_476 : memref<512xf32, #tpu.memory_space<vmem>>)
    %dma_wait3A_481 = arith.constant 12 : i32
    %dma_wait3A_482 = arith.constant 0 : i32
    %dma_wait3A_483 = tpu.memref_slice %arg14[%dma_wait3A_481, %dma_wait3A_482] : memref<16x512xf32, #tpu.memory_space<vmem>> -> memref<1x512xf32, #tpu.memory_space<vmem>>
    %dma_wait3A_484 = tpu.memref_squeeze %dma_wait3A_483 : memref<1x512xf32, #tpu.memory_space<vmem>> -> memref<512xf32, #tpu.memory_space<vmem>>
    %dma_wait3A_485 = arith.constant 12000000 : i32
    %dma_wait3A_486 = tpu.memref_slice %arg5[%dma_wait3A_485] : memref<16000000xf32, #tpu.memory_space<hbm>> -> memref<1000000xf32, #tpu.memory_space<hbm>>
    %dma_wait3A_487 = arith.constant 0 : i32
    %dma_wait3A_488 = tpu.memref_slice %dma_wait3A_486[%dma_wait3A_487] : memref<1000000xf32, #tpu.memory_space<hbm>> -> memref<1000000xf32, #tpu.memory_space<hbm>>
    tpu.wait_indirect_dma semaphore(%arg21 : memref<!tpu.dma_semaphore, #tpu.memory_space<semaphore_mem>>) src(%dma_wait3A_488 : memref<1000000xf32, #tpu.memory_space<hbm>>) dst(%dma_wait3A_484 : memref<512xf32, #tpu.memory_space<vmem>>)
    %dma_wait3A_489 = arith.constant 13 : i32
    %dma_wait3A_490 = arith.constant 0 : i32
    %dma_wait3A_491 = tpu.memref_slice %arg14[%dma_wait3A_489, %dma_wait3A_490] : memref<16x512xf32, #tpu.memory_space<vmem>> -> memref<1x512xf32, #tpu.memory_space<vmem>>
    %dma_wait3A_492 = tpu.memref_squeeze %dma_wait3A_491 : memref<1x512xf32, #tpu.memory_space<vmem>> -> memref<512xf32, #tpu.memory_space<vmem>>
    %dma_wait3A_493 = arith.constant 13000000 : i32
    %dma_wait3A_494 = tpu.memref_slice %arg5[%dma_wait3A_493] : memref<16000000xf32, #tpu.memory_space<hbm>> -> memref<1000000xf32, #tpu.memory_space<hbm>>
    %dma_wait3A_495 = arith.constant 0 : i32
    %dma_wait3A_496 = tpu.memref_slice %dma_wait3A_494[%dma_wait3A_495] : memref<1000000xf32, #tpu.memory_space<hbm>> -> memref<1000000xf32, #tpu.memory_space<hbm>>
    tpu.wait_indirect_dma semaphore(%arg21 : memref<!tpu.dma_semaphore, #tpu.memory_space<semaphore_mem>>) src(%dma_wait3A_496 : memref<1000000xf32, #tpu.memory_space<hbm>>) dst(%dma_wait3A_492 : memref<512xf32, #tpu.memory_space<vmem>>)
    %dma_wait3A_497 = arith.constant 14 : i32
    %dma_wait3A_498 = arith.constant 0 : i32
    %dma_wait3A_499 = tpu.memref_slice %arg14[%dma_wait3A_497, %dma_wait3A_498] : memref<16x512xf32, #tpu.memory_space<vmem>> -> memref<1x512xf32, #tpu.memory_space<vmem>>
    %dma_wait3A_500 = tpu.memref_squeeze %dma_wait3A_499 : memref<1x512xf32, #tpu.memory_space<vmem>> -> memref<512xf32, #tpu.memory_space<vmem>>
    %dma_wait3A_501 = arith.constant 14000000 : i32
    %dma_wait3A_502 = tpu.memref_slice %arg5[%dma_wait3A_501] : memref<16000000xf32, #tpu.memory_space<hbm>> -> memref<1000000xf32, #tpu.memory_space<hbm>>
    %dma_wait3A_503 = arith.constant 0 : i32
    %dma_wait3A_504 = tpu.memref_slice %dma_wait3A_502[%dma_wait3A_503] : memref<1000000xf32, #tpu.memory_space<hbm>> -> memref<1000000xf32, #tpu.memory_space<hbm>>
    tpu.wait_indirect_dma semaphore(%arg21 : memref<!tpu.dma_semaphore, #tpu.memory_space<semaphore_mem>>) src(%dma_wait3A_504 : memref<1000000xf32, #tpu.memory_space<hbm>>) dst(%dma_wait3A_500 : memref<512xf32, #tpu.memory_space<vmem>>)
    %dma_wait3A_505 = arith.constant 15 : i32
    %dma_wait3A_506 = arith.constant 0 : i32
    %dma_wait3A_507 = tpu.memref_slice %arg14[%dma_wait3A_505, %dma_wait3A_506] : memref<16x512xf32, #tpu.memory_space<vmem>> -> memref<1x512xf32, #tpu.memory_space<vmem>>
    %dma_wait3A_508 = tpu.memref_squeeze %dma_wait3A_507 : memref<1x512xf32, #tpu.memory_space<vmem>> -> memref<512xf32, #tpu.memory_space<vmem>>
    %dma_wait3A_509 = arith.constant 15000000 : i32
    %dma_wait3A_510 = tpu.memref_slice %arg5[%dma_wait3A_509] : memref<16000000xf32, #tpu.memory_space<hbm>> -> memref<1000000xf32, #tpu.memory_space<hbm>>
    %dma_wait3A_511 = arith.constant 0 : i32
    %dma_wait3A_512 = tpu.memref_slice %dma_wait3A_510[%dma_wait3A_511] : memref<1000000xf32, #tpu.memory_space<hbm>> -> memref<1000000xf32, #tpu.memory_space<hbm>>
    tpu.wait_indirect_dma semaphore(%arg21 : memref<!tpu.dma_semaphore, #tpu.memory_space<semaphore_mem>>) src(%dma_wait3A_512 : memref<1000000xf32, #tpu.memory_space<hbm>>) dst(%dma_wait3A_508 : memref<512xf32, #tpu.memory_space<vmem>>)
    %get3A = arith.constant 0 : index
    %get3A_513 = tpu.vector_load %arg18[%get3A] {strides = array<i32>} : memref<16xf32, #tpu.memory_space<vmem>>, vector<16xf32>,
    %get3A_514 = arith.constant 0 : index
    %get3A_515 = tpu.vector_load %arg19[%get3A_514] {strides = array<i32>} : memref<16xf32, #tpu.memory_space<vmem>>, vector<16xf32>,
    %scan3A = arith.constant 0 : i32
    %scan3A_516 = arith.constant 0 : i32
    %scan3A_517 = arith.constant 32 : i32
    %scan3A_518 = arith.addi %scan3A_516, %scan3A_517 : i32
    %scan3A_519 = arith.constant 1 : i32
    %scan3A_520 = scf.for %scan3A_522 = %scan3A_516 to %scan3A_518 step %scan3A_519 iter_args(%scan3A_523 = %scan3A) -> (i32)  : i32 {
      %mul3A_524 = arith.constant 16 : i32
      %mul3A_525 = arith.muli %scan3A_522, %mul3A_524 : i32
      %get3A_526 = arith.index_cast %mul3A_525 : i32 to index
      %get3A_527 = tpu.vector_load %arg11[%get3A_526] {strides = array<i32>} : memref<512xi32, #tpu.memory_space<vmem>>, vector<16xi32>,
      %get3A_528 = arith.index_cast %mul3A_525 : i32 to index
      %get3A_529 = tpu.vector_load %arg12[%get3A_528] {strides = array<i32>} : memref<512xi32, #tpu.memory_space<vmem>>, vector<16xi32>,
      %ge3A = arith.constant 999936 : i32
      %ge3A_530 = vector.broadcast %ge3A : i32 to vector<16xi32>
      %ge3A_531 = arith.cmpi sge, %get3A_527, %ge3A_530 : vector<16xi32>
      %ge3A_532 = arith.constant 999936 : i32
      %ge3A_533 = vector.broadcast %ge3A_532 : i32 to vector<16xi32>
      %ge3A_534 = arith.cmpi sge, %get3A_529, %ge3A_533 : vector<16xi32>
      %sub3A = arith.constant 999936 : i32
      %sub3A_535 = vector.broadcast %sub3A : i32 to vector<16xi32>
      %sub3A_536 = arith.subi %get3A_527, %sub3A_535 : vector<16xi32>
      %jit3A = arith.constant 0 : i32
      %jit3A_537 = arith.constant 63 : i32
      %max3A = vector.broadcast %jit3A : i32 to vector<16xi32>
      %max3A_538 = arith.maxsi %max3A, %sub3A_536 : vector<16xi32>
      %min3A = vector.broadcast %jit3A_537 : i32 to vector<16xi32>
      %min3A_539 = arith.minsi %min3A, %max3A_538 : vector<16xi32>
      %mul3A_540 = arith.constant 16 : i32
      %mul3A_541 = vector.broadcast %mul3A_540 : i32 to vector<16xi32>
      %mul3A_542 = arith.muli %min3A_539, %mul3A_541 : vector<16xi32>
      %sub3A_543 = arith.constant 999936 : i32
      %sub3A_544 = vector.broadcast %sub3A_543 : i32 to vector<16xi32>
      %sub3A_545 = arith.subi %get3A_529, %sub3A_544 : vector<16xi32>
      %jit3A_546 = arith.constant 0 : i32
      %jit3A_547 = arith.constant 63 : i32
      %max3A_548 = vector.broadcast %jit3A_546 : i32 to vector<16xi32>
      %max3A_549 = arith.maxsi %max3A_548, %sub3A_545 : vector<16xi32>
      %min3A_550 = vector.broadcast %jit3A_547 : i32 to vector<16xi32>
      %min3A_551 = arith.minsi %min3A_550, %max3A_549 : vector<16xi32>
      %mul3A_552 = arith.constant 16 : i32
      %mul3A_553 = vector.broadcast %mul3A_552 : i32 to vector<16xi32>
      %mul3A_554 = arith.muli %min3A_551, %mul3A_553 : vector<16xi32>
      %broadcast_in_dim3A = arith.constant 0.000000e+00 : f32
      %broadcast_in_dim3A_555 = vector.broadcast %broadcast_in_dim3A : f32 to vector<16xf32>
      %add3A_556 = arith.constant 0 : i32
      %add3A_557 = vector.broadcast %add3A_556 : i32 to vector<16xi32>
      %add3A_558 = arith.addi %mul3A_542, %add3A_557 : vector<16xi32>
      %gather3A = tpu.vector_load_idx %arg15[%add3A_558] : memref<1024xf32, #tpu.memory_space<vmem>>[vector<16xi32>], vector<16xf32>,
      %get3A_559 = arith.constant 0 : i32
      %get3A_560 = arith.index_cast %get3A_559 : i32 to index
      %get3A_561 = arith.index_cast %mul3A_525 : i32 to index
      %get3A_562 = tpu.vector_load %arg13[%get3A_560, %get3A_561] {strides = array<i32>} : memref<16x512xf32, #tpu.memory_space<vmem>>, vector<16xf32>,
      %select_n3A = arith.select %ge3A_531, %gather3A, %get3A_562 : vector<16xi1>, vector<16xf32>
      %add3A_563 = arith.constant 0 : i32
      %add3A_564 = vector.broadcast %add3A_563 : i32 to vector<16xi32>
      %add3A_565 = arith.addi %mul3A_554, %add3A_564 : vector<16xi32>
      %gather3A_566 = tpu.vector_load_idx %arg16[%add3A_565] : memref<1024xf32, #tpu.memory_space<vmem>>[vector<16xi32>], vector<16xf32>,
      %get3A_567 = arith.constant 0 : i32
      %get3A_568 = arith.index_cast %get3A_567 : i32 to index
      %get3A_569 = arith.index_cast %mul3A_525 : i32 to index
      %get3A_570 = tpu.vector_load %arg14[%get3A_568, %get3A_569] {strides = array<i32>} : memref<16x512xf32, #tpu.memory_space<vmem>>, vector<16xf32>,
      %select_n3A_571 = arith.select %ge3A_534, %gather3A_566, %get3A_570 : vector<16xi1>, vector<16xf32>
      %mul3A_572 = arith.mulf %select_n3A, %select_n3A_571 : vector<16xf32>
      %add3A_573 = arith.addf %broadcast_in_dim3A_555, %mul3A_572 : vector<16xf32>
      %add3A_574 = arith.constant 1 : i32
      %add3A_575 = vector.broadcast %add3A_574 : i32 to vector<16xi32>
      %add3A_576 = arith.addi %mul3A_542, %add3A_575 : vector<16xi32>
      %gather3A_577 = tpu.vector_load_idx %arg15[%add3A_576] : memref<1024xf32, #tpu.memory_space<vmem>>[vector<16xi32>], vector<16xf32>,
      %get3A_578 = arith.constant 1 : i32
      %get3A_579 = arith.index_cast %get3A_578 : i32 to index
      %get3A_580 = arith.index_cast %mul3A_525 : i32 to index
      %get3A_581 = tpu.vector_load %arg13[%get3A_579, %get3A_580] {strides = array<i32>} : memref<16x512xf32, #tpu.memory_space<vmem>>, vector<16xf32>,
      %select_n3A_582 = arith.select %ge3A_531, %gather3A_577, %get3A_581 : vector<16xi1>, vector<16xf32>
      %add3A_583 = arith.constant 1 : i32
      %add3A_584 = vector.broadcast %add3A_583 : i32 to vector<16xi32>
      %add3A_585 = arith.addi %mul3A_554, %add3A_584 : vector<16xi32>
      %gather3A_586 = tpu.vector_load_idx %arg16[%add3A_585] : memref<1024xf32, #tpu.memory_space<vmem>>[vector<16xi32>], vector<16xf32>,
      %get3A_587 = arith.constant 1 : i32
      %get3A_588 = arith.index_cast %get3A_587 : i32 to index
      %get3A_589 = arith.index_cast %mul3A_525 : i32 to index
      %get3A_590 = tpu.vector_load %arg14[%get3A_588, %get3A_589] {strides = array<i32>} : memref<16x512xf32, #tpu.memory_space<vmem>>, vector<16xf32>,
      %select_n3A_591 = arith.select %ge3A_534, %gather3A_586, %get3A_590 : vector<16xi1>, vector<16xf32>
      %mul3A_592 = arith.mulf %select_n3A_582, %select_n3A_591 : vector<16xf32>
      %add3A_593 = arith.addf %add3A_573, %mul3A_592 : vector<16xf32>
      %add3A_594 = arith.constant 2 : i32
      %add3A_595 = vector.broadcast %add3A_594 : i32 to vector<16xi32>
      %add3A_596 = arith.addi %mul3A_542, %add3A_595 : vector<16xi32>
      %gather3A_597 = tpu.vector_load_idx %arg15[%add3A_596] : memref<1024xf32, #tpu.memory_space<vmem>>[vector<16xi32>], vector<16xf32>,
      %get3A_598 = arith.constant 2 : i32
      %get3A_599 = arith.index_cast %get3A_598 : i32 to index
      %get3A_600 = arith.index_cast %mul3A_525 : i32 to index
      %get3A_601 = tpu.vector_load %arg13[%get3A_599, %get3A_600] {strides = array<i32>} : memref<16x512xf32, #tpu.memory_space<vmem>>, vector<16xf32>,
      %select_n3A_602 = arith.select %ge3A_531, %gather3A_597, %get3A_601 : vector<16xi1>, vector<16xf32>
      %add3A_603 = arith.constant 2 : i32
      %add3A_604 = vector.broadcast %add3A_603 : i32 to vector<16xi32>
      %add3A_605 = arith.addi %mul3A_554, %add3A_604 : vector<16xi32>
      %gather3A_606 = tpu.vector_load_idx %arg16[%add3A_605] : memref<1024xf32, #tpu.memory_space<vmem>>[vector<16xi32>], vector<16xf32>,
      %get3A_607 = arith.constant 2 : i32
      %get3A_608 = arith.index_cast %get3A_607 : i32 to index
      %get3A_609 = arith.index_cast %mul3A_525 : i32 to index
      %get3A_610 = tpu.vector_load %arg14[%get3A_608, %get3A_609] {strides = array<i32>} : memref<16x512xf32, #tpu.memory_space<vmem>>, vector<16xf32>,
      %select_n3A_611 = arith.select %ge3A_534, %gather3A_606, %get3A_610 : vector<16xi1>, vector<16xf32>
      %mul3A_612 = arith.mulf %select_n3A_602, %select_n3A_611 : vector<16xf32>
      %add3A_613 = arith.addf %add3A_593, %mul3A_612 : vector<16xf32>
      %add3A_614 = arith.constant 3 : i32
      %add3A_615 = vector.broadcast %add3A_614 : i32 to vector<16xi32>
      %add3A_616 = arith.addi %mul3A_542, %add3A_615 : vector<16xi32>
      %gather3A_617 = tpu.vector_load_idx %arg15[%add3A_616] : memref<1024xf32, #tpu.memory_space<vmem>>[vector<16xi32>], vector<16xf32>,
      %get3A_618 = arith.constant 3 : i32
      %get3A_619 = arith.index_cast %get3A_618 : i32 to index
      %get3A_620 = arith.index_cast %mul3A_525 : i32 to index
      %get3A_621 = tpu.vector_load %arg13[%get3A_619, %get3A_620] {strides = array<i32>} : memref<16x512xf32, #tpu.memory_space<vmem>>, vector<16xf32>,
      %select_n3A_622 = arith.select %ge3A_531, %gather3A_617, %get3A_621 : vector<16xi1>, vector<16xf32>
      %add3A_623 = arith.constant 3 : i32
      %add3A_624 = vector.broadcast %add3A_623 : i32 to vector<16xi32>
      %add3A_625 = arith.addi %mul3A_554, %add3A_624 : vector<16xi32>
      %gather3A_626 = tpu.vector_load_idx %arg16[%add3A_625] : memref<1024xf32, #tpu.memory_space<vmem>>[vector<16xi32>], vector<16xf32>,
      %get3A_627 = arith.constant 3 : i32
      %get3A_628 = arith.index_cast %get3A_627 : i32 to index
      %get3A_629 = arith.index_cast %mul3A_525 : i32 to index
      %get3A_630 = tpu.vector_load %arg14[%get3A_628, %get3A_629] {strides = array<i32>} : memref<16x512xf32, #tpu.memory_space<vmem>>, vector<16xf32>,
      %select_n3A_631 = arith.select %ge3A_534, %gather3A_626, %get3A_630 : vector<16xi1>, vector<16xf32>
      %mul3A_632 = arith.mulf %select_n3A_622, %select_n3A_631 : vector<16xf32>
      %add3A_633 = arith.addf %add3A_613, %mul3A_632 : vector<16xf32>
      %add3A_634 = arith.constant 4 : i32
      %add3A_635 = vector.broadcast %add3A_634 : i32 to vector<16xi32>
      %add3A_636 = arith.addi %mul3A_542, %add3A_635 : vector<16xi32>
      %gather3A_637 = tpu.vector_load_idx %arg15[%add3A_636] : memref<1024xf32, #tpu.memory_space<vmem>>[vector<16xi32>], vector<16xf32>,
      %get3A_638 = arith.constant 4 : i32
      %get3A_639 = arith.index_cast %get3A_638 : i32 to index
      %get3A_640 = arith.index_cast %mul3A_525 : i32 to index
      %get3A_641 = tpu.vector_load %arg13[%get3A_639, %get3A_640] {strides = array<i32>} : memref<16x512xf32, #tpu.memory_space<vmem>>, vector<16xf32>,
      %select_n3A_642 = arith.select %ge3A_531, %gather3A_637, %get3A_641 : vector<16xi1>, vector<16xf32>
      %add3A_643 = arith.constant 4 : i32
      %add3A_644 = vector.broadcast %add3A_643 : i32 to vector<16xi32>
      %add3A_645 = arith.addi %mul3A_554, %add3A_644 : vector<16xi32>
      %gather3A_646 = tpu.vector_load_idx %arg16[%add3A_645] : memref<1024xf32, #tpu.memory_space<vmem>>[vector<16xi32>], vector<16xf32>,
      %get3A_647 = arith.constant 4 : i32
      %get3A_648 = arith.index_cast %get3A_647 : i32 to index
      %get3A_649 = arith.index_cast %mul3A_525 : i32 to index
      %get3A_650 = tpu.vector_load %arg14[%get3A_648, %get3A_649] {strides = array<i32>} : memref<16x512xf32, #tpu.memory_space<vmem>>, vector<16xf32>,
      %select_n3A_651 = arith.select %ge3A_534, %gather3A_646, %get3A_650 : vector<16xi1>, vector<16xf32>
      %mul3A_652 = arith.mulf %select_n3A_642, %select_n3A_651 : vector<16xf32>
      %add3A_653 = arith.addf %add3A_633, %mul3A_652 : vector<16xf32>
      %add3A_654 = arith.constant 5 : i32
      %add3A_655 = vector.broadcast %add3A_654 : i32 to vector<16xi32>
      %add3A_656 = arith.addi %mul3A_542, %add3A_655 : vector<16xi32>
      %gather3A_657 = tpu.vector_load_idx %arg15[%add3A_656] : memref<1024xf32, #tpu.memory_space<vmem>>[vector<16xi32>], vector<16xf32>,
      %get3A_658 = arith.constant 5 : i32
      %get3A_659 = arith.index_cast %get3A_658 : i32 to index
      %get3A_660 = arith.index_cast %mul3A_525 : i32 to index
      %get3A_661 = tpu.vector_load %arg13[%get3A_659, %get3A_660] {strides = array<i32>} : memref<16x512xf32, #tpu.memory_space<vmem>>, vector<16xf32>,
      %select_n3A_662 = arith.select %ge3A_531, %gather3A_657, %get3A_661 : vector<16xi1>, vector<16xf32>
      %add3A_663 = arith.constant 5 : i32
      %add3A_664 = vector.broadcast %add3A_663 : i32 to vector<16xi32>
      %add3A_665 = arith.addi %mul3A_554, %add3A_664 : vector<16xi32>
      %gather3A_666 = tpu.vector_load_idx %arg16[%add3A_665] : memref<1024xf32, #tpu.memory_space<vmem>>[vector<16xi32>], vector<16xf32>,
      %get3A_667 = arith.constant 5 : i32
      %get3A_668 = arith.index_cast %get3A_667 : i32 to index
      %get3A_669 = arith.index_cast %mul3A_525 : i32 to index
      %get3A_670 = tpu.vector_load %arg14[%get3A_668, %get3A_669] {strides = array<i32>} : memref<16x512xf32, #tpu.memory_space<vmem>>, vector<16xf32>,
      %select_n3A_671 = arith.select %ge3A_534, %gather3A_666, %get3A_670 : vector<16xi1>, vector<16xf32>
      %mul3A_672 = arith.mulf %select_n3A_662, %select_n3A_671 : vector<16xf32>
      %add3A_673 = arith.addf %add3A_653, %mul3A_672 : vector<16xf32>
      %add3A_674 = arith.constant 6 : i32
      %add3A_675 = vector.broadcast %add3A_674 : i32 to vector<16xi32>
      %add3A_676 = arith.addi %mul3A_542, %add3A_675 : vector<16xi32>
      %gather3A_677 = tpu.vector_load_idx %arg15[%add3A_676] : memref<1024xf32, #tpu.memory_space<vmem>>[vector<16xi32>], vector<16xf32>,
      %get3A_678 = arith.constant 6 : i32
      %get3A_679 = arith.index_cast %get3A_678 : i32 to index
      %get3A_680 = arith.index_cast %mul3A_525 : i32 to index
      %get3A_681 = tpu.vector_load %arg13[%get3A_679, %get3A_680] {strides = array<i32>} : memref<16x512xf32, #tpu.memory_space<vmem>>, vector<16xf32>,
      %select_n3A_682 = arith.select %ge3A_531, %gather3A_677, %get3A_681 : vector<16xi1>, vector<16xf32>
      %add3A_683 = arith.constant 6 : i32
      %add3A_684 = vector.broadcast %add3A_683 : i32 to vector<16xi32>
      %add3A_685 = arith.addi %mul3A_554, %add3A_684 : vector<16xi32>
      %gather3A_686 = tpu.vector_load_idx %arg16[%add3A_685] : memref<1024xf32, #tpu.memory_space<vmem>>[vector<16xi32>], vector<16xf32>,
      %get3A_687 = arith.constant 6 : i32
      %get3A_688 = arith.index_cast %get3A_687 : i32 to index
      %get3A_689 = arith.index_cast %mul3A_525 : i32 to index
      %get3A_690 = tpu.vector_load %arg14[%get3A_688, %get3A_689] {strides = array<i32>} : memref<16x512xf32, #tpu.memory_space<vmem>>, vector<16xf32>,
      %select_n3A_691 = arith.select %ge3A_534, %gather3A_686, %get3A_690 : vector<16xi1>, vector<16xf32>
      %mul3A_692 = arith.mulf %select_n3A_682, %select_n3A_691 : vector<16xf32>
      %add3A_693 = arith.addf %add3A_673, %mul3A_692 : vector<16xf32>
      %add3A_694 = arith.constant 7 : i32
      %add3A_695 = vector.broadcast %add3A_694 : i32 to vector<16xi32>
      %add3A_696 = arith.addi %mul3A_542, %add3A_695 : vector<16xi32>
      %gather3A_697 = tpu.vector_load_idx %arg15[%add3A_696] : memref<1024xf32, #tpu.memory_space<vmem>>[vector<16xi32>], vector<16xf32>,
      %get3A_698 = arith.constant 7 : i32
      %get3A_699 = arith.index_cast %get3A_698 : i32 to index
      %get3A_700 = arith.index_cast %mul3A_525 : i32 to index
      %get3A_701 = tpu.vector_load %arg13[%get3A_699, %get3A_700] {strides = array<i32>} : memref<16x512xf32, #tpu.memory_space<vmem>>, vector<16xf32>,
      %select_n3A_702 = arith.select %ge3A_531, %gather3A_697, %get3A_701 : vector<16xi1>, vector<16xf32>
      %add3A_703 = arith.constant 7 : i32
      %add3A_704 = vector.broadcast %add3A_703 : i32 to vector<16xi32>
      %add3A_705 = arith.addi %mul3A_554, %add3A_704 : vector<16xi32>
      %gather3A_706 = tpu.vector_load_idx %arg16[%add3A_705] : memref<1024xf32, #tpu.memory_space<vmem>>[vector<16xi32>], vector<16xf32>,
      %get3A_707 = arith.constant 7 : i32
      %get3A_708 = arith.index_cast %get3A_707 : i32 to index
      %get3A_709 = arith.index_cast %mul3A_525 : i32 to index
      %get3A_710 = tpu.vector_load %arg14[%get3A_708, %get3A_709] {strides = array<i32>} : memref<16x512xf32, #tpu.memory_space<vmem>>, vector<16xf32>,
      %select_n3A_711 = arith.select %ge3A_534, %gather3A_706, %get3A_710 : vector<16xi1>, vector<16xf32>
      %mul3A_712 = arith.mulf %select_n3A_702, %select_n3A_711 : vector<16xf32>
      %add3A_713 = arith.addf %add3A_693, %mul3A_712 : vector<16xf32>
      %add3A_714 = arith.constant 8 : i32
      %add3A_715 = vector.broadcast %add3A_714 : i32 to vector<16xi32>
      %add3A_716 = arith.addi %mul3A_542, %add3A_715 : vector<16xi32>
      %gather3A_717 = tpu.vector_load_idx %arg15[%add3A_716] : memref<1024xf32, #tpu.memory_space<vmem>>[vector<16xi32>], vector<16xf32>,
      %get3A_718 = arith.constant 8 : i32
      %get3A_719 = arith.index_cast %get3A_718 : i32 to index
      %get3A_720 = arith.index_cast %mul3A_525 : i32 to index
      %get3A_721 = tpu.vector_load %arg13[%get3A_719, %get3A_720] {strides = array<i32>} : memref<16x512xf32, #tpu.memory_space<vmem>>, vector<16xf32>,
      %select_n3A_722 = arith.select %ge3A_531, %gather3A_717, %get3A_721 : vector<16xi1>, vector<16xf32>
      %add3A_723 = arith.constant 8 : i32
      %add3A_724 = vector.broadcast %add3A_723 : i32 to vector<16xi32>
      %add3A_725 = arith.addi %mul3A_554, %add3A_724 : vector<16xi32>
      %gather3A_726 = tpu.vector_load_idx %arg16[%add3A_725] : memref<1024xf32, #tpu.memory_space<vmem>>[vector<16xi32>], vector<16xf32>,
      %get3A_727 = arith.constant 8 : i32
      %get3A_728 = arith.index_cast %get3A_727 : i32 to index
      %get3A_729 = arith.index_cast %mul3A_525 : i32 to index
      %get3A_730 = tpu.vector_load %arg14[%get3A_728, %get3A_729] {strides = array<i32>} : memref<16x512xf32, #tpu.memory_space<vmem>>, vector<16xf32>,
      %select_n3A_731 = arith.select %ge3A_534, %gather3A_726, %get3A_730 : vector<16xi1>, vector<16xf32>
      %mul3A_732 = arith.mulf %select_n3A_722, %select_n3A_731 : vector<16xf32>
      %add3A_733 = arith.addf %add3A_713, %mul3A_732 : vector<16xf32>
      %add3A_734 = arith.constant 9 : i32
      %add3A_735 = vector.broadcast %add3A_734 : i32 to vector<16xi32>
      %add3A_736 = arith.addi %mul3A_542, %add3A_735 : vector<16xi32>
      %gather3A_737 = tpu.vector_load_idx %arg15[%add3A_736] : memref<1024xf32, #tpu.memory_space<vmem>>[vector<16xi32>], vector<16xf32>,
      %get3A_738 = arith.constant 9 : i32
      %get3A_739 = arith.index_cast %get3A_738 : i32 to index
      %get3A_740 = arith.index_cast %mul3A_525 : i32 to index
      %get3A_741 = tpu.vector_load %arg13[%get3A_739, %get3A_740] {strides = array<i32>} : memref<16x512xf32, #tpu.memory_space<vmem>>, vector<16xf32>,
      %select_n3A_742 = arith.select %ge3A_531, %gather3A_737, %get3A_741 : vector<16xi1>, vector<16xf32>
      %add3A_743 = arith.constant 9 : i32
      %add3A_744 = vector.broadcast %add3A_743 : i32 to vector<16xi32>
      %add3A_745 = arith.addi %mul3A_554, %add3A_744 : vector<16xi32>
      %gather3A_746 = tpu.vector_load_idx %arg16[%add3A_745] : memref<1024xf32, #tpu.memory_space<vmem>>[vector<16xi32>], vector<16xf32>,
      %get3A_747 = arith.constant 9 : i32
      %get3A_748 = arith.index_cast %get3A_747 : i32 to index
      %get3A_749 = arith.index_cast %mul3A_525 : i32 to index
      %get3A_750 = tpu.vector_load %arg14[%get3A_748, %get3A_749] {strides = array<i32>} : memref<16x512xf32, #tpu.memory_space<vmem>>, vector<16xf32>,
      %select_n3A_751 = arith.select %ge3A_534, %gather3A_746, %get3A_750 : vector<16xi1>, vector<16xf32>
      %mul3A_752 = arith.mulf %select_n3A_742, %select_n3A_751 : vector<16xf32>
      %add3A_753 = arith.addf %add3A_733, %mul3A_752 : vector<16xf32>
      %add3A_754 = arith.constant 10 : i32
      %add3A_755 = vector.broadcast %add3A_754 : i32 to vector<16xi32>
      %add3A_756 = arith.addi %mul3A_542, %add3A_755 : vector<16xi32>
      %gather3A_757 = tpu.vector_load_idx %arg15[%add3A_756] : memref<1024xf32, #tpu.memory_space<vmem>>[vector<16xi32>], vector<16xf32>,
      %get3A_758 = arith.constant 10 : i32
      %get3A_759 = arith.index_cast %get3A_758 : i32 to index
      %get3A_760 = arith.index_cast %mul3A_525 : i32 to index
      %get3A_761 = tpu.vector_load %arg13[%get3A_759, %get3A_760] {strides = array<i32>} : memref<16x512xf32, #tpu.memory_space<vmem>>, vector<16xf32>,
      %select_n3A_762 = arith.select %ge3A_531, %gather3A_757, %get3A_761 : vector<16xi1>, vector<16xf32>
      %add3A_763 = arith.constant 10 : i32
      %add3A_764 = vector.broadcast %add3A_763 : i32 to vector<16xi32>
      %add3A_765 = arith.addi %mul3A_554, %add3A_764 : vector<16xi32>
      %gather3A_766 = tpu.vector_load_idx %arg16[%add3A_765] : memref<1024xf32, #tpu.memory_space<vmem>>[vector<16xi32>], vector<16xf32>,
      %get3A_767 = arith.constant 10 : i32
      %get3A_768 = arith.index_cast %get3A_767 : i32 to index
      %get3A_769 = arith.index_cast %mul3A_525 : i32 to index
      %get3A_770 = tpu.vector_load %arg14[%get3A_768, %get3A_769] {strides = array<i32>} : memref<16x512xf32, #tpu.memory_space<vmem>>, vector<16xf32>,
      %select_n3A_771 = arith.select %ge3A_534, %gather3A_766, %get3A_770 : vector<16xi1>, vector<16xf32>
      %mul3A_772 = arith.mulf %select_n3A_762, %select_n3A_771 : vector<16xf32>
      %add3A_773 = arith.addf %add3A_753, %mul3A_772 : vector<16xf32>
      %add3A_774 = arith.constant 11 : i32
      %add3A_775 = vector.broadcast %add3A_774 : i32 to vector<16xi32>
      %add3A_776 = arith.addi %mul3A_542, %add3A_775 : vector<16xi32>
      %gather3A_777 = tpu.vector_load_idx %arg15[%add3A_776] : memref<1024xf32, #tpu.memory_space<vmem>>[vector<16xi32>], vector<16xf32>,
      %get3A_778 = arith.constant 11 : i32
      %get3A_779 = arith.index_cast %get3A_778 : i32 to index
      %get3A_780 = arith.index_cast %mul3A_525 : i32 to index
      %get3A_781 = tpu.vector_load %arg13[%get3A_779, %get3A_780] {strides = array<i32>} : memref<16x512xf32, #tpu.memory_space<vmem>>, vector<16xf32>,
      %select_n3A_782 = arith.select %ge3A_531, %gather3A_777, %get3A_781 : vector<16xi1>, vector<16xf32>
      %add3A_783 = arith.constant 11 : i32
      %add3A_784 = vector.broadcast %add3A_783 : i32 to vector<16xi32>
      %add3A_785 = arith.addi %mul3A_554, %add3A_784 : vector<16xi32>
      %gather3A_786 = tpu.vector_load_idx %arg16[%add3A_785] : memref<1024xf32, #tpu.memory_space<vmem>>[vector<16xi32>], vector<16xf32>,
      %get3A_787 = arith.constant 11 : i32
      %get3A_788 = arith.index_cast %get3A_787 : i32 to index
      %get3A_789 = arith.index_cast %mul3A_525 : i32 to index
      %get3A_790 = tpu.vector_load %arg14[%get3A_788, %get3A_789] {strides = array<i32>} : memref<16x512xf32, #tpu.memory_space<vmem>>, vector<16xf32>,
      %select_n3A_791 = arith.select %ge3A_534, %gather3A_786, %get3A_790 : vector<16xi1>, vector<16xf32>
      %mul3A_792 = arith.mulf %select_n3A_782, %select_n3A_791 : vector<16xf32>
      %add3A_793 = arith.addf %add3A_773, %mul3A_792 : vector<16xf32>
      %add3A_794 = arith.constant 12 : i32
      %add3A_795 = vector.broadcast %add3A_794 : i32 to vector<16xi32>
      %add3A_796 = arith.addi %mul3A_542, %add3A_795 : vector<16xi32>
      %gather3A_797 = tpu.vector_load_idx %arg15[%add3A_796] : memref<1024xf32, #tpu.memory_space<vmem>>[vector<16xi32>], vector<16xf32>,
      %get3A_798 = arith.constant 12 : i32
      %get3A_799 = arith.index_cast %get3A_798 : i32 to index
      %get3A_800 = arith.index_cast %mul3A_525 : i32 to index
      %get3A_801 = tpu.vector_load %arg13[%get3A_799, %get3A_800] {strides = array<i32>} : memref<16x512xf32, #tpu.memory_space<vmem>>, vector<16xf32>,
      %select_n3A_802 = arith.select %ge3A_531, %gather3A_797, %get3A_801 : vector<16xi1>, vector<16xf32>
      %add3A_803 = arith.constant 12 : i32
      %add3A_804 = vector.broadcast %add3A_803 : i32 to vector<16xi32>
      %add3A_805 = arith.addi %mul3A_554, %add3A_804 : vector<16xi32>
      %gather3A_806 = tpu.vector_load_idx %arg16[%add3A_805] : memref<1024xf32, #tpu.memory_space<vmem>>[vector<16xi32>], vector<16xf32>,
      %get3A_807 = arith.constant 12 : i32
      %get3A_808 = arith.index_cast %get3A_807 : i32 to index
      %get3A_809 = arith.index_cast %mul3A_525 : i32 to index
      %get3A_810 = tpu.vector_load %arg14[%get3A_808, %get3A_809] {strides = array<i32>} : memref<16x512xf32, #tpu.memory_space<vmem>>, vector<16xf32>,
      %select_n3A_811 = arith.select %ge3A_534, %gather3A_806, %get3A_810 : vector<16xi1>, vector<16xf32>
      %mul3A_812 = arith.mulf %select_n3A_802, %select_n3A_811 : vector<16xf32>
      %add3A_813 = arith.addf %add3A_793, %mul3A_812 : vector<16xf32>
      %add3A_814 = arith.constant 13 : i32
      %add3A_815 = vector.broadcast %add3A_814 : i32 to vector<16xi32>
      %add3A_816 = arith.addi %mul3A_542, %add3A_815 : vector<16xi32>
      %gather3A_817 = tpu.vector_load_idx %arg15[%add3A_816] : memref<1024xf32, #tpu.memory_space<vmem>>[vector<16xi32>], vector<16xf32>,
      %get3A_818 = arith.constant 13 : i32
      %get3A_819 = arith.index_cast %get3A_818 : i32 to index
      %get3A_820 = arith.index_cast %mul3A_525 : i32 to index
      %get3A_821 = tpu.vector_load %arg13[%get3A_819, %get3A_820] {strides = array<i32>} : memref<16x512xf32, #tpu.memory_space<vmem>>, vector<16xf32>,
      %select_n3A_822 = arith.select %ge3A_531, %gather3A_817, %get3A_821 : vector<16xi1>, vector<16xf32>
      %add3A_823 = arith.constant 13 : i32
      %add3A_824 = vector.broadcast %add3A_823 : i32 to vector<16xi32>
      %add3A_825 = arith.addi %mul3A_554, %add3A_824 : vector<16xi32>
      %gather3A_826 = tpu.vector_load_idx %arg16[%add3A_825] : memref<1024xf32, #tpu.memory_space<vmem>>[vector<16xi32>], vector<16xf32>,
      %get3A_827 = arith.constant 13 : i32
      %get3A_828 = arith.index_cast %get3A_827 : i32 to index
      %get3A_829 = arith.index_cast %mul3A_525 : i32 to index
      %get3A_830 = tpu.vector_load %arg14[%get3A_828, %get3A_829] {strides = array<i32>} : memref<16x512xf32, #tpu.memory_space<vmem>>, vector<16xf32>,
      %select_n3A_831 = arith.select %ge3A_534, %gather3A_826, %get3A_830 : vector<16xi1>, vector<16xf32>
      %mul3A_832 = arith.mulf %select_n3A_822, %select_n3A_831 : vector<16xf32>
      %add3A_833 = arith.addf %add3A_813, %mul3A_832 : vector<16xf32>
      %add3A_834 = arith.constant 14 : i32
      %add3A_835 = vector.broadcast %add3A_834 : i32 to vector<16xi32>
      %add3A_836 = arith.addi %mul3A_542, %add3A_835 : vector<16xi32>
      %gather3A_837 = tpu.vector_load_idx %arg15[%add3A_836] : memref<1024xf32, #tpu.memory_space<vmem>>[vector<16xi32>], vector<16xf32>,
      %get3A_838 = arith.constant 14 : i32
      %get3A_839 = arith.index_cast %get3A_838 : i32 to index
      %get3A_840 = arith.index_cast %mul3A_525 : i32 to index
      %get3A_841 = tpu.vector_load %arg13[%get3A_839, %get3A_840] {strides = array<i32>} : memref<16x512xf32, #tpu.memory_space<vmem>>, vector<16xf32>,
      %select_n3A_842 = arith.select %ge3A_531, %gather3A_837, %get3A_841 : vector<16xi1>, vector<16xf32>
      %add3A_843 = arith.constant 14 : i32
      %add3A_844 = vector.broadcast %add3A_843 : i32 to vector<16xi32>
      %add3A_845 = arith.addi %mul3A_554, %add3A_844 : vector<16xi32>
      %gather3A_846 = tpu.vector_load_idx %arg16[%add3A_845] : memref<1024xf32, #tpu.memory_space<vmem>>[vector<16xi32>], vector<16xf32>,
      %get3A_847 = arith.constant 14 : i32
      %get3A_848 = arith.index_cast %get3A_847 : i32 to index
      %get3A_849 = arith.index_cast %mul3A_525 : i32 to index
      %get3A_850 = tpu.vector_load %arg14[%get3A_848, %get3A_849] {strides = array<i32>} : memref<16x512xf32, #tpu.memory_space<vmem>>, vector<16xf32>,
      %select_n3A_851 = arith.select %ge3A_534, %gather3A_846, %get3A_850 : vector<16xi1>, vector<16xf32>
      %mul3A_852 = arith.mulf %select_n3A_842, %select_n3A_851 : vector<16xf32>
      %add3A_853 = arith.addf %add3A_833, %mul3A_852 : vector<16xf32>
      %add3A_854 = arith.constant 15 : i32
      %add3A_855 = vector.broadcast %add3A_854 : i32 to vector<16xi32>
      %add3A_856 = arith.addi %mul3A_542, %add3A_855 : vector<16xi32>
      %gather3A_857 = tpu.vector_load_idx %arg15[%add3A_856] : memref<1024xf32, #tpu.memory_space<vmem>>[vector<16xi32>], vector<16xf32>,
      %get3A_858 = arith.constant 15 : i32
      %get3A_859 = arith.index_cast %get3A_858 : i32 to index
      %get3A_860 = arith.index_cast %mul3A_525 : i32 to index
      %get3A_861 = tpu.vector_load %arg13[%get3A_859, %get3A_860] {strides = array<i32>} : memref<16x512xf32, #tpu.memory_space<vmem>>, vector<16xf32>,
      %select_n3A_862 = arith.select %ge3A_531, %gather3A_857, %get3A_861 : vector<16xi1>, vector<16xf32>
      %add3A_863 = arith.constant 15 : i32
      %add3A_864 = vector.broadcast %add3A_863 : i32 to vector<16xi32>
      %add3A_865 = arith.addi %mul3A_554, %add3A_864 : vector<16xi32>
      %gather3A_866 = tpu.vector_load_idx %arg16[%add3A_865] : memref<1024xf32, #tpu.memory_space<vmem>>[vector<16xi32>], vector<16xf32>,
      %get3A_867 = arith.constant 15 : i32
      %get3A_868 = arith.index_cast %get3A_867 : i32 to index
      %get3A_869 = arith.index_cast %mul3A_525 : i32 to index
      %get3A_870 = tpu.vector_load %arg14[%get3A_868, %get3A_869] {strides = array<i32>} : memref<16x512xf32, #tpu.memory_space<vmem>>, vector<16xf32>,
      %select_n3A_871 = arith.select %ge3A_534, %gather3A_866, %get3A_870 : vector<16xi1>, vector<16xf32>
      %mul3A_872 = arith.mulf %select_n3A_862, %select_n3A_871 : vector<16xf32>
      %add3A_873 = arith.addf %add3A_853, %mul3A_872 : vector<16xf32>
      %mul3A_874 = arith.mulf %add3A_873, %get3A_513 : vector<16xf32>
      %add3A_875 = arith.addf %mul3A_874, %get3A_515 : vector<16xf32>
      %neg3A = arith.constant 0.000000e+00 : f32
      %neg3A_876 = vector.broadcast %neg3A : f32 to vector<16xf32>
      %neg3A_877 = arith.subf %neg3A_876, %add3A_875 : vector<16xf32>
      %exp3A = math.exp %neg3A_877 : vector<16xf32>
      %add3A_878 = arith.constant 1.000000e+00 : f32
      %add3A_879 = vector.broadcast %add3A_878 : f32 to vector<16xf32>
      %add3A_880 = arith.addf %add3A_879, %exp3A : vector<16xf32>
      %div3A = arith.constant 1.000000e+00 : f32
      %div3A_881 = vector.broadcast %div3A : f32 to vector<16xf32>
      %div3A_882 = arith.divf %div3A_881, %add3A_880 : vector<16xf32>
      %swap3A = arith.index_cast %mul3A_525 : i32 to index
      %swap3A_883 = tpu.vector_load %arg17[%swap3A] {strides = array<i32>} : memref<512xf32, #tpu.memory_space<vmem>>, vector<16xf32>,
      tpu.vector_store %arg17[%swap3A], %div3A_882 {strides = array<i32>} : memref<512xf32, #tpu.memory_space<vmem>>, vector<16xf32>,
      %scan3A_884 = arith.constant 0 : i32
      scf.yield %scan3A_884 : i32
    }
    %scan3A_521 = arith.constant 32 : i32
    "tpu.region"() ({
      %run_scoped3A = tpu.sem_alloc : memref<!tpu.dma_semaphore, #tpu.memory_space<semaphore_mem>>
      %dma_start3A_522 = tpu.memref_slice %arg10[%mul3A_2] : memref<16384xf32, #tpu.memory_space<hbm>> -> memref<512xf32, #tpu.memory_space<hbm>>
      %dma_start3A_523 = tpu.memref_slice %arg10[%mul3A_2] : memref<16384xf32, #tpu.memory_space<hbm>> -> memref<512xf32, #tpu.memory_space<hbm>>
      tpu.enqueue_dma source(%arg17 : memref<512xf32, #tpu.memory_space<vmem>>) target(%dma_start3A_523 : memref<512xf32, #tpu.memory_space<hbm>>) target_semaphore(%run_scoped3A : memref<!tpu.dma_semaphore, #tpu.memory_space<semaphore_mem>>)
      %dma_wait3A_524 = tpu.memref_slice %arg10[%mul3A_2] : memref<16384xf32, #tpu.memory_space<hbm>> -> memref<512xf32, #tpu.memory_space<hbm>>
      %dma_wait3A_525 = tpu.memref_slice %arg10[%mul3A_2] : memref<16384xf32, #tpu.memory_space<hbm>> -> memref<512xf32, #tpu.memory_space<hbm>>
      tpu.wait_dma2 semaphore(%run_scoped3A : memref<!tpu.dma_semaphore, #tpu.memory_space<semaphore_mem>>) src(%arg17 : memref<512xf32, #tpu.memory_space<vmem>>) dst(%dma_wait3A_525 : memref<512xf32, #tpu.memory_space<hbm>>)
      tpu.yield
    }) : () -> ()
    return
  }
}

</mosaic_0001>

<sc_bundles>
// kernel: kernel.4.cloned.1.call-start
scs
__scs_entry_jumppad:
0x0: {  	(pc) =	sbr.rel $0x88, $3  }
0x1: {  	(tag) =	ssettag $0x0;
	lr =	simm.s32 $0x1  }
0x2: {  	[smem:$0x3F9B] =	sst lr;
	_ =	strace $0xD0000000  }
0x3: {  	_ = 	snop  }
0x4: {  	_ = 	snop  }
0x5: {  	_ = 	snop  }
0x6: {  	_ = 	snop  }
0x7: {  	_ = 	snop  }
__scs_overlays_trampoline_lowered:
0x8: {  	[smem:$0x3FAA] =	sst s0  }
0x9: {  	[smem:$0x3FAB] =	sst s1  }
0xa: {  	[smem:$0x3FAC] =	sst s2  }
0xb: {  	[smem:$0x3FAD] =	sst s3  }
0xc: {  	[smem:$0x3FAE] =	sst s4  }
0xd: {  	[smem:$0x3FAF] =	sst s5  }
0xe: {  	[smem:$0x3FB0] =	sst s6  }
0xf: {  	[smem:$0x3FB1] =	sst s7  }
0x10: {  	[smem:$0x3FB2] =	sst s8  }
0x11: {  	[smem:$0x3FB3] =	sst s9;
	s0 =	simm.s32 @!p0 $0x0  }
0x12: {  	s1 =	sld [smem:$0x3F99];
	s0 =	simm.s32 @p0 $0x1  }
0x13: {  	[smem:$0x3FB4] =	sst s0;
	s0 =	simm.s32 @!p1 $0x0  }
0x14: {  	s2 =	sld [smem:$0x3F98];
	s0 =	simm.s32 @p1 $0x1  }
0x15: {  	[smem:$0x3FB5] =	sst s0;
	s0 =	simm.s32 @!p2 $0x0  }
0x16: {  	s3 =	sld [smem:$0x3FDB];
	s0 =	simm.s32 @p2 $0x1  }
0x17: {  	s4 =	simm.s32 $0x1BF5;
	[smem:$0x3FB7] =	sst s0  }
0x18: {  	s0 =	sld [smem:$0x3F9A];
	_ =	swait.ge [sflag:s4], $0x0  }
0x19: {  	s7 =	sld [smem:$0x3F9B]  }
0x1a: {  	s8 =	sadd.s32 $0xFFFFE003, lr  }
0x1b: {  	s9 =	sadd.s32 $0xFFFFFEF7, lr;
	s5 =	simm.s32 $0xFFFFFFFF;
	p2 =	slt.u32 s8, $0xFFFFF086  }
0x1c: {  	p1 =	slt.u32 s9, $0xF7A;
	s5 =	simm.s32 @!p2 $0x0  }
0x1d: {  	s5 =	simm.s32 @p1 $0x1;
	p0 =	seq.s32 s7, s2  }
0x1e: {  	s7 =	smul.u32 @!p0 $0xF7A, s2;
	p2 =	seq.s32 @!p0 s5, $0x0  }
0x1f: {  	s9 =	smul.u32 $0xF7A, s1;
	s8 =	simm.s32 @!p0 $0x1BF5;
	p2 =	por !p2, p0  }
0x20: {  	[sflag:s8] =	ssyncset.s32 @!p0 $0xFFFFF086;
	s6 =	sadd.s32 @!p0 s3, s7;
	s7 =	simm.s32 @!p0 $0x108  }
0x21: {  	s3 =	sadd.s32 s3, s9;
	s6 =	sadd.s32 @!p0 $0x88, s6;
	s7 =	simm.s32 @p2 $0x1082  }
0x22: {  	[simem:s7], [sflag:s8] =	dma.local @!p0 [hbm:s6], $0xF7A  }
0x23: {  	s9 =	sor.u32 $0xD0000000, s2;
	s6 =	simm.s32 $0x108;
	_ =	swait.ge @!p0 [sflag:s8], $0x0  }
0x24: {  	s3 =	sadd.s32 $0x88, s3;
	s6 =	simm.s32 @!p1 $0x1082;
	[sflag:s4] =	ssyncset.s32 $0xFFFFF086  }
0x25: {  	[simem:s6], [sflag:s4] =	dma.local [hbm:s3], $0xF7A  }
0x26: {  	[smem:$0x3F9B] =	sst s1;
	(tag) =	ssettag s2;
	_ =	strace s9  }
0x27: {  	s1 =	sld [smem:$0x3FAB]  }
0x28: {  	s2 =	sld [smem:$0x3FAC]  }
0x29: {  	s4 =	sld [smem:$0x3FAE]  }
0x2a: {  	p0 =	seq.s32 s5, $0x0;
	s5 =	sld [smem:$0x3FAF]  }
0x2b: {  	s6 =	sld [smem:$0x3FB0]  }
0x2c: {  	s7 =	sld [smem:$0x3FB1]  }
0x2d: {  	s3 =	simm.s32 $0x108;
	s8 =	sld [smem:$0x3FB2]  }
0x2e: {  	s3 =	simm.s32 @!p0 $0x1082;
	s9 =	sld [smem:$0x3FB3]  }
0x2f: {  	lr =	sadd.s32 s0, s3;
	s0 =	sld [smem:$0x3FAA]  }
0x30: {  	s3 =	sld [smem:$0x3FAD]  }
0x31: {  	[smem:$0x3FB6] =	sst s10  }
0x32: {  	s10 =	sld [smem:$0x3FB4];
	_ =	sdelay $0x3  }
0x33: {  	p0 =	seq.s32 s10, $0x1;
	s10 =	sld [smem:$0x3FB6];
	_ =	sdelay $0x3  }
0x34: {  	[smem:$0x3FB6] =	sst s10  }
0x35: {  	s10 =	sld [smem:$0x3FB5];
	_ =	sdelay $0x3  }
0x36: {  	p1 =	seq.s32 s10, $0x1;
	s10 =	sld [smem:$0x3FB6];
	_ =	sdelay $0x3  }
0x37: {  	[smem:$0x3FB6] =	sst s10  }
0x38: {  	s10 =	sld [smem:$0x3FB7]  }
0x39: {  	_ = 	snop;
	(pc) =	sbr.ind lr, $3  }
0x3a: {  	_ = 	snop  }
0x3b: {  	_ = 	snop  }
0x3c: {  	p2 =	seq.s32 s10, $0x1;
	s10 =	sld [smem:$0x3FB6]  }
0x3d: {  	_ =	shalt  }
0x3e: {  	_ =	shalt  }
0x3f: {  	_ =	shalt  }
0x40: {  	_ =	shalt  }
0x41: {  	_ =	shalt  }
0x42: {  	_ =	shalt  }
0x43: {  	_ =	shalt  }
0x44: {  	_ =	shalt  }
0x45: {  	_ =	shalt  }
0x46: {  	_ =	shalt  }
0x47: {  	_ =	shalt  }
0x48: {  	_ =	shalt  }
0x49: {  	_ =	shalt  }
0x4a: {  	_ =	shalt  }
0x4b: {  	_ =	shalt  }
0x4c: {  	_ =	shalt  }
0x4d: {  	_ =	shalt  }
0x4e: {  	_ =	shalt  }
0x4f: {  	_ =	shalt  }
0x50: {  	_ =	shalt  }
0x51: {  	_ =	shalt  }
0x52: {  	_ =	shalt  }
0x53: {  	_ =	shalt  }
0x54: {  	_ =	shalt  }
0x55: {  	_ =	shalt  }
0x56: {  	_ =	shalt  }
0x57: {  	_ =	shalt  }
0x58: {  	_ =	shalt  }
0x59: {  	_ =	shalt  }
0x5a: {  	_ =	shalt  }
0x5b: {  	_ =	shalt  }
0x5c: {  	_ =	shalt  }
0x5d: {  	_ =	shalt  }
0x5e: {  	_ =	shalt  }
0x5f: {  	_ =	shalt  }
0x60: {  	_ =	shalt  }
0x61: {  	_ =	shalt  }
0x62: {  	_ =	shalt  }
0x63: {  	_ =	shalt  }
0x64: {  	_ =	shalt  }
0x65: {  	_ =	shalt  }
0x66: {  	_ =	shalt  }
0x67: {  	_ =	shalt  }
0x68: {  	_ =	shalt  }
0x69: {  	_ =	shalt  }
0x6a: {  	_ =	shalt  }
0x6b: {  	_ =	shalt  }
0x6c: {  	_ =	shalt  }
0x6d: {  	_ =	shalt  }
0x6e: {  	_ =	shalt  }
0x6f: {  	_ =	shalt  }
0x70: {  	_ =	shalt  }
0x71: {  	_ =	shalt  }
0x72: {  	_ =	shalt  }
0x73: {  	_ =	shalt  }
0x74: {  	_ =	shalt  }
0x75: {  	_ =	shalt  }
0x76: {  	_ =	shalt  }
0x77: {  	_ =	shalt  }
0x78: {  	_ =	shalt  }
0x79: {  	_ =	shalt  }
0x7a: {  	_ =	shalt  }
0x7b: {  	_ =	shalt  }
0x7c: {  	_ =	shalt  }
0x7d: {  	_ =	shalt  }
0x7e: {  	_ =	shalt  }
0x7f: {  	_ =	shalt  }
0x80: {  	_ =	shalt  }
0x81: {  	_ =	shalt  }
0x82: {  	_ =	shalt  }
0x83: {  	_ =	shalt  }
0x84: {  	_ =	shalt  }
0x85: {  	_ =	shalt  }
0x86: {  	_ =	shalt  }
0x87: {  	_ =	shalt  }
.Lfunc_end0:
.L_simem_size_0:
called_computation_lowered:
.L_overlay_start_0:
0x88: {  	s2 =	sld [smem:$0x3FD9]  }
0x89: {  	s3 =	sld [smem:$0x3FFE];
	_ =	sdelay $0x1  }
0x8a: {  	s1 =	srdreg.scid  }
0x8b: {  	s0 =	sand.u32 $0x1, s1  }
0x8c: {  	s17 =	sshll.u32 s0, $0xA;
	s2 =	sadd.s32 s3, s2  }
0x8d: {  	s2 =	sadd.s32 s2, s17  }
0x8e: {  	[smem:$0x3FC2] =	sst s2  }
0x8f: {  	_ = 	snop  }
0x90: {  	s2 =	sld [smem:$0x3FC7]  }
0x91: {  	s18 =	sld [smem:$0x3FC6];
	(tm) =	ssettm $0x1  }
0x92: {  	s4 =	sld [smem:$0x3FFB];
	_ =	sdelay $0x3  }
0x93: {  	_ =	strace s4  }
0x94: {  	s4 =	sld [smem:$0x3FFC];
	_ =	sdelay $0x3  }
0x95: {  	_ =	strace s4  }
0x96: {  	s4 =	sld [smem:$0x3FFD];
	_ =	sdelay $0x3  }
0x97: {  	_ =	strace s4  }
0x98: {  	_ =	strace $0x8FFFFFFF  }
0x99: {  	s19 =	sld [smem:$0x3FDB];
	_ =	sdelay $0x1  }
0x9a: {  	s5 =	simm.s32 $_scs_section_size  }
0x9b: {  	s6 =	simm.s32 $_size__tile_overlayer_lowered;
	s7 =	simm.s32 $_tile_overlayer_lowered  }
0x9c: {  	s22 =	simm.s32 $0x1BFF;
	s21 =	sshll.u32 s7, $0x1;
	s4 =	sadd.s32 s5, s19  }
0x9d: {  	s8 =	simm.s32 $0x0;
	s20 =	sshll.u32 s6, $0x1;
	s6 =	sadd.s32 s21, s4  }
0x9e: {  	[timem:s8], [sflag:s22] =	dma.local [hbm:s6], s20  }
0x9f: {  	_ =	swait.ge [sflag:s22], s20  }
0xa0: {  	s5 =	ssub.s32 $0x0, s20;
	[sflag:s22] =	ssyncset.done $0x0  }
0xa1: {  	[sflag:s22] =	ssyncadd.s32 s5;
	_ =	sdelay $0x1  }
0xa2: {  	s23 =	simm.s32 $0x1B8B  }
0xa3: {  	_ =	swait.ge [sflag:s23], $0x1  }
0xa4: {  	[sflag:s23] =	ssyncset.done $0x0  }
0xa5: {  	s25 =	simm.s32 $0x1B8E;
	s24 =	sld [smem:$0x3FFE];
	[sflag:s23] =	ssyncadd.s32 $0xFFFFFFFF  }
0xa6: {  	s26 =	simm.s32 $execute0_lowered;
	[smem:$0x3FD2] =	sst s25  }
0xa7: {  	s6 =	sshll.u32 s26, $0x1;
	_ =	strace $0x80000046;
	[dreg:$0x1] =	wrdreg $0xFFFFFFFF  }
0xa8: {  	s28 =	simm.s32 $_size_execute0_lowered;
	s4 =	sadd.s32 s4, s6;
	[dreg:$0x0] =	wrdreg $0x0  }
0xa9: {  	s6 =	sshll.u32 s28, $0x1;
	[dreg:$0x2] =	wrdreg s4  }
0xaa: {  	[dreg:$0x3] =	wrdreg s6  }
0xab: {  	[dreg:$0x4] =	wrdreg $0xC0  }
0xac: {  	_ =	task [dreg:s8], $0x5FFFF  }
0xad: {  	[dreg:$0x1] =	wrdreg $0xFFFFFFFF  }
0xae: {  	[dreg:$0x0] =	wrdreg $0x60  }
0xaf: {  	[dreg:$0x2] =	wrdreg s2  }
0xb0: {  	[dreg:$0x3] =	wrdreg s18  }
0xb1: {  	[dreg:$0x4] =	wrdreg s24  }
0xb2: {  	[dreg:$0x5] =	wrdreg $0x9  }
0xb3: {  	_ =	task.clear_ibuf [dreg:s8], $0x6FFFF;
	_ =	strace $0x90000046  }
0xb4: {  	s29 =	simm.s32 $0x9;
	_ =	strace $0x80000048  }
0xb5: {  	_ =	swait.ge [sflag:s29], $0x1  }
0xb6: {  	[sflag:s29] =	ssyncadd.s32 $0xFFFFFFFF  }
0xb7: {  	_ =	strace $0x90000048  }
0xb8: {  	_ =	sfence  }
0xb9: {  	s30 =	sld [smem:$0x0];
	_ =	sdelay $0x2  }
0xba: {  	s31 =	sshll.u32 s1, $0xD;
	s1 =	sshrl.u32 s1, $0x2  }
0xbb: {  	s3 =	sand.u32 $0x4000, s31;
	s1 =	sadd.s32 s1, s30  }
0xbc: {  	s0 =	sor.u32 s3, s0;
	s1 =	sshll.u32 s1, $0x11  }
0xbd: {  	s0 =	sor.u32 s1, s0  }
0xbe: {  	s0 =	sadd.s32 $0x8F2B, s0  }
0xbf: {  	[sflag:s0] =	ssyncadd.remote.s32 $0x1  }
0xc0: {  	_ =	sfence.sel $0xFFFF  }
0xc1: {  	[dreg:$0x0] =	wrdreg $0xFFFFFFFF;
	(pc) =	sbr.abs _section_cstart, $3  }
0xc2: {  	[dreg:$0x1] =	wrdreg $0xFFFFFFFF  }
0xc3: {  	_ =	task.clear_ibuf [dreg:s8], $0x2FFFF;
	_ =	strace $0x9FFFFFFF  }
0xc4: {  	(tm) =	ssettm $0x7FFFFFFF  }
0xc5: {  	_ =	shalt  }
tec
execute0_lowered:
.L_overlay_start_1:
0x0: {  	(tag) =	ssettag $0x1  }
0x1: {  	s2 =	srdreg.scid;
	s1 =	rddreg [dreg:$0x0]  }
0x2: {  	s0 =	stileid.u32;
	s29 =	rddreg [dreg:$0x1]  }
0x3: {  	s4 =	rddreg [dreg:$0x2];
	s30 =	sand.u32 $0x1, s2;
	s20 =	sshll.u32 s0, $0x1  }
0x4: {  	s2 =	simm.s32 $0x0;
	s8 =	sadd.s32 $0xC00, s4;
	s4 =	sadd.s32 $0x1E9200, s4  }
0x5: {  	p0 =	slt.u32 s0, $0x8;
	s13 =	sshrl.u32 s0, $0x2;
	s3 =	sor.u32 s30, s20  }
0x6: {  	[smem:$0x7FF] =	sst s2;
	s13 =	smul.u32 $0x7A1400, s13;
	s5 =	sand.u32 $0xF, s3  }
0x7: {  	s3 =	sshll.u32 s3, $0x7;
	s6 =	sshrl.u32 s5, $0x3;
	s5 =	smul.u32 $0xF4240, s5  }
0x8: {  	s4 =	smov.u32 @p0 s8;
	_ =	strace $0x80000047;
	s7 =	sand.u32 $0x380, s3  }
0x9: {  	s6 =	smul.u32 $0x7A1400, s6;
	s31 =	sor.u32 s13, s7;
	s5 =	sshrl.u32 s5, $0x3  }
0xa: {  	s24 =	sadd.s32 $0x78000, s31;
	s16 =	sshrl.u32 s31, $0x3;
	s17 =	sadd.s32 $0xF0000, s31  }
0xb: {  	s18 =	sadd.s32 $0x168000, s31;
	s19 =	sadd.s32 $0x1E0000, s31;
	s20 =	sadd.s32 $0x258000, s31  }
0xc: {  	s0 =	sadd.s32 $0x2D0000, s31;
	s28 =	sor.u32 s7, s6;
	s17 =	sshrl.u32 s17, $0x3  }
0xd: {  	s18 =	sshrl.u32 s18, $0x3;
	s19 =	sshrl.u32 s19, $0x3;
	s3 =	sadd.s32 s4, s5  }
0xe: {  	s25 =	sshrl.u32 s20, $0x3;
	s21 =	sshrl.u32 s28, $0x3;
	s6 =	sadd.s32 $0x78000, s28  }
0xf: {  	s9 =	sadd.s32 $0xF0000, s28;
	s10 =	sadd.s32 $0x168000, s28;
	s11 =	sadd.s32 $0x1E0000, s28  }
0x10: {  	s12 =	sadd.s32 $0x258000, s28;
	s14 =	sadd.s32 $0x2D0000, s28;
	s15 =	sadd.s32 $0x348000, s28  }
0x11: {  	s23 =	sadd.s32 $0x3C0000, s28;
	s17 =	sadd.s32 s1, s17;
	s18 =	sadd.s32 s1, s18  }
0x12: {  	s19 =	sadd.s32 s1, s19;
	s26 =	sadd.s32 $0x1E00, s3;
	s5 =	sadd.s32 s1, s25  }
0x13: {  	s4 =	sadd.s32 $0x3C00, s3;
	s21 =	sadd.s32 s29, s21;
	s6 =	sshrl.u32 s6, $0x3  }
0x14: {  	s9 =	sshrl.u32 s9, $0x3;
	s10 =	sshrl.u32 s10, $0x3;
	s11 =	sshrl.u32 s11, $0x3  }
0x15: {  	s12 =	sshrl.u32 s12, $0x3;
	s14 =	sshrl.u32 s14, $0x3;
	s22 =	sshrl.u32 s15, $0x3  }
0x16: {  	s13 =	sshrl.u32 s23, $0x3;
	s15 =	sshrl.u32 s24, $0x3;
	[dreg:$0x6] =	wrdreg s26  }
0x17: {  	[dreg:$0x8] =	wrdreg s4;
	s6 =	sadd.s32 s29, s6;
	s15 =	sadd.s32 s1, s15  }
0x18: {  	s9 =	sadd.s32 s29, s9;
	s10 =	sadd.s32 s29, s10;
	s6 =	smov.u32 @p0 s15  }
0x19: {  	s11 =	sadd.s32 s29, s11;
	s9 =	smov.u32 @p0 s17;
	[dreg:$0x4] =	wrdreg s6  }
0x1a: {  	s12 =	sadd.s32 s29, s12;
	s10 =	smov.u32 @p0 s18;
	[dreg:$0x5] =	wrdreg s9  }
0x1b: {  	s14 =	sadd.s32 s29, s14;
	s11 =	smov.u32 @p0 s19;
	[dreg:$0x7] =	wrdreg s10  }
0x1c: {  	s7 =	sadd.s32 s29, s22;
	s12 =	smov.u32 @p0 s5;
	[dreg:$0x9] =	wrdreg s11  }
0x1d: {  	s13 =	sadd.s32 s29, s13;
	s15 =	sadd.s32 $0x7800, s3;
	[dreg:$0xb] =	wrdreg s12  }
0x1e: {  	s17 =	sadd.s32 $0x3C0000, s31;
	s18 =	sadd.s32 $0x9600, s3;
	[dreg:$0xc] =	wrdreg s15  }
0x1f: {  	s19 =	sadd.s32 $0xB400, s3;
	s6 =	sshrl.u32 s0, $0x3;
	[dreg:$0xe] =	wrdreg s18  }
0x20: {  	s9 =	sadd.s32 $0x5A00, s3;
	s10 =	sadd.s32 $0x348000, s31;
	[dreg:$0x10] =	wrdreg s19  }
0x21: {  	s6 =	sadd.s32 s1, s6;
	[dreg:$0xa] =	wrdreg s9;
	s11 =	sshrl.u32 s10, $0x3  }
0x22: {  	s5 =	sadd.s32 s1, s11;
	s14 =	smov.u32 @p0 s6;
	s6 =	sshrl.u32 s17, $0x3  }
0x23: {  	[dreg:$0xd] =	wrdreg s14;
	s7 =	smov.u32 @p0 s5;
	s5 =	sadd.s32 s1, s6  }
0x24: {  	[dreg:$0xf] =	wrdreg s7;
	s7 =	sadd.s32 s1, s16;
	s13 =	smov.u32 @p0 s5  }
0x25: {  	s6 =	simm.s32 $0x400;
	s21 =	smov.u32 @p0 s7;
	[dreg:$0x11] =	wrdreg s13  }
0x26: {  	s5 =	simm.s32 $0x80;
	s7 =	simm.s32 $0x1;
	[dreg:$0x12] =	wrdreg s21  }
0x27: {  	[tilespmem:s2], [sflag:$0x1] =	stream.strided.gather [hbm4b:s21+s5], $0xF000, s6, s5, $0x38;
	[tilespmem:$0x1E000] =	vst v63  }
0x28: {  	_ =	swait.ge [sflag:s7], $0xF000  }
0x29: {  	[sflag:s7] =	ssyncset.done $0x0  }
0x2a: {  	s8 =	simm.s32 $0xF000;
	s20 =	rddreg [dreg:$0x4];
	[sflag:s7] =	ssyncadd.s32 $0xFFFF1000  }
0x2b: {  	[tilespmem:s8], [sflag:$0x2] =	stream.strided.gather [hbm4b:s20+s5], $0xF000, s6, s5, $0x38;
	[tilespmem:$0x1E000] =	vst v63  }
0x2c: {  	s9 =	simm.s32 $0x2  }
0x2d: {  	[hbm4b:s3+s2] =	stream.linear.scatter [tilespmem:s2], [sflag:$0x3], $0xF000, $0x38;
	[tilespmem:$0x1E000] =	vst v63  }
0x2e: {  	_ =	swait.ge [sflag:s9], $0xF000  }
0x2f: {  	[sflag:s9] =	ssyncset.done $0x0  }
0x30: {  	s10 =	simm.s32 $0x3;
	[sflag:s9] =	ssyncadd.s32 $0xFFFF1000  }
0x31: {  	_ =	swait.ge [sflag:s10], $0xF000  }
0x32: {  	[sflag:s10] =	ssyncset.done $0x0  }
0x33: {  	s21 =	rddreg [dreg:$0x5];
	[sflag:s10] =	ssyncadd.s32 $0xFFFF1000  }
0x34: {  	[tilespmem:s2], [sflag:$0x1] =	stream.strided.gather [hbm4b:s21+s5], $0xF000, s6, s5, $0x38;
	[tilespmem:$0x1E000] =	vst v63  }
0x35: {  	s22 =	rddreg [dreg:$0x6]  }
0x36: {  	[hbm4b:s22+s2] =	stream.linear.scatter [tilespmem:s8], [sflag:$0x4], $0xF000, $0x38;
	[tilespmem:$0x1E000] =	vst v63  }
0x37: {  	_ =	swait.ge [sflag:s7], $0xF000  }
0x38: {  	[sflag:s7] =	ssyncset.done $0x0  }
0x39: {  	s11 =	simm.s32 $0x4;
	[sflag:s7] =	ssyncadd.s32 $0xFFFF1000  }
0x3a: {  	_ =	swait.ge [sflag:s11], $0xF000  }
0x3b: {  	[sflag:s11] =	ssyncset.done $0x0  }
0x3c: {  	s23 =	rddreg [dreg:$0x7];
	[sflag:s11] =	ssyncadd.s32 $0xFFFF1000  }
0x3d: {  	[tilespmem:s8], [sflag:$0x2] =	stream.strided.gather [hbm4b:s23+s5], $0xF000, s6, s5, $0x38;
	[tilespmem:$0x1E000] =	vst v63  }
0x3e: {  	s24 =	rddreg [dreg:$0x8]  }
0x3f: {  	[hbm4b:s24+s2] =	stream.linear.scatter [tilespmem:s2], [sflag:$0x3], $0xF000, $0x38;
	[tilespmem:$0x1E000] =	vst v63  }
0x40: {  	_ =	swait.ge [sflag:s9], $0xF000  }
0x41: {  	[sflag:s9] =	ssyncset.done $0x0  }
0x42: {  	[sflag:s9] =	ssyncadd.s32 $0xFFFF1000  }
0x43: {  	_ =	swait.ge [sflag:s10], $0xF000  }
0x44: {  	[sflag:s10] =	ssyncset.done $0x0  }
0x45: {  	s25 =	rddreg [dreg:$0x9];
	[sflag:s10] =	ssyncadd.s32 $0xFFFF1000  }
0x46: {  	[tilespmem:s2], [sflag:$0x1] =	stream.strided.gather [hbm4b:s25+s5], $0xF000, s6, s5, $0x38;
	[tilespmem:$0x1E000] =	vst v63  }
0x47: {  	s26 =	rddreg [dreg:$0xa]  }
0x48: {  	[hbm4b:s26+s2] =	stream.linear.scatter [tilespmem:s8], [sflag:$0x4], $0xF000, $0x38;
	[tilespmem:$0x1E000] =	vst v63  }
0x49: {  	_ =	swait.ge [sflag:s7], $0xF000  }
0x4a: {  	[sflag:s7] =	ssyncset.done $0x0  }
0x4b: {  	[sflag:s7] =	ssyncadd.s32 $0xFFFF1000  }
0x4c: {  	_ =	swait.ge [sflag:s11], $0xF000  }
0x4d: {  	[sflag:s11] =	ssyncset.done $0x0  }
0x4e: {  	s0 =	rddreg [dreg:$0xb];
	[sflag:s11] =	ssyncadd.s32 $0xFFFF1000  }
0x4f: {  	[tilespmem:s8], [sflag:$0x2] =	stream.strided.gather [hbm4b:s0+s5], $0xF000, s6, s5, $0x38;
	[tilespmem:$0x1E000] =	vst v63  }
0x50: {  	s4 =	rddreg [dreg:$0xc]  }
0x51: {  	[hbm4b:s4+s2] =	stream.linear.scatter [tilespmem:s2], [sflag:$0x3], $0xF000, $0x38;
	[tilespmem:$0x1E000] =	vst v63  }
0x52: {  	_ =	swait.ge [sflag:s9], $0xF000  }
0x53: {  	[sflag:s9] =	ssyncset.done $0x0  }
0x54: {  	[sflag:s9] =	ssyncadd.s32 $0xFFFF1000  }
0x55: {  	_ =	swait.ge [sflag:s10], $0xF000  }
0x56: {  	[sflag:s10] =	ssyncset.done $0x0  }
0x57: {  	s14 =	rddreg [dreg:$0xd];
	[sflag:s10] =	ssyncadd.s32 $0xFFFF1000  }
0x58: {  	[tilespmem:s2], [sflag:$0x1] =	stream.strided.gather [hbm4b:s14+s5], $0xF000, s6, s5, $0x38;
	[tilespmem:$0x1E000] =	vst v63  }
0x59: {  	s15 =	rddreg [dreg:$0xe]  }
0x5a: {  	[hbm4b:s15+s2] =	stream.linear.scatter [tilespmem:s8], [sflag:$0x4], $0xF000, $0x38;
	[tilespmem:$0x1E000] =	vst v63  }
0x5b: {  	_ =	swait.ge [sflag:s7], $0xF000  }
0x5c: {  	[sflag:s7] =	ssyncset.done $0x0  }
0x5d: {  	[sflag:s7] =	ssyncadd.s32 $0xFFFF1000  }
0x5e: {  	_ =	swait.ge [sflag:s11], $0xF000  }
0x5f: {  	[sflag:s11] =	ssyncset.done $0x0  }
0x60: {  	s16 =	rddreg [dreg:$0xf];
	[sflag:s11] =	ssyncadd.s32 $0xFFFF1000  }
0x61: {  	[tilespmem:s8], [sflag:$0x2] =	stream.strided.gather [hbm4b:s16+s5], $0xF000, s6, s5, $0x38;
	[tilespmem:$0x1E000] =	vst v63  }
0x62: {  	s17 =	rddreg [dreg:$0x10]  }
0x63: {  	[hbm4b:s17+s2] =	stream.linear.scatter [tilespmem:s2], [sflag:$0x3], $0xF000, $0x38;
	[tilespmem:$0x1E000] =	vst v63  }
0x64: {  	_ =	swait.ge [sflag:s9], $0xF000  }
0x65: {  	[sflag:s9] =	ssyncset.done $0x0  }
0x66: {  	[sflag:s9] =	ssyncadd.s32 $0xFFFF1000  }
0x67: {  	_ =	swait.ge [sflag:s10], $0xF000  }
0x68: {  	[sflag:s10] =	ssyncset.done $0x0  }
0x69: {  	s18 =	rddreg [dreg:$0x11];
	[sflag:s10] =	ssyncadd.s32 $0xFFFF1000  }
0x6a: {  	[tilespmem:s2], [sflag:$0x1] =	stream.strided.gather [hbm4b:s18+s5], $0xF000, s6, s5, $0x38;
	[tilespmem:$0x1E000] =	vst v63  }
0x6b: {  	s12 =	sadd.s32 $0xD200, s3  }
0x6c: {  	[hbm4b:s12+s2] =	stream.linear.scatter [tilespmem:s8], [sflag:$0x4], $0xF000, $0x38;
	[tilespmem:$0x1E000] =	vst v63  }
0x6d: {  	_ =	swait.ge [sflag:s7], $0xF000  }
0x6e: {  	[sflag:s7] =	ssyncset.done $0x0  }
0x6f: {  	s19 =	sadd.s32 $0x438000, s28;
	s20 =	sadd.s32 $0x438000, s31;
	[sflag:s7] =	ssyncadd.s32 $0xFFFF1000  }
0x70: {  	s13 =	sshrl.u32 s19, $0x3;
	s14 =	sshrl.u32 s20, $0x3;
	_ =	swait.ge [sflag:s11], $0xF000  }
0x71: {  	s13 =	sadd.s32 s29, s13;
	s14 =	sadd.s32 s1, s14;
	[sflag:s11] =	ssyncset.done $0x0  }
0x72: {  	s13 =	smov.u32 @p0 s14;
	[sflag:s11] =	ssyncadd.s32 $0xFFFF1000  }
0x73: {  	[tilespmem:s8], [sflag:$0x2] =	stream.strided.gather [hbm4b:s13+s5], $0xF000, s6, s5, $0x38;
	[tilespmem:$0x1E000] =	vst v63  }
0x74: {  	s14 =	sadd.s32 $0xF000, s3  }
0x75: {  	[hbm4b:s14+s2] =	stream.linear.scatter [tilespmem:s2], [sflag:$0x3], $0xF000, $0x38;
	[tilespmem:$0x1E000] =	vst v63  }
0x76: {  	_ =	swait.ge [sflag:s9], $0xF000  }
0x77: {  	[sflag:s9] =	ssyncset.done $0x0  }
0x78: {  	s21 =	sadd.s32 $0x4B0000, s28;
	s22 =	sadd.s32 $0x4B0000, s31;
	[sflag:s9] =	ssyncadd.s32 $0xFFFF1000  }
0x79: {  	s15 =	sshrl.u32 s21, $0x3;
	s16 =	sshrl.u32 s22, $0x3;
	_ =	swait.ge [sflag:s10], $0xF000  }
0x7a: {  	s15 =	sadd.s32 s29, s15;
	s16 =	sadd.s32 s1, s16;
	[sflag:s10] =	ssyncset.done $0x0  }
0x7b: {  	s15 =	smov.u32 @p0 s16;
	[sflag:s10] =	ssyncadd.s32 $0xFFFF1000  }
0x7c: {  	[tilespmem:s2], [sflag:$0x1] =	stream.strided.gather [hbm4b:s15+s5], $0xF000, s6, s5, $0x38;
	[tilespmem:$0x1E000] =	vst v63  }
0x7d: {  	s16 =	sadd.s32 $0x10E00, s3  }
0x7e: {  	[hbm4b:s16+s2] =	stream.linear.scatter [tilespmem:s8], [sflag:$0x4], $0xF000, $0x38;
	[tilespmem:$0x1E000] =	vst v63  }
0x7f: {  	_ =	swait.ge [sflag:s7], $0xF000  }
0x80: {  	[sflag:s7] =	ssyncset.done $0x0  }
0x81: {  	s23 =	sadd.s32 $0x528000, s28;
	s24 =	sadd.s32 $0x528000, s31;
	[sflag:s7] =	ssyncadd.s32 $0xFFFF1000  }
0x82: {  	s17 =	sshrl.u32 s23, $0x3;
	s18 =	sshrl.u32 s24, $0x3;
	_ =	swait.ge [sflag:s11], $0xF000  }
0x83: {  	s17 =	sadd.s32 s29, s17;
	s18 =	sadd.s32 s1, s18;
	[sflag:s11] =	ssyncset.done $0x0  }
0x84: {  	s17 =	smov.u32 @p0 s18;
	[sflag:s11] =	ssyncadd.s32 $0xFFFF1000  }
0x85: {  	[tilespmem:s8], [sflag:$0x2] =	stream.strided.gather [hbm4b:s17+s5], $0xF000, s6, s5, $0x38;
	[tilespmem:$0x1E000] =	vst v63  }
0x86: {  	s18 =	sadd.s32 $0x12C00, s3  }
0x87: {  	[hbm4b:s18+s2] =	stream.linear.scatter [tilespmem:s2], [sflag:$0x3], $0xF000, $0x38;
	[tilespmem:$0x1E000] =	vst v63  }
0x88: {  	_ =	swait.ge [sflag:s9], $0xF000  }
0x89: {  	[sflag:s9] =	ssyncset.done $0x0  }
0x8a: {  	s25 =	sadd.s32 $0x5A0000, s28;
	s26 =	sadd.s32 $0x5A0000, s31;
	[sflag:s9] =	ssyncadd.s32 $0xFFFF1000  }
0x8b: {  	s19 =	sshrl.u32 s25, $0x3;
	s20 =	sshrl.u32 s26, $0x3;
	_ =	swait.ge [sflag:s10], $0xF000  }
0x8c: {  	s19 =	sadd.s32 s29, s19;
	s20 =	sadd.s32 s1, s20;
	[sflag:s10] =	ssyncset.done $0x0  }
0x8d: {  	s19 =	smov.u32 @p0 s20;
	[sflag:s10] =	ssyncadd.s32 $0xFFFF1000  }
0x8e: {  	[tilespmem:s2], [sflag:$0x1] =	stream.strided.gather [hbm4b:s19+s5], $0xF000, s6, s5, $0x38;
	[tilespmem:$0x1E000] =	vst v63  }
0x8f: {  	s20 =	sadd.s32 $0x14A00, s3  }
0x90: {  	[hbm4b:s20+s2] =	stream.linear.scatter [tilespmem:s8], [sflag:$0x4], $0xF000, $0x38;
	[tilespmem:$0x1E000] =	vst v63  }
0x91: {  	_ =	swait.ge [sflag:s7], $0xF000  }
0x92: {  	[sflag:s7] =	ssyncset.done $0x0  }
0x93: {  	s0 =	sadd.s32 $0x618000, s28;
	s22 =	sadd.s32 $0x618000, s31;
	[sflag:s7] =	ssyncadd.s32 $0xFFFF1000  }
0x94: {  	s21 =	sshrl.u32 s0, $0x3;
	s22 =	sshrl.u32 s22, $0x3;
	_ =	swait.ge [sflag:s11], $0xF000  }
0x95: {  	s21 =	sadd.s32 s29, s21;
	s22 =	sadd.s32 s1, s22;
	[sflag:s11] =	ssyncset.done $0x0  }
0x96: {  	s21 =	smov.u32 @p0 s22;
	[sflag:s11] =	ssyncadd.s32 $0xFFFF1000  }
0x97: {  	[tilespmem:s8], [sflag:$0x2] =	stream.strided.gather [hbm4b:s21+s5], $0xF000, s6, s5, $0x38;
	[tilespmem:$0x1E000] =	vst v63  }
0x98: {  	s22 =	sadd.s32 $0x16800, s3  }
0x99: {  	[hbm4b:s22+s2] =	stream.linear.scatter [tilespmem:s2], [sflag:$0x3], $0xF000, $0x38;
	[tilespmem:$0x1E000] =	vst v63  }
0x9a: {  	_ =	swait.ge [sflag:s9], $0xF000  }
0x9b: {  	[sflag:s9] =	ssyncset.done $0x0  }
0x9c: {  	s23 =	sadd.s32 $0x690000, s28;
	s24 =	sadd.s32 $0x690000, s31;
	[sflag:s9] =	ssyncadd.s32 $0xFFFF1000  }
0x9d: {  	s23 =	sshrl.u32 s23, $0x3;
	s24 =	sshrl.u32 s24, $0x3;
	_ =	swait.ge [sflag:s10], $0xF000  }
0x9e: {  	s23 =	sadd.s32 s29, s23;
	s24 =	sadd.s32 s1, s24;
	[sflag:s10] =	ssyncset.done $0x0  }
0x9f: {  	s23 =	smov.u32 @p0 s24;
	[sflag:s10] =	ssyncadd.s32 $0xFFFF1000  }
0xa0: {  	[tilespmem:s2], [sflag:$0x1] =	stream.strided.gather [hbm4b:s23+s5], $0xF000, s6, s5, $0x38;
	[tilespmem:$0x1E000] =	vst v63  }
0xa1: {  	s24 =	sadd.s32 $0x18600, s3  }
0xa2: {  	[hbm4b:s24+s2] =	stream.linear.scatter [tilespmem:s8], [sflag:$0x4], $0xF000, $0x38;
	[tilespmem:$0x1E000] =	vst v63  }
0xa3: {  	_ =	swait.ge [sflag:s7], $0xF000  }
0xa4: {  	[sflag:s7] =	ssyncset.done $0x0  }
0xa5: {  	s25 =	sadd.s32 $0x708000, s28;
	s26 =	sadd.s32 $0x708000, s31;
	[sflag:s7] =	ssyncadd.s32 $0xFFFF1000  }
0xa6: {  	s25 =	sshrl.u32 s25, $0x3;
	s26 =	sshrl.u32 s26, $0x3;
	_ =	swait.ge [sflag:s11], $0xF000  }
0xa7: {  	s25 =	sadd.s32 s29, s25;
	s26 =	sadd.s32 s1, s26;
	[sflag:s11] =	ssyncset.done $0x0  }
0xa8: {  	s25 =	smov.u32 @p0 s26;
	[sflag:s11] =	ssyncadd.s32 $0xFFFF1000  }
0xa9: {  	[tilespmem:s8], [sflag:$0x2] =	stream.strided.gather [hbm4b:s25+s5], $0xF000, s6, s5, $0x38;
	[tilespmem:$0x1E000] =	vst v63  }
0xaa: {  	s26 =	sadd.s32 $0x1A400, s3  }
0xab: {  	[hbm4b:s26+s2] =	stream.linear.scatter [tilespmem:s2], [sflag:$0x3], $0xF000, $0x38;
	[tilespmem:$0x1E000] =	vst v63  }
0xac: {  	_ =	swait.ge [sflag:s9], $0xF000  }
0xad: {  	s4 =	sadd.s32 $0x780000, s28;
	[sflag:s9] =	ssyncset.done $0x0  }
0xae: {  	s0 =	sshrl.u32 s4, $0x3;
	[sflag:s9] =	ssyncadd.s32 $0xFFFF1000  }
0xaf: {  	s28 =	sadd.s32 $0x1C200, s3;
	s31 =	sadd.s32 $0x780000, s31;
	_ =	swait.ge [sflag:s10], $0xF000  }
0xb0: {  	s29 =	sadd.s32 s29, s0;
	s31 =	sshrl.u32 s31, $0x3;
	[sflag:s10] =	ssyncset.done $0x0  }
0xb1: {  	s0 =	sadd.s32 s1, s31;
	s1 =	ssub.s32 $0x2, s30;
	[sflag:s10] =	ssyncadd.s32 $0xFFFF1000  }
0xb2: {  	[hbm4b:s28+s2] =	stream.linear.scatter [tilespmem:s8], [sflag:$0x4], $0xF000, $0x38;
	[tilespmem:$0x1E000] =	vst v63  }
0xb3: {  	s4 =	sshrl.u32 s1, $0x1;
	_ =	swait.ge [sflag:s11], $0xF000  }
0xb4: {  	s29 =	smov.u32 @p0 s0;
	s0 =	ssub.s32 s1, s4;
	[sflag:s11] =	ssyncset.done $0x0  }
0xb5: {  	s30 =	simm.s32 $0x5;
	s0 =	smax.u32 s0, $0x1;
	[sflag:s11] =	ssyncadd.s32 $0xFFFF1000  }
0xb6: {  	[tilespmem:s2], [sflag:$0x5] =	stream.strided.gather [hbm4b:s29+s5], $0x4200, s6, s5, $0x38;
	[tilespmem:$0x1E000] =	vst v63  }
0xb7: {  	p0 =	sne.s32 s0, $0x1;
	_ =	swait.ge [sflag:s30], $0x4200  }
.Ltmp0:
0xb8: {  	[sflag:s30] =	ssyncset.done $0x0;
	(pc) =	sbr.rel @!p0 .LBB2_3-.Ltmp0, $4  }
0xb9: {  	s31 =	sadd.s32 $0x1E000, s3;
	[sflag:s30] =	ssyncadd.s32 $0xFFFFBE00  }
0xba: {  	[hbm4b:s31+s2] =	stream.linear.scatter [tilespmem:s2], [sflag:$0x5], $0x4200, $0x38;
	[tilespmem:$0x1E000] =	vst v63  }
0xbb: {  	_ =	swait.ge [sflag:s30], $0x4200  }
0xbc: {  	s1 =	sadd.s32 $0xFFFFFFFF, s0;
	[sflag:s30] =	ssyncset.done $0x0  }
0xbd: {  	s4 =	smov.u32 s3  }
.LBB2_2:
0xbe: {  	[sflag:s30] =	ssyncadd.s32 $0xFFFFBE00;
	s0 =	rddreg [dreg:$0x12]  }
0xbf: {  	[tilespmem:s2], [sflag:$0x1] =	stream.strided.gather [hbm4b:s0+s5], $0xF000, s6, s5, $0x38;
	[tilespmem:$0x1E000] =	vst v63  }
0xc0: {  	_ =	swait.ge [sflag:s7], $0xF000  }
0xc1: {  	[sflag:s7] =	ssyncset.done $0x0  }
0xc2: {  	s3 =	rddreg [dreg:$0x4];
	[sflag:s7] =	ssyncadd.s32 $0xFFFF1000  }
0xc3: {  	[tilespmem:s8], [sflag:$0x2] =	stream.strided.gather [hbm4b:s3+s5], $0xF000, s6, s5, $0x38;
	[tilespmem:$0x1E000] =	vst v63  }
0xc4: {  	_ = 	snop  }
0xc5: {  	[hbm4b:s4+s2] =	stream.linear.scatter [tilespmem:s2], [sflag:$0x3], $0xF000, $0x38;
	[tilespmem:$0x1E000] =	vst v63  }
0xc6: {  	_ =	swait.ge [sflag:s9], $0xF000  }
0xc7: {  	[sflag:s9] =	ssyncset.done $0x0  }
0xc8: {  	[sflag:s9] =	ssyncadd.s32 $0xFFFF1000  }
0xc9: {  	_ =	swait.ge [sflag:s10], $0xF000  }
0xca: {  	[sflag:s10] =	ssyncset.done $0x0  }
0xcb: {  	s0 =	rddreg [dreg:$0x5];
	[sflag:s10] =	ssyncadd.s32 $0xFFFF1000  }
0xcc: {  	[tilespmem:s2], [sflag:$0x1] =	stream.strided.gather [hbm4b:s0+s5], $0xF000, s6, s5, $0x38;
	[tilespmem:$0x1E000] =	vst v63  }
0xcd: {  	s3 =	rddreg [dreg:$0x6]  }
0xce: {  	[hbm4b:s3+s2] =	stream.linear.scatter [tilespmem:s8], [sflag:$0x4], $0xF000, $0x38;
	[tilespmem:$0x1E000] =	vst v63  }
0xcf: {  	_ =	swait.ge [sflag:s7], $0xF000  }
0xd0: {  	[sflag:s7] =	ssyncset.done $0x0  }
0xd1: {  	[sflag:s7] =	ssyncadd.s32 $0xFFFF1000  }
0xd2: {  	_ =	swait.ge [sflag:s11], $0xF000  }
0xd3: {  	[sflag:s11] =	ssyncset.done $0x0  }
0xd4: {  	s0 =	rddreg [dreg:$0x7];
	[sflag:s11] =	ssyncadd.s32 $0xFFFF1000  }
0xd5: {  	[tilespmem:s8], [sflag:$0x2] =	stream.strided.gather [hbm4b:s0+s5], $0xF000, s6, s5, $0x38;
	[tilespmem:$0x1E000] =	vst v63  }
0xd6: {  	s3 =	rddreg [dreg:$0x8]  }
0xd7: {  	[hbm4b:s3+s2] =	stream.linear.scatter [tilespmem:s2], [sflag:$0x3], $0xF000, $0x38;
	[tilespmem:$0x1E000] =	vst v63  }
0xd8: {  	_ =	swait.ge [sflag:s9], $0xF000  }
0xd9: {  	[sflag:s9] =	ssyncset.done $0x0  }
0xda: {  	[sflag:s9] =	ssyncadd.s32 $0xFFFF1000  }
0xdb: {  	_ =	swait.ge [sflag:s10], $0xF000  }
0xdc: {  	[sflag:s10] =	ssyncset.done $0x0  }
0xdd: {  	s0 =	rddreg [dreg:$0x9];
	[sflag:s10] =	ssyncadd.s32 $0xFFFF1000  }
0xde: {  	[tilespmem:s2], [sflag:$0x1] =	stream.strided.gather [hbm4b:s0+s5], $0xF000, s6, s5, $0x38;
	[tilespmem:$0x1E000] =	vst v63  }
0xdf: {  	s3 =	rddreg [dreg:$0xa]  }
0xe0: {  	[hbm4b:s3+s2] =	stream.linear.scatter [tilespmem:s8], [sflag:$0x4], $0xF000, $0x38;
	[tilespmem:$0x1E000] =	vst v63  }
0xe1: {  	_ =	swait.ge [sflag:s7], $0xF000  }
0xe2: {  	[sflag:s7] =	ssyncset.done $0x0  }
0xe3: {  	[sflag:s7] =	ssyncadd.s32 $0xFFFF1000  }
0xe4: {  	_ =	swait.ge [sflag:s11], $0xF000  }
0xe5: {  	[sflag:s11] =	ssyncset.done $0x0  }
0xe6: {  	s0 =	rddreg [dreg:$0xb];
	[sflag:s11] =	ssyncadd.s32 $0xFFFF1000  }
0xe7: {  	[tilespmem:s8], [sflag:$0x2] =	stream.strided.gather [hbm4b:s0+s5], $0xF000, s6, s5, $0x38;
	[tilespmem:$0x1E000] =	vst v63  }
0xe8: {  	s3 =	rddreg [dreg:$0xc]  }
0xe9: {  	[hbm4b:s3+s2] =	stream.linear.scatter [tilespmem:s2], [sflag:$0x3], $0xF000, $0x38;
	[tilespmem:$0x1E000] =	vst v63  }
0xea: {  	_ =	swait.ge [sflag:s9], $0xF000  }
0xeb: {  	[sflag:s9] =	ssyncset.done $0x0  }
0xec: {  	[sflag:s9] =	ssyncadd.s32 $0xFFFF1000  }
0xed: {  	_ =	swait.ge [sflag:s10], $0xF000  }
0xee: {  	[sflag:s10] =	ssyncset.done $0x0  }
0xef: {  	s0 =	rddreg [dreg:$0xd];
	[sflag:s10] =	ssyncadd.s32 $0xFFFF1000  }
0xf0: {  	[tilespmem:s2], [sflag:$0x1] =	stream.strided.gather [hbm4b:s0+s5], $0xF000, s6, s5, $0x38;
	[tilespmem:$0x1E000] =	vst v63  }
0xf1: {  	s3 =	rddreg [dreg:$0xe]  }
0xf2: {  	[hbm4b:s3+s2] =	stream.linear.scatter [tilespmem:s8], [sflag:$0x4], $0xF000, $0x38;
	[tilespmem:$0x1E000] =	vst v63  }
0xf3: {  	_ =	swait.ge [sflag:s7], $0xF000  }
0xf4: {  	[sflag:s7] =	ssyncset.done $0x0  }
0xf5: {  	[sflag:s7] =	ssyncadd.s32 $0xFFFF1000  }
0xf6: {  	_ =	swait.ge [sflag:s11], $0xF000  }
0xf7: {  	[sflag:s11] =	ssyncset.done $0x0  }
0xf8: {  	s0 =	rddreg [dreg:$0xf];
	[sflag:s11] =	ssyncadd.s32 $0xFFFF1000  }
0xf9: {  	[tilespmem:s8], [sflag:$0x2] =	stream.strided.gather [hbm4b:s0+s5], $0xF000, s6, s5, $0x38;
	[tilespmem:$0x1E000] =	vst v63  }
0xfa: {  	s3 =	rddreg [dreg:$0x10]  }
0xfb: {  	[hbm4b:s3+s2] =	stream.linear.scatter [tilespmem:s2], [sflag:$0x3], $0xF000, $0x38;
	[tilespmem:$0x1E000] =	vst v63  }
0xfc: {  	_ =	swait.ge [sflag:s9], $0xF000  }
0xfd: {  	[sflag:s9] =	ssyncset.done $0x0  }
0xfe: {  	[sflag:s9] =	ssyncadd.s32 $0xFFFF1000  }
0xff: {  	_ =	swait.ge [sflag:s10], $0xF000  }
0x100: {  	[sflag:s10] =	ssyncset.done $0x0  }
0x101: {  	s3 =	rddreg [dreg:$0x11];
	[sflag:s10] =	ssyncadd.s32 $0xFFFF1000  }
0x102: {  	[tilespmem:s2], [sflag:$0x1] =	stream.strided.gather [hbm4b:s3+s5], $0xF000, s6, s5, $0x38;
	[tilespmem:$0x1E000] =	vst v63  }
0x103: {  	_ = 	snop  }
0x104: {  	[hbm4b:s12+s2] =	stream.linear.scatter [tilespmem:s8], [sflag:$0x4], $0xF000, $0x38;
	[tilespmem:$0x1E000] =	vst v63  }
0x105: {  	_ =	swait.ge [sflag:s7], $0xF000  }
0x106: {  	[sflag:s7] =	ssyncset.done $0x0  }
0x107: {  	[sflag:s7] =	ssyncadd.s32 $0xFFFF1000  }
0x108: {  	_ =	swait.ge [sflag:s11], $0xF000  }
0x109: {  	[sflag:s11] =	ssyncset.done $0x0  }
0x10a: {  	[sflag:s11] =	ssyncadd.s32 $0xFFFF1000  }
0x10b: {  	[tilespmem:s8], [sflag:$0x2] =	stream.strided.gather [hbm4b:s13+s5], $0xF000, s6, s5, $0x38;
	[tilespmem:$0x1E000] =	vst v63  }
0x10c: {  	_ = 	snop  }
0x10d: {  	[hbm4b:s14+s2] =	stream.linear.scatter [tilespmem:s2], [sflag:$0x3], $0xF000, $0x38;
	[tilespmem:$0x1E000] =	vst v63  }
0x10e: {  	_ =	swait.ge [sflag:s9], $0xF000  }
0x10f: {  	[sflag:s9] =	ssyncset.done $0x0  }
0x110: {  	[sflag:s9] =	ssyncadd.s32 $0xFFFF1000  }
0x111: {  	_ =	swait.ge [sflag:s10], $0xF000  }
0x112: {  	[sflag:s10] =	ssyncset.done $0x0  }
0x113: {  	[sflag:s10] =	ssyncadd.s32 $0xFFFF1000  }
0x114: {  	[tilespmem:s2], [sflag:$0x1] =	stream.strided.gather [hbm4b:s15+s5], $0xF000, s6, s5, $0x38;
	[tilespmem:$0x1E000] =	vst v63  }
0x115: {  	_ = 	snop  }
0x116: {  	[hbm4b:s16+s2] =	stream.linear.scatter [tilespmem:s8], [sflag:$0x4], $0xF000, $0x38;
	[tilespmem:$0x1E000] =	vst v63  }
0x117: {  	_ =	swait.ge [sflag:s7], $0xF000  }
0x118: {  	[sflag:s7] =	ssyncset.done $0x0  }
0x119: {  	[sflag:s7] =	ssyncadd.s32 $0xFFFF1000  }
0x11a: {  	_ =	swait.ge [sflag:s11], $0xF000  }
0x11b: {  	[sflag:s11] =	ssyncset.done $0x0  }
0x11c: {  	[sflag:s11] =	ssyncadd.s32 $0xFFFF1000  }
0x11d: {  	[tilespmem:s8], [sflag:$0x2] =	stream.strided.gather [hbm4b:s17+s5], $0xF000, s6, s5, $0x38;
	[tilespmem:$0x1E000] =	vst v63  }
0x11e: {  	_ = 	snop  }
0x11f: {  	[hbm4b:s18+s2] =	stream.linear.scatter [tilespmem:s2], [sflag:$0x3], $0xF000, $0x38;
	[tilespmem:$0x1E000] =	vst v63  }
0x120: {  	_ =	swait.ge [sflag:s9], $0xF000  }
0x121: {  	[sflag:s9] =	ssyncset.done $0x0  }
0x122: {  	[sflag:s9] =	ssyncadd.s32 $0xFFFF1000  }
0x123: {  	_ =	swait.ge [sflag:s10], $0xF000  }
0x124: {  	[sflag:s10] =	ssyncset.done $0x0  }
0x125: {  	[sflag:s10] =	ssyncadd.s32 $0xFFFF1000  }
0x126: {  	[tilespmem:s2], [sflag:$0x1] =	stream.strided.gather [hbm4b:s19+s5], $0xF000, s6, s5, $0x38;
	[tilespmem:$0x1E000] =	vst v63  }
0x127: {  	_ = 	snop  }
0x128: {  	[hbm4b:s20+s2] =	stream.linear.scatter [tilespmem:s8], [sflag:$0x4], $0xF000, $0x38;
	[tilespmem:$0x1E000] =	vst v63  }
0x129: {  	_ =	swait.ge [sflag:s7], $0xF000  }
0x12a: {  	[sflag:s7] =	ssyncset.done $0x0  }
0x12b: {  	[sflag:s7] =	ssyncadd.s32 $0xFFFF1000  }
0x12c: {  	_ =	swait.ge [sflag:s11], $0xF000  }
0x12d: {  	[sflag:s11] =	ssyncset.done $0x0  }
0x12e: {  	[sflag:s11] =	ssyncadd.s32 $0xFFFF1000  }
0x12f: {  	[tilespmem:s8], [sflag:$0x2] =	stream.strided.gather [hbm4b:s21+s5], $0xF000, s6, s5, $0x38;
	[tilespmem:$0x1E000] =	vst v63  }
0x130: {  	_ = 	snop  }
0x131: {  	[hbm4b:s22+s2] =	stream.linear.scatter [tilespmem:s2], [sflag:$0x3], $0xF000, $0x38;
	[tilespmem:$0x1E000] =	vst v63  }
0x132: {  	_ =	swait.ge [sflag:s9], $0xF000  }
0x133: {  	[sflag:s9] =	ssyncset.done $0x0  }
0x134: {  	[sflag:s9] =	ssyncadd.s32 $0xFFFF1000  }
0x135: {  	_ =	swait.ge [sflag:s10], $0xF000  }
0x136: {  	[sflag:s10] =	ssyncset.done $0x0  }
0x137: {  	[sflag:s10] =	ssyncadd.s32 $0xFFFF1000  }
0x138: {  	[tilespmem:s2], [sflag:$0x1] =	stream.strided.gather [hbm4b:s23+s5], $0xF000, s6, s5, $0x38;
	[tilespmem:$0x1E000] =	vst v63  }
0x139: {  	_ = 	snop  }
0x13a: {  	[hbm4b:s24+s2] =	stream.linear.scatter [tilespmem:s8], [sflag:$0x4], $0xF000, $0x38;
	[tilespmem:$0x1E000] =	vst v63  }
0x13b: {  	_ =	swait.ge [sflag:s7], $0xF000  }
0x13c: {  	[sflag:s7] =	ssyncset.done $0x0  }
0x13d: {  	[sflag:s7] =	ssyncadd.s32 $0xFFFF1000  }
0x13e: {  	_ =	swait.ge [sflag:s11], $0xF000  }
0x13f: {  	[sflag:s11] =	ssyncset.done $0x0  }
0x140: {  	[sflag:s11] =	ssyncadd.s32 $0xFFFF1000  }
0x141: {  	[tilespmem:s8], [sflag:$0x2] =	stream.strided.gather [hbm4b:s25+s5], $0xF000, s6, s5, $0x38;
	[tilespmem:$0x1E000] =	vst v63  }
0x142: {  	_ = 	snop  }
0x143: {  	[hbm4b:s26+s2] =	stream.linear.scatter [tilespmem:s2], [sflag:$0x3], $0xF000, $0x38;
	[tilespmem:$0x1E000] =	vst v63  }
0x144: {  	_ =	swait.ge [sflag:s9], $0xF000  }
0x145: {  	[sflag:s9] =	ssyncset.done $0x0  }
0x146: {  	[sflag:s9] =	ssyncadd.s32 $0xFFFF1000  }
0x147: {  	_ =	swait.ge [sflag:s10], $0xF000  }
0x148: {  	[sflag:s10] =	ssyncset.done $0x0  }
0x149: {  	[sflag:s10] =	ssyncadd.s32 $0xFFFF1000  }
0x14a: {  	[hbm4b:s28+s2] =	stream.linear.scatter [tilespmem:s8], [sflag:$0x4], $0xF000, $0x38;
	[tilespmem:$0x1E000] =	vst v63  }
0x14b: {  	_ =	swait.ge [sflag:s11], $0xF000  }
0x14c: {  	[sflag:s11] =	ssyncset.done $0x0  }
0x14d: {  	[sflag:s11] =	ssyncadd.s32 $0xFFFF1000  }
0x14e: {  	[tilespmem:s2], [sflag:$0x5] =	stream.strided.gather [hbm4b:s29+s5], $0x4200, s6, s5, $0x38;
	[tilespmem:$0x1E000] =	vst v63  }
0x14f: {  	p0 =	sne.s32 s1, $0x1;
	_ =	swait.ge [sflag:s30], $0x4200  }
.Ltmp1:
0x150: {  	[sflag:s30] =	ssyncset.done $0x0;
	(pc) =	sbr.rel @p0 .LBB2_2-.Ltmp1, $4  }
0x151: {  	[sflag:s30] =	ssyncadd.s32 $0xFFFFBE00  }
0x152: {  	[hbm4b:s31+s2] =	stream.linear.scatter [tilespmem:s2], [sflag:$0x5], $0x4200, $0x38;
	[tilespmem:$0x1E000] =	vst v63  }
0x153: {  	_ =	swait.ge [sflag:s30], $0x4200  }
0x154: {  	s1 =	sadd.s32 $0xFFFFFFFF, s1;
	[sflag:s30] =	ssyncset.done $0x0  }
.LBB2_3:
0x155: {  	[sflag:s30] =	ssyncadd.s32 $0xFFFFBE00  }
0x156: {  	_ =	sfence.sel $0x180000  }
0x157: {  	[bflag:$0x0] =	sbarrier.arrive $0xFFFF  }
0x158: {  	_ =	strace $0x90000047  }
0x159: {  	s0 =	stileid.u32;
	[bflag:$0x2] =	sbarrier.arrive $0xFFFF  }
0x15a: {  	p0 =	sne.s32 s0, $0x0;
	s0 =	rddreg [dreg:$0x3]  }
0x15b: {  	s0 =	sadd.s32 @!p0 $0x100000, s0  }
0x15c: {  	[sflag:s0] =	ssyncadd.tile.s32 @!p0 $0x1;
	_ =	shalt  }
.Lfunc_end2:
_tile_overlayer_lowered:
.L_overlay_start_2:
0x15d: {  	(tag) =	ssettag $0x2  }
0x15e: {  	s0 =	rddreg [dreg:$0x0];
	s2 =	stileid.u32  }
0x15f: {  	s1 =	rddreg [dreg:$0x1];
	p0 =	sne.s32 s2, $0x0  }
0x160: {  	s3 =	rddreg [dreg:$0x2];
	[bflag:$0x3] =	sbarrier.arrive $0xFFFF;
	s2 =	simm.s32 @!p0 $0x1C05  }
0x161: {  	[timem:s3], [sflag:s2] =	dma.local @!p0 [hbm:s0], s1  }
0x162: {  	s0 =	simm.s32 @!p0 $0x5  }
0x163: {  	_ =	swait.ge @!p0 [sflag:s0], s1  }
0x164: {  	s1 =	ssub.s32 @!p0 $0x0, s1;
	[sflag:s0] =	ssyncset.done @!p0 $0x0  }
0x165: {  	[sflag:s0] =	ssyncadd.s32 @!p0 s1  }
0x166: {  	[bflag:$0x3] =	sbarrier.arrive $0xFFFF  }
0x167: {  	_ =	shalt  }

// kernel: kernel.7.cloned.1.call-start
scs
__scs_entry_jumppad:
0x0: {  	(pc) =	sbr.rel $0x88, $3  }
0x1: {  	(tag) =	ssettag $0x0;
	lr =	simm.s32 $0x1  }
0x2: {  	[smem:$0x3F9B] =	sst lr;
	_ =	strace $0xD0000000  }
0x3: {  	_ = 	snop  }
0x4: {  	_ = 	snop  }
0x5: {  	_ = 	snop  }
0x6: {  	_ = 	snop  }
0x7: {  	_ = 	snop  }
__scs_overlays_trampoline_lowered:
0x8: {  	[smem:$0x3FAA] =	sst s0  }
0x9: {  	[smem:$0x3FAB] =	sst s1  }
0xa: {  	[smem:$0x3FAC] =	sst s2  }
0xb: {  	[smem:$0x3FAD] =	sst s3  }
0xc: {  	[smem:$0x3FAE] =	sst s4  }
0xd: {  	[smem:$0x3FAF] =	sst s5  }
0xe: {  	[smem:$0x3FB0] =	sst s6  }
0xf: {  	[smem:$0x3FB1] =	sst s7  }
0x10: {  	[smem:$0x3FB2] =	sst s8  }
0x11: {  	[smem:$0x3FB3] =	sst s9;
	s0 =	simm.s32 @!p0 $0x0  }
0x12: {  	s1 =	sld [smem:$0x3F99];
	s0 =	simm.s32 @p0 $0x1  }
0x13: {  	[smem:$0x3FB4] =	sst s0;
	s0 =	simm.s32 @!p1 $0x0  }
0x14: {  	s2 =	sld [smem:$0x3F98];
	s0 =	simm.s32 @p1 $0x1  }
0x15: {  	[smem:$0x3FB5] =	sst s0;
	s0 =	simm.s32 @!p2 $0x0  }
0x16: {  	s3 =	sld [smem:$0x3FDB];
	s0 =	simm.s32 @p2 $0x1  }
0x17: {  	s4 =	simm.s32 $0x1BF5;
	[smem:$0x3FB7] =	sst s0  }
0x18: {  	s0 =	sld [smem:$0x3F9A];
	_ =	swait.ge [sflag:s4], $0x0  }
0x19: {  	s7 =	sld [smem:$0x3F9B]  }
0x1a: {  	s8 =	sadd.s32 $0xFFFFE003, lr  }
0x1b: {  	s9 =	sadd.s32 $0xFFFFFEF7, lr;
	s5 =	simm.s32 $0xFFFFFFFF;
	p2 =	slt.u32 s8, $0xFFFFF086  }
0x1c: {  	p1 =	slt.u32 s9, $0xF7A;
	s5 =	simm.s32 @!p2 $0x0  }
0x1d: {  	s5 =	simm.s32 @p1 $0x1;
	p0 =	seq.s32 s7, s2  }
0x1e: {  	s7 =	smul.u32 @!p0 $0xF7A, s2;
	p2 =	seq.s32 @!p0 s5, $0x0  }
0x1f: {  	s9 =	smul.u32 $0xF7A, s1;
	s8 =	simm.s32 @!p0 $0x1BF5;
	p2 =	por !p2, p0  }
0x20: {  	[sflag:s8] =	ssyncset.s32 @!p0 $0xFFFFF086;
	s6 =	sadd.s32 @!p0 s3, s7;
	s7 =	simm.s32 @!p0 $0x108  }
0x21: {  	s3 =	sadd.s32 s3, s9;
	s6 =	sadd.s32 @!p0 $0x88, s6;
	s7 =	simm.s32 @p2 $0x1082  }
0x22: {  	[simem:s7], [sflag:s8] =	dma.local @!p0 [hbm:s6], $0xF7A  }
0x23: {  	s9 =	sor.u32 $0xD0000000, s2;
	s6 =	simm.s32 $0x108;
	_ =	swait.ge @!p0 [sflag:s8], $0x0  }
0x24: {  	s3 =	sadd.s32 $0x88, s3;
	s6 =	simm.s32 @!p1 $0x1082;
	[sflag:s4] =	ssyncset.s32 $0xFFFFF086  }
0x25: {  	[simem:s6], [sflag:s4] =	dma.local [hbm:s3], $0xF7A  }
0x26: {  	[smem:$0x3F9B] =	sst s1;
	(tag) =	ssettag s2;
	_ =	strace s9  }
0x27: {  	s1 =	sld [smem:$0x3FAB]  }
0x28: {  	s2 =	sld [smem:$0x3FAC]  }
0x29: {  	s4 =	sld [smem:$0x3FAE]  }
0x2a: {  	p0 =	seq.s32 s5, $0x0;
	s5 =	sld [smem:$0x3FAF]  }
0x2b: {  	s6 =	sld [smem:$0x3FB0]  }
0x2c: {  	s7 =	sld [smem:$0x3FB1]  }
0x2d: {  	s3 =	simm.s32 $0x108;
	s8 =	sld [smem:$0x3FB2]  }
0x2e: {  	s3 =	simm.s32 @!p0 $0x1082;
	s9 =	sld [smem:$0x3FB3]  }
0x2f: {  	lr =	sadd.s32 s0, s3;
	s0 =	sld [smem:$0x3FAA]  }
0x30: {  	s3 =	sld [smem:$0x3FAD]  }
0x31: {  	[smem:$0x3FB6] =	sst s10  }
0x32: {  	s10 =	sld [smem:$0x3FB4];
	_ =	sdelay $0x3  }
0x33: {  	p0 =	seq.s32 s10, $0x1;
	s10 =	sld [smem:$0x3FB6];
	_ =	sdelay $0x3  }
0x34: {  	[smem:$0x3FB6] =	sst s10  }
0x35: {  	s10 =	sld [smem:$0x3FB5];
	_ =	sdelay $0x3  }
0x36: {  	p1 =	seq.s32 s10, $0x1;
	s10 =	sld [smem:$0x3FB6];
	_ =	sdelay $0x3  }
0x37: {  	[smem:$0x3FB6] =	sst s10  }
0x38: {  	s10 =	sld [smem:$0x3FB7]  }
0x39: {  	_ = 	snop;
	(pc) =	sbr.ind lr, $3  }
0x3a: {  	_ = 	snop  }
0x3b: {  	_ = 	snop  }
0x3c: {  	p2 =	seq.s32 s10, $0x1;
	s10 =	sld [smem:$0x3FB6]  }
0x3d: {  	_ =	shalt  }
0x3e: {  	_ =	shalt  }
0x3f: {  	_ =	shalt  }
0x40: {  	_ =	shalt  }
0x41: {  	_ =	shalt  }
0x42: {  	_ =	shalt  }
0x43: {  	_ =	shalt  }
0x44: {  	_ =	shalt  }
0x45: {  	_ =	shalt  }
0x46: {  	_ =	shalt  }
0x47: {  	_ =	shalt  }
0x48: {  	_ =	shalt  }
0x49: {  	_ =	shalt  }
0x4a: {  	_ =	shalt  }
0x4b: {  	_ =	shalt  }
0x4c: {  	_ =	shalt  }
0x4d: {  	_ =	shalt  }
0x4e: {  	_ =	shalt  }
0x4f: {  	_ =	shalt  }
0x50: {  	_ =	shalt  }
0x51: {  	_ =	shalt  }
0x52: {  	_ =	shalt  }
0x53: {  	_ =	shalt  }
0x54: {  	_ =	shalt  }
0x55: {  	_ =	shalt  }
0x56: {  	_ =	shalt  }
0x57: {  	_ =	shalt  }
0x58: {  	_ =	shalt  }
0x59: {  	_ =	shalt  }
0x5a: {  	_ =	shalt  }
0x5b: {  	_ =	shalt  }
0x5c: {  	_ =	shalt  }
0x5d: {  	_ =	shalt  }
0x5e: {  	_ =	shalt  }
0x5f: {  	_ =	shalt  }
0x60: {  	_ =	shalt  }
0x61: {  	_ =	shalt  }
0x62: {  	_ =	shalt  }
0x63: {  	_ =	shalt  }
0x64: {  	_ =	shalt  }
0x65: {  	_ =	shalt  }
0x66: {  	_ =	shalt  }
0x67: {  	_ =	shalt  }
0x68: {  	_ =	shalt  }
0x69: {  	_ =	shalt  }
0x6a: {  	_ =	shalt  }
0x6b: {  	_ =	shalt  }
0x6c: {  	_ =	shalt  }
0x6d: {  	_ =	shalt  }
0x6e: {  	_ =	shalt  }
0x6f: {  	_ =	shalt  }
0x70: {  	_ =	shalt  }
0x71: {  	_ =	shalt  }
0x72: {  	_ =	shalt  }
0x73: {  	_ =	shalt  }
0x74: {  	_ =	shalt  }
0x75: {  	_ =	shalt  }
0x76: {  	_ =	shalt  }
0x77: {  	_ =	shalt  }
0x78: {  	_ =	shalt  }
0x79: {  	_ =	shalt  }
0x7a: {  	_ =	shalt  }
0x7b: {  	_ =	shalt  }
0x7c: {  	_ =	shalt  }
0x7d: {  	_ =	shalt  }
0x7e: {  	_ =	shalt  }
0x7f: {  	_ =	shalt  }
0x80: {  	_ =	shalt  }
0x81: {  	_ =	shalt  }
0x82: {  	_ =	shalt  }
0x83: {  	_ =	shalt  }
0x84: {  	_ =	shalt  }
0x85: {  	_ =	shalt  }
0x86: {  	_ =	shalt  }
0x87: {  	_ =	shalt  }
.Lfunc_end0:
.L_simem_size_0:
called_computation.1_lowered:
.L_overlay_start_0:
0x88: {  	s2 =	sld [smem:$0x3FD9]  }
0x89: {  	s3 =	sld [smem:$0x3FFE];
	_ =	sdelay $0x1  }
0x8a: {  	s1 =	srdreg.scid  }
0x8b: {  	s0 =	sand.u32 $0x1, s1  }
0x8c: {  	s17 =	sshll.u32 s0, $0xA;
	s2 =	sadd.s32 s3, s2  }
0x8d: {  	s2 =	sadd.s32 s2, s17  }
0x8e: {  	[smem:$0x3FC2] =	sst s2  }
0x8f: {  	_ = 	snop  }
0x90: {  	s2 =	sld [smem:$0x3FC9]  }
0x91: {  	s18 =	sld [smem:$0x3FC8]  }
0x92: {  	s4 =	sld [smem:$0x3FD0];
	(tm) =	ssettm $0x1  }
0x93: {  	s5 =	sld [smem:$0x3FFB];
	_ =	sdelay $0x3  }
0x94: {  	_ =	strace s5  }
0x95: {  	s5 =	sld [smem:$0x3FFC];
	_ =	sdelay $0x3  }
0x96: {  	_ =	strace s5  }
0x97: {  	s5 =	sld [smem:$0x3FFD];
	_ =	sdelay $0x3  }
0x98: {  	_ =	strace s5  }
0x99: {  	_ =	strace $0x8FFFFFFF  }
0x9a: {  	s19 =	sld [smem:$0x3FDB];
	_ =	sdelay $0x1  }
0x9b: {  	s6 =	simm.s32 $_scs_section_size  }
0x9c: {  	s7 =	simm.s32 $_size__tile_overlayer_lowered;
	s8 =	simm.s32 $_tile_overlayer_lowered  }
0x9d: {  	s22 =	simm.s32 $0x1BFF;
	s21 =	sshll.u32 s8, $0x1;
	s5 =	sadd.s32 s6, s19  }
0x9e: {  	s9 =	simm.s32 $0x0;
	s20 =	sshll.u32 s7, $0x1;
	s7 =	sadd.s32 s21, s5  }
0x9f: {  	[timem:s9], [sflag:s22] =	dma.local [hbm:s7], s20  }
0xa0: {  	_ =	swait.ge [sflag:s22], s20  }
0xa1: {  	s6 =	ssub.s32 $0x0, s20;
	[sflag:s22] =	ssyncset.done $0x0  }
0xa2: {  	[sflag:s22] =	ssyncadd.s32 s6;
	_ =	sdelay $0x1  }
0xa3: {  	s23 =	simm.s32 $0x1B8B  }
0xa4: {  	_ =	swait.ge [sflag:s23], $0x1  }
0xa5: {  	[sflag:s23] =	ssyncset.done $0x0  }
0xa6: {  	s25 =	simm.s32 $0x1B8E;
	s24 =	sld [smem:$0x3FFE];
	[sflag:s23] =	ssyncadd.s32 $0xFFFFFFFF  }
0xa7: {  	s26 =	simm.s32 $execute0_lowered;
	[smem:$0x3FD2] =	sst s25  }
0xa8: {  	s7 =	sshll.u32 s26, $0x1;
	_ =	strace $0x80000049;
	[dreg:$0x1] =	wrdreg $0xFFFFFFFF  }
0xa9: {  	s28 =	simm.s32 $_size_execute0_lowered;
	s5 =	sadd.s32 s5, s7;
	[dreg:$0x0] =	wrdreg $0x0  }
0xaa: {  	s7 =	sshll.u32 s28, $0x1;
	[dreg:$0x2] =	wrdreg s5  }
0xab: {  	[dreg:$0x3] =	wrdreg s7  }
0xac: {  	[dreg:$0x4] =	wrdreg $0xC0  }
0xad: {  	_ =	task [dreg:s9], $0x5FFFF  }
0xae: {  	[dreg:$0x1] =	wrdreg $0xFFFFFFFF  }
0xaf: {  	[dreg:$0x0] =	wrdreg $0x60  }
0xb0: {  	[dreg:$0x2] =	wrdreg s2  }
0xb1: {  	[dreg:$0x3] =	wrdreg s18  }
0xb2: {  	[dreg:$0x4] =	wrdreg s24  }
0xb3: {  	[dreg:$0x5] =	wrdreg s4  }
0xb4: {  	[dreg:$0x6] =	wrdreg $0x9  }
0xb5: {  	_ =	task.clear_ibuf [dreg:s9], $0x7FFFF;
	_ =	strace $0x90000049  }
0xb6: {  	s29 =	simm.s32 $0x9;
	_ =	strace $0x8000004B  }
0xb7: {  	_ =	swait.ge [sflag:s29], $0x1  }
0xb8: {  	[sflag:s29] =	ssyncadd.s32 $0xFFFFFFFF  }
0xb9: {  	_ =	strace $0x9000004B  }
0xba: {  	_ =	sfence  }
0xbb: {  	s30 =	sld [smem:$0x0];
	_ =	sdelay $0x2  }
0xbc: {  	s31 =	sshll.u32 s1, $0xD;
	s1 =	sshrl.u32 s1, $0x2  }
0xbd: {  	s3 =	sand.u32 $0x4000, s31;
	s1 =	sadd.s32 s1, s30  }
0xbe: {  	s0 =	sor.u32 s3, s0;
	s1 =	sshll.u32 s1, $0x11  }
0xbf: {  	s0 =	sor.u32 s1, s0  }
0xc0: {  	s0 =	sadd.s32 $0x8F2B, s0  }
0xc1: {  	[sflag:s0] =	ssyncadd.remote.s32 $0x1  }
0xc2: {  	_ =	sfence.sel $0xFFFF  }
0xc3: {  	[dreg:$0x0] =	wrdreg $0xFFFFFFFF;
	(pc) =	sbr.abs _section_cstart, $3  }
0xc4: {  	[dreg:$0x1] =	wrdreg $0xFFFFFFFF  }
0xc5: {  	_ =	task.clear_ibuf [dreg:s9], $0x2FFFF;
	_ =	strace $0x9FFFFFFF  }
0xc6: {  	(tm) =	ssettm $0x7FFFFFFF  }
0xc7: {  	_ =	shalt  }
tec
execute0_lowered:
.L_overlay_start_1:
0x0: {  	(tag) =	ssettag $0x1  }
0x1: {  	s0 =	rddreg [dreg:$0x0]  }
0x2: {  	s3 =	rddreg [dreg:$0x1]  }
0x3: {  	s10 =	rddreg [dreg:$0x2]  }
0x4: {  	s6 =	rddreg [dreg:$0x3];
	s1 =	simm.s32 $0x0  }
0x5: {  	[smem:$0x7FF] =	sst s1;
	s2 =	sadd.s32 $0xC00, s10  }
0x6: {  	s23 =	sadd.s32 $0x1E9200, s10;
	_ =	strace $0x8000004A;
	[dreg:$0x5] =	wrdreg s2  }
0x7: {  	s24 =	sadd.s32 $0x3D1C00, s10;
	[dreg:$0x6] =	wrdreg s23  }
0x8: {  	s25 =	sadd.s32 $0x3D1A00, s10;
	[dreg:$0x7] =	wrdreg s24  }
0x9: {  	s5 =	srdreg.scid;
	s26 =	sadd.s32 $0x3D1E00, s10;
	[dreg:$0x8] =	wrdreg s25  }
0xa: {  	s21 =	stileid.u32;
	s4 =	sadd.s32 $0x3D2000, s10;
	[dreg:$0x9] =	wrdreg s26  }
0xb: {  	s7 =	sadd.s32 $0x3DC90, s10;
	s8 =	sadd.s32 $0x5C4D8, s10;
	[dreg:$0xa] =	wrdreg s4  }
0xc: {  	s9 =	sadd.s32 $0x7AD20, s10;
	s11 =	sadd.s32 $0x99568, s10;
	[dreg:$0xc] =	wrdreg s7  }
0xd: {  	s12 =	sadd.s32 $0xB7DB0, s10;
	s13 =	sadd.s32 $0xD65F8, s10;
	[dreg:$0xd] =	wrdreg s8  }
0xe: {  	s14 =	sadd.s32 $0xF4E40, s10;
	s16 =	sadd.s32 $0x131ED0, s10;
	[dreg:$0xe] =	wrdreg s9  }
0xf: {  	s18 =	sadd.s32 $0x16EF60, s10;
	s19 =	sadd.s32 $0x18D7A8, s10;
	[dreg:$0xf] =	wrdreg s11  }
0x10: {  	s20 =	sadd.s32 $0x1ABFF0, s10;
	s28 =	sadd.s32 $0x263320, s10;
	[dreg:$0x10] =	wrdreg s12  }
0x11: {  	s29 =	sadd.s32 $0x281B68, s10;
	s30 =	sadd.s32 $0x2A03B0, s10;
	[dreg:$0x11] =	wrdreg s13  }
0x12: {  	s31 =	sadd.s32 $0x2BEBF8, s10;
	s2 =	sand.u32 $0x1, s5;
	[dreg:$0x12] =	wrdreg s14  }
0x13: {  	s4 =	sadd.s32 $0x1F448, s10;
	s5 =	sadd.s32 $0x113688, s10;
	[dreg:$0x14] =	wrdreg s16  }
0x14: {  	s7 =	sadd.s32 $0x150718, s10;
	[dreg:$0x16] =	wrdreg s18;
	s23 =	sadd.s32 $0x1CA838, s10  }
0x15: {  	[dreg:$0x17] =	wrdreg s19;
	s24 =	sadd.s32 $0x207A48, s10;
	s25 =	sadd.s32 $0x226290, s10  }
0x16: {  	[dreg:$0x18] =	wrdreg s20;
	s26 =	sadd.s32 $0x244AD8, s10;
	s8 =	sadd.s32 $0x375DA8, s10  }
0x17: {  	s9 =	sadd.s32 $0x3945F0, s10;
	s12 =	simm.s32 $0x3;
	s13 =	simm.s32 $0x200  }
0x18: {  	s14 =	simm.s32 $0x4400;
	s16 =	simm.s32 $0x1;
	[dreg:$0xb] =	wrdreg s4  }
0x19: {  	s18 =	simm.s32 $0x0;
	s15 =	ssub.s32 $0x2, s2;
	[dreg:$0x13] =	wrdreg s5  }
0x1a: {  	[dreg:$0x15] =	wrdreg s7;
	s4 =	sshll.u32 s21, $0x7;
	s21 =	sadd.s32 $0x2DD440, s10  }
0x1b: {  	s2 =	sshll.u32 s2, $0x6;
	s5 =	sadd.s32 $0x338D18, s10;
	s7 =	sadd.s32 $0x357560, s10  }
0x1c: {  	s17 =	sshrl.u32 s15, $0x1;
	s22 =	sor.u32 s2, s4;
	s2 =	sadd.s32 $0x2FBC88, s10  }
0x1d: {  	s4 =	sadd.s32 $0x31A4D0, s10;
	s10 =	sadd.s32 $0x3B2E38, s10;
	s11 =	ssub.s32 s15, s17  }
0x1e: {  	s0 =	sadd.s32 s0, s22;
	s3 =	sadd.s32 s3, s22;
	s6 =	sadd.s32 s6, s22  }
0x1f: {  	s15 =	simm.s32 $0x4800;
	s17 =	simm.s32 $0x2;
	s11 =	smax.u32 s11, $0x1  }
.LBB2_1:
0x20: {  	[tilespmem:s1], [sflag:$0x3] =	stream.linear.gather [hbm4b:s0+s1], $0x200, $0x38;
	[tilespmem:$0x4E20] =	vst v63  }
0x21: {  	_ =	swait.ge [sflag:s12], $0x200  }
0x22: {  	[sflag:s12] =	ssyncset.done $0x0  }
0x23: {  	[sflag:s12] =	ssyncadd.s32 $0xFFFFFE00  }
0x24: {  	[tilespmem:s13], [sflag:$0x3] =	stream.linear.gather [hbm4b:s3+s1], $0x200, $0x38;
	[tilespmem:$0x4E20] =	vst v63  }
0x25: {  	_ =	swait.ge [sflag:s12], $0x200  }
0x26: {  	[sflag:s12] =	ssyncset.done $0x0  }
0x27: {  	s20 =	simm.s32 $0x400;
	s19 =	rddreg [dreg:$0x5];
	[sflag:s12] =	ssyncadd.s32 $0xFFFFFE00  }
0x28: {  	[tilespmem:s20], [sflag:$0x1] =	stream.indirect.gather [hbm4b:s19+s13], $0x1, s1, s13, $0xb8;
	[tilespmem:$0x4E20] =	vst v63  }
0x29: {  	s22 =	simm.s32 $0x600;
	s20 =	rddreg [dreg:$0xb]  }
0x2a: {  	[tilespmem:s22], [sflag:$0x1] =	stream.indirect.gather [hbm4b:s20+s13], $0x1, s1, s13, $0xb8;
	[tilespmem:$0x4E20] =	vst v63  }
0x2b: {  	s20 =	rddreg [dreg:$0xc];
	s22 =	simm.s32 $0x800  }
0x2c: {  	[tilespmem:s22], [sflag:$0x1] =	stream.indirect.gather [hbm4b:s20+s13], $0x1, s1, s13, $0xb8;
	[tilespmem:$0x4E20] =	vst v63  }
0x2d: {  	s20 =	rddreg [dreg:$0xd];
	s22 =	simm.s32 $0xA00  }
0x2e: {  	[tilespmem:s22], [sflag:$0x1] =	stream.indirect.gather [hbm4b:s20+s13], $0x1, s1, s13, $0xb8;
	[tilespmem:$0x4E20] =	vst v63  }
0x2f: {  	s20 =	rddreg [dreg:$0xe];
	s22 =	simm.s32 $0xC00  }
0x30: {  	[tilespmem:s22], [sflag:$0x1] =	stream.indirect.gather [hbm4b:s20+s13], $0x1, s1, s13, $0xb8;
	[tilespmem:$0x4E20] =	vst v63  }
0x31: {  	s20 =	rddreg [dreg:$0xf];
	s22 =	simm.s32 $0xE00  }
0x32: {  	[tilespmem:s22], [sflag:$0x1] =	stream.indirect.gather [hbm4b:s20+s13], $0x1, s1, s13, $0xb8;
	[tilespmem:$0x4E20] =	vst v63  }
0x33: {  	s20 =	rddreg [dreg:$0x10];
	s22 =	simm.s32 $0x1000  }
0x34: {  	[tilespmem:s22], [sflag:$0x1] =	stream.indirect.gather [hbm4b:s20+s13], $0x1, s1, s13, $0xb8;
	[tilespmem:$0x4E20] =	vst v63  }
0x35: {  	s20 =	rddreg [dreg:$0x11];
	s22 =	simm.s32 $0x1200  }
0x36: {  	[tilespmem:s22], [sflag:$0x1] =	stream.indirect.gather [hbm4b:s20+s13], $0x1, s1, s13, $0xb8;
	[tilespmem:$0x4E20] =	vst v63  }
0x37: {  	s20 =	rddreg [dreg:$0x12];
	s22 =	simm.s32 $0x1400  }
0x38: {  	[tilespmem:s22], [sflag:$0x1] =	stream.indirect.gather [hbm4b:s20+s13], $0x1, s1, s13, $0xb8;
	[tilespmem:$0x4E20] =	vst v63  }
0x39: {  	s20 =	rddreg [dreg:$0x13];
	s22 =	simm.s32 $0x1600  }
0x3a: {  	[tilespmem:s22], [sflag:$0x1] =	stream.indirect.gather [hbm4b:s20+s13], $0x1, s1, s13, $0xb8;
	[tilespmem:$0x4E20] =	vst v63  }
0x3b: {  	s20 =	rddreg [dreg:$0x14];
	s22 =	simm.s32 $0x1800  }
0x3c: {  	[tilespmem:s22], [sflag:$0x1] =	stream.indirect.gather [hbm4b:s20+s13], $0x1, s1, s13, $0xb8;
	[tilespmem:$0x4E20] =	vst v63  }
0x3d: {  	s20 =	rddreg [dreg:$0x15];
	s22 =	simm.s32 $0x1A00  }
0x3e: {  	[tilespmem:s22], [sflag:$0x1] =	stream.indirect.gather [hbm4b:s20+s13], $0x1, s1, s13, $0xb8;
	[tilespmem:$0x4E20] =	vst v63  }
0x3f: {  	s20 =	rddreg [dreg:$0x16];
	s22 =	simm.s32 $0x1C00  }
0x40: {  	[tilespmem:s22], [sflag:$0x1] =	stream.indirect.gather [hbm4b:s20+s13], $0x1, s1, s13, $0xb8;
	[tilespmem:$0x4E20] =	vst v63  }
0x41: {  	s20 =	rddreg [dreg:$0x17];
	s22 =	simm.s32 $0x1E00  }
0x42: {  	[tilespmem:s22], [sflag:$0x1] =	stream.indirect.gather [hbm4b:s20+s13], $0x1, s1, s13, $0xb8;
	[tilespmem:$0x4E20] =	vst v63  }
0x43: {  	s20 =	rddreg [dreg:$0x18];
	s22 =	simm.s32 $0x2000  }
0x44: {  	[tilespmem:s22], [sflag:$0x1] =	stream.indirect.gather [hbm4b:s20+s13], $0x1, s1, s13, $0xb8;
	[tilespmem:$0x4E20] =	vst v63  }
0x45: {  	s22 =	simm.s32 $0x2200  }
0x46: {  	[tilespmem:s22], [sflag:$0x1] =	stream.indirect.gather [hbm4b:s23+s13], $0x1, s1, s13, $0xb8;
	[tilespmem:$0x4E20] =	vst v63  }
0x47: {  	s20 =	rddreg [dreg:$0x6];
	s22 =	simm.s32 $0x2400  }
0x48: {  	[tilespmem:s22], [sflag:$0x2] =	stream.indirect.gather [hbm4b:s20+s13], $0x1, s13, s13, $0xb8;
	[tilespmem:$0x4E20] =	vst v63  }
0x49: {  	s22 =	simm.s32 $0x2600  }
0x4a: {  	[tilespmem:s22], [sflag:$0x2] =	stream.indirect.gather [hbm4b:s24+s13], $0x1, s13, s13, $0xb8;
	[tilespmem:$0x4E20] =	vst v63  }
0x4b: {  	s20 =	simm.s32 $0x2800  }
0x4c: {  	[tilespmem:s20], [sflag:$0x2] =	stream.indirect.gather [hbm4b:s25+s13], $0x1, s13, s13, $0xb8;
	[tilespmem:$0x4E20] =	vst v63  }
0x4d: {  	s22 =	simm.s32 $0x2A00  }
0x4e: {  	[tilespmem:s22], [sflag:$0x2] =	stream.indirect.gather [hbm4b:s26+s13], $0x1, s13, s13, $0xb8;
	[tilespmem:$0x4E20] =	vst v63  }
0x4f: {  	s20 =	simm.s32 $0x2C00  }
0x50: {  	[tilespmem:s20], [sflag:$0x2] =	stream.indirect.gather [hbm4b:s28+s13], $0x1, s13, s13, $0xb8;
	[tilespmem:$0x4E20] =	vst v63  }
0x51: {  	s22 =	simm.s32 $0x2E00  }
0x52: {  	[tilespmem:s22], [sflag:$0x2] =	stream.indirect.gather [hbm4b:s29+s13], $0x1, s13, s13, $0xb8;
	[tilespmem:$0x4E20] =	vst v63  }
0x53: {  	s20 =	simm.s32 $0x3000  }
0x54: {  	[tilespmem:s20], [sflag:$0x2] =	stream.indirect.gather [hbm4b:s30+s13], $0x1, s13, s13, $0xb8;
	[tilespmem:$0x4E20] =	vst v63  }
0x55: {  	s22 =	simm.s32 $0x3200  }
0x56: {  	[tilespmem:s22], [sflag:$0x2] =	stream.indirect.gather [hbm4b:s31+s13], $0x1, s13, s13, $0xb8;
	[tilespmem:$0x4E20] =	vst v63  }
0x57: {  	s20 =	simm.s32 $0x3400  }
0x58: {  	[tilespmem:s20], [sflag:$0x2] =	stream.indirect.gather [hbm4b:s21+s13], $0x1, s13, s13, $0xb8;
	[tilespmem:$0x4E20] =	vst v63  }
0x59: {  	s22 =	simm.s32 $0x3600  }
0x5a: {  	[tilespmem:s22], [sflag:$0x2] =	stream.indirect.gather [hbm4b:s2+s13], $0x1, s13, s13, $0xb8;
	[tilespmem:$0x4E20] =	vst v63  }
0x5b: {  	s20 =	simm.s32 $0x3800  }
0x5c: {  	[tilespmem:s20], [sflag:$0x2] =	stream.indirect.gather [hbm4b:s4+s13], $0x1, s13, s13, $0xb8;
	[tilespmem:$0x4E20] =	vst v63  }
0x5d: {  	s22 =	simm.s32 $0x3A00  }
0x5e: {  	[tilespmem:s22], [sflag:$0x2] =	stream.indirect.gather [hbm4b:s5+s13], $0x1, s13, s13, $0xb8;
	[tilespmem:$0x4E20] =	vst v63  }
0x5f: {  	s20 =	simm.s32 $0x3C00  }
0x60: {  	[tilespmem:s20], [sflag:$0x2] =	stream.indirect.gather [hbm4b:s7+s13], $0x1, s13, s13, $0xb8;
	[tilespmem:$0x4E20] =	vst v63  }
0x61: {  	s22 =	simm.s32 $0x3E00  }
0x62: {  	[tilespmem:s22], [sflag:$0x2] =	stream.indirect.gather [hbm4b:s8+s13], $0x1, s13, s13, $0xb8;
	[tilespmem:$0x4E20] =	vst v63  }
0x63: {  	s20 =	simm.s32 $0x4000  }
0x64: {  	[tilespmem:s20], [sflag:$0x2] =	stream.indirect.gather [hbm4b:s9+s13], $0x1, s13, s13, $0xb8;
	[tilespmem:$0x4E20] =	vst v63  }
0x65: {  	s22 =	simm.s32 $0x4200  }
0x66: {  	[tilespmem:s22], [sflag:$0x2] =	stream.indirect.gather [hbm4b:s10+s13], $0x1, s13, s13, $0xb8;
	[tilespmem:$0x4E20] =	vst v63  }
0x67: {  	s20 =	rddreg [dreg:$0x9];
	s22 =	simm.s32 $0x4E00  }
0x68: {  	[tilespmem:s22], [sflag:$0x3] =	stream.linear.gather [hbm4b:s20+s1], $0x10, $0x38;
	[tilespmem:$0x4E20] =	vst v63  }
0x69: {  	_ =	swait.ge [sflag:s12], $0x10  }
0x6a: {  	[sflag:s12] =	ssyncset.done $0x0  }
0x6b: {  	s22 =	simm.s32 $0x4E10;
	s20 =	rddreg [dreg:$0xa];
	[sflag:s12] =	ssyncadd.s32 $0xFFFFFFF0  }
0x6c: {  	[tilespmem:s22], [sflag:$0x3] =	stream.linear.gather [hbm4b:s20+s1], $0x10, $0x38;
	[tilespmem:$0x4E20] =	vst v63  }
0x6d: {  	_ =	swait.ge [sflag:s12], $0x10  }
0x6e: {  	[sflag:s12] =	ssyncset.done $0x0  }
0x6f: {  	s20 =	rddreg [dreg:$0x7];
	[sflag:s12] =	ssyncadd.s32 $0xFFFFFFF0  }
0x70: {  	[tilespmem:s14], [sflag:$0x3] =	stream.linear.gather [hbm4b:s20+s1], $0x400, $0x38;
	[tilespmem:$0x4E20] =	vst v63  }
0x71: {  	_ =	swait.ge [sflag:s12], $0x400  }
0x72: {  	[sflag:s12] =	ssyncset.done $0x0  }
0x73: {  	s22 =	rddreg [dreg:$0x8];
	[sflag:s12] =	ssyncadd.s32 $0xFFFFFC00  }
0x74: {  	[tilespmem:s15], [sflag:$0x3] =	stream.linear.gather [hbm4b:s22+s1], $0x400, $0x38;
	[tilespmem:$0x4E20] =	vst v63  }
0x75: {  	_ =	swait.ge [sflag:s12], $0x400  }
0x76: {  	[sflag:s12] =	ssyncset.done $0x0  }
0x77: {  	[sflag:s12] =	ssyncadd.s32 $0xFFFFFC00  }
0x78: {  	_ =	swait.ge [sflag:s16], $0x200  }
0x79: {  	[sflag:s16] =	ssyncset.done $0x0  }
0x7a: {  	[sflag:s16] =	ssyncadd.s32 $0xFFFFFE00  }
0x7b: {  	_ =	swait.ge [sflag:s16], $0x200  }
0x7c: {  	[sflag:s16] =	ssyncset.done $0x0  }
0x7d: {  	[sflag:s16] =	ssyncadd.s32 $0xFFFFFE00  }
0x7e: {  	_ =	swait.ge [sflag:s16], $0x200  }
0x7f: {  	[sflag:s16] =	ssyncset.done $0x0  }
0x80: {  	[sflag:s16] =	ssyncadd.s32 $0xFFFFFE00  }
0x81: {  	_ =	swait.ge [sflag:s16], $0x200  }
0x82: {  	[sflag:s16] =	ssyncset.done $0x0  }
0x83: {  	[sflag:s16] =	ssyncadd.s32 $0xFFFFFE00  }
0x84: {  	_ =	swait.ge [sflag:s16], $0x200  }
0x85: {  	[sflag:s16] =	ssyncset.done $0x0  }
0x86: {  	[sflag:s16] =	ssyncadd.s32 $0xFFFFFE00  }
0x87: {  	_ =	swait.ge [sflag:s16], $0x200  }
0x88: {  	[sflag:s16] =	ssyncset.done $0x0  }
0x89: {  	[sflag:s16] =	ssyncadd.s32 $0xFFFFFE00  }
0x8a: {  	_ =	swait.ge [sflag:s16], $0x200  }
0x8b: {  	[sflag:s16] =	ssyncset.done $0x0  }
0x8c: {  	[sflag:s16] =	ssyncadd.s32 $0xFFFFFE00  }
0x8d: {  	_ =	swait.ge [sflag:s16], $0x200  }
0x8e: {  	[sflag:s16] =	ssyncset.done $0x0  }
0x8f: {  	[sflag:s16] =	ssyncadd.s32 $0xFFFFFE00  }
0x90: {  	_ =	swait.ge [sflag:s16], $0x200  }
0x91: {  	[sflag:s16] =	ssyncset.done $0x0  }
0x92: {  	[sflag:s16] =	ssyncadd.s32 $0xFFFFFE00  }
0x93: {  	_ =	swait.ge [sflag:s16], $0x200  }
0x94: {  	[sflag:s16] =	ssyncset.done $0x0  }
0x95: {  	[sflag:s16] =	ssyncadd.s32 $0xFFFFFE00  }
0x96: {  	_ =	swait.ge [sflag:s16], $0x200  }
0x97: {  	[sflag:s16] =	ssyncset.done $0x0  }
0x98: {  	[sflag:s16] =	ssyncadd.s32 $0xFFFFFE00  }
0x99: {  	_ =	swait.ge [sflag:s16], $0x200  }
0x9a: {  	[sflag:s16] =	ssyncset.done $0x0  }
0x9b: {  	[sflag:s16] =	ssyncadd.s32 $0xFFFFFE00  }
0x9c: {  	_ =	swait.ge [sflag:s16], $0x200  }
0x9d: {  	[sflag:s16] =	ssyncset.done $0x0  }
0x9e: {  	[sflag:s16] =	ssyncadd.s32 $0xFFFFFE00  }
0x9f: {  	_ =	swait.ge [sflag:s16], $0x200  }
0xa0: {  	[sflag:s16] =	ssyncset.done $0x0  }
0xa1: {  	[sflag:s16] =	ssyncadd.s32 $0xFFFFFE00  }
0xa2: {  	_ =	swait.ge [sflag:s16], $0x200  }
0xa3: {  	[sflag:s16] =	ssyncset.done $0x0  }
0xa4: {  	[sflag:s16] =	ssyncadd.s32 $0xFFFFFE00  }
0xa5: {  	_ =	swait.ge [sflag:s16], $0x200  }
0xa6: {  	[sflag:s16] =	ssyncset.done $0x0  }
0xa7: {  	[sflag:s16] =	ssyncadd.s32 $0xFFFFFE00  }
0xa8: {  	_ =	swait.ge [sflag:s17], $0x200  }
0xa9: {  	[sflag:s17] =	ssyncset.done $0x0  }
0xaa: {  	[sflag:s17] =	ssyncadd.s32 $0xFFFFFE00  }
0xab: {  	_ =	swait.ge [sflag:s17], $0x200  }
0xac: {  	[sflag:s17] =	ssyncset.done $0x0  }
0xad: {  	[sflag:s17] =	ssyncadd.s32 $0xFFFFFE00  }
0xae: {  	_ =	swait.ge [sflag:s17], $0x200  }
0xaf: {  	[sflag:s17] =	ssyncset.done $0x0  }
0xb0: {  	[sflag:s17] =	ssyncadd.s32 $0xFFFFFE00  }
0xb1: {  	_ =	swait.ge [sflag:s17], $0x200  }
0xb2: {  	[sflag:s17] =	ssyncset.done $0x0  }
0xb3: {  	[sflag:s17] =	ssyncadd.s32 $0xFFFFFE00  }
0xb4: {  	_ =	swait.ge [sflag:s17], $0x200  }
0xb5: {  	[sflag:s17] =	ssyncset.done $0x0  }
0xb6: {  	[sflag:s17] =	ssyncadd.s32 $0xFFFFFE00  }
0xb7: {  	_ =	swait.ge [sflag:s17], $0x200  }
0xb8: {  	[sflag:s17] =	ssyncset.done $0x0  }
0xb9: {  	[sflag:s17] =	ssyncadd.s32 $0xFFFFFE00  }
0xba: {  	_ =	swait.ge [sflag:s17], $0x200  }
0xbb: {  	[sflag:s17] =	ssyncset.done $0x0  }
0xbc: {  	[sflag:s17] =	ssyncadd.s32 $0xFFFFFE00  }
0xbd: {  	_ =	swait.ge [sflag:s17], $0x200  }
0xbe: {  	[sflag:s17] =	ssyncset.done $0x0  }
0xbf: {  	[sflag:s17] =	ssyncadd.s32 $0xFFFFFE00  }
0xc0: {  	_ =	swait.ge [sflag:s17], $0x200  }
0xc1: {  	[sflag:s17] =	ssyncset.done $0x0  }
0xc2: {  	[sflag:s17] =	ssyncadd.s32 $0xFFFFFE00  }
0xc3: {  	_ =	swait.ge [sflag:s17], $0x200  }
0xc4: {  	[sflag:s17] =	ssyncset.done $0x0  }
0xc5: {  	[sflag:s17] =	ssyncadd.s32 $0xFFFFFE00  }
0xc6: {  	_ =	swait.ge [sflag:s17], $0x200  }
0xc7: {  	[sflag:s17] =	ssyncset.done $0x0  }
0xc8: {  	[sflag:s17] =	ssyncadd.s32 $0xFFFFFE00  }
0xc9: {  	_ =	swait.ge [sflag:s17], $0x200  }
0xca: {  	[sflag:s17] =	ssyncset.done $0x0  }
0xcb: {  	[sflag:s17] =	ssyncadd.s32 $0xFFFFFE00  }
0xcc: {  	_ =	swait.ge [sflag:s17], $0x200  }
0xcd: {  	[sflag:s17] =	ssyncset.done $0x0  }
0xce: {  	[sflag:s17] =	ssyncadd.s32 $0xFFFFFE00  }
0xcf: {  	_ =	swait.ge [sflag:s17], $0x200  }
0xd0: {  	[sflag:s17] =	ssyncset.done $0x0  }
0xd1: {  	[sflag:s17] =	ssyncadd.s32 $0xFFFFFE00  }
0xd2: {  	_ =	swait.ge [sflag:s17], $0x200  }
0xd3: {  	[sflag:s17] =	ssyncset.done $0x0  }
0xd4: {  	[sflag:s17] =	ssyncadd.s32 $0xFFFFFE00  }
0xd5: {  	_ =	swait.ge [sflag:s17], $0x200  }
0xd6: {  	[sflag:s17] =	ssyncset.done $0x0  }
0xd7: {  	s19 =	simm.s32 $0x0;
	[sflag:s17] =	ssyncadd.s32 $0xFFFFFE00  }
0xd8: {  	v1 =	vld [tilespmem:s19+$0x2200]  }
0xd9: {  	v0 =	vld [tilespmem:s19+$0x2000]  }
0xda: {  	v2 =	vld [tilespmem:s19+$0x4000]  }
0xdb: {  	v3 =	vld [tilespmem:s19+$0x1E00]  }
0xdc: {  	v4 =	vld [tilespmem:s19+$0x3E00]  }
0xdd: {  	v5 =	vld [tilespmem:s19+$0x1C00]  }
0xde: {  	v6 =	vld [tilespmem:s19+$0x3C00]  }
0xdf: {  	v7 =	vld [tilespmem:s19+$0x1A00]  }
0xe0: {  	v8 =	vld [tilespmem:s19+$0x3A00]  }
0xe1: {  	v9 =	vld [tilespmem:s19+$0x1800]  }
0xe2: {  	v10 =	vld [tilespmem:s19+$0x3800]  }
0xe3: {  	v11 =	vld [tilespmem:s19+$0x1600]  }
0xe4: {  	v12 =	vld [tilespmem:s19+$0x3600]  }
0xe5: {  	v13 =	vld [tilespmem:s19+$0x1400]  }
0xe6: {  	v14 =	vld [tilespmem:s19+$0x3400]  }
0xe7: {  	v15 =	vld [tilespmem:s19+$0x1200]  }
0xe8: {  	v16 =	vld [tilespmem:s19+$0x3200]  }
0xe9: {  	v17 =	vld [tilespmem:s19+$0x1000]  }
0xea: {  	v18 =	vld [tilespmem:s19+$0x3000]  }
0xeb: {  	v19 =	vld [tilespmem:s19+$0x0]  }
0xec: {  	v20 =	vld [tilespmem:s19+$0x200]  }
0xed: {  	v21 =	vld [tilespmem:s19+$0xE00]  }
0xee: {  	v22 =	vld [tilespmem:s19+$0x2E00]  }
0xef: {  	v23 =	vld [tilespmem:s19+$0xC00]  }
0xf0: {  	v25 =	vld [tilespmem:s19+$0x2C00];
	v24 =	vadd.s32 $0xFFF0BE00, v19  }
0xf1: {  	v27 =	vld [tilespmem:s19+$0xA00];
	v26 =	vadd.s32 $0xFFF0BE00, v20;
	vm0 =	vgt.s32 v24, $0x0  }
0xf2: {  	v28 =	vld [tilespmem:s19+$0x2A00];
	vm14 =	vgt.s32 v26, $0x0;
	v24 =	vnsel vm0, $0x0, v24  }
0xf3: {  	v29 =	vld [tilespmem:s19+$0x800];
	v26 =	vnsel vm14, $0x0, v26;
	v24 =	vmin.u32 v24, $0x3F  }
0xf4: {  	v30 =	vld [tilespmem:s19+$0x2800];
	v26 =	vmin.u32 v26, $0x3F;
	v24 =	vshll.u32 v24, $0x4  }
0xf5: {  	v31 =	vld [tilespmem:s19+$0x600];
	v26 =	vshll.u32 v26, $0x4  }
0xf6: {  	v33 =	vld [tilespmem:s19+$0x2600];
	v32 =	vor.u32 $0x1, v24  }
0xf7: {  	v34 =	vld [tilespmem:s19+$0x400];
	v35 =	vor.u32 $0x1, v26  }
0xf8: {  	v36 =	vld [tilespmem:s19+$0x2400];
	v37 =	vor.u32 $0x2, v24  }
0xf9: {  	v39 =	vor.u32 $0x2, v26;
	v38 =	vld.idx.msk [tilespmem:v24+s14+$0x0], $0xffff  }
0xfa: {  	v41 =	vor.u32 $0x3, v24;
	v40 =	vld.idx.msk [tilespmem:v26+s15+$0x0], $0xffff  }
0xfb: {  	v42 =	vor.u32 $0x3, v26;
	v32 =	vld.idx.msk [tilespmem:v32+s14+$0x0], $0xffff  }
0xfc: {  	v43 =	vor.u32 $0x4, v24;
	v35 =	vld.idx.msk [tilespmem:v35+s15+$0x0], $0xffff  }
0xfd: {  	v44 =	vor.u32 $0x4, v26;
	v37 =	vld.idx.msk [tilespmem:v37+s14+$0x0], $0xffff  }
0xfe: {  	vm15 =	vgt.s32 v19, $0xF41FF;
	v45 =	vor.u32 $0x5, v24;
	v39 =	vld.idx.msk [tilespmem:v39+s15+$0x0], $0xffff  }
0xff: {  	vm1 =	vgt.s32 v20, $0xF41FF;
	v20 =	vor.u32 $0x5, v26;
	v58 =	vor.u32 $0x6, v24;
	v19 =	vld.idx.msk [tilespmem:v41+s14+$0x0], $0xffff  }
0x100: {  	v60 =	vor.u32 $0x6, v26;
	v57 =	vld.idx.msk [tilespmem:v42+s15+$0x0], $0xffff;
	v34 =	vsel vm15, v38, v34;
	v36 =	vsel vm1, v40, v36  }
0x101: {  	v63 =	vor.u32 $0x7, v24;
	v46 =	vor.u32 $0x7, v26;
	v59 =	vld.idx.msk [tilespmem:v43+s14+$0x0], $0xffff;
	v34 =	vmul.f32 v36, v34  }
0x102: {  	v47 =	vor.u32 $0x8, v24;
	v62 =	vld.idx.msk [tilespmem:v44+s15+$0x0], $0xffff;
	v31 =	vsel vm15, v32, v31;
	v61 =	vsel vm1, v35, v33  }
0x103: {  	v49 =	vor.u32 $0x8, v26;
	v45 =	vld.idx.msk [tilespmem:v45+s14+$0x0], $0xffff;
	v31 =	vmul.f32 v61, v31;
	v34 =	vadd.f32 $0.0e+00, v34  }
0x104: {  	v52 =	vor.u32 $0x9, v24;
	v20 =	vld.idx.msk [tilespmem:v20+s15+$0x0], $0xffff;
	v29 =	vsel vm15, v37, v29;
	v30 =	vsel vm1, v39, v30  }
0x105: {  	v54 =	vor.u32 $0x9, v26;
	v48 =	vld.idx.msk [tilespmem:v58+s14+$0x0], $0xffff;
	v29 =	vmul.f32 v30, v29;
	v31 =	vadd.f32 v31, v34  }
0x106: {  	v56 =	vor.u32 $0xA, v24;
	v51 =	vld.idx.msk [tilespmem:v60+s15+$0x0], $0xffff;
	v19 =	vsel vm15, v19, v27;
	v50 =	vsel vm1, v57, v28  }
0x107: {  	v53 =	vld.idx.msk [tilespmem:v63+s14+$0x0], $0xffff;
	v58 =	vor.u32 $0xA, v26;
	v19 =	vmul.f32 v50, v19;
	v29 =	vadd.f32 v29, v31  }
0x108: {  	v55 =	vld.idx.msk [tilespmem:v46+s15+$0x0], $0xffff;
	v63 =	vor.u32 $0xD, v24;
	v23 =	vsel vm15, v59, v23;
	v25 =	vsel vm1, v62, v25  }
0x109: {  	v57 =	vld.idx.msk [tilespmem:v47+s14+$0x0], $0xffff;
	v21 =	vsel vm15, v45, v21;
	v23 =	vmul.f32 v25, v23;
	v19 =	vadd.f32 v19, v29  }
0x10a: {  	v20 =	vsel vm1, v20, v22;
	v22 =	vld.idx.msk [tilespmem:v49+s15+$0x0], $0xffff;
	v59 =	vor.u32 $0xB, v24;
	v17 =	vsel vm15, v48, v17  }
0x10b: {  	v60 =	vld.idx.msk [tilespmem:v54+s15+$0x0], $0xffff;
	v20 =	vmul.f32 v20, v21;
	v19 =	vadd.f32 v23, v19;
	v23 =	vor.u32 $0xB, v26  }
0x10c: {  	v18 =	vsel vm1, v51, v18;
	v15 =	vsel vm15, v53, v15;
	v21 =	vld.idx.msk [tilespmem:v52+s14+$0x0], $0xffff;
	v61 =	vor.u32 $0xC, v24  }
0x10d: {  	v16 =	vsel vm1, v55, v16;
	v62 =	vld.idx.msk [tilespmem:v58+s15+$0x0], $0xffff;
	v17 =	vmul.f32 v18, v17;
	v19 =	vadd.f32 v20, v19  }
0x10e: {  	v18 =	vld.idx.msk [tilespmem:v56+s14+$0x0], $0xffff;
	v15 =	vmul.f32 v16, v15;
	v13 =	vsel vm15, v57, v13;
	v20 =	vor.u32 $0xC, v26  }
0x10f: {  	v16 =	vld.idx.msk [tilespmem:v59+s14+$0x0], $0xffff;
	v14 =	vsel vm1, v22, v14;
	v17 =	vadd.f32 v17, v19;
	v19 =	vor.u32 $0xD, v26  }
0x110: {  	v12 =	vsel vm1, v60, v12;
	v13 =	vmul.f32 v14, v13;
	v22 =	vld.idx.msk [tilespmem:v23+s15+$0x0], $0xffff;
	v23 =	vor.u32 $0xE, v24  }
0x111: {  	v14 =	vld.idx.msk [tilespmem:v61+s14+$0x0], $0xffff;
	v11 =	vsel vm15, v21, v11;
	v15 =	vadd.f32 v15, v17;
	v17 =	vor.u32 $0xE, v26  }
0x112: {  	v21 =	vor.u32 $0xF, v24;
	v11 =	vmul.f32 v12, v11;
	v12 =	vld.idx.msk [tilespmem:v63+s14+$0x0], $0xffff  }
0x113: {  	v20 =	vld.idx.msk [tilespmem:v20+s15+$0x0], $0xffff;
	v13 =	vadd.f32 v13, v15;
	v15 =	vor.u32 $0xF, v26  }
0x114: {  	v10 =	vsel vm1, v62, v10;
	v9 =	vsel vm15, v18, v9;
	v18 =	vld.idx.msk [tilespmem:v19+s15+$0x0], $0xffff  }
0x115: {  	v9 =	vmul.f32 v10, v9;
	v11 =	vadd.f32 v11, v13;
	v10 =	vld.idx.msk [tilespmem:v23+s14+$0x0], $0xffff  }
0x116: {  	v7 =	vsel vm15, v16, v7;
	v8 =	vsel vm1, v22, v8;
	v13 =	vld.idx.msk [tilespmem:v17+s15+$0x0], $0xffff  }
0x117: {  	v7 =	vmul.f32 v8, v7;
	v8 =	vld.idx.msk [tilespmem:v21+s14+$0x0], $0xffff;
	v9 =	vadd.f32 v9, v11  }
0x118: {  	v5 =	vsel vm15, v14, v5;
	v6 =	vsel vm1, v20, v6;
	v11 =	vld.idx.msk [tilespmem:v15+s15+$0x0], $0xffff  }
0x119: {  	v5 =	vmul.f32 v6, v5;
	v6 =	vld [tilespmem:s19+$0x4200];
	v7 =	vadd.f32 v7, v9  }
0x11a: {  	v3 =	vsel vm15, v12, v3;
	v4 =	vsel vm1, v18, v4  }
0x11b: {  	v3 =	vmul.f32 v4, v3;
	v5 =	vadd.f32 v5, v7  }
0x11c: {  	v0 =	vsel vm15, v10, v0;
	v2 =	vsel vm1, v13, v2  }
0x11d: {  	v2 =	vmul.f32 v2, v0;
	v3 =	vadd.f32 v3, v5  }
0x11e: {  	v1 =	vsel vm15, v8, v1;
	v0 =	vld [tilespmem:$0x4E00];
	v4 =	vsel vm1, v11, v6  }
0x11f: {  	v4 =	vmul.f32 v4, v1;
	v3 =	vadd.f32 v2, v3  }
0x120: {  	s20 =	simm.s32 $0x10;
	v1 =	vld [tilespmem:$0x4E10]  }
0x121: {  	v16 =	vld [tilespmem:s20+$0x3400];
	v5 =	vadd.f32 v4, v3  }
0x122: {  	v14 =	vld [tilespmem:s20+$0x3600]  }
0x123: {  	v12 =	vld [tilespmem:s20+$0x3800];
	v7 =	vmul.f32 v5, v0  }
0x124: {  	v19 =	vld [tilespmem:s20+$0x1000]  }
0x125: {  	v23 =	vld [tilespmem:s20+$0x0];
	v9 =	vadd.f32 v7, v1  }
0x126: {  	v17 =	vld [tilespmem:s20+$0x1200]  }
0x127: {  	v20 =	vld [tilespmem:s20+$0x3000];
	v11 =	vsub.f32 $0.0e+00, v9  }
0x128: {  	v15 =	vld [tilespmem:s20+$0x1400]  }
0x129: {  	v18 =	vld [tilespmem:s20+$0x3200];
	v13 =	vmul.f32 $1.442695020e+00, v11  }
0x12a: {  	v10 =	vld [tilespmem:s20+$0x3A00]  }
0x12b: {  	v8 =	vld [tilespmem:s20+$0x3C00];
	(erf) = vpow2.f32 v13  }
0x12c: {  	v6 =	vld [tilespmem:s20+$0x3E00]  }
0x12d: {  	v2 =	vld [tilespmem:s20+$0x2200]  }
0x12e: {  	v3 =	vld [tilespmem:s20+$0x2000]  }
0x12f: {  	v4 =	vld [tilespmem:s20+$0x4000]  }
0x130: {  	v5 =	vld [tilespmem:s20+$0x1E00]  }
0x131: {  	v7 =	vld [tilespmem:s20+$0x1C00]  }
0x132: {  	v9 =	vld [tilespmem:s20+$0x1A00]  }
0x133: {  	v11 =	vld [tilespmem:s20+$0x1800]  }
0x134: {  	s22 =	simm.s32 $0x80;
	v13 =	vld [tilespmem:s20+$0x1600];
	v21 =	vpop (erf)  }
.LBB2_2:
0x135: {  	p0 =	sne.s32 s22, $0x7C0;
	v24 =	vld [tilespmem:s20+$0x200];
	v21 =	vadd.f32 $1.000000000e+00, v21  }
0x136: {  	v25 =	vld [tilespmem:s20+$0xE00]  }
0x137: {  	v26 =	vld [tilespmem:s20+$0x2E00];
	(erf) = vrcp.f32 v21  }
0x138: {  	v27 =	vld [tilespmem:s20+$0xC00]  }
0x139: {  	v21 =	vadd.s32 $0xFFF0BE00, v23;
	v28 =	vld [tilespmem:s20+$0x2C00]  }
0x13a: {  	vm0 =	vgt.s32 v21, $0x0;
	v22 =	vadd.s32 $0xFFF0BE00, v24;
	v29 =	vld [tilespmem:s20+$0xA00]  }
0x13b: {  	v21 =	vnsel vm0, $0x0, v21;
	vm0 =	vgt.s32 v22, $0x0;
	v30 =	vld [tilespmem:s20+$0x2A00]  }
0x13c: {  	v21 =	vmin.u32 v21, $0x3F;
	v31 =	vnsel vm0, $0x0, v22;
	v32 =	vld [tilespmem:s20+$0x800]  }
0x13d: {  	v22 =	vshll.u32 v21, $0x4;
	v21 =	vmin.u32 v31, $0x3F;
	v31 =	vld [tilespmem:s20+$0x2800]  }
0x13e: {  	v21 =	vshll.u32 v21, $0x4;
	v33 =	vld [tilespmem:s20+$0x600]  }
0x13f: {  	v34 =	vor.u32 $0x1, v22;
	v35 =	vld [tilespmem:s20+$0x2600]  }
0x140: {  	v37 =	vor.u32 $0x1, v21;
	v36 =	vld [tilespmem:s20+$0x400];
	v38 =	vpop (erf)  }
0x141: {  	v40 =	vor.u32 $0x2, v22;
	v39 =	vld [tilespmem:s20+$0x2400];
	[tilespmem:s19+$0x4C00] =	vst v38;
	s19 =	smov.u32 s20  }
0x142: {  	v41 =	vor.u32 $0x2, v21;
	v38 =	vld.idx.msk [tilespmem:v22+s14+$0x0], $0xffff  }
0x143: {  	v43 =	vor.u32 $0x3, v22;
	v42 =	vld.idx.msk [tilespmem:v21+s15+$0x0], $0xffff  }
0x144: {  	v44 =	vor.u32 $0x3, v21;
	v34 =	vld.idx.msk [tilespmem:v34+s14+$0x0], $0xffff  }
0x145: {  	v45 =	vor.u32 $0x4, v22;
	v37 =	vld.idx.msk [tilespmem:v37+s15+$0x0], $0xffff  }
0x146: {  	v46 =	vor.u32 $0x4, v21;
	v40 =	vld.idx.msk [tilespmem:v40+s14+$0x0], $0xffff  }
0x147: {  	v47 =	vor.u32 $0x5, v22;
	v41 =	vld.idx.msk [tilespmem:v41+s15+$0x0], $0xffff  }
0x148: {  	vm1 =	vgt.s32 v24, $0xF41FF;
	vm0 =	vgt.s32 v23, $0xF41FF;
	v24 =	vor.u32 $0x5, v21;
	v23 =	vld.idx.msk [tilespmem:v43+s14+$0x0], $0xffff  }
0x149: {  	v36 =	vsel vm0, v38, v36;
	v38 =	vsel vm1, v42, v39;
	v42 =	vor.u32 $0x6, v22;
	v39 =	vld.idx.msk [tilespmem:v44+s15+$0x0], $0xffff  }
0x14a: {  	v43 =	vor.u32 $0x6, v21;
	v36 =	vmul.f32 v38, v36;
	v38 =	vld.idx.msk [tilespmem:v45+s14+$0x0], $0xffff  }
0x14b: {  	v33 =	vsel vm0, v34, v33;
	v34 =	vsel vm1, v37, v35;
	v37 =	vor.u32 $0x7, v22;
	v35 =	vld.idx.msk [tilespmem:v46+s15+$0x0], $0xffff  }
0x14c: {  	v44 =	vor.u32 $0x7, v21;
	v36 =	vadd.f32 $0.0e+00, v36;
	v33 =	vmul.f32 v34, v33;
	v34 =	vld.idx.msk [tilespmem:v47+s14+$0x0], $0xffff  }
0x14d: {  	v32 =	vsel vm0, v40, v32;
	v40 =	vor.u32 $0x8, v22;
	v31 =	vsel vm1, v41, v31;
	v24 =	vld.idx.msk [tilespmem:v24+s15+$0x0], $0xffff  }
0x14e: {  	v33 =	vadd.f32 v33, v36;
	v31 =	vmul.f32 v31, v32;
	v36 =	vor.u32 $0x8, v21;
	v32 =	vld.idx.msk [tilespmem:v42+s14+$0x0], $0xffff  }
0x14f: {  	v23 =	vsel vm0, v23, v29;
	v29 =	vsel vm1, v39, v30;
	v39 =	vor.u32 $0x9, v22;
	v30 =	vld.idx.msk [tilespmem:v43+s15+$0x0], $0xffff  }
0x150: {  	v31 =	vadd.f32 v31, v33;
	v23 =	vmul.f32 v29, v23;
	v33 =	vor.u32 $0x9, v21;
	v29 =	vld.idx.msk [tilespmem:v37+s14+$0x0], $0xffff  }
0x151: {  	v27 =	vsel vm0, v38, v27;
	v28 =	vsel vm1, v35, v28;
	v37 =	vor.u32 $0xA, v22;
	v35 =	vld.idx.msk [tilespmem:v44+s15+$0x0], $0xffff  }
0x152: {  	v23 =	vadd.f32 v23, v31;
	v27 =	vmul.f32 v28, v27;
	v31 =	vor.u32 $0xA, v21;
	v28 =	vld.idx.msk [tilespmem:v40+s14+$0x0], $0xffff  }
0x153: {  	v25 =	vsel vm0, v34, v25;
	v34 =	vor.u32 $0xB, v22;
	v24 =	vsel vm1, v24, v26;
	v26 =	vld.idx.msk [tilespmem:v36+s15+$0x0], $0xffff  }
0x154: {  	v23 =	vadd.f32 v27, v23;
	v24 =	vmul.f32 v24, v25;
	v27 =	vor.u32 $0xB, v21;
	v25 =	vld.idx.msk [tilespmem:v39+s14+$0x0], $0xffff  }
0x155: {  	v19 =	vsel vm0, v32, v19;
	v32 =	vor.u32 $0xC, v22;
	v20 =	vsel vm1, v30, v20;
	v30 =	vld.idx.msk [tilespmem:v33+s15+$0x0], $0xffff  }
0x156: {  	v23 =	vadd.f32 v24, v23;
	v19 =	vmul.f32 v20, v19;
	v24 =	vor.u32 $0xC, v21;
	v20 =	vld.idx.msk [tilespmem:v37+s14+$0x0], $0xffff  }
0x157: {  	v17 =	vsel vm0, v29, v17;
	v18 =	vsel vm1, v35, v18;
	v29 =	vld.idx.msk [tilespmem:v31+s15+$0x0], $0xffff;
	v31 =	vor.u32 $0xD, v22  }
0x158: {  	v19 =	vadd.f32 v19, v23;
	v17 =	vmul.f32 v18, v17;
	v23 =	vor.u32 $0xD, v21;
	v18 =	vld.idx.msk [tilespmem:v34+s14+$0x0], $0xffff  }
0x159: {  	v15 =	vsel vm0, v28, v15;
	v16 =	vsel vm1, v26, v16;
	v26 =	vld.idx.msk [tilespmem:v27+s15+$0x0], $0xffff;
	v27 =	vor.u32 $0xE, v22  }
0x15a: {  	v17 =	vadd.f32 v17, v19;
	v15 =	vmul.f32 v16, v15;
	v19 =	vor.u32 $0xE, v21;
	v16 =	vld.idx.msk [tilespmem:v32+s14+$0x0], $0xffff  }
0x15b: {  	v13 =	vsel vm0, v25, v13;
	v22 =	vor.u32 $0xF, v22;
	v14 =	vsel vm1, v30, v14;
	v24 =	vld.idx.msk [tilespmem:v24+s15+$0x0], $0xffff  }
0x15c: {  	v15 =	vadd.f32 v15, v17;
	v13 =	vmul.f32 v14, v13;
	v17 =	vor.u32 $0xF, v21;
	v14 =	vld.idx.msk [tilespmem:v31+s14+$0x0], $0xffff  }
0x15d: {  	v11 =	vsel vm0, v20, v11;
	v12 =	vsel vm1, v29, v12;
	v20 =	vld.idx.msk [tilespmem:v23+s15+$0x0], $0xffff  }
0x15e: {  	v13 =	vadd.f32 v13, v15;
	v11 =	vmul.f32 v12, v11;
	v12 =	vld.idx.msk [tilespmem:v27+s14+$0x0], $0xffff  }
0x15f: {  	v9 =	vsel vm0, v18, v9;
	v10 =	vsel vm1, v26, v10;
	v15 =	vld.idx.msk [tilespmem:v19+s15+$0x0], $0xffff  }
0x160: {  	v11 =	vadd.f32 v11, v13;
	v9 =	vmul.f32 v10, v9;
	v10 =	vld.idx.msk [tilespmem:v22+s14+$0x0], $0xffff  }
0x161: {  	v7 =	vsel vm0, v16, v7;
	v8 =	vsel vm1, v24, v8;
	v13 =	vld.idx.msk [tilespmem:v17+s15+$0x0], $0xffff  }
0x162: {  	v9 =	vadd.f32 v9, v11;
	v7 =	vmul.f32 v8, v7;
	v8 =	vld [tilespmem:s19+$0x4200]  }
0x163: {  	v5 =	vsel vm0, v14, v5;
	v6 =	vsel vm1, v20, v6  }
0x164: {  	v7 =	vadd.f32 v7, v9;
	v5 =	vmul.f32 v6, v5  }
0x165: {  	v3 =	vsel vm0, v12, v3;
	v4 =	vsel vm1, v15, v4  }
0x166: {  	v5 =	vadd.f32 v5, v7;
	v3 =	vmul.f32 v4, v3  }
0x167: {  	v2 =	vsel vm0, v10, v2;
	v4 =	vsel vm1, v13, v8  }
0x168: {  	v3 =	vadd.f32 v3, v5;
	v4 =	vmul.f32 v4, v2  }
0x169: {  	s20 =	sshra.s32 s22, $0x2  }
0x16a: {  	v2 =	vld [tilespmem:s20+$0x2200];
	v5 =	vadd.f32 v4, v3  }
0x16b: {  	v3 =	vld [tilespmem:s20+$0x2000]  }
0x16c: {  	v4 =	vld [tilespmem:s20+$0x4000];
	v7 =	vmul.f32 v5, v0  }
0x16d: {  	v5 =	vld [tilespmem:s20+$0x1E00]  }
0x16e: {  	v6 =	vld [tilespmem:s20+$0x3E00];
	v9 =	vadd.f32 v7, v1  }
0x16f: {  	v7 =	vld [tilespmem:s20+$0x1C00]  }
0x170: {  	v8 =	vld [tilespmem:s20+$0x3C00];
	v11 =	vsub.f32 $0.0e+00, v9  }
0x171: {  	v9 =	vld [tilespmem:s20+$0x1A00]  }
0x172: {  	v10 =	vld [tilespmem:s20+$0x3A00];
	v13 =	vmul.f32 $1.442695020e+00, v11  }
0x173: {  	v11 =	vld [tilespmem:s20+$0x1800]  }
0x174: {  	v12 =	vld [tilespmem:s20+$0x3800];
	(erf) = vpow2.f32 v13  }
0x175: {  	v13 =	vld [tilespmem:s20+$0x1600]  }
0x176: {  	v14 =	vld [tilespmem:s20+$0x3600]  }
0x177: {  	v15 =	vld [tilespmem:s20+$0x1400]  }
0x178: {  	v16 =	vld [tilespmem:s20+$0x3400]  }
.Ltmp0:
0x179: {  	v17 =	vld [tilespmem:s20+$0x1200];
	(pc) =	sbr.rel @p0 .LBB2_2-.Ltmp0, $4  }
0x17a: {  	v18 =	vld [tilespmem:s20+$0x3200]  }
0x17b: {  	v19 =	vld [tilespmem:s20+$0x1000]  }
0x17c: {  	v20 =	vld [tilespmem:s20+$0x3000]  }
0x17d: {  	s22 =	sadd.s32 $0x40, s22;
	v23 =	vld [tilespmem:s20+$0x0];
	v21 =	vpop (erf)  }
0x17e: {  	v22 =	vld [tilespmem:s20+$0x200];
	v21 =	vadd.f32 $1.000000000e+00, v21  }
0x17f: {  	v24 =	vld [tilespmem:s20+$0xE00]  }
0x180: {  	v25 =	vld [tilespmem:s20+$0x2E00];
	(erf) = vrcp.f32 v21  }
0x181: {  	v26 =	vld [tilespmem:s20+$0x2C00]  }
0x182: {  	v28 =	vld [tilespmem:s20+$0xA00];
	v27 =	vadd.s32 $0xFFF0BE00, v23  }
0x183: {  	v30 =	vld [tilespmem:s20+$0x2A00];
	vm0 =	vgt.s32 v27, $0x0;
	v29 =	vadd.s32 $0xFFF0BE00, v22  }
0x184: {  	v31 =	vld [tilespmem:s20+$0x800];
	v27 =	vnsel vm0, $0x0, v27;
	vm14 =	vgt.s32 v29, $0x0  }
0x185: {  	v32 =	vld [tilespmem:s20+$0x2800];
	v27 =	vmin.u32 v27, $0x3F;
	v29 =	vnsel vm14, $0x0, v29  }
0x186: {  	v33 =	vld [tilespmem:s20+$0x600];
	v27 =	vshll.u32 v27, $0x4;
	v29 =	vmin.u32 v29, $0x3F  }
0x187: {  	v34 =	vld [tilespmem:s20+$0x2600];
	v29 =	vshll.u32 v29, $0x4  }
0x188: {  	v36 =	vld [tilespmem:s20+$0x400];
	v35 =	vor.u32 $0x1, v27  }
0x189: {  	v39 =	vld [tilespmem:s20+$0x2400];
	v40 =	vor.u32 $0x2, v27;
	v38 =	vpop (erf)  }
0x18a: {  	v21 =	vld [tilespmem:s20+$0xC00];
	v37 =	vor.u32 $0x1, v29;
	[tilespmem:s19+$0x4C00] =	vst v38  }
0x18b: {  	v43 =	vor.u32 $0x3, v27;
	v38 =	vld.idx.msk [tilespmem:v27+s14+$0x0], $0xffff  }
0x18c: {  	v41 =	vor.u32 $0x2, v29;
	v42 =	vld.idx.msk [tilespmem:v29+s15+$0x0], $0xffff  }
0x18d: {  	v45 =	vor.u32 $0x4, v27;
	v35 =	vld.idx.msk [tilespmem:v35+s14+$0x0], $0xffff  }
0x18e: {  	v44 =	vor.u32 $0x3, v29;
	v40 =	vld.idx.msk [tilespmem:v40+s14+$0x0], $0xffff  }
0x18f: {  	v47 =	vor.u32 $0x5, v27;
	v37 =	vld.idx.msk [tilespmem:v37+s15+$0x0], $0xffff  }
0x190: {  	v46 =	vor.u32 $0x4, v29;
	v57 =	vld.idx.msk [tilespmem:v43+s14+$0x0], $0xffff  }
0x191: {  	vm15 =	vgt.s32 v23, $0xF41FF;
	vm1 =	vgt.s32 v22, $0xF41FF;
	v61 =	vor.u32 $0x6, v27;
	v41 =	vld.idx.msk [tilespmem:v41+s15+$0x0], $0xffff  }
0x192: {  	v58 =	vor.u32 $0x5, v29;
	v62 =	vld.idx.msk [tilespmem:v45+s14+$0x0], $0xffff;
	v36 =	vsel vm15, v38, v36;
	v59 =	vsel vm1, v42, v39  }
0x193: {  	v63 =	vor.u32 $0x6, v29;
	v60 =	vld.idx.msk [tilespmem:v44+s15+$0x0], $0xffff;
	v36 =	vmul.f32 v59, v36  }
0x194: {  	v49 =	vor.u32 $0x7, v27;
	v50 =	vld.idx.msk [tilespmem:v47+s14+$0x0], $0xffff;
	v33 =	vsel vm15, v35, v33;
	v34 =	vsel vm1, v37, v34  }
0x195: {  	v52 =	vor.u32 $0x8, v27;
	v48 =	vld.idx.msk [tilespmem:v46+s15+$0x0], $0xffff;
	v33 =	vmul.f32 v34, v33;
	v36 =	vadd.f32 $0.0e+00, v36  }
0x196: {  	v51 =	vor.u32 $0x7, v29;
	v53 =	vld.idx.msk [tilespmem:v61+s14+$0x0], $0xffff;
	v31 =	vsel vm15, v40, v31;
	v32 =	vsel vm1, v41, v32  }
0x197: {  	v61 =	vor.u32 $0xA, v27;
	v23 =	vld.idx.msk [tilespmem:v58+s15+$0x0], $0xffff;
	v31 =	vmul.f32 v32, v31;
	v33 =	vadd.f32 v33, v36  }
0x198: {  	v54 =	vor.u32 $0x8, v29;
	v56 =	vld.idx.msk [tilespmem:v63+s15+$0x0], $0xffff;
	v22 =	vsel vm15, v57, v28;
	v55 =	vsel vm1, v60, v30  }
0x199: {  	v58 =	vld.idx.msk [tilespmem:v49+s14+$0x0], $0xffff;
	v57 =	vor.u32 $0x9, v27;
	v22 =	vmul.f32 v55, v22;
	v31 =	vadd.f32 v31, v33  }
0x19a: {  	v21 =	vsel vm15, v62, v21;
	v62 =	vld.idx.msk [tilespmem:v52+s14+$0x0], $0xffff;
	v59 =	vor.u32 $0x9, v29;
	v26 =	vsel vm1, v48, v26  }
0x19b: {  	v63 =	vor.u32 $0xA, v29;
	v60 =	vld.idx.msk [tilespmem:v51+s15+$0x0], $0xffff;
	v21 =	vmul.f32 v26, v21;
	v22 =	vadd.f32 v22, v31  }
0x19c: {  	v44 =	vor.u32 $0xC, v27;
	v24 =	vsel vm15, v50, v24;
	v45 =	vld.idx.msk [tilespmem:v61+s14+$0x0], $0xffff;
	v23 =	vsel vm1, v23, v25  }
0x19d: {  	v38 =	vor.u32 $0xB, v27;
	v40 =	vmul.f32 v23, v24;
	v36 =	vld.idx.msk [tilespmem:v54+s15+$0x0], $0xffff;
	v21 =	vadd.f32 v21, v22  }
0x19e: {  	v42 =	vor.u32 $0xB, v29;
	v19 =	vsel vm15, v53, v19;
	v20 =	vsel vm1, v56, v20;
	v41 =	vld.idx.msk [tilespmem:v57+s14+$0x0], $0xffff  }
0x19f: {  	v50 =	vor.u32 $0xD, v29;
	v19 =	vmul.f32 v20, v19;
	v43 =	vld.idx.msk [tilespmem:v59+s15+$0x0], $0xffff;
	v21 =	vadd.f32 v40, v21  }
0x1a0: {  	v46 =	vor.u32 $0xC, v29;
	v17 =	vsel vm15, v58, v17;
	v47 =	vld.idx.msk [tilespmem:v63+s15+$0x0], $0xffff;
	v18 =	vsel vm1, v60, v18  }
0x1a1: {  	v52 =	vld.idx.msk [tilespmem:v44+s14+$0x0], $0xffff;
	v17 =	vmul.f32 v18, v17;
	v19 =	vadd.f32 v19, v21  }
0x1a2: {  	v48 =	vor.u32 $0xD, v27;
	v49 =	vld.idx.msk [tilespmem:v38+s14+$0x0], $0xffff;
	v15 =	vsel vm15, v62, v15;
	v16 =	vsel vm1, v36, v16  }
0x1a3: {  	v51 =	vor.u32 $0xE, v27;
	v24 =	vld.idx.msk [tilespmem:v42+s15+$0x0], $0xffff;
	v15 =	vmul.f32 v16, v15;
	v17 =	vadd.f32 v17, v19  }
0x1a4: {  	v53 =	vor.u32 $0xE, v29;
	v57 =	vld.idx.msk [tilespmem:v50+s15+$0x0], $0xffff;
	v13 =	vsel vm15, v41, v13;
	v14 =	vsel vm1, v43, v14  }
0x1a5: {  	v56 =	vor.u32 $0xF, v29;
	v22 =	vld.idx.msk [tilespmem:v46+s15+$0x0], $0xffff;
	v13 =	vmul.f32 v14, v13;
	v15 =	vadd.f32 v15, v17  }
0x1a6: {  	v54 =	vor.u32 $0xF, v27;
	v11 =	vsel vm15, v45, v11;
	v62 =	vld [tilespmem:s20+$0x4200];
	v12 =	vsel vm1, v47, v12  }
0x1a7: {  	v55 =	vld.idx.msk [tilespmem:v48+s14+$0x0], $0xffff;
	v11 =	vmul.f32 v12, v11;
	v13 =	vadd.f32 v13, v15  }
0x1a8: {  	v58 =	vld.idx.msk [tilespmem:v51+s14+$0x0], $0xffff;
	v9 =	vsel vm15, v49, v9;
	v10 =	vsel vm1, v24, v10  }
0x1a9: {  	v59 =	vld.idx.msk [tilespmem:v53+s15+$0x0], $0xffff;
	v9 =	vmul.f32 v10, v9;
	v11 =	vadd.f32 v11, v13  }
0x1aa: {  	v7 =	vsel vm15, v52, v7;
	v61 =	vld.idx.msk [tilespmem:v56+s15+$0x0], $0xffff;
	v8 =	vsel vm1, v22, v8  }
0x1ab: {  	v60 =	vld.idx.msk [tilespmem:v54+s14+$0x0], $0xffff;
	v7 =	vmul.f32 v8, v7;
	v9 =	vadd.f32 v9, v11  }
0x1ac: {  	v6 =	vsel vm1, v57, v6;
	v5 =	vsel vm15, v55, v5  }
0x1ad: {  	v5 =	vmul.f32 v6, v5;
	v7 =	vadd.f32 v7, v9  }
0x1ae: {  	v3 =	vsel vm15, v58, v3;
	v4 =	vsel vm1, v59, v4  }
0x1af: {  	v3 =	vmul.f32 v4, v3;
	v5 =	vadd.f32 v5, v7  }
0x1b0: {  	v63 =	vsel vm1, v61, v62;
	v2 =	vsel vm15, v60, v2  }
0x1b1: {  	v2 =	vmul.f32 v63, v2;
	v3 =	vadd.f32 v3, v5;
	_ =	sdelay $0x1  }
0x1b2: {  	v2 =	vadd.f32 v2, v3;
	_ =	sdelay $0x1  }
0x1b3: {  	v0 =	vmul.f32 v2, v0;
	_ =	sdelay $0x1  }
0x1b4: {  	v0 =	vadd.f32 v0, v1;
	_ =	sdelay $0x1  }
0x1b5: {  	v0 =	vsub.f32 $0.0e+00, v0;
	_ =	sdelay $0x1  }
0x1b6: {  	v0 =	vmul.f32 $1.442695020e+00, v0;
	_ =	sdelay $0x1  }
0x1b7: {  	(erf) = vpow2.f32 v0;
	_ =	sdelay $0x8  }
0x1b8: {  	v0 =	vpop (erf)  }
0x1b9: {  	v0 =	vadd.f32 $1.000000000e+00, v0;
	_ =	sdelay $0x1  }
0x1ba: {  	(erf) = vrcp.f32 v0;
	_ =	sdelay $0x7  }
0x1bb: {  	s18 =	sadd.s32 $0x1, s18  }
0x1bc: {  	p0 =	sne.s32 s18, s11;
	v0 =	vpop (erf)  }
.Ltmp1:
0x1bd: {  	s22 =	simm.s32 $0x4C00;
	[tilespmem:s20+$0x4C00] =	vst v0;
	(pc) =	sbr.rel @p0 .LBB2_1-.Ltmp1, $4  }
0x1be: {  	[hbm4b:s6+s1] =	stream.linear.scatter [tilespmem:s22], [sflag:$0x3], $0x200, $0x38;
	[tilespmem:$0x4E20] =	vst v63  }
0x1bf: {  	_ =	swait.ge [sflag:s12], $0x200  }
0x1c0: {  	[sflag:s12] =	ssyncset.done $0x0  }
0x1c1: {  	[sflag:s12] =	ssyncadd.s32 $0xFFFFFE00  }
0x1c2: {  	_ =	sfence.sel $0x180000  }
0x1c3: {  	[bflag:$0x0] =	sbarrier.arrive $0xFFFF  }
0x1c4: {  	_ =	strace $0x9000004A  }
0x1c5: {  	s0 =	stileid.u32;
	[bflag:$0x2] =	sbarrier.arrive $0xFFFF  }
0x1c6: {  	p0 =	sne.s32 s0, $0x0;
	s0 =	rddreg [dreg:$0x4]  }
0x1c7: {  	s0 =	sadd.s32 @!p0 $0x100000, s0  }
0x1c8: {  	[sflag:s0] =	ssyncadd.tile.s32 @!p0 $0x1;
	_ =	shalt  }
.Lfunc_end2:
_tile_overlayer_lowered:
.L_overlay_start_2:
0x1c9: {  	(tag) =	ssettag $0x2  }
0x1ca: {  	s0 =	rddreg [dreg:$0x0];
	s2 =	stileid.u32  }
0x1cb: {  	s1 =	rddreg [dreg:$0x1];
	p0 =	sne.s32 s2, $0x0  }
0x1cc: {  	s3 =	rddreg [dreg:$0x2];
	[bflag:$0x3] =	sbarrier.arrive $0xFFFF;
	s2 =	simm.s32 @!p0 $0x1C03  }
0x1cd: {  	[timem:s3], [sflag:s2] =	dma.local @!p0 [hbm:s0], s1  }
0x1ce: {  	s0 =	simm.s32 @!p0 $0x3  }
0x1cf: {  	_ =	swait.ge @!p0 [sflag:s0], s1  }
0x1d0: {  	s1 =	ssub.s32 @!p0 $0x0, s1;
	[sflag:s0] =	ssyncset.done @!p0 $0x0  }
0x1d1: {  	[sflag:s0] =	ssyncadd.s32 @!p0 s1  }
0x1d2: {  	[bflag:$0x3] =	sbarrier.arrive $0xFFFF  }
0x1d3: {  	_ =	shalt  }

</sc_bundles>
